<compile_context>
chip_gen: v7x
topology: tpu7x:2x2x1
jax: 0.10.2.dev20260603
libtpu: 0.0.44.dev20260713+nightly
codegen_flags: <defaults>
</compile_context>

<pallas_src>
import functools

import jax
import jax.numpy as jnp
from jax import lax
from jax.experimental import pallas as pl
from jax.experimental.pallas import tpu as pltpu
from jax.experimental.pallas import tpu_sc as plsc

_N = 10000
_S = 128
_BOUND = 16
_NC = 2
_NS = 16
_CHUNK = 128
_ZROWS = 640
_OROWS = 624
_TAIL = _N - _NS * _OROWS
_CSH = _NS * _ZROWS


def _sc_segment_sum_body(chunks_per_worker,
                         h_hbm, src_hbm, dst_hbm, zeros_hbm,
                         out0_hbm, out1_hbm,
                         src_v, dst_v, rows0_v, rows1_v, counts_sh,
                         sem0, sem1, ssem0, ssem1):
    cid = lax.axis_index("c")
    sid = lax.axis_index("s")
    wid = cid * _NS + sid

    idx_src = pltpu.make_async_copy(
        src_hbm.at[pl.ds(wid * chunks_per_worker, chunks_per_worker)],
        src_v, sem0)
    idx_src.start()
    idx_dst = pltpu.make_async_copy(
        dst_hbm.at[pl.ds(wid * chunks_per_worker, chunks_per_worker)],
        dst_v, sem1)
    idx_dst.start()

    pltpu.sync_copy(zeros_hbm, rows0_v)
    zcopies = [
        pltpu.make_async_copy(
            rows0_v, counts_sh.at[pl.ds(sid * _ZROWS + j * _CHUNK, _CHUNK)],
            ssem0)
        for j in range(_ZROWS // _CHUNK)]
    for zc in zcopies:
        zc.start()
    for zc in zcopies:
        zc.wait()
    idx_src.wait()
    idx_dst.wait()
    plsc.subcore_barrier()

    def _gather_start(i, buf, sem):
        pltpu.make_async_copy(h_hbm.at[src_v.at[i]], buf, sem).start()

    def _gather_wait(buf, sem):
        pltpu.make_async_copy(h_hbm.at[src_v.at[0]], buf, sem).wait()

    def _scatter_start(i, buf, sem):
        pltpu.async_copy(buf, counts_sh.at[dst_v.at[i]], sem, add=True)

    def _scatter_wait(buf, sem):
        pltpu.make_async_copy(buf, counts_sh.at[dst_v.at[0]], sem).wait()

    def _scatter(i, buf):
        pltpu.sync_copy(buf, counts_sh.at[dst_v.at[i]], add=True)

    nhalf = chunks_per_worker // 2
    _gather_start(0, rows0_v, sem0)

    def body(j, carry):
        i = 2 * j
        _gather_start(i + 1, rows1_v, sem1)
        _gather_wait(rows0_v, sem0)
        _scatter(i, rows0_v)

        @pl.when(j < nhalf - 1)
        def _():
            _gather_start(i + 2, rows0_v, sem0)

        _gather_wait(rows1_v, sem1)
        _scatter(i + 1, rows1_v)
        return carry

    lax.fori_loop(0, nhalf, body, 0)
    plsc.subcore_barrier()

    out_hbm = [out0_hbm, out1_hbm]
    chunk_sizes = []
    left = _OROWS
    while left > 0:
        sz = min(_CHUNK, left)
        chunk_sizes.append(sz)
        left -= sz
    offs = []
    off = 0
    for sz in chunk_sizes:
        offs.append(off)
        off += sz
    nw = len(chunk_sizes)
    for c in range(_NC):
        @pl.when(cid == c)
        def _(c=c):
            bufs = [rows0_v, rows1_v]
            gsems = [sem0, sem1]
            psems = [ssem0, ssem1]

            def s2v(j):
                return pltpu.make_async_copy(
                    counts_sh.at[pl.ds(sid * _OROWS + offs[j],
                                       chunk_sizes[j])],
                    bufs[j % 2].at[pl.ds(0, chunk_sizes[j])], gsems[j % 2])

            def v2h(j):
                return pltpu.make_async_copy(
                    bufs[j % 2].at[pl.ds(0, chunk_sizes[j])],
                    out_hbm[c].at[pl.ds(sid * _OROWS + offs[j],
                                        chunk_sizes[j])], psems[j % 2])

            s2v(0).start()
            s2v(1).start()
            for j in range(nw):
                s2v(j).wait()
                v2h(j).start()
                if j + 2 < nw:
                    v2h(j).wait()
                    s2v(j + 2).start()
            v2h(nw - 2).wait()
            v2h(nw - 1).wait()

        @pl.when(jnp.logical_and(cid == c, sid == _NS - 1))
        def _(c=c):
            pltpu.sync_copy(counts_sh.at[pl.ds(_NS * _OROWS, _TAIL)],
                            rows0_v.at[pl.ds(0, _TAIL)])
            pltpu.sync_copy(rows0_v.at[pl.ds(0, _TAIL)],
                            out_hbm[c].at[pl.ds(_NS * _OROWS, _TAIL)])


def _make_sc_segment_sum(padded_e):
    chunks_per_worker = padded_e // (_NC * _NS * _CHUNK)
    mesh = plsc.VectorSubcoreMesh(core_axis_name="c", subcore_axis_name="s")
    return pl.kernel(
        functools.partial(_sc_segment_sum_body, chunks_per_worker),
        mesh=mesh,
        out_type=[jax.ShapeDtypeStruct((_N, _S), jnp.float32),
                  jax.ShapeDtypeStruct((_N, _S), jnp.float32)],
        scratch_types=[
            pltpu.VMEM((chunks_per_worker, _CHUNK), jnp.int32),
            pltpu.VMEM((chunks_per_worker, _CHUNK), jnp.int32),
            pltpu.VMEM((_CHUNK, _S), jnp.float32),
            pltpu.VMEM((_CHUNK, _S), jnp.float32),
            pltpu.VMEM_SHARED((_CSH, _S), jnp.float32),
            pltpu.SemaphoreType.DMA,
            pltpu.SemaphoreType.DMA,
            pltpu.SemaphoreType.DMA,
            pltpu.SemaphoreType.DMA,
        ],
    )


def _input_body(x_ref, w_ref, b_ref, o_ref):
    z = jnp.dot(x_ref[...], w_ref[...],
                preferred_element_type=jnp.float32) + b_ref[...]
    o_ref[...] = jax.nn.softmax(z, axis=-1)


def _layer_accum(h_ref, c0_ref, c1_ref, wh_ref, wb_ref, b_ref):
    counts = c0_ref[...] + c1_ref[...]
    acc = jnp.dot(h_ref[...], wh_ref[...], preferred_element_type=jnp.float32)
    for k in range(_BOUND):
        sk = jax.nn.sigmoid(counts - (k + 0.5))
        acc = acc + jnp.dot(sk, wb_ref[k], preferred_element_type=jnp.float32)
    return acc + b_ref[...]


def _layer_body(h_ref, c0_ref, c1_ref, wh_ref, wb_ref, b_ref, o_ref):
    z = _layer_accum(h_ref, c0_ref, c1_ref, wh_ref, wb_ref, b_ref)
    o_ref[...] = jax.nn.softmax(z, axis=-1)


def _layer_out_body(h_ref, c0_ref, c1_ref, wh_ref, wb_ref, b_ref,
                    wo_ref, bo_ref, o_ref):
    z = _layer_accum(h_ref, c0_ref, c1_ref, wh_ref, wb_ref, b_ref)
    h2 = jax.nn.softmax(z, axis=-1)
    o_ref[...] = jnp.dot(h2, wo_ref[...],
                         preferred_element_type=jnp.float32) + bo_ref[...]


_ROWS = 1000


def _call_input(x, w_in, b_in):
    d_in = x.shape[1]
    return pl.pallas_call(
        _input_body,
        grid=(_N // _ROWS,),
        in_specs=[
            pl.BlockSpec((_ROWS, d_in), lambda i: (i, 0)),
            pl.BlockSpec((d_in, _S), lambda i: (0, 0)),
            pl.BlockSpec((1, _S), lambda i: (0, 0)),
        ],
        out_specs=pl.BlockSpec((_ROWS, _S), lambda i: (i, 0)),
        out_shape=jax.ShapeDtypeStruct((_N, _S), jnp.float32),
    )(x, w_in, b_in)


def _call_layer(h, c0, c1, wh, wb, b):
    return pl.pallas_call(
        _layer_body,
        grid=(_N // _ROWS,),
        in_specs=[
            pl.BlockSpec((_ROWS, _S), lambda i: (i, 0)),
            pl.BlockSpec((_ROWS, _S), lambda i: (i, 0)),
            pl.BlockSpec((_ROWS, _S), lambda i: (i, 0)),
            pl.BlockSpec((_S, _S), lambda i: (0, 0)),
            pl.BlockSpec((_BOUND, _S, _S), lambda i: (0, 0, 0)),
            pl.BlockSpec((1, _S), lambda i: (0, 0)),
        ],
        out_specs=pl.BlockSpec((_ROWS, _S), lambda i: (i, 0)),
        out_shape=jax.ShapeDtypeStruct((_N, _S), jnp.float32),
    )(h, c0, c1, wh, wb, b)


def _call_layer_out(h, c0, c1, wh, wb, b, w_out, b_out):
    d_out = w_out.shape[1]
    return pl.pallas_call(
        _layer_out_body,
        grid=(_N // _ROWS,),
        in_specs=[
            pl.BlockSpec((_ROWS, _S), lambda i: (i, 0)),
            pl.BlockSpec((_ROWS, _S), lambda i: (i, 0)),
            pl.BlockSpec((_ROWS, _S), lambda i: (i, 0)),
            pl.BlockSpec((_S, _S), lambda i: (0, 0)),
            pl.BlockSpec((_BOUND, _S, _S), lambda i: (0, 0, 0)),
            pl.BlockSpec((1, _S), lambda i: (0, 0)),
            pl.BlockSpec((_S, d_out), lambda i: (0, 0)),
            pl.BlockSpec((1, d_out), lambda i: (0, 0)),
        ],
        out_specs=pl.BlockSpec((_ROWS, d_out), lambda i: (i, 0)),
        out_shape=jax.ShapeDtypeStruct((_N, d_out), jnp.float32),
    )(h, c0, c1, wh, wb, b, w_out, b_out)


def _split_weights(w):
    wh = w[:_S]
    wb = w[_S:].reshape(_S, _BOUND, _S).transpose(1, 0, 2)
    return wh, wb


def kernel(x, edge_index, W_in, b_in, W0, b0, W1, b1, W_out, b_out):
    src = edge_index[0].astype(jnp.int32)
    dst = edge_index[1].astype(jnp.int32)
    e = src.shape[0]
    stride = _NC * _NS * _CHUNK * 2
    padded_e = ((e + stride - 1) // stride) * stride
    src_p = jnp.concatenate(
        [src, jnp.zeros((padded_e - e,), jnp.int32)]).reshape(-1, _CHUNK)
    dst_p = jnp.concatenate(
        [dst, jnp.full((padded_e - e,), _N, jnp.int32)]).reshape(-1, _CHUNK)
    zeros = jnp.zeros((_CHUNK, _S), jnp.float32)

    wh0, wb0 = _split_weights(W0)
    wh1, wb1 = _split_weights(W1)
    b_in2 = b_in.reshape(1, -1)
    b02 = b0.reshape(1, -1)
    b12 = b1.reshape(1, -1)
    b_out2 = b_out.reshape(1, -1)

    seg = _make_sc_segment_sum(padded_e)

    h0 = _call_input(x, W_in, b_in2)
    c0a, c0b = seg(h0, src_p, dst_p, zeros)
    h1 = _call_layer(h0, c0a, c0b, wh0, wb0, b02)
    c1a, c1b = seg(h1, src_p, dst_p, zeros)
    return _call_layer_out(h1, c1a, c1b, wh1, wb1, b12, W_out, b_out2)

# --- scband reference (transcript-rebuilt; emitter-appended) ---
"""Pipeline reference for scband-bronze-age-gnn-9371618640519 (READ-ONLY COPY).

The authoritative reference and input builder live on the scoring server;
editing this copy changes nothing except your own understanding.
"""

import jax, jax.numpy as jnp
import numpy as np

N = 10000
E = 160000
D_IN = 256
STATE_SIZE = 128
BOUND = 16
A = 1.0
NUM_GNN_LAYERS = 2
D_OUT = 256


def setup_inputs(seed: int = 0) -> dict:
    key = jax.random.key(seed)
    ks = jax.random.split(key, 12)
    x = jax.random.normal(ks[0], (N, D_IN), dtype=jnp.float32)
    edge_index = jax.random.randint(ks[1], (2, E), 0, N)
    W_in = jax.random.normal(ks[2], (D_IN, STATE_SIZE), dtype=jnp.float32) * 0.05
    b_in = jnp.zeros((STATE_SIZE,), dtype=jnp.float32)
    d_cat = STATE_SIZE * (BOUND + 1)
    W0 = jax.random.normal(ks[3], (d_cat, STATE_SIZE), dtype=jnp.float32) * 0.05
    b0 = jnp.zeros((STATE_SIZE,), dtype=jnp.float32)
    W1 = jax.random.normal(ks[4], (d_cat, STATE_SIZE), dtype=jnp.float32) * 0.05
    b1 = jnp.zeros((STATE_SIZE,), dtype=jnp.float32)
    W_out = jax.random.normal(ks[5], (STATE_SIZE, D_OUT), dtype=jnp.float32) * 0.05
    b_out = jnp.zeros((D_OUT,), dtype=jnp.float32)
    return {"x": x, "edge_index": edge_index, "W_in": W_in, "b_in": b_in,
            "W0": W0, "b0": b0, "W1": W1, "b1": b1, "W_out": W_out, "b_out": b_out}


def _bronze_gnn_layer(h, src, dst, W, b):
    # message passing with aggr='add': sum neighbor state vectors per dst node
    msg = jnp.take(h, src, axis=0)                       # gather [E, S]
    counts = jax.ops.segment_sum(msg, dst, num_segments=N)  # scatter-add [N, S]
    # bounded counting (BRONZE_AGE aggregation): soft comparison of counts
    # against thresholds 0..bounding_parameter-1 with temperature a
    y_range = jnp.arange(BOUND, dtype=jnp.float32)
    bounded = jax.nn.sigmoid((counts[:, :, None] - y_range[None, None, :] - 0.5) / A)  # [N,S,B]
    feat = jnp.concatenate([h, bounded.reshape(h.shape[0], -1)], axis=-1)  # [N, S*(B+1)]
    z = feat @ W + b
    # DifferentiableArgmax-style nonlinearity (softmax relaxation)
    return jax.nn.softmax(z, axis=-1)


def reference(x, edge_index, W_in, b_in, W0, b0, W1, b1, W_out, b_out):
    src = edge_index[0]
    dst = edge_index[1]
    # input BronzeAgeLayer: features -> state distribution
    h = jax.nn.softmax(x @ W_in + b_in, axis=-1)
    # stacked BronzeAgeGNNLayers
    h = _bronze_gnn_layer(h, src, dst, W0, b0)
    h = _bronze_gnn_layer(h, src, dst, W1, b1)
    # output readout layer
    out = h @ W_out + b_out
    return out

if __name__ == "__main__":
    import jax
    _d = setup_inputs()
    print(jax.jit(kernel)(*tuple(_d.values())))

</pallas_src>

<mosaic_0001>
#map = affine_map<(d0, d1) -> (0, 0)>
module attributes {stable_mosaic.version = 14 : i64} {
  func.func @_sc_segment_sum_body(%arg0: i32, %arg1: i32, %arg2: memref<10000x128xf32, #tpu.memory_space<hbm>>, %arg3: memref<1280x128xi32, #tpu.memory_space<hbm>>, %arg4: memref<1280x128xi32, #tpu.memory_space<hbm>>, %arg5: memref<128x128xf32, #tpu.memory_space<hbm>>, %arg6: memref<10000x128xf32, #tpu.memory_space<hbm>>, %arg7: memref<10000x128xf32, #tpu.memory_space<hbm>>, %arg8: memref<40x128xi32, #tpu.memory_space<vmem>>, %arg9: memref<40x128xi32, #tpu.memory_space<vmem>>, %arg10: memref<128x128xf32, #tpu.memory_space<vmem>>, %arg11: memref<128x128xf32, #tpu.memory_space<vmem>>, %arg12: memref<10240x128xf32, #tpu.memory_space<vmem_shared>>, %arg13: memref<!tpu.dma_semaphore, #tpu.memory_space<semaphore_mem>>, %arg14: memref<!tpu.dma_semaphore, #tpu.memory_space<semaphore_mem>>, %arg15: memref<!tpu.dma_semaphore, #tpu.memory_space<semaphore_mem>>, %arg16: memref<!tpu.dma_semaphore, #tpu.memory_space<semaphore_mem>>) attributes {dimension_semantics = [#tpu.dimension_semantics<core_parallel>, #tpu.dimension_semantics<subcore_parallel>], iteration_bounds = array<i64: 2, 16>, scalar_prefetch = 0 : i64, scratch_operands = 9 : i64, tpu.core_type = #tpu.core_type<sc_vector_subcore>, window_params = [{transform_indices = #map}, {transform_indices = #map}, {transform_indices = #map}, {transform_indices = #map}, {transform_indices = #map}, {transform_indices = #map}]} {
    %mul3A = arith.constant 16 : i32
    %mul3A_0 = arith.muli %arg0, %mul3A : i32
    %add3A = arith.addi %mul3A_0, %arg1 : i32
    %mul3A_1 = arith.constant 40 : i32
    %mul3A_2 = arith.muli %add3A, %mul3A_1 : i32
    %dma_start3A = arith.constant 0 : i32
    %dma_start3A_3 = tpu.memref_slice %arg3[%mul3A_2, %dma_start3A] : memref<1280x128xi32, #tpu.memory_space<hbm>> -> memref<40x128xi32, #tpu.memory_space<hbm>>
    %dma_start3A_4 = arith.constant 0 : i32
    %dma_start3A_5 = tpu.memref_slice %arg3[%mul3A_2, %dma_start3A_4] : memref<1280x128xi32, #tpu.memory_space<hbm>> -> memref<40x128xi32, #tpu.memory_space<hbm>>
    tpu.enqueue_dma source(%dma_start3A_5 : memref<40x128xi32, #tpu.memory_space<hbm>>) target(%arg8 : memref<40x128xi32, #tpu.memory_space<vmem>>) target_semaphore(%arg13 : memref<!tpu.dma_semaphore, #tpu.memory_space<semaphore_mem>>)
    %mul3A_6 = arith.constant 40 : i32
    %mul3A_7 = arith.muli %add3A, %mul3A_6 : i32
    %dma_start3A_8 = arith.constant 0 : i32
    %dma_start3A_9 = tpu.memref_slice %arg4[%mul3A_7, %dma_start3A_8] : memref<1280x128xi32, #tpu.memory_space<hbm>> -> memref<40x128xi32, #tpu.memory_space<hbm>>
    %dma_start3A_10 = arith.constant 0 : i32
    %dma_start3A_11 = tpu.memref_slice %arg4[%mul3A_7, %dma_start3A_10] : memref<1280x128xi32, #tpu.memory_space<hbm>> -> memref<40x128xi32, #tpu.memory_space<hbm>>
    tpu.enqueue_dma source(%dma_start3A_11 : memref<40x128xi32, #tpu.memory_space<hbm>>) target(%arg9 : memref<40x128xi32, #tpu.memory_space<vmem>>) target_semaphore(%arg14 : memref<!tpu.dma_semaphore, #tpu.memory_space<semaphore_mem>>)
    "tpu.region"() ({
      %run_scoped3A = tpu.sem_alloc : memref<!tpu.dma_semaphore, #tpu.memory_space<semaphore_mem>>
      tpu.enqueue_dma source(%arg5 : memref<128x128xf32, #tpu.memory_space<hbm>>) target(%arg10 : memref<128x128xf32, #tpu.memory_space<vmem>>) target_semaphore(%run_scoped3A : memref<!tpu.dma_semaphore, #tpu.memory_space<semaphore_mem>>)
      tpu.wait_dma2 semaphore(%run_scoped3A : memref<!tpu.dma_semaphore, #tpu.memory_space<semaphore_mem>>) src(%arg5 : memref<128x128xf32, #tpu.memory_space<hbm>>) dst(%arg10 : memref<128x128xf32, #tpu.memory_space<vmem>>)
      tpu.yield
    }) : () -> ()
    %mul3A_12 = arith.constant 640 : i32
    %mul3A_13 = arith.muli %arg1, %mul3A_12 : i32
    %add3A_14 = arith.constant 0 : i32
    %add3A_15 = arith.addi %mul3A_13, %add3A_14 : i32
    %mul3A_16 = arith.constant 640 : i32
    %mul3A_17 = arith.muli %arg1, %mul3A_16 : i32
    %add3A_18 = arith.constant 128 : i32
    %add3A_19 = arith.addi %mul3A_17, %add3A_18 : i32
    %mul3A_20 = arith.constant 640 : i32
    %mul3A_21 = arith.muli %arg1, %mul3A_20 : i32
    %add3A_22 = arith.constant 256 : i32
    %add3A_23 = arith.addi %mul3A_21, %add3A_22 : i32
    %mul3A_24 = arith.constant 640 : i32
    %mul3A_25 = arith.muli %arg1, %mul3A_24 : i32
    %add3A_26 = arith.constant 384 : i32
    %add3A_27 = arith.addi %mul3A_25, %add3A_26 : i32
    %mul3A_28 = arith.constant 640 : i32
    %mul3A_29 = arith.muli %arg1, %mul3A_28 : i32
    %add3A_30 = arith.constant 512 : i32
    %add3A_31 = arith.addi %mul3A_29, %add3A_30 : i32
    %dma_start3A_32 = arith.constant 0 : i32
    %dma_start3A_33 = tpu.memref_slice %arg12[%add3A_15, %dma_start3A_32] : memref<10240x128xf32, #tpu.memory_space<vmem_shared>> -> memref<128x128xf32, #tpu.memory_space<vmem_shared>>
    %dma_start3A_34 = arith.constant 0 : i32
    %dma_start3A_35 = tpu.memref_slice %arg12[%add3A_15, %dma_start3A_34] : memref<10240x128xf32, #tpu.memory_space<vmem_shared>> -> memref<128x128xf32, #tpu.memory_space<vmem_shared>>
    tpu.enqueue_dma source(%arg10 : memref<128x128xf32, #tpu.memory_space<vmem>>) target(%dma_start3A_35 : memref<128x128xf32, #tpu.memory_space<vmem_shared>>) target_semaphore(%arg15 : memref<!tpu.dma_semaphore, #tpu.memory_space<semaphore_mem>>)
    %dma_start3A_36 = arith.constant 0 : i32
    %dma_start3A_37 = tpu.memref_slice %arg12[%add3A_19, %dma_start3A_36] : memref<10240x128xf32, #tpu.memory_space<vmem_shared>> -> memref<128x128xf32, #tpu.memory_space<vmem_shared>>
    %dma_start3A_38 = arith.constant 0 : i32
    %dma_start3A_39 = tpu.memref_slice %arg12[%add3A_19, %dma_start3A_38] : memref<10240x128xf32, #tpu.memory_space<vmem_shared>> -> memref<128x128xf32, #tpu.memory_space<vmem_shared>>
    tpu.enqueue_dma source(%arg10 : memref<128x128xf32, #tpu.memory_space<vmem>>) target(%dma_start3A_39 : memref<128x128xf32, #tpu.memory_space<vmem_shared>>) target_semaphore(%arg15 : memref<!tpu.dma_semaphore, #tpu.memory_space<semaphore_mem>>)
    %dma_start3A_40 = arith.constant 0 : i32
    %dma_start3A_41 = tpu.memref_slice %arg12[%add3A_23, %dma_start3A_40] : memref<10240x128xf32, #tpu.memory_space<vmem_shared>> -> memref<128x128xf32, #tpu.memory_space<vmem_shared>>
    %dma_start3A_42 = arith.constant 0 : i32
    %dma_start3A_43 = tpu.memref_slice %arg12[%add3A_23, %dma_start3A_42] : memref<10240x128xf32, #tpu.memory_space<vmem_shared>> -> memref<128x128xf32, #tpu.memory_space<vmem_shared>>
    tpu.enqueue_dma source(%arg10 : memref<128x128xf32, #tpu.memory_space<vmem>>) target(%dma_start3A_43 : memref<128x128xf32, #tpu.memory_space<vmem_shared>>) target_semaphore(%arg15 : memref<!tpu.dma_semaphore, #tpu.memory_space<semaphore_mem>>)
    %dma_start3A_44 = arith.constant 0 : i32
    %dma_start3A_45 = tpu.memref_slice %arg12[%add3A_27, %dma_start3A_44] : memref<10240x128xf32, #tpu.memory_space<vmem_shared>> -> memref<128x128xf32, #tpu.memory_space<vmem_shared>>
    %dma_start3A_46 = arith.constant 0 : i32
    %dma_start3A_47 = tpu.memref_slice %arg12[%add3A_27, %dma_start3A_46] : memref<10240x128xf32, #tpu.memory_space<vmem_shared>> -> memref<128x128xf32, #tpu.memory_space<vmem_shared>>
    tpu.enqueue_dma source(%arg10 : memref<128x128xf32, #tpu.memory_space<vmem>>) target(%dma_start3A_47 : memref<128x128xf32, #tpu.memory_space<vmem_shared>>) target_semaphore(%arg15 : memref<!tpu.dma_semaphore, #tpu.memory_space<semaphore_mem>>)
    %dma_start3A_48 = arith.constant 0 : i32
    %dma_start3A_49 = tpu.memref_slice %arg12[%add3A_31, %dma_start3A_48] : memref<10240x128xf32, #tpu.memory_space<vmem_shared>> -> memref<128x128xf32, #tpu.memory_space<vmem_shared>>
    %dma_start3A_50 = arith.constant 0 : i32
    %dma_start3A_51 = tpu.memref_slice %arg12[%add3A_31, %dma_start3A_50] : memref<10240x128xf32, #tpu.memory_space<vmem_shared>> -> memref<128x128xf32, #tpu.memory_space<vmem_shared>>
    tpu.enqueue_dma source(%arg10 : memref<128x128xf32, #tpu.memory_space<vmem>>) target(%dma_start3A_51 : memref<128x128xf32, #tpu.memory_space<vmem_shared>>) target_semaphore(%arg15 : memref<!tpu.dma_semaphore, #tpu.memory_space<semaphore_mem>>)
    %dma_wait3A = arith.constant 0 : i32
    %dma_wait3A_52 = tpu.memref_slice %arg12[%add3A_15, %dma_wait3A] : memref<10240x128xf32, #tpu.memory_space<vmem_shared>> -> memref<128x128xf32, #tpu.memory_space<vmem_shared>>
    %dma_wait3A_53 = arith.constant 0 : i32
    %dma_wait3A_54 = tpu.memref_slice %arg12[%add3A_15, %dma_wait3A_53] : memref<10240x128xf32, #tpu.memory_space<vmem_shared>> -> memref<128x128xf32, #tpu.memory_space<vmem_shared>>
    tpu.wait_dma2 semaphore(%arg15 : memref<!tpu.dma_semaphore, #tpu.memory_space<semaphore_mem>>) src(%arg10 : memref<128x128xf32, #tpu.memory_space<vmem>>) dst(%dma_wait3A_54 : memref<128x128xf32, #tpu.memory_space<vmem_shared>>)
    %dma_wait3A_55 = arith.constant 0 : i32
    %dma_wait3A_56 = tpu.memref_slice %arg12[%add3A_19, %dma_wait3A_55] : memref<10240x128xf32, #tpu.memory_space<vmem_shared>> -> memref<128x128xf32, #tpu.memory_space<vmem_shared>>
    %dma_wait3A_57 = arith.constant 0 : i32
    %dma_wait3A_58 = tpu.memref_slice %arg12[%add3A_19, %dma_wait3A_57] : memref<10240x128xf32, #tpu.memory_space<vmem_shared>> -> memref<128x128xf32, #tpu.memory_space<vmem_shared>>
    tpu.wait_dma2 semaphore(%arg15 : memref<!tpu.dma_semaphore, #tpu.memory_space<semaphore_mem>>) src(%arg10 : memref<128x128xf32, #tpu.memory_space<vmem>>) dst(%dma_wait3A_58 : memref<128x128xf32, #tpu.memory_space<vmem_shared>>)
    %dma_wait3A_59 = arith.constant 0 : i32
    %dma_wait3A_60 = tpu.memref_slice %arg12[%add3A_23, %dma_wait3A_59] : memref<10240x128xf32, #tpu.memory_space<vmem_shared>> -> memref<128x128xf32, #tpu.memory_space<vmem_shared>>
    %dma_wait3A_61 = arith.constant 0 : i32
    %dma_wait3A_62 = tpu.memref_slice %arg12[%add3A_23, %dma_wait3A_61] : memref<10240x128xf32, #tpu.memory_space<vmem_shared>> -> memref<128x128xf32, #tpu.memory_space<vmem_shared>>
    tpu.wait_dma2 semaphore(%arg15 : memref<!tpu.dma_semaphore, #tpu.memory_space<semaphore_mem>>) src(%arg10 : memref<128x128xf32, #tpu.memory_space<vmem>>) dst(%dma_wait3A_62 : memref<128x128xf32, #tpu.memory_space<vmem_shared>>)
    %dma_wait3A_63 = arith.constant 0 : i32
    %dma_wait3A_64 = tpu.memref_slice %arg12[%add3A_27, %dma_wait3A_63] : memref<10240x128xf32, #tpu.memory_space<vmem_shared>> -> memref<128x128xf32, #tpu.memory_space<vmem_shared>>
    %dma_wait3A_65 = arith.constant 0 : i32
    %dma_wait3A_66 = tpu.memref_slice %arg12[%add3A_27, %dma_wait3A_65] : memref<10240x128xf32, #tpu.memory_space<vmem_shared>> -> memref<128x128xf32, #tpu.memory_space<vmem_shared>>
    tpu.wait_dma2 semaphore(%arg15 : memref<!tpu.dma_semaphore, #tpu.memory_space<semaphore_mem>>) src(%arg10 : memref<128x128xf32, #tpu.memory_space<vmem>>) dst(%dma_wait3A_66 : memref<128x128xf32, #tpu.memory_space<vmem_shared>>)
    %dma_wait3A_67 = arith.constant 0 : i32
    %dma_wait3A_68 = tpu.memref_slice %arg12[%add3A_31, %dma_wait3A_67] : memref<10240x128xf32, #tpu.memory_space<vmem_shared>> -> memref<128x128xf32, #tpu.memory_space<vmem_shared>>
    %dma_wait3A_69 = arith.constant 0 : i32
    %dma_wait3A_70 = tpu.memref_slice %arg12[%add3A_31, %dma_wait3A_69] : memref<10240x128xf32, #tpu.memory_space<vmem_shared>> -> memref<128x128xf32, #tpu.memory_space<vmem_shared>>
    tpu.wait_dma2 semaphore(%arg15 : memref<!tpu.dma_semaphore, #tpu.memory_space<semaphore_mem>>) src(%arg10 : memref<128x128xf32, #tpu.memory_space<vmem>>) dst(%dma_wait3A_70 : memref<128x128xf32, #tpu.memory_space<vmem_shared>>)
    %dma_wait3A_71 = arith.constant 0 : i32
    %dma_wait3A_72 = tpu.memref_slice %arg3[%mul3A_2, %dma_wait3A_71] : memref<1280x128xi32, #tpu.memory_space<hbm>> -> memref<40x128xi32, #tpu.memory_space<hbm>>
    %dma_wait3A_73 = arith.constant 0 : i32
    %dma_wait3A_74 = tpu.memref_slice %arg3[%mul3A_2, %dma_wait3A_73] : memref<1280x128xi32, #tpu.memory_space<hbm>> -> memref<40x128xi32, #tpu.memory_space<hbm>>
    tpu.wait_dma2 semaphore(%arg13 : memref<!tpu.dma_semaphore, #tpu.memory_space<semaphore_mem>>) src(%dma_wait3A_74 : memref<40x128xi32, #tpu.memory_space<hbm>>) dst(%arg8 : memref<40x128xi32, #tpu.memory_space<vmem>>)
    %dma_wait3A_75 = arith.constant 0 : i32
    %dma_wait3A_76 = tpu.memref_slice %arg4[%mul3A_7, %dma_wait3A_75] : memref<1280x128xi32, #tpu.memory_space<hbm>> -> memref<40x128xi32, #tpu.memory_space<hbm>>
    %dma_wait3A_77 = arith.constant 0 : i32
    %dma_wait3A_78 = tpu.memref_slice %arg4[%mul3A_7, %dma_wait3A_77] : memref<1280x128xi32, #tpu.memory_space<hbm>> -> memref<40x128xi32, #tpu.memory_space<hbm>>
    tpu.wait_dma2 semaphore(%arg14 : memref<!tpu.dma_semaphore, #tpu.memory_space<semaphore_mem>>) src(%dma_wait3A_78 : memref<40x128xi32, #tpu.memory_space<hbm>>) dst(%arg9 : memref<40x128xi32, #tpu.memory_space<vmem>>)
    %barrier3A = arith.constant 0 : index
    tpu.barrier barrier_id(%barrier3A)
    %dma_start3A_79 = arith.constant 0 : i32
    %dma_start3A_80 = arith.constant 0 : i32
    %dma_start3A_81 = tpu.memref_slice %arg8[%dma_start3A_79, %dma_start3A_80] : memref<40x128xi32, #tpu.memory_space<vmem>> -> memref<1x128xi32, #tpu.memory_space<vmem>>
    %dma_start3A_82 = tpu.memref_squeeze %dma_start3A_81 : memref<1x128xi32, #tpu.memory_space<vmem>> -> memref<128xi32, #tpu.memory_space<vmem>>
    %dma_start3A_83 = arith.constant 0 : i32
    %dma_start3A_84 = arith.constant 0 : i32
    %dma_start3A_85 = tpu.memref_slice %arg2[%dma_start3A_83, %dma_start3A_84] : memref<10000x128xf32, #tpu.memory_space<hbm>> -> memref<10000x128xf32, #tpu.memory_space<hbm>>
    tpu.enqueue_indirect_dma source(%dma_start3A_85 : memref<10000x128xf32, #tpu.memory_space<hbm>>) target(%arg10 : memref<128x128xf32, #tpu.memory_space<vmem>>) offsets(%dma_start3A_82 : memref<128xi32, #tpu.memory_space<vmem>>) semaphore(%arg13 : memref<!tpu.dma_semaphore, #tpu.memory_space<semaphore_mem>>)
    %scan3A = arith.constant 0 : i32
    %scan3A_86 = arith.constant 0 : i32
    %scan3A_87 = arith.constant 20 : i32
    %scan3A_88 = arith.addi %scan3A_86, %scan3A_87 : i32
    %scan3A_89 = arith.constant 1 : i32
    scf.for %scan3A_114 = %scan3A_86 to %scan3A_88 step %scan3A_89  : i32 {
      %mul3A_115 = arith.constant 2 : i32
      %mul3A_116 = arith.muli %mul3A_115, %scan3A_114 : i32
      %add3A_117 = arith.constant 1 : i32
      %add3A_118 = arith.addi %mul3A_116, %add3A_117 : i32
      %dma_start3A_119 = arith.constant 0 : i32
      %dma_start3A_120 = tpu.memref_slice %arg8[%add3A_118, %dma_start3A_119] : memref<40x128xi32, #tpu.memory_space<vmem>> -> memref<1x128xi32, #tpu.memory_space<vmem>>
      %dma_start3A_121 = tpu.memref_squeeze %dma_start3A_120 : memref<1x128xi32, #tpu.memory_space<vmem>> -> memref<128xi32, #tpu.memory_space<vmem>>
      %dma_start3A_122 = arith.constant 0 : i32
      %dma_start3A_123 = arith.constant 0 : i32
      %dma_start3A_124 = tpu.memref_slice %arg2[%dma_start3A_122, %dma_start3A_123] : memref<10000x128xf32, #tpu.memory_space<hbm>> -> memref<10000x128xf32, #tpu.memory_space<hbm>>
      tpu.enqueue_indirect_dma source(%dma_start3A_124 : memref<10000x128xf32, #tpu.memory_space<hbm>>) target(%arg11 : memref<128x128xf32, #tpu.memory_space<vmem>>) offsets(%dma_start3A_121 : memref<128xi32, #tpu.memory_space<vmem>>) semaphore(%arg14 : memref<!tpu.dma_semaphore, #tpu.memory_space<semaphore_mem>>)
      %dma_wait3A_125 = arith.constant 0 : i32
      %dma_wait3A_126 = arith.constant 0 : i32
      %dma_wait3A_127 = tpu.memref_slice %arg8[%dma_wait3A_125, %dma_wait3A_126] : memref<40x128xi32, #tpu.memory_space<vmem>> -> memref<1x128xi32, #tpu.memory_space<vmem>>
      %dma_wait3A_128 = tpu.memref_squeeze %dma_wait3A_127 : memref<1x128xi32, #tpu.memory_space<vmem>> -> memref<128xi32, #tpu.memory_space<vmem>>
      %dma_wait3A_129 = arith.constant 0 : i32
      %dma_wait3A_130 = arith.constant 0 : i32
      %dma_wait3A_131 = tpu.memref_slice %arg2[%dma_wait3A_129, %dma_wait3A_130] : memref<10000x128xf32, #tpu.memory_space<hbm>> -> memref<10000x128xf32, #tpu.memory_space<hbm>>
      tpu.wait_indirect_dma semaphore(%arg13 : memref<!tpu.dma_semaphore, #tpu.memory_space<semaphore_mem>>) src(%dma_wait3A_131 : memref<10000x128xf32, #tpu.memory_space<hbm>>) dst(%arg10 : memref<128x128xf32, #tpu.memory_space<vmem>>)
      "tpu.region"() ({
        %run_scoped3A = tpu.sem_alloc : memref<!tpu.dma_semaphore, #tpu.memory_space<semaphore_mem>>
        %dma_start3A_145 = arith.constant 0 : i32
        %dma_start3A_146 = tpu.memref_slice %arg9[%mul3A_116, %dma_start3A_145] : memref<40x128xi32, #tpu.memory_space<vmem>> -> memref<1x128xi32, #tpu.memory_space<vmem>>
        %dma_start3A_147 = tpu.memref_squeeze %dma_start3A_146 : memref<1x128xi32, #tpu.memory_space<vmem>> -> memref<128xi32, #tpu.memory_space<vmem>>
        %dma_start3A_148 = arith.constant 0 : i32
        %dma_start3A_149 = arith.constant 0 : i32
        %dma_start3A_150 = tpu.memref_slice %arg12[%dma_start3A_148, %dma_start3A_149] : memref<10240x128xf32, #tpu.memory_space<vmem_shared>> -> memref<10240x128xf32, #tpu.memory_space<vmem_shared>>
        tpu.enqueue_indirect_dma source(%arg10 : memref<128x128xf32, #tpu.memory_space<vmem>>) target(%dma_start3A_150 : memref<10240x128xf32, #tpu.memory_space<vmem_shared>>) offsets(%dma_start3A_147 : memref<128xi32, #tpu.memory_space<vmem>>) semaphore(%run_scoped3A : memref<!tpu.dma_semaphore, #tpu.memory_space<semaphore_mem>>) {add = true}
        %dma_wait3A_151 = arith.constant 0 : i32
        %dma_wait3A_152 = tpu.memref_slice %arg9[%mul3A_116, %dma_wait3A_151] : memref<40x128xi32, #tpu.memory_space<vmem>> -> memref<1x128xi32, #tpu.memory_space<vmem>>
        %dma_wait3A_153 = tpu.memref_squeeze %dma_wait3A_152 : memref<1x128xi32, #tpu.memory_space<vmem>> -> memref<128xi32, #tpu.memory_space<vmem>>
        %dma_wait3A_154 = arith.constant 0 : i32
        %dma_wait3A_155 = arith.constant 0 : i32
        %dma_wait3A_156 = tpu.memref_slice %arg12[%dma_wait3A_154, %dma_wait3A_155] : memref<10240x128xf32, #tpu.memory_space<vmem_shared>> -> memref<10240x128xf32, #tpu.memory_space<vmem_shared>>
        tpu.wait_indirect_dma semaphore(%run_scoped3A : memref<!tpu.dma_semaphore, #tpu.memory_space<semaphore_mem>>) src(%arg10 : memref<128x128xf32, #tpu.memory_space<vmem>>) dst(%dma_wait3A_156 : memref<10240x128xf32, #tpu.memory_space<vmem_shared>>)
        tpu.yield
      }) : () -> ()
      %lt3A = arith.constant 19 : i32
      %lt3A_132 = arith.cmpi slt, %scan3A_114, %lt3A : i32
      %convert_element_type3A_133 = arith.extui %lt3A_132 : i1 to i32
      %cond3A_134 = arith.constant 0 : i32
      %cond3A_135 = arith.cmpi ne, %convert_element_type3A_133, %cond3A_134 : i32
      scf.if %cond3A_135 {
        %add3A_145 = arith.constant 2 : i32
        %add3A_146 = arith.addi %mul3A_116, %add3A_145 : i32
        %dma_start3A_147 = arith.constant 0 : i32
        %dma_start3A_148 = tpu.memref_slice %arg8[%add3A_146, %dma_start3A_147] : memref<40x128xi32, #tpu.memory_space<vmem>> -> memref<1x128xi32, #tpu.memory_space<vmem>>
        %dma_start3A_149 = tpu.memref_squeeze %dma_start3A_148 : memref<1x128xi32, #tpu.memory_space<vmem>> -> memref<128xi32, #tpu.memory_space<vmem>>
        %dma_start3A_150 = arith.constant 0 : i32
        %dma_start3A_151 = arith.constant 0 : i32
        %dma_start3A_152 = tpu.memref_slice %arg2[%dma_start3A_150, %dma_start3A_151] : memref<10000x128xf32, #tpu.memory_space<hbm>> -> memref<10000x128xf32, #tpu.memory_space<hbm>>
        tpu.enqueue_indirect_dma source(%dma_start3A_152 : memref<10000x128xf32, #tpu.memory_space<hbm>>) target(%arg10 : memref<128x128xf32, #tpu.memory_space<vmem>>) offsets(%dma_start3A_149 : memref<128xi32, #tpu.memory_space<vmem>>) semaphore(%arg13 : memref<!tpu.dma_semaphore, #tpu.memory_space<semaphore_mem>>)
      } else {
      }
      %dma_wait3A_136 = arith.constant 0 : i32
      %dma_wait3A_137 = arith.constant 0 : i32
      %dma_wait3A_138 = tpu.memref_slice %arg8[%dma_wait3A_136, %dma_wait3A_137] : memref<40x128xi32, #tpu.memory_space<vmem>> -> memref<1x128xi32, #tpu.memory_space<vmem>>
      %dma_wait3A_139 = tpu.memref_squeeze %dma_wait3A_138 : memref<1x128xi32, #tpu.memory_space<vmem>> -> memref<128xi32, #tpu.memory_space<vmem>>
      %dma_wait3A_140 = arith.constant 0 : i32
      %dma_wait3A_141 = arith.constant 0 : i32
      %dma_wait3A_142 = tpu.memref_slice %arg2[%dma_wait3A_140, %dma_wait3A_141] : memref<10000x128xf32, #tpu.memory_space<hbm>> -> memref<10000x128xf32, #tpu.memory_space<hbm>>
      tpu.wait_indirect_dma semaphore(%arg14 : memref<!tpu.dma_semaphore, #tpu.memory_space<semaphore_mem>>) src(%dma_wait3A_142 : memref<10000x128xf32, #tpu.memory_space<hbm>>) dst(%arg11 : memref<128x128xf32, #tpu.memory_space<vmem>>)
      %add3A_143 = arith.constant 1 : i32
      %add3A_144 = arith.addi %mul3A_116, %add3A_143 : i32
      "tpu.region"() ({
        %run_scoped3A = tpu.sem_alloc : memref<!tpu.dma_semaphore, #tpu.memory_space<semaphore_mem>>
        %dma_start3A_145 = arith.constant 0 : i32
        %dma_start3A_146 = tpu.memref_slice %arg9[%add3A_144, %dma_start3A_145] : memref<40x128xi32, #tpu.memory_space<vmem>> -> memref<1x128xi32, #tpu.memory_space<vmem>>
        %dma_start3A_147 = tpu.memref_squeeze %dma_start3A_146 : memref<1x128xi32, #tpu.memory_space<vmem>> -> memref<128xi32, #tpu.memory_space<vmem>>
        %dma_start3A_148 = arith.constant 0 : i32
        %dma_start3A_149 = arith.constant 0 : i32
        %dma_start3A_150 = tpu.memref_slice %arg12[%dma_start3A_148, %dma_start3A_149] : memref<10240x128xf32, #tpu.memory_space<vmem_shared>> -> memref<10240x128xf32, #tpu.memory_space<vmem_shared>>
        tpu.enqueue_indirect_dma source(%arg11 : memref<128x128xf32, #tpu.memory_space<vmem>>) target(%dma_start3A_150 : memref<10240x128xf32, #tpu.memory_space<vmem_shared>>) offsets(%dma_start3A_147 : memref<128xi32, #tpu.memory_space<vmem>>) semaphore(%run_scoped3A : memref<!tpu.dma_semaphore, #tpu.memory_space<semaphore_mem>>) {add = true}
        %dma_wait3A_151 = arith.constant 0 : i32
        %dma_wait3A_152 = tpu.memref_slice %arg9[%add3A_144, %dma_wait3A_151] : memref<40x128xi32, #tpu.memory_space<vmem>> -> memref<1x128xi32, #tpu.memory_space<vmem>>
        %dma_wait3A_153 = tpu.memref_squeeze %dma_wait3A_152 : memref<1x128xi32, #tpu.memory_space<vmem>> -> memref<128xi32, #tpu.memory_space<vmem>>
        %dma_wait3A_154 = arith.constant 0 : i32
        %dma_wait3A_155 = arith.constant 0 : i32
        %dma_wait3A_156 = tpu.memref_slice %arg12[%dma_wait3A_154, %dma_wait3A_155] : memref<10240x128xf32, #tpu.memory_space<vmem_shared>> -> memref<10240x128xf32, #tpu.memory_space<vmem_shared>>
        tpu.wait_indirect_dma semaphore(%run_scoped3A : memref<!tpu.dma_semaphore, #tpu.memory_space<semaphore_mem>>) src(%arg11 : memref<128x128xf32, #tpu.memory_space<vmem>>) dst(%dma_wait3A_156 : memref<10240x128xf32, #tpu.memory_space<vmem_shared>>)
        tpu.yield
      }) : () -> ()
    }
    %scan3A_90 = arith.constant 20 : i32
    %barrier3A_91 = arith.constant 0 : index
    tpu.barrier barrier_id(%barrier3A_91)
    %eq3A = arith.constant 0 : i32
    %eq3A_92 = arith.cmpi eq, %arg0, %eq3A : i32
    %convert_element_type3A = arith.extui %eq3A_92 : i1 to i32
    %cond3A = arith.constant 0 : i32
    %cond3A_93 = arith.cmpi ne, %convert_element_type3A, %cond3A : i32
    scf.if %cond3A_93 {
      %mul3A_114 = arith.constant 624 : i32
      %mul3A_115 = arith.muli %arg1, %mul3A_114 : i32
      %add3A_116 = arith.constant 0 : i32
      %add3A_117 = arith.addi %mul3A_115, %add3A_116 : i32
      %dma_start3A_118 = arith.constant 0 : i32
      %dma_start3A_119 = arith.constant 0 : i32
      %dma_start3A_120 = tpu.memref_slice %arg10[%dma_start3A_118, %dma_start3A_119] : memref<128x128xf32, #tpu.memory_space<vmem>> -> memref<128x128xf32, #tpu.memory_space<vmem>>
      %dma_start3A_121 = arith.constant 0 : i32
      %dma_start3A_122 = tpu.memref_slice %arg12[%add3A_117, %dma_start3A_121] : memref<10240x128xf32, #tpu.memory_space<vmem_shared>> -> memref<128x128xf32, #tpu.memory_space<vmem_shared>>
      %dma_start3A_123 = arith.constant 0 : i32
      %dma_start3A_124 = arith.constant 0 : i32
      %dma_start3A_125 = tpu.memref_slice %arg10[%dma_start3A_123, %dma_start3A_124] : memref<128x128xf32, #tpu.memory_space<vmem>> -> memref<128x128xf32, #tpu.memory_space<vmem>>
      %dma_start3A_126 = arith.constant 0 : i32
      %dma_start3A_127 = tpu.memref_slice %arg12[%add3A_117, %dma_start3A_126] : memref<10240x128xf32, #tpu.memory_space<vmem_shared>> -> memref<128x128xf32, #tpu.memory_space<vmem_shared>>
      tpu.enqueue_dma source(%dma_start3A_127 : memref<128x128xf32, #tpu.memory_space<vmem_shared>>) target(%dma_start3A_125 : memref<128x128xf32, #tpu.memory_space<vmem>>) target_semaphore(%arg13 : memref<!tpu.dma_semaphore, #tpu.memory_space<semaphore_mem>>)
      %mul3A_128 = arith.constant 624 : i32
      %mul3A_129 = arith.muli %arg1, %mul3A_128 : i32
      %add3A_130 = arith.constant 128 : i32
      %add3A_131 = arith.addi %mul3A_129, %add3A_130 : i32
      %dma_start3A_132 = arith.constant 0 : i32
      %dma_start3A_133 = arith.constant 0 : i32
      %dma_start3A_134 = tpu.memref_slice %arg11[%dma_start3A_132, %dma_start3A_133] : memref<128x128xf32, #tpu.memory_space<vmem>> -> memref<128x128xf32, #tpu.memory_space<vmem>>
      %dma_start3A_135 = arith.constant 0 : i32
      %dma_start3A_136 = tpu.memref_slice %arg12[%add3A_131, %dma_start3A_135] : memref<10240x128xf32, #tpu.memory_space<vmem_shared>> -> memref<128x128xf32, #tpu.memory_space<vmem_shared>>
      %dma_start3A_137 = arith.constant 0 : i32
      %dma_start3A_138 = arith.constant 0 : i32
      %dma_start3A_139 = tpu.memref_slice %arg11[%dma_start3A_137, %dma_start3A_138] : memref<128x128xf32, #tpu.memory_space<vmem>> -> memref<128x128xf32, #tpu.memory_space<vmem>>
      %dma_start3A_140 = arith.constant 0 : i32
      %dma_start3A_141 = tpu.memref_slice %arg12[%add3A_131, %dma_start3A_140] : memref<10240x128xf32, #tpu.memory_space<vmem_shared>> -> memref<128x128xf32, #tpu.memory_space<vmem_shared>>
      tpu.enqueue_dma source(%dma_start3A_141 : memref<128x128xf32, #tpu.memory_space<vmem_shared>>) target(%dma_start3A_139 : memref<128x128xf32, #tpu.memory_space<vmem>>) target_semaphore(%arg14 : memref<!tpu.dma_semaphore, #tpu.memory_space<semaphore_mem>>)
      %mul3A_142 = arith.constant 624 : i32
      %mul3A_143 = arith.muli %arg1, %mul3A_142 : i32
      %add3A_144 = arith.constant 0 : i32
      %add3A_145 = arith.addi %mul3A_143, %add3A_144 : i32
      %dma_wait3A_146 = arith.constant 0 : i32
      %dma_wait3A_147 = arith.constant 0 : i32
      %dma_wait3A_148 = tpu.memref_slice %arg10[%dma_wait3A_146, %dma_wait3A_147] : memref<128x128xf32, #tpu.memory_space<vmem>> -> memref<128x128xf32, #tpu.memory_space<vmem>>
      %dma_wait3A_149 = arith.constant 0 : i32
      %dma_wait3A_150 = tpu.memref_slice %arg12[%add3A_145, %dma_wait3A_149] : memref<10240x128xf32, #tpu.memory_space<vmem_shared>> -> memref<128x128xf32, #tpu.memory_space<vmem_shared>>
      %dma_wait3A_151 = arith.constant 0 : i32
      %dma_wait3A_152 = arith.constant 0 : i32
      %dma_wait3A_153 = tpu.memref_slice %arg10[%dma_wait3A_151, %dma_wait3A_152] : memref<128x128xf32, #tpu.memory_space<vmem>> -> memref<128x128xf32, #tpu.memory_space<vmem>>
      %dma_wait3A_154 = arith.constant 0 : i32
      %dma_wait3A_155 = tpu.memref_slice %arg12[%add3A_145, %dma_wait3A_154] : memref<10240x128xf32, #tpu.memory_space<vmem_shared>> -> memref<128x128xf32, #tpu.memory_space<vmem_shared>>
      tpu.wait_dma2 semaphore(%arg13 : memref<!tpu.dma_semaphore, #tpu.memory_space<semaphore_mem>>) src(%dma_wait3A_155 : memref<128x128xf32, #tpu.memory_space<vmem_shared>>) dst(%dma_wait3A_153 : memref<128x128xf32, #tpu.memory_space<vmem>>)
      %mul3A_156 = arith.constant 624 : i32
      %mul3A_157 = arith.muli %arg1, %mul3A_156 : i32
      %add3A_158 = arith.constant 0 : i32
      %add3A_159 = arith.addi %mul3A_157, %add3A_158 : i32
      %dma_start3A_160 = arith.constant 0 : i32
      %dma_start3A_161 = arith.constant 0 : i32
      %dma_start3A_162 = tpu.memref_slice %arg10[%dma_start3A_160, %dma_start3A_161] : memref<128x128xf32, #tpu.memory_space<vmem>> -> memref<128x128xf32, #tpu.memory_space<vmem>>
      %dma_start3A_163 = arith.constant 0 : i32
      %dma_start3A_164 = tpu.memref_slice %arg6[%add3A_159, %dma_start3A_163] : memref<10000x128xf32, #tpu.memory_space<hbm>> -> memref<128x128xf32, #tpu.memory_space<hbm>>
      %dma_start3A_165 = arith.constant 0 : i32
      %dma_start3A_166 = tpu.memref_slice %arg6[%add3A_159, %dma_start3A_165] : memref<10000x128xf32, #tpu.memory_space<hbm>> -> memref<128x128xf32, #tpu.memory_space<hbm>>
      %dma_start3A_167 = arith.constant 0 : i32
      %dma_start3A_168 = arith.constant 0 : i32
      %dma_start3A_169 = tpu.memref_slice %arg10[%dma_start3A_167, %dma_start3A_168] : memref<128x128xf32, #tpu.memory_space<vmem>> -> memref<128x128xf32, #tpu.memory_space<vmem>>
      tpu.enqueue_dma source(%dma_start3A_169 : memref<128x128xf32, #tpu.memory_space<vmem>>) target(%dma_start3A_166 : memref<128x128xf32, #tpu.memory_space<hbm>>) target_semaphore(%arg15 : memref<!tpu.dma_semaphore, #tpu.memory_space<semaphore_mem>>)
      %mul3A_170 = arith.constant 624 : i32
      %mul3A_171 = arith.muli %arg1, %mul3A_170 : i32
      %add3A_172 = arith.constant 0 : i32
      %add3A_173 = arith.addi %mul3A_171, %add3A_172 : i32
      %dma_wait3A_174 = arith.constant 0 : i32
      %dma_wait3A_175 = arith.constant 0 : i32
      %dma_wait3A_176 = tpu.memref_slice %arg10[%dma_wait3A_174, %dma_wait3A_175] : memref<128x128xf32, #tpu.memory_space<vmem>> -> memref<128x128xf32, #tpu.memory_space<vmem>>
      %dma_wait3A_177 = arith.constant 0 : i32
      %dma_wait3A_178 = tpu.memref_slice %arg6[%add3A_173, %dma_wait3A_177] : memref<10000x128xf32, #tpu.memory_space<hbm>> -> memref<128x128xf32, #tpu.memory_space<hbm>>
      %dma_wait3A_179 = arith.constant 0 : i32
      %dma_wait3A_180 = tpu.memref_slice %arg6[%add3A_173, %dma_wait3A_179] : memref<10000x128xf32, #tpu.memory_space<hbm>> -> memref<128x128xf32, #tpu.memory_space<hbm>>
      %dma_wait3A_181 = arith.constant 0 : i32
      %dma_wait3A_182 = arith.constant 0 : i32
      %dma_wait3A_183 = tpu.memref_slice %arg10[%dma_wait3A_181, %dma_wait3A_182] : memref<128x128xf32, #tpu.memory_space<vmem>> -> memref<128x128xf32, #tpu.memory_space<vmem>>
      tpu.wait_dma2 semaphore(%arg15 : memref<!tpu.dma_semaphore, #tpu.memory_space<semaphore_mem>>) src(%dma_wait3A_183 : memref<128x128xf32, #tpu.memory_space<vmem>>) dst(%dma_wait3A_180 : memref<128x128xf32, #tpu.memory_space<hbm>>)
      %mul3A_184 = arith.constant 624 : i32
      %mul3A_185 = arith.muli %arg1, %mul3A_184 : i32
      %add3A_186 = arith.constant 256 : i32
      %add3A_187 = arith.addi %mul3A_185, %add3A_186 : i32
      %dma_start3A_188 = arith.constant 0 : i32
      %dma_start3A_189 = arith.constant 0 : i32
      %dma_start3A_190 = tpu.memref_slice %arg10[%dma_start3A_188, %dma_start3A_189] : memref<128x128xf32, #tpu.memory_space<vmem>> -> memref<128x128xf32, #tpu.memory_space<vmem>>
      %dma_start3A_191 = arith.constant 0 : i32
      %dma_start3A_192 = tpu.memref_slice %arg12[%add3A_187, %dma_start3A_191] : memref<10240x128xf32, #tpu.memory_space<vmem_shared>> -> memref<128x128xf32, #tpu.memory_space<vmem_shared>>
      %dma_start3A_193 = arith.constant 0 : i32
      %dma_start3A_194 = arith.constant 0 : i32
      %dma_start3A_195 = tpu.memref_slice %arg10[%dma_start3A_193, %dma_start3A_194] : memref<128x128xf32, #tpu.memory_space<vmem>> -> memref<128x128xf32, #tpu.memory_space<vmem>>
      %dma_start3A_196 = arith.constant 0 : i32
      %dma_start3A_197 = tpu.memref_slice %arg12[%add3A_187, %dma_start3A_196] : memref<10240x128xf32, #tpu.memory_space<vmem_shared>> -> memref<128x128xf32, #tpu.memory_space<vmem_shared>>
      tpu.enqueue_dma source(%dma_start3A_197 : memref<128x128xf32, #tpu.memory_space<vmem_shared>>) target(%dma_start3A_195 : memref<128x128xf32, #tpu.memory_space<vmem>>) target_semaphore(%arg13 : memref<!tpu.dma_semaphore, #tpu.memory_space<semaphore_mem>>)
      %mul3A_198 = arith.constant 624 : i32
      %mul3A_199 = arith.muli %arg1, %mul3A_198 : i32
      %add3A_200 = arith.constant 128 : i32
      %add3A_201 = arith.addi %mul3A_199, %add3A_200 : i32
      %dma_wait3A_202 = arith.constant 0 : i32
      %dma_wait3A_203 = arith.constant 0 : i32
      %dma_wait3A_204 = tpu.memref_slice %arg11[%dma_wait3A_202, %dma_wait3A_203] : memref<128x128xf32, #tpu.memory_space<vmem>> -> memref<128x128xf32, #tpu.memory_space<vmem>>
      %dma_wait3A_205 = arith.constant 0 : i32
      %dma_wait3A_206 = tpu.memref_slice %arg12[%add3A_201, %dma_wait3A_205] : memref<10240x128xf32, #tpu.memory_space<vmem_shared>> -> memref<128x128xf32, #tpu.memory_space<vmem_shared>>
      %dma_wait3A_207 = arith.constant 0 : i32
      %dma_wait3A_208 = arith.constant 0 : i32
      %dma_wait3A_209 = tpu.memref_slice %arg11[%dma_wait3A_207, %dma_wait3A_208] : memref<128x128xf32, #tpu.memory_space<vmem>> -> memref<128x128xf32, #tpu.memory_space<vmem>>
      %dma_wait3A_210 = arith.constant 0 : i32
      %dma_wait3A_211 = tpu.memref_slice %arg12[%add3A_201, %dma_wait3A_210] : memref<10240x128xf32, #tpu.memory_space<vmem_shared>> -> memref<128x128xf32, #tpu.memory_space<vmem_shared>>
      tpu.wait_dma2 semaphore(%arg14 : memref<!tpu.dma_semaphore, #tpu.memory_space<semaphore_mem>>) src(%dma_wait3A_211 : memref<128x128xf32, #tpu.memory_space<vmem_shared>>) dst(%dma_wait3A_209 : memref<128x128xf32, #tpu.memory_space<vmem>>)
      %mul3A_212 = arith.constant 624 : i32
      %mul3A_213 = arith.muli %arg1, %mul3A_212 : i32
      %add3A_214 = arith.constant 128 : i32
      %add3A_215 = arith.addi %mul3A_213, %add3A_214 : i32
      %dma_start3A_216 = arith.constant 0 : i32
      %dma_start3A_217 = arith.constant 0 : i32
      %dma_start3A_218 = tpu.memref_slice %arg11[%dma_start3A_216, %dma_start3A_217] : memref<128x128xf32, #tpu.memory_space<vmem>> -> memref<128x128xf32, #tpu.memory_space<vmem>>
      %dma_start3A_219 = arith.constant 0 : i32
      %dma_start3A_220 = tpu.memref_slice %arg6[%add3A_215, %dma_start3A_219] : memref<10000x128xf32, #tpu.memory_space<hbm>> -> memref<128x128xf32, #tpu.memory_space<hbm>>
      %dma_start3A_221 = arith.constant 0 : i32
      %dma_start3A_222 = tpu.memref_slice %arg6[%add3A_215, %dma_start3A_221] : memref<10000x128xf32, #tpu.memory_space<hbm>> -> memref<128x128xf32, #tpu.memory_space<hbm>>
      %dma_start3A_223 = arith.constant 0 : i32
      %dma_start3A_224 = arith.constant 0 : i32
      %dma_start3A_225 = tpu.memref_slice %arg11[%dma_start3A_223, %dma_start3A_224] : memref<128x128xf32, #tpu.memory_space<vmem>> -> memref<128x128xf32, #tpu.memory_space<vmem>>
      tpu.enqueue_dma source(%dma_start3A_225 : memref<128x128xf32, #tpu.memory_space<vmem>>) target(%dma_start3A_222 : memref<128x128xf32, #tpu.memory_space<hbm>>) target_semaphore(%arg16 : memref<!tpu.dma_semaphore, #tpu.memory_space<semaphore_mem>>)
      %mul3A_226 = arith.constant 624 : i32
      %mul3A_227 = arith.muli %arg1, %mul3A_226 : i32
      %add3A_228 = arith.constant 128 : i32
      %add3A_229 = arith.addi %mul3A_227, %add3A_228 : i32
      %dma_wait3A_230 = arith.constant 0 : i32
      %dma_wait3A_231 = arith.constant 0 : i32
      %dma_wait3A_232 = tpu.memref_slice %arg11[%dma_wait3A_230, %dma_wait3A_231] : memref<128x128xf32, #tpu.memory_space<vmem>> -> memref<128x128xf32, #tpu.memory_space<vmem>>
      %dma_wait3A_233 = arith.constant 0 : i32
      %dma_wait3A_234 = tpu.memref_slice %arg6[%add3A_229, %dma_wait3A_233] : memref<10000x128xf32, #tpu.memory_space<hbm>> -> memref<128x128xf32, #tpu.memory_space<hbm>>
      %dma_wait3A_235 = arith.constant 0 : i32
      %dma_wait3A_236 = tpu.memref_slice %arg6[%add3A_229, %dma_wait3A_235] : memref<10000x128xf32, #tpu.memory_space<hbm>> -> memref<128x128xf32, #tpu.memory_space<hbm>>
      %dma_wait3A_237 = arith.constant 0 : i32
      %dma_wait3A_238 = arith.constant 0 : i32
      %dma_wait3A_239 = tpu.memref_slice %arg11[%dma_wait3A_237, %dma_wait3A_238] : memref<128x128xf32, #tpu.memory_space<vmem>> -> memref<128x128xf32, #tpu.memory_space<vmem>>
      tpu.wait_dma2 semaphore(%arg16 : memref<!tpu.dma_semaphore, #tpu.memory_space<semaphore_mem>>) src(%dma_wait3A_239 : memref<128x128xf32, #tpu.memory_space<vmem>>) dst(%dma_wait3A_236 : memref<128x128xf32, #tpu.memory_space<hbm>>)
      %mul3A_240 = arith.constant 624 : i32
      %mul3A_241 = arith.muli %arg1, %mul3A_240 : i32
      %add3A_242 = arith.constant 384 : i32
      %add3A_243 = arith.addi %mul3A_241, %add3A_242 : i32
      %dma_start3A_244 = arith.constant 0 : i32
      %dma_start3A_245 = arith.constant 0 : i32
      %dma_start3A_246 = tpu.memref_slice %arg11[%dma_start3A_244, %dma_start3A_245] : memref<128x128xf32, #tpu.memory_space<vmem>> -> memref<128x128xf32, #tpu.memory_space<vmem>>
      %dma_start3A_247 = arith.constant 0 : i32
      %dma_start3A_248 = tpu.memref_slice %arg12[%add3A_243, %dma_start3A_247] : memref<10240x128xf32, #tpu.memory_space<vmem_shared>> -> memref<128x128xf32, #tpu.memory_space<vmem_shared>>
      %dma_start3A_249 = arith.constant 0 : i32
      %dma_start3A_250 = arith.constant 0 : i32
      %dma_start3A_251 = tpu.memref_slice %arg11[%dma_start3A_249, %dma_start3A_250] : memref<128x128xf32, #tpu.memory_space<vmem>> -> memref<128x128xf32, #tpu.memory_space<vmem>>
      %dma_start3A_252 = arith.constant 0 : i32
      %dma_start3A_253 = tpu.memref_slice %arg12[%add3A_243, %dma_start3A_252] : memref<10240x128xf32, #tpu.memory_space<vmem_shared>> -> memref<128x128xf32, #tpu.memory_space<vmem_shared>>
      tpu.enqueue_dma source(%dma_start3A_253 : memref<128x128xf32, #tpu.memory_space<vmem_shared>>) target(%dma_start3A_251 : memref<128x128xf32, #tpu.memory_space<vmem>>) target_semaphore(%arg14 : memref<!tpu.dma_semaphore, #tpu.memory_space<semaphore_mem>>)
      %mul3A_254 = arith.constant 624 : i32
      %mul3A_255 = arith.muli %arg1, %mul3A_254 : i32
      %add3A_256 = arith.constant 256 : i32
      %add3A_257 = arith.addi %mul3A_255, %add3A_256 : i32
      %dma_wait3A_258 = arith.constant 0 : i32
      %dma_wait3A_259 = arith.constant 0 : i32
      %dma_wait3A_260 = tpu.memref_slice %arg10[%dma_wait3A_258, %dma_wait3A_259] : memref<128x128xf32, #tpu.memory_space<vmem>> -> memref<128x128xf32, #tpu.memory_space<vmem>>
      %dma_wait3A_261 = arith.constant 0 : i32
      %dma_wait3A_262 = tpu.memref_slice %arg12[%add3A_257, %dma_wait3A_261] : memref<10240x128xf32, #tpu.memory_space<vmem_shared>> -> memref<128x128xf32, #tpu.memory_space<vmem_shared>>
      %dma_wait3A_263 = arith.constant 0 : i32
      %dma_wait3A_264 = arith.constant 0 : i32
      %dma_wait3A_265 = tpu.memref_slice %arg10[%dma_wait3A_263, %dma_wait3A_264] : memref<128x128xf32, #tpu.memory_space<vmem>> -> memref<128x128xf32, #tpu.memory_space<vmem>>
      %dma_wait3A_266 = arith.constant 0 : i32
      %dma_wait3A_267 = tpu.memref_slice %arg12[%add3A_257, %dma_wait3A_266] : memref<10240x128xf32, #tpu.memory_space<vmem_shared>> -> memref<128x128xf32, #tpu.memory_space<vmem_shared>>
      tpu.wait_dma2 semaphore(%arg13 : memref<!tpu.dma_semaphore, #tpu.memory_space<semaphore_mem>>) src(%dma_wait3A_267 : memref<128x128xf32, #tpu.memory_space<vmem_shared>>) dst(%dma_wait3A_265 : memref<128x128xf32, #tpu.memory_space<vmem>>)
      %mul3A_268 = arith.constant 624 : i32
      %mul3A_269 = arith.muli %arg1, %mul3A_268 : i32
      %add3A_270 = arith.constant 256 : i32
      %add3A_271 = arith.addi %mul3A_269, %add3A_270 : i32
      %dma_start3A_272 = arith.constant 0 : i32
      %dma_start3A_273 = arith.constant 0 : i32
      %dma_start3A_274 = tpu.memref_slice %arg10[%dma_start3A_272, %dma_start3A_273] : memref<128x128xf32, #tpu.memory_space<vmem>> -> memref<128x128xf32, #tpu.memory_space<vmem>>
      %dma_start3A_275 = arith.constant 0 : i32
      %dma_start3A_276 = tpu.memref_slice %arg6[%add3A_271, %dma_start3A_275] : memref<10000x128xf32, #tpu.memory_space<hbm>> -> memref<128x128xf32, #tpu.memory_space<hbm>>
      %dma_start3A_277 = arith.constant 0 : i32
      %dma_start3A_278 = tpu.memref_slice %arg6[%add3A_271, %dma_start3A_277] : memref<10000x128xf32, #tpu.memory_space<hbm>> -> memref<128x128xf32, #tpu.memory_space<hbm>>
      %dma_start3A_279 = arith.constant 0 : i32
      %dma_start3A_280 = arith.constant 0 : i32
      %dma_start3A_281 = tpu.memref_slice %arg10[%dma_start3A_279, %dma_start3A_280] : memref<128x128xf32, #tpu.memory_space<vmem>> -> memref<128x128xf32, #tpu.memory_space<vmem>>
      tpu.enqueue_dma source(%dma_start3A_281 : memref<128x128xf32, #tpu.memory_space<vmem>>) target(%dma_start3A_278 : memref<128x128xf32, #tpu.memory_space<hbm>>) target_semaphore(%arg15 : memref<!tpu.dma_semaphore, #tpu.memory_space<semaphore_mem>>)
      %mul3A_282 = arith.constant 624 : i32
      %mul3A_283 = arith.muli %arg1, %mul3A_282 : i32
      %add3A_284 = arith.constant 256 : i32
      %add3A_285 = arith.addi %mul3A_283, %add3A_284 : i32
      %dma_wait3A_286 = arith.constant 0 : i32
      %dma_wait3A_287 = arith.constant 0 : i32
      %dma_wait3A_288 = tpu.memref_slice %arg10[%dma_wait3A_286, %dma_wait3A_287] : memref<128x128xf32, #tpu.memory_space<vmem>> -> memref<128x128xf32, #tpu.memory_space<vmem>>
      %dma_wait3A_289 = arith.constant 0 : i32
      %dma_wait3A_290 = tpu.memref_slice %arg6[%add3A_285, %dma_wait3A_289] : memref<10000x128xf32, #tpu.memory_space<hbm>> -> memref<128x128xf32, #tpu.memory_space<hbm>>
      %dma_wait3A_291 = arith.constant 0 : i32
      %dma_wait3A_292 = tpu.memref_slice %arg6[%add3A_285, %dma_wait3A_291] : memref<10000x128xf32, #tpu.memory_space<hbm>> -> memref<128x128xf32, #tpu.memory_space<hbm>>
      %dma_wait3A_293 = arith.constant 0 : i32
      %dma_wait3A_294 = arith.constant 0 : i32
      %dma_wait3A_295 = tpu.memref_slice %arg10[%dma_wait3A_293, %dma_wait3A_294] : memref<128x128xf32, #tpu.memory_space<vmem>> -> memref<128x128xf32, #tpu.memory_space<vmem>>
      tpu.wait_dma2 semaphore(%arg15 : memref<!tpu.dma_semaphore, #tpu.memory_space<semaphore_mem>>) src(%dma_wait3A_295 : memref<128x128xf32, #tpu.memory_space<vmem>>) dst(%dma_wait3A_292 : memref<128x128xf32, #tpu.memory_space<hbm>>)
      %mul3A_296 = arith.constant 624 : i32
      %mul3A_297 = arith.muli %arg1, %mul3A_296 : i32
      %add3A_298 = arith.constant 512 : i32
      %add3A_299 = arith.addi %mul3A_297, %add3A_298 : i32
      %dma_start3A_300 = arith.constant 0 : i32
      %dma_start3A_301 = arith.constant 0 : i32
      %dma_start3A_302 = tpu.memref_slice %arg10[%dma_start3A_300, %dma_start3A_301] : memref<128x128xf32, #tpu.memory_space<vmem>> -> memref<112x128xf32, #tpu.memory_space<vmem>>
      %dma_start3A_303 = arith.constant 0 : i32
      %dma_start3A_304 = tpu.memref_slice %arg12[%add3A_299, %dma_start3A_303] : memref<10240x128xf32, #tpu.memory_space<vmem_shared>> -> memref<112x128xf32, #tpu.memory_space<vmem_shared>>
      %dma_start3A_305 = arith.constant 0 : i32
      %dma_start3A_306 = arith.constant 0 : i32
      %dma_start3A_307 = tpu.memref_slice %arg10[%dma_start3A_305, %dma_start3A_306] : memref<128x128xf32, #tpu.memory_space<vmem>> -> memref<112x128xf32, #tpu.memory_space<vmem>>
      %dma_start3A_308 = arith.constant 0 : i32
      %dma_start3A_309 = tpu.memref_slice %arg12[%add3A_299, %dma_start3A_308] : memref<10240x128xf32, #tpu.memory_space<vmem_shared>> -> memref<112x128xf32, #tpu.memory_space<vmem_shared>>
      tpu.enqueue_dma source(%dma_start3A_309 : memref<112x128xf32, #tpu.memory_space<vmem_shared>>) target(%dma_start3A_307 : memref<112x128xf32, #tpu.memory_space<vmem>>) target_semaphore(%arg13 : memref<!tpu.dma_semaphore, #tpu.memory_space<semaphore_mem>>)
      %mul3A_310 = arith.constant 624 : i32
      %mul3A_311 = arith.muli %arg1, %mul3A_310 : i32
      %add3A_312 = arith.constant 384 : i32
      %add3A_313 = arith.addi %mul3A_311, %add3A_312 : i32
      %dma_wait3A_314 = arith.constant 0 : i32
      %dma_wait3A_315 = arith.constant 0 : i32
      %dma_wait3A_316 = tpu.memref_slice %arg11[%dma_wait3A_314, %dma_wait3A_315] : memref<128x128xf32, #tpu.memory_space<vmem>> -> memref<128x128xf32, #tpu.memory_space<vmem>>
      %dma_wait3A_317 = arith.constant 0 : i32
      %dma_wait3A_318 = tpu.memref_slice %arg12[%add3A_313, %dma_wait3A_317] : memref<10240x128xf32, #tpu.memory_space<vmem_shared>> -> memref<128x128xf32, #tpu.memory_space<vmem_shared>>
      %dma_wait3A_319 = arith.constant 0 : i32
      %dma_wait3A_320 = arith.constant 0 : i32
      %dma_wait3A_321 = tpu.memref_slice %arg11[%dma_wait3A_319, %dma_wait3A_320] : memref<128x128xf32, #tpu.memory_space<vmem>> -> memref<128x128xf32, #tpu.memory_space<vmem>>
      %dma_wait3A_322 = arith.constant 0 : i32
      %dma_wait3A_323 = tpu.memref_slice %arg12[%add3A_313, %dma_wait3A_322] : memref<10240x128xf32, #tpu.memory_space<vmem_shared>> -> memref<128x128xf32, #tpu.memory_space<vmem_shared>>
      tpu.wait_dma2 semaphore(%arg14 : memref<!tpu.dma_semaphore, #tpu.memory_space<semaphore_mem>>) src(%dma_wait3A_323 : memref<128x128xf32, #tpu.memory_space<vmem_shared>>) dst(%dma_wait3A_321 : memref<128x128xf32, #tpu.memory_space<vmem>>)
      %mul3A_324 = arith.constant 624 : i32
      %mul3A_325 = arith.muli %arg1, %mul3A_324 : i32
      %add3A_326 = arith.constant 384 : i32
      %add3A_327 = arith.addi %mul3A_325, %add3A_326 : i32
      %dma_start3A_328 = arith.constant 0 : i32
      %dma_start3A_329 = arith.constant 0 : i32
      %dma_start3A_330 = tpu.memref_slice %arg11[%dma_start3A_328, %dma_start3A_329] : memref<128x128xf32, #tpu.memory_space<vmem>> -> memref<128x128xf32, #tpu.memory_space<vmem>>
      %dma_start3A_331 = arith.constant 0 : i32
      %dma_start3A_332 = tpu.memref_slice %arg6[%add3A_327, %dma_start3A_331] : memref<10000x128xf32, #tpu.memory_space<hbm>> -> memref<128x128xf32, #tpu.memory_space<hbm>>
      %dma_start3A_333 = arith.constant 0 : i32
      %dma_start3A_334 = tpu.memref_slice %arg6[%add3A_327, %dma_start3A_333] : memref<10000x128xf32, #tpu.memory_space<hbm>> -> memref<128x128xf32, #tpu.memory_space<hbm>>
      %dma_start3A_335 = arith.constant 0 : i32
      %dma_start3A_336 = arith.constant 0 : i32
      %dma_start3A_337 = tpu.memref_slice %arg11[%dma_start3A_335, %dma_start3A_336] : memref<128x128xf32, #tpu.memory_space<vmem>> -> memref<128x128xf32, #tpu.memory_space<vmem>>
      tpu.enqueue_dma source(%dma_start3A_337 : memref<128x128xf32, #tpu.memory_space<vmem>>) target(%dma_start3A_334 : memref<128x128xf32, #tpu.memory_space<hbm>>) target_semaphore(%arg16 : memref<!tpu.dma_semaphore, #tpu.memory_space<semaphore_mem>>)
      %mul3A_338 = arith.constant 624 : i32
      %mul3A_339 = arith.muli %arg1, %mul3A_338 : i32
      %add3A_340 = arith.constant 512 : i32
      %add3A_341 = arith.addi %mul3A_339, %add3A_340 : i32
      %dma_wait3A_342 = arith.constant 0 : i32
      %dma_wait3A_343 = arith.constant 0 : i32
      %dma_wait3A_344 = tpu.memref_slice %arg10[%dma_wait3A_342, %dma_wait3A_343] : memref<128x128xf32, #tpu.memory_space<vmem>> -> memref<112x128xf32, #tpu.memory_space<vmem>>
      %dma_wait3A_345 = arith.constant 0 : i32
      %dma_wait3A_346 = tpu.memref_slice %arg12[%add3A_341, %dma_wait3A_345] : memref<10240x128xf32, #tpu.memory_space<vmem_shared>> -> memref<112x128xf32, #tpu.memory_space<vmem_shared>>
      %dma_wait3A_347 = arith.constant 0 : i32
      %dma_wait3A_348 = arith.constant 0 : i32
      %dma_wait3A_349 = tpu.memref_slice %arg10[%dma_wait3A_347, %dma_wait3A_348] : memref<128x128xf32, #tpu.memory_space<vmem>> -> memref<112x128xf32, #tpu.memory_space<vmem>>
      %dma_wait3A_350 = arith.constant 0 : i32
      %dma_wait3A_351 = tpu.memref_slice %arg12[%add3A_341, %dma_wait3A_350] : memref<10240x128xf32, #tpu.memory_space<vmem_shared>> -> memref<112x128xf32, #tpu.memory_space<vmem_shared>>
      tpu.wait_dma2 semaphore(%arg13 : memref<!tpu.dma_semaphore, #tpu.memory_space<semaphore_mem>>) src(%dma_wait3A_351 : memref<112x128xf32, #tpu.memory_space<vmem_shared>>) dst(%dma_wait3A_349 : memref<112x128xf32, #tpu.memory_space<vmem>>)
      %mul3A_352 = arith.constant 624 : i32
      %mul3A_353 = arith.muli %arg1, %mul3A_352 : i32
      %add3A_354 = arith.constant 512 : i32
      %add3A_355 = arith.addi %mul3A_353, %add3A_354 : i32
      %dma_start3A_356 = arith.constant 0 : i32
      %dma_start3A_357 = arith.constant 0 : i32
      %dma_start3A_358 = tpu.memref_slice %arg10[%dma_start3A_356, %dma_start3A_357] : memref<128x128xf32, #tpu.memory_space<vmem>> -> memref<112x128xf32, #tpu.memory_space<vmem>>
      %dma_start3A_359 = arith.constant 0 : i32
      %dma_start3A_360 = tpu.memref_slice %arg6[%add3A_355, %dma_start3A_359] : memref<10000x128xf32, #tpu.memory_space<hbm>> -> memref<112x128xf32, #tpu.memory_space<hbm>>
      %dma_start3A_361 = arith.constant 0 : i32
      %dma_start3A_362 = tpu.memref_slice %arg6[%add3A_355, %dma_start3A_361] : memref<10000x128xf32, #tpu.memory_space<hbm>> -> memref<112x128xf32, #tpu.memory_space<hbm>>
      %dma_start3A_363 = arith.constant 0 : i32
      %dma_start3A_364 = arith.constant 0 : i32
      %dma_start3A_365 = tpu.memref_slice %arg10[%dma_start3A_363, %dma_start3A_364] : memref<128x128xf32, #tpu.memory_space<vmem>> -> memref<112x128xf32, #tpu.memory_space<vmem>>
      tpu.enqueue_dma source(%dma_start3A_365 : memref<112x128xf32, #tpu.memory_space<vmem>>) target(%dma_start3A_362 : memref<112x128xf32, #tpu.memory_space<hbm>>) target_semaphore(%arg15 : memref<!tpu.dma_semaphore, #tpu.memory_space<semaphore_mem>>)
      %mul3A_366 = arith.constant 624 : i32
      %mul3A_367 = arith.muli %arg1, %mul3A_366 : i32
      %add3A_368 = arith.constant 384 : i32
      %add3A_369 = arith.addi %mul3A_367, %add3A_368 : i32
      %dma_wait3A_370 = arith.constant 0 : i32
      %dma_wait3A_371 = arith.constant 0 : i32
      %dma_wait3A_372 = tpu.memref_slice %arg11[%dma_wait3A_370, %dma_wait3A_371] : memref<128x128xf32, #tpu.memory_space<vmem>> -> memref<128x128xf32, #tpu.memory_space<vmem>>
      %dma_wait3A_373 = arith.constant 0 : i32
      %dma_wait3A_374 = tpu.memref_slice %arg6[%add3A_369, %dma_wait3A_373] : memref<10000x128xf32, #tpu.memory_space<hbm>> -> memref<128x128xf32, #tpu.memory_space<hbm>>
      %dma_wait3A_375 = arith.constant 0 : i32
      %dma_wait3A_376 = tpu.memref_slice %arg6[%add3A_369, %dma_wait3A_375] : memref<10000x128xf32, #tpu.memory_space<hbm>> -> memref<128x128xf32, #tpu.memory_space<hbm>>
      %dma_wait3A_377 = arith.constant 0 : i32
      %dma_wait3A_378 = arith.constant 0 : i32
      %dma_wait3A_379 = tpu.memref_slice %arg11[%dma_wait3A_377, %dma_wait3A_378] : memref<128x128xf32, #tpu.memory_space<vmem>> -> memref<128x128xf32, #tpu.memory_space<vmem>>
      tpu.wait_dma2 semaphore(%arg16 : memref<!tpu.dma_semaphore, #tpu.memory_space<semaphore_mem>>) src(%dma_wait3A_379 : memref<128x128xf32, #tpu.memory_space<vmem>>) dst(%dma_wait3A_376 : memref<128x128xf32, #tpu.memory_space<hbm>>)
      %mul3A_380 = arith.constant 624 : i32
      %mul3A_381 = arith.muli %arg1, %mul3A_380 : i32
      %add3A_382 = arith.constant 512 : i32
      %add3A_383 = arith.addi %mul3A_381, %add3A_382 : i32
      %dma_wait3A_384 = arith.constant 0 : i32
      %dma_wait3A_385 = arith.constant 0 : i32
      %dma_wait3A_386 = tpu.memref_slice %arg10[%dma_wait3A_384, %dma_wait3A_385] : memref<128x128xf32, #tpu.memory_space<vmem>> -> memref<112x128xf32, #tpu.memory_space<vmem>>
      %dma_wait3A_387 = arith.constant 0 : i32
      %dma_wait3A_388 = tpu.memref_slice %arg6[%add3A_383, %dma_wait3A_387] : memref<10000x128xf32, #tpu.memory_space<hbm>> -> memref<112x128xf32, #tpu.memory_space<hbm>>
      %dma_wait3A_389 = arith.constant 0 : i32
      %dma_wait3A_390 = tpu.memref_slice %arg6[%add3A_383, %dma_wait3A_389] : memref<10000x128xf32, #tpu.memory_space<hbm>> -> memref<112x128xf32, #tpu.memory_space<hbm>>
      %dma_wait3A_391 = arith.constant 0 : i32
      %dma_wait3A_392 = arith.constant 0 : i32
      %dma_wait3A_393 = tpu.memref_slice %arg10[%dma_wait3A_391, %dma_wait3A_392] : memref<128x128xf32, #tpu.memory_space<vmem>> -> memref<112x128xf32, #tpu.memory_space<vmem>>
      tpu.wait_dma2 semaphore(%arg15 : memref<!tpu.dma_semaphore, #tpu.memory_space<semaphore_mem>>) src(%dma_wait3A_393 : memref<112x128xf32, #tpu.memory_space<vmem>>) dst(%dma_wait3A_390 : memref<112x128xf32, #tpu.memory_space<hbm>>)
    } else {
    }
    %eq3A_94 = arith.constant 0 : i32
    %eq3A_95 = arith.cmpi eq, %arg0, %eq3A_94 : i32
    %eq3A_96 = arith.constant 15 : i32
    %eq3A_97 = arith.cmpi eq, %arg1, %eq3A_96 : i32
    %and3A = arith.andi %eq3A_95, %eq3A_97 : i1
    %convert_element_type3A_98 = arith.extui %and3A : i1 to i32
    %cond3A_99 = arith.constant 0 : i32
    %cond3A_100 = arith.cmpi ne, %convert_element_type3A_98, %cond3A_99 : i32
    scf.if %cond3A_100 {
      "tpu.region"() ({
        %run_scoped3A = tpu.sem_alloc : memref<!tpu.dma_semaphore, #tpu.memory_space<semaphore_mem>>
        %dma_start3A_114 = arith.constant 0 : i32
        %dma_start3A_115 = arith.constant 0 : i32
        %dma_start3A_116 = tpu.memref_slice %arg10[%dma_start3A_114, %dma_start3A_115] : memref<128x128xf32, #tpu.memory_space<vmem>> -> memref<16x128xf32, #tpu.memory_space<vmem>>
        %dma_start3A_117 = arith.constant 9984 : i32
        %dma_start3A_118 = arith.constant 0 : i32
        %dma_start3A_119 = tpu.memref_slice %arg12[%dma_start3A_117, %dma_start3A_118] : memref<10240x128xf32, #tpu.memory_space<vmem_shared>> -> memref<16x128xf32, #tpu.memory_space<vmem_shared>>
        %dma_start3A_120 = arith.constant 0 : i32
        %dma_start3A_121 = arith.constant 0 : i32
        %dma_start3A_122 = tpu.memref_slice %arg10[%dma_start3A_120, %dma_start3A_121] : memref<128x128xf32, #tpu.memory_space<vmem>> -> memref<16x128xf32, #tpu.memory_space<vmem>>
        %dma_start3A_123 = arith.constant 9984 : i32
        %dma_start3A_124 = arith.constant 0 : i32
        %dma_start3A_125 = tpu.memref_slice %arg12[%dma_start3A_123, %dma_start3A_124] : memref<10240x128xf32, #tpu.memory_space<vmem_shared>> -> memref<16x128xf32, #tpu.memory_space<vmem_shared>>
        tpu.enqueue_dma source(%dma_start3A_125 : memref<16x128xf32, #tpu.memory_space<vmem_shared>>) target(%dma_start3A_122 : memref<16x128xf32, #tpu.memory_space<vmem>>) target_semaphore(%run_scoped3A : memref<!tpu.dma_semaphore, #tpu.memory_space<semaphore_mem>>)
        %dma_wait3A_126 = arith.constant 0 : i32
        %dma_wait3A_127 = arith.constant 0 : i32
        %dma_wait3A_128 = tpu.memref_slice %arg10[%dma_wait3A_126, %dma_wait3A_127] : memref<128x128xf32, #tpu.memory_space<vmem>> -> memref<16x128xf32, #tpu.memory_space<vmem>>
        %dma_wait3A_129 = arith.constant 9984 : i32
        %dma_wait3A_130 = arith.constant 0 : i32
        %dma_wait3A_131 = tpu.memref_slice %arg12[%dma_wait3A_129, %dma_wait3A_130] : memref<10240x128xf32, #tpu.memory_space<vmem_shared>> -> memref<16x128xf32, #tpu.memory_space<vmem_shared>>
        %dma_wait3A_132 = arith.constant 0 : i32
        %dma_wait3A_133 = arith.constant 0 : i32
        %dma_wait3A_134 = tpu.memref_slice %arg10[%dma_wait3A_132, %dma_wait3A_133] : memref<128x128xf32, #tpu.memory_space<vmem>> -> memref<16x128xf32, #tpu.memory_space<vmem>>
        %dma_wait3A_135 = arith.constant 9984 : i32
        %dma_wait3A_136 = arith.constant 0 : i32
        %dma_wait3A_137 = tpu.memref_slice %arg12[%dma_wait3A_135, %dma_wait3A_136] : memref<10240x128xf32, #tpu.memory_space<vmem_shared>> -> memref<16x128xf32, #tpu.memory_space<vmem_shared>>
        tpu.wait_dma2 semaphore(%run_scoped3A : memref<!tpu.dma_semaphore, #tpu.memory_space<semaphore_mem>>) src(%dma_wait3A_137 : memref<16x128xf32, #tpu.memory_space<vmem_shared>>) dst(%dma_wait3A_134 : memref<16x128xf32, #tpu.memory_space<vmem>>)
        tpu.yield
      }) : () -> ()
      "tpu.region"() ({
        %run_scoped3A = tpu.sem_alloc : memref<!tpu.dma_semaphore, #tpu.memory_space<semaphore_mem>>
        %dma_start3A_114 = arith.constant 0 : i32
        %dma_start3A_115 = arith.constant 0 : i32
        %dma_start3A_116 = tpu.memref_slice %arg10[%dma_start3A_114, %dma_start3A_115] : memref<128x128xf32, #tpu.memory_space<vmem>> -> memref<16x128xf32, #tpu.memory_space<vmem>>
        %dma_start3A_117 = arith.constant 9984 : i32
        %dma_start3A_118 = arith.constant 0 : i32
        %dma_start3A_119 = tpu.memref_slice %arg6[%dma_start3A_117, %dma_start3A_118] : memref<10000x128xf32, #tpu.memory_space<hbm>> -> memref<16x128xf32, #tpu.memory_space<hbm>>
        %dma_start3A_120 = arith.constant 9984 : i32
        %dma_start3A_121 = arith.constant 0 : i32
        %dma_start3A_122 = tpu.memref_slice %arg6[%dma_start3A_120, %dma_start3A_121] : memref<10000x128xf32, #tpu.memory_space<hbm>> -> memref<16x128xf32, #tpu.memory_space<hbm>>
        %dma_start3A_123 = arith.constant 0 : i32
        %dma_start3A_124 = arith.constant 0 : i32
        %dma_start3A_125 = tpu.memref_slice %arg10[%dma_start3A_123, %dma_start3A_124] : memref<128x128xf32, #tpu.memory_space<vmem>> -> memref<16x128xf32, #tpu.memory_space<vmem>>
        tpu.enqueue_dma source(%dma_start3A_125 : memref<16x128xf32, #tpu.memory_space<vmem>>) target(%dma_start3A_122 : memref<16x128xf32, #tpu.memory_space<hbm>>) target_semaphore(%run_scoped3A : memref<!tpu.dma_semaphore, #tpu.memory_space<semaphore_mem>>)
        %dma_wait3A_126 = arith.constant 0 : i32
        %dma_wait3A_127 = arith.constant 0 : i32
        %dma_wait3A_128 = tpu.memref_slice %arg10[%dma_wait3A_126, %dma_wait3A_127] : memref<128x128xf32, #tpu.memory_space<vmem>> -> memref<16x128xf32, #tpu.memory_space<vmem>>
        %dma_wait3A_129 = arith.constant 9984 : i32
        %dma_wait3A_130 = arith.constant 0 : i32
        %dma_wait3A_131 = tpu.memref_slice %arg6[%dma_wait3A_129, %dma_wait3A_130] : memref<10000x128xf32, #tpu.memory_space<hbm>> -> memref<16x128xf32, #tpu.memory_space<hbm>>
        %dma_wait3A_132 = arith.constant 9984 : i32
        %dma_wait3A_133 = arith.constant 0 : i32
        %dma_wait3A_134 = tpu.memref_slice %arg6[%dma_wait3A_132, %dma_wait3A_133] : memref<10000x128xf32, #tpu.memory_space<hbm>> -> memref<16x128xf32, #tpu.memory_space<hbm>>
        %dma_wait3A_135 = arith.constant 0 : i32
        %dma_wait3A_136 = arith.constant 0 : i32
        %dma_wait3A_137 = tpu.memref_slice %arg10[%dma_wait3A_135, %dma_wait3A_136] : memref<128x128xf32, #tpu.memory_space<vmem>> -> memref<16x128xf32, #tpu.memory_space<vmem>>
        tpu.wait_dma2 semaphore(%run_scoped3A : memref<!tpu.dma_semaphore, #tpu.memory_space<semaphore_mem>>) src(%dma_wait3A_137 : memref<16x128xf32, #tpu.memory_space<vmem>>) dst(%dma_wait3A_134 : memref<16x128xf32, #tpu.memory_space<hbm>>)
        tpu.yield
      }) : () -> ()
    } else {
    }
    %eq3A_101 = arith.constant 1 : i32
    %eq3A_102 = arith.cmpi eq, %arg0, %eq3A_101 : i32
    %convert_element_type3A_103 = arith.extui %eq3A_102 : i1 to i32
    %cond3A_104 = arith.constant 0 : i32
    %cond3A_105 = arith.cmpi ne, %convert_element_type3A_103, %cond3A_104 : i32
    scf.if %cond3A_105 {
      %mul3A_114 = arith.constant 624 : i32
      %mul3A_115 = arith.muli %arg1, %mul3A_114 : i32
      %add3A_116 = arith.constant 0 : i32
      %add3A_117 = arith.addi %mul3A_115, %add3A_116 : i32
      %dma_start3A_118 = arith.constant 0 : i32
      %dma_start3A_119 = arith.constant 0 : i32
      %dma_start3A_120 = tpu.memref_slice %arg10[%dma_start3A_118, %dma_start3A_119] : memref<128x128xf32, #tpu.memory_space<vmem>> -> memref<128x128xf32, #tpu.memory_space<vmem>>
      %dma_start3A_121 = arith.constant 0 : i32
      %dma_start3A_122 = tpu.memref_slice %arg12[%add3A_117, %dma_start3A_121] : memref<10240x128xf32, #tpu.memory_space<vmem_shared>> -> memref<128x128xf32, #tpu.memory_space<vmem_shared>>
      %dma_start3A_123 = arith.constant 0 : i32
      %dma_start3A_124 = arith.constant 0 : i32
      %dma_start3A_125 = tpu.memref_slice %arg10[%dma_start3A_123, %dma_start3A_124] : memref<128x128xf32, #tpu.memory_space<vmem>> -> memref<128x128xf32, #tpu.memory_space<vmem>>
      %dma_start3A_126 = arith.constant 0 : i32
      %dma_start3A_127 = tpu.memref_slice %arg12[%add3A_117, %dma_start3A_126] : memref<10240x128xf32, #tpu.memory_space<vmem_shared>> -> memref<128x128xf32, #tpu.memory_space<vmem_shared>>
      tpu.enqueue_dma source(%dma_start3A_127 : memref<128x128xf32, #tpu.memory_space<vmem_shared>>) target(%dma_start3A_125 : memref<128x128xf32, #tpu.memory_space<vmem>>) target_semaphore(%arg13 : memref<!tpu.dma_semaphore, #tpu.memory_space<semaphore_mem>>)
      %mul3A_128 = arith.constant 624 : i32
      %mul3A_129 = arith.muli %arg1, %mul3A_128 : i32
      %add3A_130 = arith.constant 128 : i32
      %add3A_131 = arith.addi %mul3A_129, %add3A_130 : i32
      %dma_start3A_132 = arith.constant 0 : i32
      %dma_start3A_133 = arith.constant 0 : i32
      %dma_start3A_134 = tpu.memref_slice %arg11[%dma_start3A_132, %dma_start3A_133] : memref<128x128xf32, #tpu.memory_space<vmem>> -> memref<128x128xf32, #tpu.memory_space<vmem>>
      %dma_start3A_135 = arith.constant 0 : i32
      %dma_start3A_136 = tpu.memref_slice %arg12[%add3A_131, %dma_start3A_135] : memref<10240x128xf32, #tpu.memory_space<vmem_shared>> -> memref<128x128xf32, #tpu.memory_space<vmem_shared>>
      %dma_start3A_137 = arith.constant 0 : i32
      %dma_start3A_138 = arith.constant 0 : i32
      %dma_start3A_139 = tpu.memref_slice %arg11[%dma_start3A_137, %dma_start3A_138] : memref<128x128xf32, #tpu.memory_space<vmem>> -> memref<128x128xf32, #tpu.memory_space<vmem>>
      %dma_start3A_140 = arith.constant 0 : i32
      %dma_start3A_141 = tpu.memref_slice %arg12[%add3A_131, %dma_start3A_140] : memref<10240x128xf32, #tpu.memory_space<vmem_shared>> -> memref<128x128xf32, #tpu.memory_space<vmem_shared>>
      tpu.enqueue_dma source(%dma_start3A_141 : memref<128x128xf32, #tpu.memory_space<vmem_shared>>) target(%dma_start3A_139 : memref<128x128xf32, #tpu.memory_space<vmem>>) target_semaphore(%arg14 : memref<!tpu.dma_semaphore, #tpu.memory_space<semaphore_mem>>)
      %mul3A_142 = arith.constant 624 : i32
      %mul3A_143 = arith.muli %arg1, %mul3A_142 : i32
      %add3A_144 = arith.constant 0 : i32
      %add3A_145 = arith.addi %mul3A_143, %add3A_144 : i32
      %dma_wait3A_146 = arith.constant 0 : i32
      %dma_wait3A_147 = arith.constant 0 : i32
      %dma_wait3A_148 = tpu.memref_slice %arg10[%dma_wait3A_146, %dma_wait3A_147] : memref<128x128xf32, #tpu.memory_space<vmem>> -> memref<128x128xf32, #tpu.memory_space<vmem>>
      %dma_wait3A_149 = arith.constant 0 : i32
      %dma_wait3A_150 = tpu.memref_slice %arg12[%add3A_145, %dma_wait3A_149] : memref<10240x128xf32, #tpu.memory_space<vmem_shared>> -> memref<128x128xf32, #tpu.memory_space<vmem_shared>>
      %dma_wait3A_151 = arith.constant 0 : i32
      %dma_wait3A_152 = arith.constant 0 : i32
      %dma_wait3A_153 = tpu.memref_slice %arg10[%dma_wait3A_151, %dma_wait3A_152] : memref<128x128xf32, #tpu.memory_space<vmem>> -> memref<128x128xf32, #tpu.memory_space<vmem>>
      %dma_wait3A_154 = arith.constant 0 : i32
      %dma_wait3A_155 = tpu.memref_slice %arg12[%add3A_145, %dma_wait3A_154] : memref<10240x128xf32, #tpu.memory_space<vmem_shared>> -> memref<128x128xf32, #tpu.memory_space<vmem_shared>>
      tpu.wait_dma2 semaphore(%arg13 : memref<!tpu.dma_semaphore, #tpu.memory_space<semaphore_mem>>) src(%dma_wait3A_155 : memref<128x128xf32, #tpu.memory_space<vmem_shared>>) dst(%dma_wait3A_153 : memref<128x128xf32, #tpu.memory_space<vmem>>)
      %mul3A_156 = arith.constant 624 : i32
      %mul3A_157 = arith.muli %arg1, %mul3A_156 : i32
      %add3A_158 = arith.constant 0 : i32
      %add3A_159 = arith.addi %mul3A_157, %add3A_158 : i32
      %dma_start3A_160 = arith.constant 0 : i32
      %dma_start3A_161 = arith.constant 0 : i32
      %dma_start3A_162 = tpu.memref_slice %arg10[%dma_start3A_160, %dma_start3A_161] : memref<128x128xf32, #tpu.memory_space<vmem>> -> memref<128x128xf32, #tpu.memory_space<vmem>>
      %dma_start3A_163 = arith.constant 0 : i32
      %dma_start3A_164 = tpu.memref_slice %arg7[%add3A_159, %dma_start3A_163] : memref<10000x128xf32, #tpu.memory_space<hbm>> -> memref<128x128xf32, #tpu.memory_space<hbm>>
      %dma_start3A_165 = arith.constant 0 : i32
      %dma_start3A_166 = tpu.memref_slice %arg7[%add3A_159, %dma_start3A_165] : memref<10000x128xf32, #tpu.memory_space<hbm>> -> memref<128x128xf32, #tpu.memory_space<hbm>>
      %dma_start3A_167 = arith.constant 0 : i32
      %dma_start3A_168 = arith.constant 0 : i32
      %dma_start3A_169 = tpu.memref_slice %arg10[%dma_start3A_167, %dma_start3A_168] : memref<128x128xf32, #tpu.memory_space<vmem>> -> memref<128x128xf32, #tpu.memory_space<vmem>>
      tpu.enqueue_dma source(%dma_start3A_169 : memref<128x128xf32, #tpu.memory_space<vmem>>) target(%dma_start3A_166 : memref<128x128xf32, #tpu.memory_space<hbm>>) target_semaphore(%arg15 : memref<!tpu.dma_semaphore, #tpu.memory_space<semaphore_mem>>)
      %mul3A_170 = arith.constant 624 : i32
      %mul3A_171 = arith.muli %arg1, %mul3A_170 : i32
      %add3A_172 = arith.constant 0 : i32
      %add3A_173 = arith.addi %mul3A_171, %add3A_172 : i32
      %dma_wait3A_174 = arith.constant 0 : i32
      %dma_wait3A_175 = arith.constant 0 : i32
      %dma_wait3A_176 = tpu.memref_slice %arg10[%dma_wait3A_174, %dma_wait3A_175] : memref<128x128xf32, #tpu.memory_space<vmem>> -> memref<128x128xf32, #tpu.memory_space<vmem>>
      %dma_wait3A_177 = arith.constant 0 : i32
      %dma_wait3A_178 = tpu.memref_slice %arg7[%add3A_173, %dma_wait3A_177] : memref<10000x128xf32, #tpu.memory_space<hbm>> -> memref<128x128xf32, #tpu.memory_space<hbm>>
      %dma_wait3A_179 = arith.constant 0 : i32
      %dma_wait3A_180 = tpu.memref_slice %arg7[%add3A_173, %dma_wait3A_179] : memref<10000x128xf32, #tpu.memory_space<hbm>> -> memref<128x128xf32, #tpu.memory_space<hbm>>
      %dma_wait3A_181 = arith.constant 0 : i32
      %dma_wait3A_182 = arith.constant 0 : i32
      %dma_wait3A_183 = tpu.memref_slice %arg10[%dma_wait3A_181, %dma_wait3A_182] : memref<128x128xf32, #tpu.memory_space<vmem>> -> memref<128x128xf32, #tpu.memory_space<vmem>>
      tpu.wait_dma2 semaphore(%arg15 : memref<!tpu.dma_semaphore, #tpu.memory_space<semaphore_mem>>) src(%dma_wait3A_183 : memref<128x128xf32, #tpu.memory_space<vmem>>) dst(%dma_wait3A_180 : memref<128x128xf32, #tpu.memory_space<hbm>>)
      %mul3A_184 = arith.constant 624 : i32
      %mul3A_185 = arith.muli %arg1, %mul3A_184 : i32
      %add3A_186 = arith.constant 256 : i32
      %add3A_187 = arith.addi %mul3A_185, %add3A_186 : i32
      %dma_start3A_188 = arith.constant 0 : i32
      %dma_start3A_189 = arith.constant 0 : i32
      %dma_start3A_190 = tpu.memref_slice %arg10[%dma_start3A_188, %dma_start3A_189] : memref<128x128xf32, #tpu.memory_space<vmem>> -> memref<128x128xf32, #tpu.memory_space<vmem>>
      %dma_start3A_191 = arith.constant 0 : i32
      %dma_start3A_192 = tpu.memref_slice %arg12[%add3A_187, %dma_start3A_191] : memref<10240x128xf32, #tpu.memory_space<vmem_shared>> -> memref<128x128xf32, #tpu.memory_space<vmem_shared>>
      %dma_start3A_193 = arith.constant 0 : i32
      %dma_start3A_194 = arith.constant 0 : i32
      %dma_start3A_195 = tpu.memref_slice %arg10[%dma_start3A_193, %dma_start3A_194] : memref<128x128xf32, #tpu.memory_space<vmem>> -> memref<128x128xf32, #tpu.memory_space<vmem>>
      %dma_start3A_196 = arith.constant 0 : i32
      %dma_start3A_197 = tpu.memref_slice %arg12[%add3A_187, %dma_start3A_196] : memref<10240x128xf32, #tpu.memory_space<vmem_shared>> -> memref<128x128xf32, #tpu.memory_space<vmem_shared>>
      tpu.enqueue_dma source(%dma_start3A_197 : memref<128x128xf32, #tpu.memory_space<vmem_shared>>) target(%dma_start3A_195 : memref<128x128xf32, #tpu.memory_space<vmem>>) target_semaphore(%arg13 : memref<!tpu.dma_semaphore, #tpu.memory_space<semaphore_mem>>)
      %mul3A_198 = arith.constant 624 : i32
      %mul3A_199 = arith.muli %arg1, %mul3A_198 : i32
      %add3A_200 = arith.constant 128 : i32
      %add3A_201 = arith.addi %mul3A_199, %add3A_200 : i32
      %dma_wait3A_202 = arith.constant 0 : i32
      %dma_wait3A_203 = arith.constant 0 : i32
      %dma_wait3A_204 = tpu.memref_slice %arg11[%dma_wait3A_202, %dma_wait3A_203] : memref<128x128xf32, #tpu.memory_space<vmem>> -> memref<128x128xf32, #tpu.memory_space<vmem>>
      %dma_wait3A_205 = arith.constant 0 : i32
      %dma_wait3A_206 = tpu.memref_slice %arg12[%add3A_201, %dma_wait3A_205] : memref<10240x128xf32, #tpu.memory_space<vmem_shared>> -> memref<128x128xf32, #tpu.memory_space<vmem_shared>>
      %dma_wait3A_207 = arith.constant 0 : i32
      %dma_wait3A_208 = arith.constant 0 : i32
      %dma_wait3A_209 = tpu.memref_slice %arg11[%dma_wait3A_207, %dma_wait3A_208] : memref<128x128xf32, #tpu.memory_space<vmem>> -> memref<128x128xf32, #tpu.memory_space<vmem>>
      %dma_wait3A_210 = arith.constant 0 : i32
      %dma_wait3A_211 = tpu.memref_slice %arg12[%add3A_201, %dma_wait3A_210] : memref<10240x128xf32, #tpu.memory_space<vmem_shared>> -> memref<128x128xf32, #tpu.memory_space<vmem_shared>>
      tpu.wait_dma2 semaphore(%arg14 : memref<!tpu.dma_semaphore, #tpu.memory_space<semaphore_mem>>) src(%dma_wait3A_211 : memref<128x128xf32, #tpu.memory_space<vmem_shared>>) dst(%dma_wait3A_209 : memref<128x128xf32, #tpu.memory_space<vmem>>)
      %mul3A_212 = arith.constant 624 : i32
      %mul3A_213 = arith.muli %arg1, %mul3A_212 : i32
      %add3A_214 = arith.constant 128 : i32
      %add3A_215 = arith.addi %mul3A_213, %add3A_214 : i32
      %dma_start3A_216 = arith.constant 0 : i32
      %dma_start3A_217 = arith.constant 0 : i32
      %dma_start3A_218 = tpu.memref_slice %arg11[%dma_start3A_216, %dma_start3A_217] : memref<128x128xf32, #tpu.memory_space<vmem>> -> memref<128x128xf32, #tpu.memory_space<vmem>>
      %dma_start3A_219 = arith.constant 0 : i32
      %dma_start3A_220 = tpu.memref_slice %arg7[%add3A_215, %dma_start3A_219] : memref<10000x128xf32, #tpu.memory_space<hbm>> -> memref<128x128xf32, #tpu.memory_space<hbm>>
      %dma_start3A_221 = arith.constant 0 : i32
      %dma_start3A_222 = tpu.memref_slice %arg7[%add3A_215, %dma_start3A_221] : memref<10000x128xf32, #tpu.memory_space<hbm>> -> memref<128x128xf32, #tpu.memory_space<hbm>>
      %dma_start3A_223 = arith.constant 0 : i32
      %dma_start3A_224 = arith.constant 0 : i32
      %dma_start3A_225 = tpu.memref_slice %arg11[%dma_start3A_223, %dma_start3A_224] : memref<128x128xf32, #tpu.memory_space<vmem>> -> memref<128x128xf32, #tpu.memory_space<vmem>>
      tpu.enqueue_dma source(%dma_start3A_225 : memref<128x128xf32, #tpu.memory_space<vmem>>) target(%dma_start3A_222 : memref<128x128xf32, #tpu.memory_space<hbm>>) target_semaphore(%arg16 : memref<!tpu.dma_semaphore, #tpu.memory_space<semaphore_mem>>)
      %mul3A_226 = arith.constant 624 : i32
      %mul3A_227 = arith.muli %arg1, %mul3A_226 : i32
      %add3A_228 = arith.constant 128 : i32
      %add3A_229 = arith.addi %mul3A_227, %add3A_228 : i32
      %dma_wait3A_230 = arith.constant 0 : i32
      %dma_wait3A_231 = arith.constant 0 : i32
      %dma_wait3A_232 = tpu.memref_slice %arg11[%dma_wait3A_230, %dma_wait3A_231] : memref<128x128xf32, #tpu.memory_space<vmem>> -> memref<128x128xf32, #tpu.memory_space<vmem>>
      %dma_wait3A_233 = arith.constant 0 : i32
      %dma_wait3A_234 = tpu.memref_slice %arg7[%add3A_229, %dma_wait3A_233] : memref<10000x128xf32, #tpu.memory_space<hbm>> -> memref<128x128xf32, #tpu.memory_space<hbm>>
      %dma_wait3A_235 = arith.constant 0 : i32
      %dma_wait3A_236 = tpu.memref_slice %arg7[%add3A_229, %dma_wait3A_235] : memref<10000x128xf32, #tpu.memory_space<hbm>> -> memref<128x128xf32, #tpu.memory_space<hbm>>
      %dma_wait3A_237 = arith.constant 0 : i32
      %dma_wait3A_238 = arith.constant 0 : i32
      %dma_wait3A_239 = tpu.memref_slice %arg11[%dma_wait3A_237, %dma_wait3A_238] : memref<128x128xf32, #tpu.memory_space<vmem>> -> memref<128x128xf32, #tpu.memory_space<vmem>>
      tpu.wait_dma2 semaphore(%arg16 : memref<!tpu.dma_semaphore, #tpu.memory_space<semaphore_mem>>) src(%dma_wait3A_239 : memref<128x128xf32, #tpu.memory_space<vmem>>) dst(%dma_wait3A_236 : memref<128x128xf32, #tpu.memory_space<hbm>>)
      %mul3A_240 = arith.constant 624 : i32
      %mul3A_241 = arith.muli %arg1, %mul3A_240 : i32
      %add3A_242 = arith.constant 384 : i32
      %add3A_243 = arith.addi %mul3A_241, %add3A_242 : i32
      %dma_start3A_244 = arith.constant 0 : i32
      %dma_start3A_245 = arith.constant 0 : i32
      %dma_start3A_246 = tpu.memref_slice %arg11[%dma_start3A_244, %dma_start3A_245] : memref<128x128xf32, #tpu.memory_space<vmem>> -> memref<128x128xf32, #tpu.memory_space<vmem>>
      %dma_start3A_247 = arith.constant 0 : i32
      %dma_start3A_248 = tpu.memref_slice %arg12[%add3A_243, %dma_start3A_247] : memref<10240x128xf32, #tpu.memory_space<vmem_shared>> -> memref<128x128xf32, #tpu.memory_space<vmem_shared>>
      %dma_start3A_249 = arith.constant 0 : i32
      %dma_start3A_250 = arith.constant 0 : i32
      %dma_start3A_251 = tpu.memref_slice %arg11[%dma_start3A_249, %dma_start3A_250] : memref<128x128xf32, #tpu.memory_space<vmem>> -> memref<128x128xf32, #tpu.memory_space<vmem>>
      %dma_start3A_252 = arith.constant 0 : i32
      %dma_start3A_253 = tpu.memref_slice %arg12[%add3A_243, %dma_start3A_252] : memref<10240x128xf32, #tpu.memory_space<vmem_shared>> -> memref<128x128xf32, #tpu.memory_space<vmem_shared>>
      tpu.enqueue_dma source(%dma_start3A_253 : memref<128x128xf32, #tpu.memory_space<vmem_shared>>) target(%dma_start3A_251 : memref<128x128xf32, #tpu.memory_space<vmem>>) target_semaphore(%arg14 : memref<!tpu.dma_semaphore, #tpu.memory_space<semaphore_mem>>)
      %mul3A_254 = arith.constant 624 : i32
      %mul3A_255 = arith.muli %arg1, %mul3A_254 : i32
      %add3A_256 = arith.constant 256 : i32
      %add3A_257 = arith.addi %mul3A_255, %add3A_256 : i32
      %dma_wait3A_258 = arith.constant 0 : i32
      %dma_wait3A_259 = arith.constant 0 : i32
      %dma_wait3A_260 = tpu.memref_slice %arg10[%dma_wait3A_258, %dma_wait3A_259] : memref<128x128xf32, #tpu.memory_space<vmem>> -> memref<128x128xf32, #tpu.memory_space<vmem>>
      %dma_wait3A_261 = arith.constant 0 : i32
      %dma_wait3A_262 = tpu.memref_slice %arg12[%add3A_257, %dma_wait3A_261] : memref<10240x128xf32, #tpu.memory_space<vmem_shared>> -> memref<128x128xf32, #tpu.memory_space<vmem_shared>>
      %dma_wait3A_263 = arith.constant 0 : i32
      %dma_wait3A_264 = arith.constant 0 : i32
      %dma_wait3A_265 = tpu.memref_slice %arg10[%dma_wait3A_263, %dma_wait3A_264] : memref<128x128xf32, #tpu.memory_space<vmem>> -> memref<128x128xf32, #tpu.memory_space<vmem>>
      %dma_wait3A_266 = arith.constant 0 : i32
      %dma_wait3A_267 = tpu.memref_slice %arg12[%add3A_257, %dma_wait3A_266] : memref<10240x128xf32, #tpu.memory_space<vmem_shared>> -> memref<128x128xf32, #tpu.memory_space<vmem_shared>>
      tpu.wait_dma2 semaphore(%arg13 : memref<!tpu.dma_semaphore, #tpu.memory_space<semaphore_mem>>) src(%dma_wait3A_267 : memref<128x128xf32, #tpu.memory_space<vmem_shared>>) dst(%dma_wait3A_265 : memref<128x128xf32, #tpu.memory_space<vmem>>)
      %mul3A_268 = arith.constant 624 : i32
      %mul3A_269 = arith.muli %arg1, %mul3A_268 : i32
      %add3A_270 = arith.constant 256 : i32
      %add3A_271 = arith.addi %mul3A_269, %add3A_270 : i32
      %dma_start3A_272 = arith.constant 0 : i32
      %dma_start3A_273 = arith.constant 0 : i32
      %dma_start3A_274 = tpu.memref_slice %arg10[%dma_start3A_272, %dma_start3A_273] : memref<128x128xf32, #tpu.memory_space<vmem>> -> memref<128x128xf32, #tpu.memory_space<vmem>>
      %dma_start3A_275 = arith.constant 0 : i32
      %dma_start3A_276 = tpu.memref_slice %arg7[%add3A_271, %dma_start3A_275] : memref<10000x128xf32, #tpu.memory_space<hbm>> -> memref<128x128xf32, #tpu.memory_space<hbm>>
      %dma_start3A_277 = arith.constant 0 : i32
      %dma_start3A_278 = tpu.memref_slice %arg7[%add3A_271, %dma_start3A_277] : memref<10000x128xf32, #tpu.memory_space<hbm>> -> memref<128x128xf32, #tpu.memory_space<hbm>>
      %dma_start3A_279 = arith.constant 0 : i32
      %dma_start3A_280 = arith.constant 0 : i32
      %dma_start3A_281 = tpu.memref_slice %arg10[%dma_start3A_279, %dma_start3A_280] : memref<128x128xf32, #tpu.memory_space<vmem>> -> memref<128x128xf32, #tpu.memory_space<vmem>>
      tpu.enqueue_dma source(%dma_start3A_281 : memref<128x128xf32, #tpu.memory_space<vmem>>) target(%dma_start3A_278 : memref<128x128xf32, #tpu.memory_space<hbm>>) target_semaphore(%arg15 : memref<!tpu.dma_semaphore, #tpu.memory_space<semaphore_mem>>)
      %mul3A_282 = arith.constant 624 : i32
      %mul3A_283 = arith.muli %arg1, %mul3A_282 : i32
      %add3A_284 = arith.constant 256 : i32
      %add3A_285 = arith.addi %mul3A_283, %add3A_284 : i32
      %dma_wait3A_286 = arith.constant 0 : i32
      %dma_wait3A_287 = arith.constant 0 : i32
      %dma_wait3A_288 = tpu.memref_slice %arg10[%dma_wait3A_286, %dma_wait3A_287] : memref<128x128xf32, #tpu.memory_space<vmem>> -> memref<128x128xf32, #tpu.memory_space<vmem>>
      %dma_wait3A_289 = arith.constant 0 : i32
      %dma_wait3A_290 = tpu.memref_slice %arg7[%add3A_285, %dma_wait3A_289] : memref<10000x128xf32, #tpu.memory_space<hbm>> -> memref<128x128xf32, #tpu.memory_space<hbm>>
      %dma_wait3A_291 = arith.constant 0 : i32
      %dma_wait3A_292 = tpu.memref_slice %arg7[%add3A_285, %dma_wait3A_291] : memref<10000x128xf32, #tpu.memory_space<hbm>> -> memref<128x128xf32, #tpu.memory_space<hbm>>
      %dma_wait3A_293 = arith.constant 0 : i32
      %dma_wait3A_294 = arith.constant 0 : i32
      %dma_wait3A_295 = tpu.memref_slice %arg10[%dma_wait3A_293, %dma_wait3A_294] : memref<128x128xf32, #tpu.memory_space<vmem>> -> memref<128x128xf32, #tpu.memory_space<vmem>>
      tpu.wait_dma2 semaphore(%arg15 : memref<!tpu.dma_semaphore, #tpu.memory_space<semaphore_mem>>) src(%dma_wait3A_295 : memref<128x128xf32, #tpu.memory_space<vmem>>) dst(%dma_wait3A_292 : memref<128x128xf32, #tpu.memory_space<hbm>>)
      %mul3A_296 = arith.constant 624 : i32
      %mul3A_297 = arith.muli %arg1, %mul3A_296 : i32
      %add3A_298 = arith.constant 512 : i32
      %add3A_299 = arith.addi %mul3A_297, %add3A_298 : i32
      %dma_start3A_300 = arith.constant 0 : i32
      %dma_start3A_301 = arith.constant 0 : i32
      %dma_start3A_302 = tpu.memref_slice %arg10[%dma_start3A_300, %dma_start3A_301] : memref<128x128xf32, #tpu.memory_space<vmem>> -> memref<112x128xf32, #tpu.memory_space<vmem>>
      %dma_start3A_303 = arith.constant 0 : i32
      %dma_start3A_304 = tpu.memref_slice %arg12[%add3A_299, %dma_start3A_303] : memref<10240x128xf32, #tpu.memory_space<vmem_shared>> -> memref<112x128xf32, #tpu.memory_space<vmem_shared>>
      %dma_start3A_305 = arith.constant 0 : i32
      %dma_start3A_306 = arith.constant 0 : i32
      %dma_start3A_307 = tpu.memref_slice %arg10[%dma_start3A_305, %dma_start3A_306] : memref<128x128xf32, #tpu.memory_space<vmem>> -> memref<112x128xf32, #tpu.memory_space<vmem>>
      %dma_start3A_308 = arith.constant 0 : i32
      %dma_start3A_309 = tpu.memref_slice %arg12[%add3A_299, %dma_start3A_308] : memref<10240x128xf32, #tpu.memory_space<vmem_shared>> -> memref<112x128xf32, #tpu.memory_space<vmem_shared>>
      tpu.enqueue_dma source(%dma_start3A_309 : memref<112x128xf32, #tpu.memory_space<vmem_shared>>) target(%dma_start3A_307 : memref<112x128xf32, #tpu.memory_space<vmem>>) target_semaphore(%arg13 : memref<!tpu.dma_semaphore, #tpu.memory_space<semaphore_mem>>)
      %mul3A_310 = arith.constant 624 : i32
      %mul3A_311 = arith.muli %arg1, %mul3A_310 : i32
      %add3A_312 = arith.constant 384 : i32
      %add3A_313 = arith.addi %mul3A_311, %add3A_312 : i32
      %dma_wait3A_314 = arith.constant 0 : i32
      %dma_wait3A_315 = arith.constant 0 : i32
      %dma_wait3A_316 = tpu.memref_slice %arg11[%dma_wait3A_314, %dma_wait3A_315] : memref<128x128xf32, #tpu.memory_space<vmem>> -> memref<128x128xf32, #tpu.memory_space<vmem>>
      %dma_wait3A_317 = arith.constant 0 : i32
      %dma_wait3A_318 = tpu.memref_slice %arg12[%add3A_313, %dma_wait3A_317] : memref<10240x128xf32, #tpu.memory_space<vmem_shared>> -> memref<128x128xf32, #tpu.memory_space<vmem_shared>>
      %dma_wait3A_319 = arith.constant 0 : i32
      %dma_wait3A_320 = arith.constant 0 : i32
      %dma_wait3A_321 = tpu.memref_slice %arg11[%dma_wait3A_319, %dma_wait3A_320] : memref<128x128xf32, #tpu.memory_space<vmem>> -> memref<128x128xf32, #tpu.memory_space<vmem>>
      %dma_wait3A_322 = arith.constant 0 : i32
      %dma_wait3A_323 = tpu.memref_slice %arg12[%add3A_313, %dma_wait3A_322] : memref<10240x128xf32, #tpu.memory_space<vmem_shared>> -> memref<128x128xf32, #tpu.memory_space<vmem_shared>>
      tpu.wait_dma2 semaphore(%arg14 : memref<!tpu.dma_semaphore, #tpu.memory_space<semaphore_mem>>) src(%dma_wait3A_323 : memref<128x128xf32, #tpu.memory_space<vmem_shared>>) dst(%dma_wait3A_321 : memref<128x128xf32, #tpu.memory_space<vmem>>)
      %mul3A_324 = arith.constant 624 : i32
      %mul3A_325 = arith.muli %arg1, %mul3A_324 : i32
      %add3A_326 = arith.constant 384 : i32
      %add3A_327 = arith.addi %mul3A_325, %add3A_326 : i32
      %dma_start3A_328 = arith.constant 0 : i32
      %dma_start3A_329 = arith.constant 0 : i32
      %dma_start3A_330 = tpu.memref_slice %arg11[%dma_start3A_328, %dma_start3A_329] : memref<128x128xf32, #tpu.memory_space<vmem>> -> memref<128x128xf32, #tpu.memory_space<vmem>>
      %dma_start3A_331 = arith.constant 0 : i32
      %dma_start3A_332 = tpu.memref_slice %arg7[%add3A_327, %dma_start3A_331] : memref<10000x128xf32, #tpu.memory_space<hbm>> -> memref<128x128xf32, #tpu.memory_space<hbm>>
      %dma_start3A_333 = arith.constant 0 : i32
      %dma_start3A_334 = tpu.memref_slice %arg7[%add3A_327, %dma_start3A_333] : memref<10000x128xf32, #tpu.memory_space<hbm>> -> memref<128x128xf32, #tpu.memory_space<hbm>>
      %dma_start3A_335 = arith.constant 0 : i32
      %dma_start3A_336 = arith.constant 0 : i32
      %dma_start3A_337 = tpu.memref_slice %arg11[%dma_start3A_335, %dma_start3A_336] : memref<128x128xf32, #tpu.memory_space<vmem>> -> memref<128x128xf32, #tpu.memory_space<vmem>>
      tpu.enqueue_dma source(%dma_start3A_337 : memref<128x128xf32, #tpu.memory_space<vmem>>) target(%dma_start3A_334 : memref<128x128xf32, #tpu.memory_space<hbm>>) target_semaphore(%arg16 : memref<!tpu.dma_semaphore, #tpu.memory_space<semaphore_mem>>)
      %mul3A_338 = arith.constant 624 : i32
      %mul3A_339 = arith.muli %arg1, %mul3A_338 : i32
      %add3A_340 = arith.constant 512 : i32
      %add3A_341 = arith.addi %mul3A_339, %add3A_340 : i32
      %dma_wait3A_342 = arith.constant 0 : i32
      %dma_wait3A_343 = arith.constant 0 : i32
      %dma_wait3A_344 = tpu.memref_slice %arg10[%dma_wait3A_342, %dma_wait3A_343] : memref<128x128xf32, #tpu.memory_space<vmem>> -> memref<112x128xf32, #tpu.memory_space<vmem>>
      %dma_wait3A_345 = arith.constant 0 : i32
      %dma_wait3A_346 = tpu.memref_slice %arg12[%add3A_341, %dma_wait3A_345] : memref<10240x128xf32, #tpu.memory_space<vmem_shared>> -> memref<112x128xf32, #tpu.memory_space<vmem_shared>>
      %dma_wait3A_347 = arith.constant 0 : i32
      %dma_wait3A_348 = arith.constant 0 : i32
      %dma_wait3A_349 = tpu.memref_slice %arg10[%dma_wait3A_347, %dma_wait3A_348] : memref<128x128xf32, #tpu.memory_space<vmem>> -> memref<112x128xf32, #tpu.memory_space<vmem>>
      %dma_wait3A_350 = arith.constant 0 : i32
      %dma_wait3A_351 = tpu.memref_slice %arg12[%add3A_341, %dma_wait3A_350] : memref<10240x128xf32, #tpu.memory_space<vmem_shared>> -> memref<112x128xf32, #tpu.memory_space<vmem_shared>>
      tpu.wait_dma2 semaphore(%arg13 : memref<!tpu.dma_semaphore, #tpu.memory_space<semaphore_mem>>) src(%dma_wait3A_351 : memref<112x128xf32, #tpu.memory_space<vmem_shared>>) dst(%dma_wait3A_349 : memref<112x128xf32, #tpu.memory_space<vmem>>)
      %mul3A_352 = arith.constant 624 : i32
      %mul3A_353 = arith.muli %arg1, %mul3A_352 : i32
      %add3A_354 = arith.constant 512 : i32
      %add3A_355 = arith.addi %mul3A_353, %add3A_354 : i32
      %dma_start3A_356 = arith.constant 0 : i32
      %dma_start3A_357 = arith.constant 0 : i32
      %dma_start3A_358 = tpu.memref_slice %arg10[%dma_start3A_356, %dma_start3A_357] : memref<128x128xf32, #tpu.memory_space<vmem>> -> memref<112x128xf32, #tpu.memory_space<vmem>>
      %dma_start3A_359 = arith.constant 0 : i32
      %dma_start3A_360 = tpu.memref_slice %arg7[%add3A_355, %dma_start3A_359] : memref<10000x128xf32, #tpu.memory_space<hbm>> -> memref<112x128xf32, #tpu.memory_space<hbm>>
      %dma_start3A_361 = arith.constant 0 : i32
      %dma_start3A_362 = tpu.memref_slice %arg7[%add3A_355, %dma_start3A_361] : memref<10000x128xf32, #tpu.memory_space<hbm>> -> memref<112x128xf32, #tpu.memory_space<hbm>>
      %dma_start3A_363 = arith.constant 0 : i32
      %dma_start3A_364 = arith.constant 0 : i32
      %dma_start3A_365 = tpu.memref_slice %arg10[%dma_start3A_363, %dma_start3A_364] : memref<128x128xf32, #tpu.memory_space<vmem>> -> memref<112x128xf32, #tpu.memory_space<vmem>>
      tpu.enqueue_dma source(%dma_start3A_365 : memref<112x128xf32, #tpu.memory_space<vmem>>) target(%dma_start3A_362 : memref<112x128xf32, #tpu.memory_space<hbm>>) target_semaphore(%arg15 : memref<!tpu.dma_semaphore, #tpu.memory_space<semaphore_mem>>)
      %mul3A_366 = arith.constant 624 : i32
      %mul3A_367 = arith.muli %arg1, %mul3A_366 : i32
      %add3A_368 = arith.constant 384 : i32
      %add3A_369 = arith.addi %mul3A_367, %add3A_368 : i32
      %dma_wait3A_370 = arith.constant 0 : i32
      %dma_wait3A_371 = arith.constant 0 : i32
      %dma_wait3A_372 = tpu.memref_slice %arg11[%dma_wait3A_370, %dma_wait3A_371] : memref<128x128xf32, #tpu.memory_space<vmem>> -> memref<128x128xf32, #tpu.memory_space<vmem>>
      %dma_wait3A_373 = arith.constant 0 : i32
      %dma_wait3A_374 = tpu.memref_slice %arg7[%add3A_369, %dma_wait3A_373] : memref<10000x128xf32, #tpu.memory_space<hbm>> -> memref<128x128xf32, #tpu.memory_space<hbm>>
      %dma_wait3A_375 = arith.constant 0 : i32
      %dma_wait3A_376 = tpu.memref_slice %arg7[%add3A_369, %dma_wait3A_375] : memref<10000x128xf32, #tpu.memory_space<hbm>> -> memref<128x128xf32, #tpu.memory_space<hbm>>
      %dma_wait3A_377 = arith.constant 0 : i32
      %dma_wait3A_378 = arith.constant 0 : i32
      %dma_wait3A_379 = tpu.memref_slice %arg11[%dma_wait3A_377, %dma_wait3A_378] : memref<128x128xf32, #tpu.memory_space<vmem>> -> memref<128x128xf32, #tpu.memory_space<vmem>>
      tpu.wait_dma2 semaphore(%arg16 : memref<!tpu.dma_semaphore, #tpu.memory_space<semaphore_mem>>) src(%dma_wait3A_379 : memref<128x128xf32, #tpu.memory_space<vmem>>) dst(%dma_wait3A_376 : memref<128x128xf32, #tpu.memory_space<hbm>>)
      %mul3A_380 = arith.constant 624 : i32
      %mul3A_381 = arith.muli %arg1, %mul3A_380 : i32
      %add3A_382 = arith.constant 512 : i32
      %add3A_383 = arith.addi %mul3A_381, %add3A_382 : i32
      %dma_wait3A_384 = arith.constant 0 : i32
      %dma_wait3A_385 = arith.constant 0 : i32
      %dma_wait3A_386 = tpu.memref_slice %arg10[%dma_wait3A_384, %dma_wait3A_385] : memref<128x128xf32, #tpu.memory_space<vmem>> -> memref<112x128xf32, #tpu.memory_space<vmem>>
      %dma_wait3A_387 = arith.constant 0 : i32
      %dma_wait3A_388 = tpu.memref_slice %arg7[%add3A_383, %dma_wait3A_387] : memref<10000x128xf32, #tpu.memory_space<hbm>> -> memref<112x128xf32, #tpu.memory_space<hbm>>
      %dma_wait3A_389 = arith.constant 0 : i32
      %dma_wait3A_390 = tpu.memref_slice %arg7[%add3A_383, %dma_wait3A_389] : memref<10000x128xf32, #tpu.memory_space<hbm>> -> memref<112x128xf32, #tpu.memory_space<hbm>>
      %dma_wait3A_391 = arith.constant 0 : i32
      %dma_wait3A_392 = arith.constant 0 : i32
      %dma_wait3A_393 = tpu.memref_slice %arg10[%dma_wait3A_391, %dma_wait3A_392] : memref<128x128xf32, #tpu.memory_space<vmem>> -> memref<112x128xf32, #tpu.memory_space<vmem>>
      tpu.wait_dma2 semaphore(%arg15 : memref<!tpu.dma_semaphore, #tpu.memory_space<semaphore_mem>>) src(%dma_wait3A_393 : memref<112x128xf32, #tpu.memory_space<vmem>>) dst(%dma_wait3A_390 : memref<112x128xf32, #tpu.memory_space<hbm>>)
    } else {
    }
    %eq3A_106 = arith.constant 1 : i32
    %eq3A_107 = arith.cmpi eq, %arg0, %eq3A_106 : i32
    %eq3A_108 = arith.constant 15 : i32
    %eq3A_109 = arith.cmpi eq, %arg1, %eq3A_108 : i32
    %and3A_110 = arith.andi %eq3A_107, %eq3A_109 : i1
    %convert_element_type3A_111 = arith.extui %and3A_110 : i1 to i32
    %cond3A_112 = arith.constant 0 : i32
    %cond3A_113 = arith.cmpi ne, %convert_element_type3A_111, %cond3A_112 : i32
    scf.if %cond3A_113 {
      "tpu.region"() ({
        %run_scoped3A = tpu.sem_alloc : memref<!tpu.dma_semaphore, #tpu.memory_space<semaphore_mem>>
        %dma_start3A_114 = arith.constant 0 : i32
        %dma_start3A_115 = arith.constant 0 : i32
        %dma_start3A_116 = tpu.memref_slice %arg10[%dma_start3A_114, %dma_start3A_115] : memref<128x128xf32, #tpu.memory_space<vmem>> -> memref<16x128xf32, #tpu.memory_space<vmem>>
        %dma_start3A_117 = arith.constant 9984 : i32
        %dma_start3A_118 = arith.constant 0 : i32
        %dma_start3A_119 = tpu.memref_slice %arg12[%dma_start3A_117, %dma_start3A_118] : memref<10240x128xf32, #tpu.memory_space<vmem_shared>> -> memref<16x128xf32, #tpu.memory_space<vmem_shared>>
        %dma_start3A_120 = arith.constant 0 : i32
        %dma_start3A_121 = arith.constant 0 : i32
        %dma_start3A_122 = tpu.memref_slice %arg10[%dma_start3A_120, %dma_start3A_121] : memref<128x128xf32, #tpu.memory_space<vmem>> -> memref<16x128xf32, #tpu.memory_space<vmem>>
        %dma_start3A_123 = arith.constant 9984 : i32
        %dma_start3A_124 = arith.constant 0 : i32
        %dma_start3A_125 = tpu.memref_slice %arg12[%dma_start3A_123, %dma_start3A_124] : memref<10240x128xf32, #tpu.memory_space<vmem_shared>> -> memref<16x128xf32, #tpu.memory_space<vmem_shared>>
        tpu.enqueue_dma source(%dma_start3A_125 : memref<16x128xf32, #tpu.memory_space<vmem_shared>>) target(%dma_start3A_122 : memref<16x128xf32, #tpu.memory_space<vmem>>) target_semaphore(%run_scoped3A : memref<!tpu.dma_semaphore, #tpu.memory_space<semaphore_mem>>)
        %dma_wait3A_126 = arith.constant 0 : i32
        %dma_wait3A_127 = arith.constant 0 : i32
        %dma_wait3A_128 = tpu.memref_slice %arg10[%dma_wait3A_126, %dma_wait3A_127] : memref<128x128xf32, #tpu.memory_space<vmem>> -> memref<16x128xf32, #tpu.memory_space<vmem>>
        %dma_wait3A_129 = arith.constant 9984 : i32
        %dma_wait3A_130 = arith.constant 0 : i32
        %dma_wait3A_131 = tpu.memref_slice %arg12[%dma_wait3A_129, %dma_wait3A_130] : memref<10240x128xf32, #tpu.memory_space<vmem_shared>> -> memref<16x128xf32, #tpu.memory_space<vmem_shared>>
        %dma_wait3A_132 = arith.constant 0 : i32
        %dma_wait3A_133 = arith.constant 0 : i32
        %dma_wait3A_134 = tpu.memref_slice %arg10[%dma_wait3A_132, %dma_wait3A_133] : memref<128x128xf32, #tpu.memory_space<vmem>> -> memref<16x128xf32, #tpu.memory_space<vmem>>
        %dma_wait3A_135 = arith.constant 9984 : i32
        %dma_wait3A_136 = arith.constant 0 : i32
        %dma_wait3A_137 = tpu.memref_slice %arg12[%dma_wait3A_135, %dma_wait3A_136] : memref<10240x128xf32, #tpu.memory_space<vmem_shared>> -> memref<16x128xf32, #tpu.memory_space<vmem_shared>>
        tpu.wait_dma2 semaphore(%run_scoped3A : memref<!tpu.dma_semaphore, #tpu.memory_space<semaphore_mem>>) src(%dma_wait3A_137 : memref<16x128xf32, #tpu.memory_space<vmem_shared>>) dst(%dma_wait3A_134 : memref<16x128xf32, #tpu.memory_space<vmem>>)
        tpu.yield
      }) : () -> ()
      "tpu.region"() ({
        %run_scoped3A = tpu.sem_alloc : memref<!tpu.dma_semaphore, #tpu.memory_space<semaphore_mem>>
        %dma_start3A_114 = arith.constant 0 : i32
        %dma_start3A_115 = arith.constant 0 : i32
        %dma_start3A_116 = tpu.memref_slice %arg10[%dma_start3A_114, %dma_start3A_115] : memref<128x128xf32, #tpu.memory_space<vmem>> -> memref<16x128xf32, #tpu.memory_space<vmem>>
        %dma_start3A_117 = arith.constant 9984 : i32
        %dma_start3A_118 = arith.constant 0 : i32
        %dma_start3A_119 = tpu.memref_slice %arg7[%dma_start3A_117, %dma_start3A_118] : memref<10000x128xf32, #tpu.memory_space<hbm>> -> memref<16x128xf32, #tpu.memory_space<hbm>>
        %dma_start3A_120 = arith.constant 9984 : i32
        %dma_start3A_121 = arith.constant 0 : i32
        %dma_start3A_122 = tpu.memref_slice %arg7[%dma_start3A_120, %dma_start3A_121] : memref<10000x128xf32, #tpu.memory_space<hbm>> -> memref<16x128xf32, #tpu.memory_space<hbm>>
        %dma_start3A_123 = arith.constant 0 : i32
        %dma_start3A_124 = arith.constant 0 : i32
        %dma_start3A_125 = tpu.memref_slice %arg10[%dma_start3A_123, %dma_start3A_124] : memref<128x128xf32, #tpu.memory_space<vmem>> -> memref<16x128xf32, #tpu.memory_space<vmem>>
        tpu.enqueue_dma source(%dma_start3A_125 : memref<16x128xf32, #tpu.memory_space<vmem>>) target(%dma_start3A_122 : memref<16x128xf32, #tpu.memory_space<hbm>>) target_semaphore(%run_scoped3A : memref<!tpu.dma_semaphore, #tpu.memory_space<semaphore_mem>>)
        %dma_wait3A_126 = arith.constant 0 : i32
        %dma_wait3A_127 = arith.constant 0 : i32
        %dma_wait3A_128 = tpu.memref_slice %arg10[%dma_wait3A_126, %dma_wait3A_127] : memref<128x128xf32, #tpu.memory_space<vmem>> -> memref<16x128xf32, #tpu.memory_space<vmem>>
        %dma_wait3A_129 = arith.constant 9984 : i32
        %dma_wait3A_130 = arith.constant 0 : i32
        %dma_wait3A_131 = tpu.memref_slice %arg7[%dma_wait3A_129, %dma_wait3A_130] : memref<10000x128xf32, #tpu.memory_space<hbm>> -> memref<16x128xf32, #tpu.memory_space<hbm>>
        %dma_wait3A_132 = arith.constant 9984 : i32
        %dma_wait3A_133 = arith.constant 0 : i32
        %dma_wait3A_134 = tpu.memref_slice %arg7[%dma_wait3A_132, %dma_wait3A_133] : memref<10000x128xf32, #tpu.memory_space<hbm>> -> memref<16x128xf32, #tpu.memory_space<hbm>>
        %dma_wait3A_135 = arith.constant 0 : i32
        %dma_wait3A_136 = arith.constant 0 : i32
        %dma_wait3A_137 = tpu.memref_slice %arg10[%dma_wait3A_135, %dma_wait3A_136] : memref<128x128xf32, #tpu.memory_space<vmem>> -> memref<16x128xf32, #tpu.memory_space<vmem>>
        tpu.wait_dma2 semaphore(%run_scoped3A : memref<!tpu.dma_semaphore, #tpu.memory_space<semaphore_mem>>) src(%dma_wait3A_137 : memref<16x128xf32, #tpu.memory_space<vmem>>) dst(%dma_wait3A_134 : memref<16x128xf32, #tpu.memory_space<hbm>>)
        tpu.yield
      }) : () -> ()
    } else {
    }
    return
  }
}

#map = affine_map<(d0, d1) -> (0, 0)>
module attributes {stable_mosaic.version = 14 : i64} {
  func.func @_sc_segment_sum_body(%arg0: i32, %arg1: i32, %arg2: memref<10000x128xf32, #tpu.memory_space<hbm>>, %arg3: memref<1280x128xi32, #tpu.memory_space<hbm>>, %arg4: memref<1280x128xi32, #tpu.memory_space<hbm>>, %arg5: memref<128x128xf32, #tpu.memory_space<hbm>>, %arg6: memref<10000x128xf32, #tpu.memory_space<hbm>>, %arg7: memref<10000x128xf32, #tpu.memory_space<hbm>>, %arg8: memref<40x128xi32, #tpu.memory_space<vmem>>, %arg9: memref<40x128xi32, #tpu.memory_space<vmem>>, %arg10: memref<128x128xf32, #tpu.memory_space<vmem>>, %arg11: memref<128x128xf32, #tpu.memory_space<vmem>>, %arg12: memref<10240x128xf32, #tpu.memory_space<vmem_shared>>, %arg13: memref<!tpu.dma_semaphore, #tpu.memory_space<semaphore_mem>>, %arg14: memref<!tpu.dma_semaphore, #tpu.memory_space<semaphore_mem>>, %arg15: memref<!tpu.dma_semaphore, #tpu.memory_space<semaphore_mem>>, %arg16: memref<!tpu.dma_semaphore, #tpu.memory_space<semaphore_mem>>) attributes {dimension_semantics = [#tpu.dimension_semantics<core_parallel>, #tpu.dimension_semantics<subcore_parallel>], iteration_bounds = array<i64: 2, 16>, scalar_prefetch = 0 : i64, scratch_operands = 9 : i64, tpu.core_type = #tpu.core_type<sc_vector_subcore>, window_params = [{transform_indices = #map}, {transform_indices = #map}, {transform_indices = #map}, {transform_indices = #map}, {transform_indices = #map}, {transform_indices = #map}]} {
    %mul3A = arith.constant 16 : i32
    %mul3A_0 = arith.muli %arg0, %mul3A : i32
    %add3A = arith.addi %mul3A_0, %arg1 : i32
    %mul3A_1 = arith.constant 40 : i32
    %mul3A_2 = arith.muli %add3A, %mul3A_1 : i32
    %dma_start3A = arith.constant 0 : i32
    %dma_start3A_3 = tpu.memref_slice %arg3[%mul3A_2, %dma_start3A] : memref<1280x128xi32, #tpu.memory_space<hbm>> -> memref<40x128xi32, #tpu.memory_space<hbm>>
    %dma_start3A_4 = arith.constant 0 : i32
    %dma_start3A_5 = tpu.memref_slice %arg3[%mul3A_2, %dma_start3A_4] : memref<1280x128xi32, #tpu.memory_space<hbm>> -> memref<40x128xi32, #tpu.memory_space<hbm>>
    tpu.enqueue_dma source(%dma_start3A_5 : memref<40x128xi32, #tpu.memory_space<hbm>>) target(%arg8 : memref<40x128xi32, #tpu.memory_space<vmem>>) target_semaphore(%arg13 : memref<!tpu.dma_semaphore, #tpu.memory_space<semaphore_mem>>)
    %mul3A_6 = arith.constant 40 : i32
    %mul3A_7 = arith.muli %add3A, %mul3A_6 : i32
    %dma_start3A_8 = arith.constant 0 : i32
    %dma_start3A_9 = tpu.memref_slice %arg4[%mul3A_7, %dma_start3A_8] : memref<1280x128xi32, #tpu.memory_space<hbm>> -> memref<40x128xi32, #tpu.memory_space<hbm>>
    %dma_start3A_10 = arith.constant 0 : i32
    %dma_start3A_11 = tpu.memref_slice %arg4[%mul3A_7, %dma_start3A_10] : memref<1280x128xi32, #tpu.memory_space<hbm>> -> memref<40x128xi32, #tpu.memory_space<hbm>>
    tpu.enqueue_dma source(%dma_start3A_11 : memref<40x128xi32, #tpu.memory_space<hbm>>) target(%arg9 : memref<40x128xi32, #tpu.memory_space<vmem>>) target_semaphore(%arg14 : memref<!tpu.dma_semaphore, #tpu.memory_space<semaphore_mem>>)
    "tpu.region"() ({
      %run_scoped3A = tpu.sem_alloc : memref<!tpu.dma_semaphore, #tpu.memory_space<semaphore_mem>>
      tpu.enqueue_dma source(%arg5 : memref<128x128xf32, #tpu.memory_space<hbm>>) target(%arg10 : memref<128x128xf32, #tpu.memory_space<vmem>>) target_semaphore(%run_scoped3A : memref<!tpu.dma_semaphore, #tpu.memory_space<semaphore_mem>>)
      tpu.wait_dma2 semaphore(%run_scoped3A : memref<!tpu.dma_semaphore, #tpu.memory_space<semaphore_mem>>) src(%arg5 : memref<128x128xf32, #tpu.memory_space<hbm>>) dst(%arg10 : memref<128x128xf32, #tpu.memory_space<vmem>>)
      tpu.yield
    }) : () -> ()
    %mul3A_12 = arith.constant 640 : i32
    %mul3A_13 = arith.muli %arg1, %mul3A_12 : i32
    %add3A_14 = arith.constant 0 : i32
    %add3A_15 = arith.addi %mul3A_13, %add3A_14 : i32
    %mul3A_16 = arith.constant 640 : i32
    %mul3A_17 = arith.muli %arg1, %mul3A_16 : i32
    %add3A_18 = arith.constant 128 : i32
    %add3A_19 = arith.addi %mul3A_17, %add3A_18 : i32
    %mul3A_20 = arith.constant 640 : i32
    %mul3A_21 = arith.muli %arg1, %mul3A_20 : i32
    %add3A_22 = arith.constant 256 : i32
    %add3A_23 = arith.addi %mul3A_21, %add3A_22 : i32
    %mul3A_24 = arith.constant 640 : i32
    %mul3A_25 = arith.muli %arg1, %mul3A_24 : i32
    %add3A_26 = arith.constant 384 : i32
    %add3A_27 = arith.addi %mul3A_25, %add3A_26 : i32
    %mul3A_28 = arith.constant 640 : i32
    %mul3A_29 = arith.muli %arg1, %mul3A_28 : i32
    %add3A_30 = arith.constant 512 : i32
    %add3A_31 = arith.addi %mul3A_29, %add3A_30 : i32
    %dma_start3A_32 = arith.constant 0 : i32
    %dma_start3A_33 = tpu.memref_slice %arg12[%add3A_15, %dma_start3A_32] : memref<10240x128xf32, #tpu.memory_space<vmem_shared>> -> memref<128x128xf32, #tpu.memory_space<vmem_shared>>
    %dma_start3A_34 = arith.constant 0 : i32
    %dma_start3A_35 = tpu.memref_slice %arg12[%add3A_15, %dma_start3A_34] : memref<10240x128xf32, #tpu.memory_space<vmem_shared>> -> memref<128x128xf32, #tpu.memory_space<vmem_shared>>
    tpu.enqueue_dma source(%arg10 : memref<128x128xf32, #tpu.memory_space<vmem>>) target(%dma_start3A_35 : memref<128x128xf32, #tpu.memory_space<vmem_shared>>) target_semaphore(%arg15 : memref<!tpu.dma_semaphore, #tpu.memory_space<semaphore_mem>>)
    %dma_start3A_36 = arith.constant 0 : i32
    %dma_start3A_37 = tpu.memref_slice %arg12[%add3A_19, %dma_start3A_36] : memref<10240x128xf32, #tpu.memory_space<vmem_shared>> -> memref<128x128xf32, #tpu.memory_space<vmem_shared>>
    %dma_start3A_38 = arith.constant 0 : i32
    %dma_start3A_39 = tpu.memref_slice %arg12[%add3A_19, %dma_start3A_38] : memref<10240x128xf32, #tpu.memory_space<vmem_shared>> -> memref<128x128xf32, #tpu.memory_space<vmem_shared>>
    tpu.enqueue_dma source(%arg10 : memref<128x128xf32, #tpu.memory_space<vmem>>) target(%dma_start3A_39 : memref<128x128xf32, #tpu.memory_space<vmem_shared>>) target_semaphore(%arg15 : memref<!tpu.dma_semaphore, #tpu.memory_space<semaphore_mem>>)
    %dma_start3A_40 = arith.constant 0 : i32
    %dma_start3A_41 = tpu.memref_slice %arg12[%add3A_23, %dma_start3A_40] : memref<10240x128xf32, #tpu.memory_space<vmem_shared>> -> memref<128x128xf32, #tpu.memory_space<vmem_shared>>
    %dma_start3A_42 = arith.constant 0 : i32
    %dma_start3A_43 = tpu.memref_slice %arg12[%add3A_23, %dma_start3A_42] : memref<10240x128xf32, #tpu.memory_space<vmem_shared>> -> memref<128x128xf32, #tpu.memory_space<vmem_shared>>
    tpu.enqueue_dma source(%arg10 : memref<128x128xf32, #tpu.memory_space<vmem>>) target(%dma_start3A_43 : memref<128x128xf32, #tpu.memory_space<vmem_shared>>) target_semaphore(%arg15 : memref<!tpu.dma_semaphore, #tpu.memory_space<semaphore_mem>>)
    %dma_start3A_44 = arith.constant 0 : i32
    %dma_start3A_45 = tpu.memref_slice %arg12[%add3A_27, %dma_start3A_44] : memref<10240x128xf32, #tpu.memory_space<vmem_shared>> -> memref<128x128xf32, #tpu.memory_space<vmem_shared>>
    %dma_start3A_46 = arith.constant 0 : i32
    %dma_start3A_47 = tpu.memref_slice %arg12[%add3A_27, %dma_start3A_46] : memref<10240x128xf32, #tpu.memory_space<vmem_shared>> -> memref<128x128xf32, #tpu.memory_space<vmem_shared>>
    tpu.enqueue_dma source(%arg10 : memref<128x128xf32, #tpu.memory_space<vmem>>) target(%dma_start3A_47 : memref<128x128xf32, #tpu.memory_space<vmem_shared>>) target_semaphore(%arg15 : memref<!tpu.dma_semaphore, #tpu.memory_space<semaphore_mem>>)
    %dma_start3A_48 = arith.constant 0 : i32
    %dma_start3A_49 = tpu.memref_slice %arg12[%add3A_31, %dma_start3A_48] : memref<10240x128xf32, #tpu.memory_space<vmem_shared>> -> memref<128x128xf32, #tpu.memory_space<vmem_shared>>
    %dma_start3A_50 = arith.constant 0 : i32
    %dma_start3A_51 = tpu.memref_slice %arg12[%add3A_31, %dma_start3A_50] : memref<10240x128xf32, #tpu.memory_space<vmem_shared>> -> memref<128x128xf32, #tpu.memory_space<vmem_shared>>
    tpu.enqueue_dma source(%arg10 : memref<128x128xf32, #tpu.memory_space<vmem>>) target(%dma_start3A_51 : memref<128x128xf32, #tpu.memory_space<vmem_shared>>) target_semaphore(%arg15 : memref<!tpu.dma_semaphore, #tpu.memory_space<semaphore_mem>>)
    %dma_wait3A = arith.constant 0 : i32
    %dma_wait3A_52 = tpu.memref_slice %arg12[%add3A_15, %dma_wait3A] : memref<10240x128xf32, #tpu.memory_space<vmem_shared>> -> memref<128x128xf32, #tpu.memory_space<vmem_shared>>
    %dma_wait3A_53 = arith.constant 0 : i32
    %dma_wait3A_54 = tpu.memref_slice %arg12[%add3A_15, %dma_wait3A_53] : memref<10240x128xf32, #tpu.memory_space<vmem_shared>> -> memref<128x128xf32, #tpu.memory_space<vmem_shared>>
    tpu.wait_dma2 semaphore(%arg15 : memref<!tpu.dma_semaphore, #tpu.memory_space<semaphore_mem>>) src(%arg10 : memref<128x128xf32, #tpu.memory_space<vmem>>) dst(%dma_wait3A_54 : memref<128x128xf32, #tpu.memory_space<vmem_shared>>)
    %dma_wait3A_55 = arith.constant 0 : i32
    %dma_wait3A_56 = tpu.memref_slice %arg12[%add3A_19, %dma_wait3A_55] : memref<10240x128xf32, #tpu.memory_space<vmem_shared>> -> memref<128x128xf32, #tpu.memory_space<vmem_shared>>
    %dma_wait3A_57 = arith.constant 0 : i32
    %dma_wait3A_58 = tpu.memref_slice %arg12[%add3A_19, %dma_wait3A_57] : memref<10240x128xf32, #tpu.memory_space<vmem_shared>> -> memref<128x128xf32, #tpu.memory_space<vmem_shared>>
    tpu.wait_dma2 semaphore(%arg15 : memref<!tpu.dma_semaphore, #tpu.memory_space<semaphore_mem>>) src(%arg10 : memref<128x128xf32, #tpu.memory_space<vmem>>) dst(%dma_wait3A_58 : memref<128x128xf32, #tpu.memory_space<vmem_shared>>)
    %dma_wait3A_59 = arith.constant 0 : i32
    %dma_wait3A_60 = tpu.memref_slice %arg12[%add3A_23, %dma_wait3A_59] : memref<10240x128xf32, #tpu.memory_space<vmem_shared>> -> memref<128x128xf32, #tpu.memory_space<vmem_shared>>
    %dma_wait3A_61 = arith.constant 0 : i32
    %dma_wait3A_62 = tpu.memref_slice %arg12[%add3A_23, %dma_wait3A_61] : memref<10240x128xf32, #tpu.memory_space<vmem_shared>> -> memref<128x128xf32, #tpu.memory_space<vmem_shared>>
    tpu.wait_dma2 semaphore(%arg15 : memref<!tpu.dma_semaphore, #tpu.memory_space<semaphore_mem>>) src(%arg10 : memref<128x128xf32, #tpu.memory_space<vmem>>) dst(%dma_wait3A_62 : memref<128x128xf32, #tpu.memory_space<vmem_shared>>)
    %dma_wait3A_63 = arith.constant 0 : i32
    %dma_wait3A_64 = tpu.memref_slice %arg12[%add3A_27, %dma_wait3A_63] : memref<10240x128xf32, #tpu.memory_space<vmem_shared>> -> memref<128x128xf32, #tpu.memory_space<vmem_shared>>
    %dma_wait3A_65 = arith.constant 0 : i32
    %dma_wait3A_66 = tpu.memref_slice %arg12[%add3A_27, %dma_wait3A_65] : memref<10240x128xf32, #tpu.memory_space<vmem_shared>> -> memref<128x128xf32, #tpu.memory_space<vmem_shared>>
    tpu.wait_dma2 semaphore(%arg15 : memref<!tpu.dma_semaphore, #tpu.memory_space<semaphore_mem>>) src(%arg10 : memref<128x128xf32, #tpu.memory_space<vmem>>) dst(%dma_wait3A_66 : memref<128x128xf32, #tpu.memory_space<vmem_shared>>)
    %dma_wait3A_67 = arith.constant 0 : i32
    %dma_wait3A_68 = tpu.memref_slice %arg12[%add3A_31, %dma_wait3A_67] : memref<10240x128xf32, #tpu.memory_space<vmem_shared>> -> memref<128x128xf32, #tpu.memory_space<vmem_shared>>
    %dma_wait3A_69 = arith.constant 0 : i32
    %dma_wait3A_70 = tpu.memref_slice %arg12[%add3A_31, %dma_wait3A_69] : memref<10240x128xf32, #tpu.memory_space<vmem_shared>> -> memref<128x128xf32, #tpu.memory_space<vmem_shared>>
    tpu.wait_dma2 semaphore(%arg15 : memref<!tpu.dma_semaphore, #tpu.memory_space<semaphore_mem>>) src(%arg10 : memref<128x128xf32, #tpu.memory_space<vmem>>) dst(%dma_wait3A_70 : memref<128x128xf32, #tpu.memory_space<vmem_shared>>)
    %dma_wait3A_71 = arith.constant 0 : i32
    %dma_wait3A_72 = tpu.memref_slice %arg3[%mul3A_2, %dma_wait3A_71] : memref<1280x128xi32, #tpu.memory_space<hbm>> -> memref<40x128xi32, #tpu.memory_space<hbm>>
    %dma_wait3A_73 = arith.constant 0 : i32
    %dma_wait3A_74 = tpu.memref_slice %arg3[%mul3A_2, %dma_wait3A_73] : memref<1280x128xi32, #tpu.memory_space<hbm>> -> memref<40x128xi32, #tpu.memory_space<hbm>>
    tpu.wait_dma2 semaphore(%arg13 : memref<!tpu.dma_semaphore, #tpu.memory_space<semaphore_mem>>) src(%dma_wait3A_74 : memref<40x128xi32, #tpu.memory_space<hbm>>) dst(%arg8 : memref<40x128xi32, #tpu.memory_space<vmem>>)
    %dma_wait3A_75 = arith.constant 0 : i32
    %dma_wait3A_76 = tpu.memref_slice %arg4[%mul3A_7, %dma_wait3A_75] : memref<1280x128xi32, #tpu.memory_space<hbm>> -> memref<40x128xi32, #tpu.memory_space<hbm>>
    %dma_wait3A_77 = arith.constant 0 : i32
    %dma_wait3A_78 = tpu.memref_slice %arg4[%mul3A_7, %dma_wait3A_77] : memref<1280x128xi32, #tpu.memory_space<hbm>> -> memref<40x128xi32, #tpu.memory_space<hbm>>
    tpu.wait_dma2 semaphore(%arg14 : memref<!tpu.dma_semaphore, #tpu.memory_space<semaphore_mem>>) src(%dma_wait3A_78 : memref<40x128xi32, #tpu.memory_space<hbm>>) dst(%arg9 : memref<40x128xi32, #tpu.memory_space<vmem>>)
    %barrier3A = arith.constant 0 : index
    tpu.barrier barrier_id(%barrier3A)
    %dma_start3A_79 = arith.constant 0 : i32
    %dma_start3A_80 = arith.constant 0 : i32
    %dma_start3A_81 = tpu.memref_slice %arg8[%dma_start3A_79, %dma_start3A_80] : memref<40x128xi32, #tpu.memory_space<vmem>> -> memref<1x128xi32, #tpu.memory_space<vmem>>
    %dma_start3A_82 = tpu.memref_squeeze %dma_start3A_81 : memref<1x128xi32, #tpu.memory_space<vmem>> -> memref<128xi32, #tpu.memory_space<vmem>>
    %dma_start3A_83 = arith.constant 0 : i32
    %dma_start3A_84 = arith.constant 0 : i32
    %dma_start3A_85 = tpu.memref_slice %arg2[%dma_start3A_83, %dma_start3A_84] : memref<10000x128xf32, #tpu.memory_space<hbm>> -> memref<10000x128xf32, #tpu.memory_space<hbm>>
    tpu.enqueue_indirect_dma source(%dma_start3A_85 : memref<10000x128xf32, #tpu.memory_space<hbm>>) target(%arg10 : memref<128x128xf32, #tpu.memory_space<vmem>>) offsets(%dma_start3A_82 : memref<128xi32, #tpu.memory_space<vmem>>) semaphore(%arg13 : memref<!tpu.dma_semaphore, #tpu.memory_space<semaphore_mem>>)
    %scan3A = arith.constant 0 : i32
    %scan3A_86 = arith.constant 0 : i32
    %scan3A_87 = arith.constant 20 : i32
    %scan3A_88 = arith.addi %scan3A_86, %scan3A_87 : i32
    %scan3A_89 = arith.constant 1 : i32
    scf.for %scan3A_114 = %scan3A_86 to %scan3A_88 step %scan3A_89  : i32 {
      %mul3A_115 = arith.constant 2 : i32
      %mul3A_116 = arith.muli %mul3A_115, %scan3A_114 : i32
      %add3A_117 = arith.constant 1 : i32
      %add3A_118 = arith.addi %mul3A_116, %add3A_117 : i32
      %dma_start3A_119 = arith.constant 0 : i32
      %dma_start3A_120 = tpu.memref_slice %arg8[%add3A_118, %dma_start3A_119] : memref<40x128xi32, #tpu.memory_space<vmem>> -> memref<1x128xi32, #tpu.memory_space<vmem>>
      %dma_start3A_121 = tpu.memref_squeeze %dma_start3A_120 : memref<1x128xi32, #tpu.memory_space<vmem>> -> memref<128xi32, #tpu.memory_space<vmem>>
      %dma_start3A_122 = arith.constant 0 : i32
      %dma_start3A_123 = arith.constant 0 : i32
      %dma_start3A_124 = tpu.memref_slice %arg2[%dma_start3A_122, %dma_start3A_123] : memref<10000x128xf32, #tpu.memory_space<hbm>> -> memref<10000x128xf32, #tpu.memory_space<hbm>>
      tpu.enqueue_indirect_dma source(%dma_start3A_124 : memref<10000x128xf32, #tpu.memory_space<hbm>>) target(%arg11 : memref<128x128xf32, #tpu.memory_space<vmem>>) offsets(%dma_start3A_121 : memref<128xi32, #tpu.memory_space<vmem>>) semaphore(%arg14 : memref<!tpu.dma_semaphore, #tpu.memory_space<semaphore_mem>>)
      %dma_wait3A_125 = arith.constant 0 : i32
      %dma_wait3A_126 = arith.constant 0 : i32
      %dma_wait3A_127 = tpu.memref_slice %arg8[%dma_wait3A_125, %dma_wait3A_126] : memref<40x128xi32, #tpu.memory_space<vmem>> -> memref<1x128xi32, #tpu.memory_space<vmem>>
      %dma_wait3A_128 = tpu.memref_squeeze %dma_wait3A_127 : memref<1x128xi32, #tpu.memory_space<vmem>> -> memref<128xi32, #tpu.memory_space<vmem>>
      %dma_wait3A_129 = arith.constant 0 : i32
      %dma_wait3A_130 = arith.constant 0 : i32
      %dma_wait3A_131 = tpu.memref_slice %arg2[%dma_wait3A_129, %dma_wait3A_130] : memref<10000x128xf32, #tpu.memory_space<hbm>> -> memref<10000x128xf32, #tpu.memory_space<hbm>>
      tpu.wait_indirect_dma semaphore(%arg13 : memref<!tpu.dma_semaphore, #tpu.memory_space<semaphore_mem>>) src(%dma_wait3A_131 : memref<10000x128xf32, #tpu.memory_space<hbm>>) dst(%arg10 : memref<128x128xf32, #tpu.memory_space<vmem>>)
      "tpu.region"() ({
        %run_scoped3A = tpu.sem_alloc : memref<!tpu.dma_semaphore, #tpu.memory_space<semaphore_mem>>
        %dma_start3A_145 = arith.constant 0 : i32
        %dma_start3A_146 = tpu.memref_slice %arg9[%mul3A_116, %dma_start3A_145] : memref<40x128xi32, #tpu.memory_space<vmem>> -> memref<1x128xi32, #tpu.memory_space<vmem>>
        %dma_start3A_147 = tpu.memref_squeeze %dma_start3A_146 : memref<1x128xi32, #tpu.memory_space<vmem>> -> memref<128xi32, #tpu.memory_space<vmem>>
        %dma_start3A_148 = arith.constant 0 : i32
        %dma_start3A_149 = arith.constant 0 : i32
        %dma_start3A_150 = tpu.memref_slice %arg12[%dma_start3A_148, %dma_start3A_149] : memref<10240x128xf32, #tpu.memory_space<vmem_shared>> -> memref<10240x128xf32, #tpu.memory_space<vmem_shared>>
        tpu.enqueue_indirect_dma source(%arg10 : memref<128x128xf32, #tpu.memory_space<vmem>>) target(%dma_start3A_150 : memref<10240x128xf32, #tpu.memory_space<vmem_shared>>) offsets(%dma_start3A_147 : memref<128xi32, #tpu.memory_space<vmem>>) semaphore(%run_scoped3A : memref<!tpu.dma_semaphore, #tpu.memory_space<semaphore_mem>>) {add = true}
        %dma_wait3A_151 = arith.constant 0 : i32
        %dma_wait3A_152 = tpu.memref_slice %arg9[%mul3A_116, %dma_wait3A_151] : memref<40x128xi32, #tpu.memory_space<vmem>> -> memref<1x128xi32, #tpu.memory_space<vmem>>
        %dma_wait3A_153 = tpu.memref_squeeze %dma_wait3A_152 : memref<1x128xi32, #tpu.memory_space<vmem>> -> memref<128xi32, #tpu.memory_space<vmem>>
        %dma_wait3A_154 = arith.constant 0 : i32
        %dma_wait3A_155 = arith.constant 0 : i32
        %dma_wait3A_156 = tpu.memref_slice %arg12[%dma_wait3A_154, %dma_wait3A_155] : memref<10240x128xf32, #tpu.memory_space<vmem_shared>> -> memref<10240x128xf32, #tpu.memory_space<vmem_shared>>
        tpu.wait_indirect_dma semaphore(%run_scoped3A : memref<!tpu.dma_semaphore, #tpu.memory_space<semaphore_mem>>) src(%arg10 : memref<128x128xf32, #tpu.memory_space<vmem>>) dst(%dma_wait3A_156 : memref<10240x128xf32, #tpu.memory_space<vmem_shared>>)
        tpu.yield
      }) : () -> ()
      %lt3A = arith.constant 19 : i32
      %lt3A_132 = arith.cmpi slt, %scan3A_114, %lt3A : i32
      %convert_element_type3A_133 = arith.extui %lt3A_132 : i1 to i32
      %cond3A_134 = arith.constant 0 : i32
      %cond3A_135 = arith.cmpi ne, %convert_element_type3A_133, %cond3A_134 : i32
      scf.if %cond3A_135 {
        %add3A_145 = arith.constant 2 : i32
        %add3A_146 = arith.addi %mul3A_116, %add3A_145 : i32
        %dma_start3A_147 = arith.constant 0 : i32
        %dma_start3A_148 = tpu.memref_slice %arg8[%add3A_146, %dma_start3A_147] : memref<40x128xi32, #tpu.memory_space<vmem>> -> memref<1x128xi32, #tpu.memory_space<vmem>>
        %dma_start3A_149 = tpu.memref_squeeze %dma_start3A_148 : memref<1x128xi32, #tpu.memory_space<vmem>> -> memref<128xi32, #tpu.memory_space<vmem>>
        %dma_start3A_150 = arith.constant 0 : i32
        %dma_start3A_151 = arith.constant 0 : i32
        %dma_start3A_152 = tpu.memref_slice %arg2[%dma_start3A_150, %dma_start3A_151] : memref<10000x128xf32, #tpu.memory_space<hbm>> -> memref<10000x128xf32, #tpu.memory_space<hbm>>
        tpu.enqueue_indirect_dma source(%dma_start3A_152 : memref<10000x128xf32, #tpu.memory_space<hbm>>) target(%arg10 : memref<128x128xf32, #tpu.memory_space<vmem>>) offsets(%dma_start3A_149 : memref<128xi32, #tpu.memory_space<vmem>>) semaphore(%arg13 : memref<!tpu.dma_semaphore, #tpu.memory_space<semaphore_mem>>)
      } else {
      }
      %dma_wait3A_136 = arith.constant 0 : i32
      %dma_wait3A_137 = arith.constant 0 : i32
      %dma_wait3A_138 = tpu.memref_slice %arg8[%dma_wait3A_136, %dma_wait3A_137] : memref<40x128xi32, #tpu.memory_space<vmem>> -> memref<1x128xi32, #tpu.memory_space<vmem>>
      %dma_wait3A_139 = tpu.memref_squeeze %dma_wait3A_138 : memref<1x128xi32, #tpu.memory_space<vmem>> -> memref<128xi32, #tpu.memory_space<vmem>>
      %dma_wait3A_140 = arith.constant 0 : i32
      %dma_wait3A_141 = arith.constant 0 : i32
      %dma_wait3A_142 = tpu.memref_slice %arg2[%dma_wait3A_140, %dma_wait3A_141] : memref<10000x128xf32, #tpu.memory_space<hbm>> -> memref<10000x128xf32, #tpu.memory_space<hbm>>
      tpu.wait_indirect_dma semaphore(%arg14 : memref<!tpu.dma_semaphore, #tpu.memory_space<semaphore_mem>>) src(%dma_wait3A_142 : memref<10000x128xf32, #tpu.memory_space<hbm>>) dst(%arg11 : memref<128x128xf32, #tpu.memory_space<vmem>>)
      %add3A_143 = arith.constant 1 : i32
      %add3A_144 = arith.addi %mul3A_116, %add3A_143 : i32
      "tpu.region"() ({
        %run_scoped3A = tpu.sem_alloc : memref<!tpu.dma_semaphore, #tpu.memory_space<semaphore_mem>>
        %dma_start3A_145 = arith.constant 0 : i32
        %dma_start3A_146 = tpu.memref_slice %arg9[%add3A_144, %dma_start3A_145] : memref<40x128xi32, #tpu.memory_space<vmem>> -> memref<1x128xi32, #tpu.memory_space<vmem>>
        %dma_start3A_147 = tpu.memref_squeeze %dma_start3A_146 : memref<1x128xi32, #tpu.memory_space<vmem>> -> memref<128xi32, #tpu.memory_space<vmem>>
        %dma_start3A_148 = arith.constant 0 : i32
        %dma_start3A_149 = arith.constant 0 : i32
        %dma_start3A_150 = tpu.memref_slice %arg12[%dma_start3A_148, %dma_start3A_149] : memref<10240x128xf32, #tpu.memory_space<vmem_shared>> -> memref<10240x128xf32, #tpu.memory_space<vmem_shared>>
        tpu.enqueue_indirect_dma source(%arg11 : memref<128x128xf32, #tpu.memory_space<vmem>>) target(%dma_start3A_150 : memref<10240x128xf32, #tpu.memory_space<vmem_shared>>) offsets(%dma_start3A_147 : memref<128xi32, #tpu.memory_space<vmem>>) semaphore(%run_scoped3A : memref<!tpu.dma_semaphore, #tpu.memory_space<semaphore_mem>>) {add = true}
        %dma_wait3A_151 = arith.constant 0 : i32
        %dma_wait3A_152 = tpu.memref_slice %arg9[%add3A_144, %dma_wait3A_151] : memref<40x128xi32, #tpu.memory_space<vmem>> -> memref<1x128xi32, #tpu.memory_space<vmem>>
        %dma_wait3A_153 = tpu.memref_squeeze %dma_wait3A_152 : memref<1x128xi32, #tpu.memory_space<vmem>> -> memref<128xi32, #tpu.memory_space<vmem>>
        %dma_wait3A_154 = arith.constant 0 : i32
        %dma_wait3A_155 = arith.constant 0 : i32
        %dma_wait3A_156 = tpu.memref_slice %arg12[%dma_wait3A_154, %dma_wait3A_155] : memref<10240x128xf32, #tpu.memory_space<vmem_shared>> -> memref<10240x128xf32, #tpu.memory_space<vmem_shared>>
        tpu.wait_indirect_dma semaphore(%run_scoped3A : memref<!tpu.dma_semaphore, #tpu.memory_space<semaphore_mem>>) src(%arg11 : memref<128x128xf32, #tpu.memory_space<vmem>>) dst(%dma_wait3A_156 : memref<10240x128xf32, #tpu.memory_space<vmem_shared>>)
        tpu.yield
      }) : () -> ()
    }
    %scan3A_90 = arith.constant 20 : i32
    %barrier3A_91 = arith.constant 0 : index
    tpu.barrier barrier_id(%barrier3A_91)
    %eq3A = arith.constant 0 : i32
    %eq3A_92 = arith.cmpi eq, %arg0, %eq3A : i32
    %convert_element_type3A = arith.extui %eq3A_92 : i1 to i32
    %cond3A = arith.constant 0 : i32
    %cond3A_93 = arith.cmpi ne, %convert_element_type3A, %cond3A : i32
    scf.if %cond3A_93 {
      %mul3A_114 = arith.constant 624 : i32
      %mul3A_115 = arith.muli %arg1, %mul3A_114 : i32
      %add3A_116 = arith.constant 0 : i32
      %add3A_117 = arith.addi %mul3A_115, %add3A_116 : i32
      %dma_start3A_118 = arith.constant 0 : i32
      %dma_start3A_119 = arith.constant 0 : i32
      %dma_start3A_120 = tpu.memref_slice %arg10[%dma_start3A_118, %dma_start3A_119] : memref<128x128xf32, #tpu.memory_space<vmem>> -> memref<128x128xf32, #tpu.memory_space<vmem>>
      %dma_start3A_121 = arith.constant 0 : i32
      %dma_start3A_122 = tpu.memref_slice %arg12[%add3A_117, %dma_start3A_121] : memref<10240x128xf32, #tpu.memory_space<vmem_shared>> -> memref<128x128xf32, #tpu.memory_space<vmem_shared>>
      %dma_start3A_123 = arith.constant 0 : i32
      %dma_start3A_124 = arith.constant 0 : i32
      %dma_start3A_125 = tpu.memref_slice %arg10[%dma_start3A_123, %dma_start3A_124] : memref<128x128xf32, #tpu.memory_space<vmem>> -> memref<128x128xf32, #tpu.memory_space<vmem>>
      %dma_start3A_126 = arith.constant 0 : i32
      %dma_start3A_127 = tpu.memref_slice %arg12[%add3A_117, %dma_start3A_126] : memref<10240x128xf32, #tpu.memory_space<vmem_shared>> -> memref<128x128xf32, #tpu.memory_space<vmem_shared>>
      tpu.enqueue_dma source(%dma_start3A_127 : memref<128x128xf32, #tpu.memory_space<vmem_shared>>) target(%dma_start3A_125 : memref<128x128xf32, #tpu.memory_space<vmem>>) target_semaphore(%arg13 : memref<!tpu.dma_semaphore, #tpu.memory_space<semaphore_mem>>)
      %mul3A_128 = arith.constant 624 : i32
      %mul3A_129 = arith.muli %arg1, %mul3A_128 : i32
      %add3A_130 = arith.constant 128 : i32
      %add3A_131 = arith.addi %mul3A_129, %add3A_130 : i32
      %dma_start3A_132 = arith.constant 0 : i32
      %dma_start3A_133 = arith.constant 0 : i32
      %dma_start3A_134 = tpu.memref_slice %arg11[%dma_start3A_132, %dma_start3A_133] : memref<128x128xf32, #tpu.memory_space<vmem>> -> memref<128x128xf32, #tpu.memory_space<vmem>>
      %dma_start3A_135 = arith.constant 0 : i32
      %dma_start3A_136 = tpu.memref_slice %arg12[%add3A_131, %dma_start3A_135] : memref<10240x128xf32, #tpu.memory_space<vmem_shared>> -> memref<128x128xf32, #tpu.memory_space<vmem_shared>>
      %dma_start3A_137 = arith.constant 0 : i32
      %dma_start3A_138 = arith.constant 0 : i32
      %dma_start3A_139 = tpu.memref_slice %arg11[%dma_start3A_137, %dma_start3A_138] : memref<128x128xf32, #tpu.memory_space<vmem>> -> memref<128x128xf32, #tpu.memory_space<vmem>>
      %dma_start3A_140 = arith.constant 0 : i32
      %dma_start3A_141 = tpu.memref_slice %arg12[%add3A_131, %dma_start3A_140] : memref<10240x128xf32, #tpu.memory_space<vmem_shared>> -> memref<128x128xf32, #tpu.memory_space<vmem_shared>>
      tpu.enqueue_dma source(%dma_start3A_141 : memref<128x128xf32, #tpu.memory_space<vmem_shared>>) target(%dma_start3A_139 : memref<128x128xf32, #tpu.memory_space<vmem>>) target_semaphore(%arg14 : memref<!tpu.dma_semaphore, #tpu.memory_space<semaphore_mem>>)
      %mul3A_142 = arith.constant 624 : i32
      %mul3A_143 = arith.muli %arg1, %mul3A_142 : i32
      %add3A_144 = arith.constant 0 : i32
      %add3A_145 = arith.addi %mul3A_143, %add3A_144 : i32
      %dma_wait3A_146 = arith.constant 0 : i32
      %dma_wait3A_147 = arith.constant 0 : i32
      %dma_wait3A_148 = tpu.memref_slice %arg10[%dma_wait3A_146, %dma_wait3A_147] : memref<128x128xf32, #tpu.memory_space<vmem>> -> memref<128x128xf32, #tpu.memory_space<vmem>>
      %dma_wait3A_149 = arith.constant 0 : i32
      %dma_wait3A_150 = tpu.memref_slice %arg12[%add3A_145, %dma_wait3A_149] : memref<10240x128xf32, #tpu.memory_space<vmem_shared>> -> memref<128x128xf32, #tpu.memory_space<vmem_shared>>
      %dma_wait3A_151 = arith.constant 0 : i32
      %dma_wait3A_152 = arith.constant 0 : i32
      %dma_wait3A_153 = tpu.memref_slice %arg10[%dma_wait3A_151, %dma_wait3A_152] : memref<128x128xf32, #tpu.memory_space<vmem>> -> memref<128x128xf32, #tpu.memory_space<vmem>>
      %dma_wait3A_154 = arith.constant 0 : i32
      %dma_wait3A_155 = tpu.memref_slice %arg12[%add3A_145, %dma_wait3A_154] : memref<10240x128xf32, #tpu.memory_space<vmem_shared>> -> memref<128x128xf32, #tpu.memory_space<vmem_shared>>
      tpu.wait_dma2 semaphore(%arg13 : memref<!tpu.dma_semaphore, #tpu.memory_space<semaphore_mem>>) src(%dma_wait3A_155 : memref<128x128xf32, #tpu.memory_space<vmem_shared>>) dst(%dma_wait3A_153 : memref<128x128xf32, #tpu.memory_space<vmem>>)
      %mul3A_156 = arith.constant 624 : i32
      %mul3A_157 = arith.muli %arg1, %mul3A_156 : i32
      %add3A_158 = arith.constant 0 : i32
      %add3A_159 = arith.addi %mul3A_157, %add3A_158 : i32
      %dma_start3A_160 = arith.constant 0 : i32
      %dma_start3A_161 = arith.constant 0 : i32
      %dma_start3A_162 = tpu.memref_slice %arg10[%dma_start3A_160, %dma_start3A_161] : memref<128x128xf32, #tpu.memory_space<vmem>> -> memref<128x128xf32, #tpu.memory_space<vmem>>
      %dma_start3A_163 = arith.constant 0 : i32
      %dma_start3A_164 = tpu.memref_slice %arg6[%add3A_159, %dma_start3A_163] : memref<10000x128xf32, #tpu.memory_space<hbm>> -> memref<128x128xf32, #tpu.memory_space<hbm>>
      %dma_start3A_165 = arith.constant 0 : i32
      %dma_start3A_166 = tpu.memref_slice %arg6[%add3A_159, %dma_start3A_165] : memref<10000x128xf32, #tpu.memory_space<hbm>> -> memref<128x128xf32, #tpu.memory_space<hbm>>
      %dma_start3A_167 = arith.constant 0 : i32
      %dma_start3A_168 = arith.constant 0 : i32
      %dma_start3A_169 = tpu.memref_slice %arg10[%dma_start3A_167, %dma_start3A_168] : memref<128x128xf32, #tpu.memory_space<vmem>> -> memref<128x128xf32, #tpu.memory_space<vmem>>
      tpu.enqueue_dma source(%dma_start3A_169 : memref<128x128xf32, #tpu.memory_space<vmem>>) target(%dma_start3A_166 : memref<128x128xf32, #tpu.memory_space<hbm>>) target_semaphore(%arg15 : memref<!tpu.dma_semaphore, #tpu.memory_space<semaphore_mem>>)
      %mul3A_170 = arith.constant 624 : i32
      %mul3A_171 = arith.muli %arg1, %mul3A_170 : i32
      %add3A_172 = arith.constant 0 : i32
      %add3A_173 = arith.addi %mul3A_171, %add3A_172 : i32
      %dma_wait3A_174 = arith.constant 0 : i32
      %dma_wait3A_175 = arith.constant 0 : i32
      %dma_wait3A_176 = tpu.memref_slice %arg10[%dma_wait3A_174, %dma_wait3A_175] : memref<128x128xf32, #tpu.memory_space<vmem>> -> memref<128x128xf32, #tpu.memory_space<vmem>>
      %dma_wait3A_177 = arith.constant 0 : i32
      %dma_wait3A_178 = tpu.memref_slice %arg6[%add3A_173, %dma_wait3A_177] : memref<10000x128xf32, #tpu.memory_space<hbm>> -> memref<128x128xf32, #tpu.memory_space<hbm>>
      %dma_wait3A_179 = arith.constant 0 : i32
      %dma_wait3A_180 = tpu.memref_slice %arg6[%add3A_173, %dma_wait3A_179] : memref<10000x128xf32, #tpu.memory_space<hbm>> -> memref<128x128xf32, #tpu.memory_space<hbm>>
      %dma_wait3A_181 = arith.constant 0 : i32
      %dma_wait3A_182 = arith.constant 0 : i32
      %dma_wait3A_183 = tpu.memref_slice %arg10[%dma_wait3A_181, %dma_wait3A_182] : memref<128x128xf32, #tpu.memory_space<vmem>> -> memref<128x128xf32, #tpu.memory_space<vmem>>
      tpu.wait_dma2 semaphore(%arg15 : memref<!tpu.dma_semaphore, #tpu.memory_space<semaphore_mem>>) src(%dma_wait3A_183 : memref<128x128xf32, #tpu.memory_space<vmem>>) dst(%dma_wait3A_180 : memref<128x128xf32, #tpu.memory_space<hbm>>)
      %mul3A_184 = arith.constant 624 : i32
      %mul3A_185 = arith.muli %arg1, %mul3A_184 : i32
      %add3A_186 = arith.constant 256 : i32
      %add3A_187 = arith.addi %mul3A_185, %add3A_186 : i32
      %dma_start3A_188 = arith.constant 0 : i32
      %dma_start3A_189 = arith.constant 0 : i32
      %dma_start3A_190 = tpu.memref_slice %arg10[%dma_start3A_188, %dma_start3A_189] : memref<128x128xf32, #tpu.memory_space<vmem>> -> memref<128x128xf32, #tpu.memory_space<vmem>>
      %dma_start3A_191 = arith.constant 0 : i32
      %dma_start3A_192 = tpu.memref_slice %arg12[%add3A_187, %dma_start3A_191] : memref<10240x128xf32, #tpu.memory_space<vmem_shared>> -> memref<128x128xf32, #tpu.memory_space<vmem_shared>>
      %dma_start3A_193 = arith.constant 0 : i32
      %dma_start3A_194 = arith.constant 0 : i32
      %dma_start3A_195 = tpu.memref_slice %arg10[%dma_start3A_193, %dma_start3A_194] : memref<128x128xf32, #tpu.memory_space<vmem>> -> memref<128x128xf32, #tpu.memory_space<vmem>>
      %dma_start3A_196 = arith.constant 0 : i32
      %dma_start3A_197 = tpu.memref_slice %arg12[%add3A_187, %dma_start3A_196] : memref<10240x128xf32, #tpu.memory_space<vmem_shared>> -> memref<128x128xf32, #tpu.memory_space<vmem_shared>>
      tpu.enqueue_dma source(%dma_start3A_197 : memref<128x128xf32, #tpu.memory_space<vmem_shared>>) target(%dma_start3A_195 : memref<128x128xf32, #tpu.memory_space<vmem>>) target_semaphore(%arg13 : memref<!tpu.dma_semaphore, #tpu.memory_space<semaphore_mem>>)
      %mul3A_198 = arith.constant 624 : i32
      %mul3A_199 = arith.muli %arg1, %mul3A_198 : i32
      %add3A_200 = arith.constant 128 : i32
      %add3A_201 = arith.addi %mul3A_199, %add3A_200 : i32
      %dma_wait3A_202 = arith.constant 0 : i32
      %dma_wait3A_203 = arith.constant 0 : i32
      %dma_wait3A_204 = tpu.memref_slice %arg11[%dma_wait3A_202, %dma_wait3A_203] : memref<128x128xf32, #tpu.memory_space<vmem>> -> memref<128x128xf32, #tpu.memory_space<vmem>>
      %dma_wait3A_205 = arith.constant 0 : i32
      %dma_wait3A_206 = tpu.memref_slice %arg12[%add3A_201, %dma_wait3A_205] : memref<10240x128xf32, #tpu.memory_space<vmem_shared>> -> memref<128x128xf32, #tpu.memory_space<vmem_shared>>
      %dma_wait3A_207 = arith.constant 0 : i32
      %dma_wait3A_208 = arith.constant 0 : i32
      %dma_wait3A_209 = tpu.memref_slice %arg11[%dma_wait3A_207, %dma_wait3A_208] : memref<128x128xf32, #tpu.memory_space<vmem>> -> memref<128x128xf32, #tpu.memory_space<vmem>>
      %dma_wait3A_210 = arith.constant 0 : i32
      %dma_wait3A_211 = tpu.memref_slice %arg12[%add3A_201, %dma_wait3A_210] : memref<10240x128xf32, #tpu.memory_space<vmem_shared>> -> memref<128x128xf32, #tpu.memory_space<vmem_shared>>
      tpu.wait_dma2 semaphore(%arg14 : memref<!tpu.dma_semaphore, #tpu.memory_space<semaphore_mem>>) src(%dma_wait3A_211 : memref<128x128xf32, #tpu.memory_space<vmem_shared>>) dst(%dma_wait3A_209 : memref<128x128xf32, #tpu.memory_space<vmem>>)
      %mul3A_212 = arith.constant 624 : i32
      %mul3A_213 = arith.muli %arg1, %mul3A_212 : i32
      %add3A_214 = arith.constant 128 : i32
      %add3A_215 = arith.addi %mul3A_213, %add3A_214 : i32
      %dma_start3A_216 = arith.constant 0 : i32
      %dma_start3A_217 = arith.constant 0 : i32
      %dma_start3A_218 = tpu.memref_slice %arg11[%dma_start3A_216, %dma_start3A_217] : memref<128x128xf32, #tpu.memory_space<vmem>> -> memref<128x128xf32, #tpu.memory_space<vmem>>
      %dma_start3A_219 = arith.constant 0 : i32
      %dma_start3A_220 = tpu.memref_slice %arg6[%add3A_215, %dma_start3A_219] : memref<10000x128xf32, #tpu.memory_space<hbm>> -> memref<128x128xf32, #tpu.memory_space<hbm>>
      %dma_start3A_221 = arith.constant 0 : i32
      %dma_start3A_222 = tpu.memref_slice %arg6[%add3A_215, %dma_start3A_221] : memref<10000x128xf32, #tpu.memory_space<hbm>> -> memref<128x128xf32, #tpu.memory_space<hbm>>
      %dma_start3A_223 = arith.constant 0 : i32
      %dma_start3A_224 = arith.constant 0 : i32
      %dma_start3A_225 = tpu.memref_slice %arg11[%dma_start3A_223, %dma_start3A_224] : memref<128x128xf32, #tpu.memory_space<vmem>> -> memref<128x128xf32, #tpu.memory_space<vmem>>
      tpu.enqueue_dma source(%dma_start3A_225 : memref<128x128xf32, #tpu.memory_space<vmem>>) target(%dma_start3A_222 : memref<128x128xf32, #tpu.memory_space<hbm>>) target_semaphore(%arg16 : memref<!tpu.dma_semaphore, #tpu.memory_space<semaphore_mem>>)
      %mul3A_226 = arith.constant 624 : i32
      %mul3A_227 = arith.muli %arg1, %mul3A_226 : i32
      %add3A_228 = arith.constant 128 : i32
      %add3A_229 = arith.addi %mul3A_227, %add3A_228 : i32
      %dma_wait3A_230 = arith.constant 0 : i32
      %dma_wait3A_231 = arith.constant 0 : i32
      %dma_wait3A_232 = tpu.memref_slice %arg11[%dma_wait3A_230, %dma_wait3A_231] : memref<128x128xf32, #tpu.memory_space<vmem>> -> memref<128x128xf32, #tpu.memory_space<vmem>>
      %dma_wait3A_233 = arith.constant 0 : i32
      %dma_wait3A_234 = tpu.memref_slice %arg6[%add3A_229, %dma_wait3A_233] : memref<10000x128xf32, #tpu.memory_space<hbm>> -> memref<128x128xf32, #tpu.memory_space<hbm>>
      %dma_wait3A_235 = arith.constant 0 : i32
      %dma_wait3A_236 = tpu.memref_slice %arg6[%add3A_229, %dma_wait3A_235] : memref<10000x128xf32, #tpu.memory_space<hbm>> -> memref<128x128xf32, #tpu.memory_space<hbm>>
      %dma_wait3A_237 = arith.constant 0 : i32
      %dma_wait3A_238 = arith.constant 0 : i32
      %dma_wait3A_239 = tpu.memref_slice %arg11[%dma_wait3A_237, %dma_wait3A_238] : memref<128x128xf32, #tpu.memory_space<vmem>> -> memref<128x128xf32, #tpu.memory_space<vmem>>
      tpu.wait_dma2 semaphore(%arg16 : memref<!tpu.dma_semaphore, #tpu.memory_space<semaphore_mem>>) src(%dma_wait3A_239 : memref<128x128xf32, #tpu.memory_space<vmem>>) dst(%dma_wait3A_236 : memref<128x128xf32, #tpu.memory_space<hbm>>)
      %mul3A_240 = arith.constant 624 : i32
      %mul3A_241 = arith.muli %arg1, %mul3A_240 : i32
      %add3A_242 = arith.constant 384 : i32
      %add3A_243 = arith.addi %mul3A_241, %add3A_242 : i32
      %dma_start3A_244 = arith.constant 0 : i32
      %dma_start3A_245 = arith.constant 0 : i32
      %dma_start3A_246 = tpu.memref_slice %arg11[%dma_start3A_244, %dma_start3A_245] : memref<128x128xf32, #tpu.memory_space<vmem>> -> memref<128x128xf32, #tpu.memory_space<vmem>>
      %dma_start3A_247 = arith.constant 0 : i32
      %dma_start3A_248 = tpu.memref_slice %arg12[%add3A_243, %dma_start3A_247] : memref<10240x128xf32, #tpu.memory_space<vmem_shared>> -> memref<128x128xf32, #tpu.memory_space<vmem_shared>>
      %dma_start3A_249 = arith.constant 0 : i32
      %dma_start3A_250 = arith.constant 0 : i32
      %dma_start3A_251 = tpu.memref_slice %arg11[%dma_start3A_249, %dma_start3A_250] : memref<128x128xf32, #tpu.memory_space<vmem>> -> memref<128x128xf32, #tpu.memory_space<vmem>>
      %dma_start3A_252 = arith.constant 0 : i32
      %dma_start3A_253 = tpu.memref_slice %arg12[%add3A_243, %dma_start3A_252] : memref<10240x128xf32, #tpu.memory_space<vmem_shared>> -> memref<128x128xf32, #tpu.memory_space<vmem_shared>>
      tpu.enqueue_dma source(%dma_start3A_253 : memref<128x128xf32, #tpu.memory_space<vmem_shared>>) target(%dma_start3A_251 : memref<128x128xf32, #tpu.memory_space<vmem>>) target_semaphore(%arg14 : memref<!tpu.dma_semaphore, #tpu.memory_space<semaphore_mem>>)
      %mul3A_254 = arith.constant 624 : i32
      %mul3A_255 = arith.muli %arg1, %mul3A_254 : i32
      %add3A_256 = arith.constant 256 : i32
      %add3A_257 = arith.addi %mul3A_255, %add3A_256 : i32
      %dma_wait3A_258 = arith.constant 0 : i32
      %dma_wait3A_259 = arith.constant 0 : i32
      %dma_wait3A_260 = tpu.memref_slice %arg10[%dma_wait3A_258, %dma_wait3A_259] : memref<128x128xf32, #tpu.memory_space<vmem>> -> memref<128x128xf32, #tpu.memory_space<vmem>>
      %dma_wait3A_261 = arith.constant 0 : i32
      %dma_wait3A_262 = tpu.memref_slice %arg12[%add3A_257, %dma_wait3A_261] : memref<10240x128xf32, #tpu.memory_space<vmem_shared>> -> memref<128x128xf32, #tpu.memory_space<vmem_shared>>
      %dma_wait3A_263 = arith.constant 0 : i32
      %dma_wait3A_264 = arith.constant 0 : i32
      %dma_wait3A_265 = tpu.memref_slice %arg10[%dma_wait3A_263, %dma_wait3A_264] : memref<128x128xf32, #tpu.memory_space<vmem>> -> memref<128x128xf32, #tpu.memory_space<vmem>>
      %dma_wait3A_266 = arith.constant 0 : i32
      %dma_wait3A_267 = tpu.memref_slice %arg12[%add3A_257, %dma_wait3A_266] : memref<10240x128xf32, #tpu.memory_space<vmem_shared>> -> memref<128x128xf32, #tpu.memory_space<vmem_shared>>
      tpu.wait_dma2 semaphore(%arg13 : memref<!tpu.dma_semaphore, #tpu.memory_space<semaphore_mem>>) src(%dma_wait3A_267 : memref<128x128xf32, #tpu.memory_space<vmem_shared>>) dst(%dma_wait3A_265 : memref<128x128xf32, #tpu.memory_space<vmem>>)
      %mul3A_268 = arith.constant 624 : i32
      %mul3A_269 = arith.muli %arg1, %mul3A_268 : i32
      %add3A_270 = arith.constant 256 : i32
      %add3A_271 = arith.addi %mul3A_269, %add3A_270 : i32
      %dma_start3A_272 = arith.constant 0 : i32
      %dma_start3A_273 = arith.constant 0 : i32
      %dma_start3A_274 = tpu.memref_slice %arg10[%dma_start3A_272, %dma_start3A_273] : memref<128x128xf32, #tpu.memory_space<vmem>> -> memref<128x128xf32, #tpu.memory_space<vmem>>
      %dma_start3A_275 = arith.constant 0 : i32
      %dma_start3A_276 = tpu.memref_slice %arg6[%add3A_271, %dma_start3A_275] : memref<10000x128xf32, #tpu.memory_space<hbm>> -> memref<128x128xf32, #tpu.memory_space<hbm>>
      %dma_start3A_277 = arith.constant 0 : i32
      %dma_start3A_278 = tpu.memref_slice %arg6[%add3A_271, %dma_start3A_277] : memref<10000x128xf32, #tpu.memory_space<hbm>> -> memref<128x128xf32, #tpu.memory_space<hbm>>
      %dma_start3A_279 = arith.constant 0 : i32
      %dma_start3A_280 = arith.constant 0 : i32
      %dma_start3A_281 = tpu.memref_slice %arg10[%dma_start3A_279, %dma_start3A_280] : memref<128x128xf32, #tpu.memory_space<vmem>> -> memref<128x128xf32, #tpu.memory_space<vmem>>
      tpu.enqueue_dma source(%dma_start3A_281 : memref<128x128xf32, #tpu.memory_space<vmem>>) target(%dma_start3A_278 : memref<128x128xf32, #tpu.memory_space<hbm>>) target_semaphore(%arg15 : memref<!tpu.dma_semaphore, #tpu.memory_space<semaphore_mem>>)
      %mul3A_282 = arith.constant 624 : i32
      %mul3A_283 = arith.muli %arg1, %mul3A_282 : i32
      %add3A_284 = arith.constant 256 : i32
      %add3A_285 = arith.addi %mul3A_283, %add3A_284 : i32
      %dma_wait3A_286 = arith.constant 0 : i32
      %dma_wait3A_287 = arith.constant 0 : i32
      %dma_wait3A_288 = tpu.memref_slice %arg10[%dma_wait3A_286, %dma_wait3A_287] : memref<128x128xf32, #tpu.memory_space<vmem>> -> memref<128x128xf32, #tpu.memory_space<vmem>>
      %dma_wait3A_289 = arith.constant 0 : i32
      %dma_wait3A_290 = tpu.memref_slice %arg6[%add3A_285, %dma_wait3A_289] : memref<10000x128xf32, #tpu.memory_space<hbm>> -> memref<128x128xf32, #tpu.memory_space<hbm>>
      %dma_wait3A_291 = arith.constant 0 : i32
      %dma_wait3A_292 = tpu.memref_slice %arg6[%add3A_285, %dma_wait3A_291] : memref<10000x128xf32, #tpu.memory_space<hbm>> -> memref<128x128xf32, #tpu.memory_space<hbm>>
      %dma_wait3A_293 = arith.constant 0 : i32
      %dma_wait3A_294 = arith.constant 0 : i32
      %dma_wait3A_295 = tpu.memref_slice %arg10[%dma_wait3A_293, %dma_wait3A_294] : memref<128x128xf32, #tpu.memory_space<vmem>> -> memref<128x128xf32, #tpu.memory_space<vmem>>
      tpu.wait_dma2 semaphore(%arg15 : memref<!tpu.dma_semaphore, #tpu.memory_space<semaphore_mem>>) src(%dma_wait3A_295 : memref<128x128xf32, #tpu.memory_space<vmem>>) dst(%dma_wait3A_292 : memref<128x128xf32, #tpu.memory_space<hbm>>)
      %mul3A_296 = arith.constant 624 : i32
      %mul3A_297 = arith.muli %arg1, %mul3A_296 : i32
      %add3A_298 = arith.constant 512 : i32
      %add3A_299 = arith.addi %mul3A_297, %add3A_298 : i32
      %dma_start3A_300 = arith.constant 0 : i32
      %dma_start3A_301 = arith.constant 0 : i32
      %dma_start3A_302 = tpu.memref_slice %arg10[%dma_start3A_300, %dma_start3A_301] : memref<128x128xf32, #tpu.memory_space<vmem>> -> memref<112x128xf32, #tpu.memory_space<vmem>>
      %dma_start3A_303 = arith.constant 0 : i32
      %dma_start3A_304 = tpu.memref_slice %arg12[%add3A_299, %dma_start3A_303] : memref<10240x128xf32, #tpu.memory_space<vmem_shared>> -> memref<112x128xf32, #tpu.memory_space<vmem_shared>>
      %dma_start3A_305 = arith.constant 0 : i32
      %dma_start3A_306 = arith.constant 0 : i32
      %dma_start3A_307 = tpu.memref_slice %arg10[%dma_start3A_305, %dma_start3A_306] : memref<128x128xf32, #tpu.memory_space<vmem>> -> memref<112x128xf32, #tpu.memory_space<vmem>>
      %dma_start3A_308 = arith.constant 0 : i32
      %dma_start3A_309 = tpu.memref_slice %arg12[%add3A_299, %dma_start3A_308] : memref<10240x128xf32, #tpu.memory_space<vmem_shared>> -> memref<112x128xf32, #tpu.memory_space<vmem_shared>>
      tpu.enqueue_dma source(%dma_start3A_309 : memref<112x128xf32, #tpu.memory_space<vmem_shared>>) target(%dma_start3A_307 : memref<112x128xf32, #tpu.memory_space<vmem>>) target_semaphore(%arg13 : memref<!tpu.dma_semaphore, #tpu.memory_space<semaphore_mem>>)
      %mul3A_310 = arith.constant 624 : i32
      %mul3A_311 = arith.muli %arg1, %mul3A_310 : i32
      %add3A_312 = arith.constant 384 : i32
      %add3A_313 = arith.addi %mul3A_311, %add3A_312 : i32
      %dma_wait3A_314 = arith.constant 0 : i32
      %dma_wait3A_315 = arith.constant 0 : i32
      %dma_wait3A_316 = tpu.memref_slice %arg11[%dma_wait3A_314, %dma_wait3A_315] : memref<128x128xf32, #tpu.memory_space<vmem>> -> memref<128x128xf32, #tpu.memory_space<vmem>>
      %dma_wait3A_317 = arith.constant 0 : i32
      %dma_wait3A_318 = tpu.memref_slice %arg12[%add3A_313, %dma_wait3A_317] : memref<10240x128xf32, #tpu.memory_space<vmem_shared>> -> memref<128x128xf32, #tpu.memory_space<vmem_shared>>
      %dma_wait3A_319 = arith.constant 0 : i32
      %dma_wait3A_320 = arith.constant 0 : i32
      %dma_wait3A_321 = tpu.memref_slice %arg11[%dma_wait3A_319, %dma_wait3A_320] : memref<128x128xf32, #tpu.memory_space<vmem>> -> memref<128x128xf32, #tpu.memory_space<vmem>>
      %dma_wait3A_322 = arith.constant 0 : i32
      %dma_wait3A_323 = tpu.memref_slice %arg12[%add3A_313, %dma_wait3A_322] : memref<10240x128xf32, #tpu.memory_space<vmem_shared>> -> memref<128x128xf32, #tpu.memory_space<vmem_shared>>
      tpu.wait_dma2 semaphore(%arg14 : memref<!tpu.dma_semaphore, #tpu.memory_space<semaphore_mem>>) src(%dma_wait3A_323 : memref<128x128xf32, #tpu.memory_space<vmem_shared>>) dst(%dma_wait3A_321 : memref<128x128xf32, #tpu.memory_space<vmem>>)
      %mul3A_324 = arith.constant 624 : i32
      %mul3A_325 = arith.muli %arg1, %mul3A_324 : i32
      %add3A_326 = arith.constant 384 : i32
      %add3A_327 = arith.addi %mul3A_325, %add3A_326 : i32
      %dma_start3A_328 = arith.constant 0 : i32
      %dma_start3A_329 = arith.constant 0 : i32
      %dma_start3A_330 = tpu.memref_slice %arg11[%dma_start3A_328, %dma_start3A_329] : memref<128x128xf32, #tpu.memory_space<vmem>> -> memref<128x128xf32, #tpu.memory_space<vmem>>
      %dma_start3A_331 = arith.constant 0 : i32
      %dma_start3A_332 = tpu.memref_slice %arg6[%add3A_327, %dma_start3A_331] : memref<10000x128xf32, #tpu.memory_space<hbm>> -> memref<128x128xf32, #tpu.memory_space<hbm>>
      %dma_start3A_333 = arith.constant 0 : i32
      %dma_start3A_334 = tpu.memref_slice %arg6[%add3A_327, %dma_start3A_333] : memref<10000x128xf32, #tpu.memory_space<hbm>> -> memref<128x128xf32, #tpu.memory_space<hbm>>
      %dma_start3A_335 = arith.constant 0 : i32
      %dma_start3A_336 = arith.constant 0 : i32
      %dma_start3A_337 = tpu.memref_slice %arg11[%dma_start3A_335, %dma_start3A_336] : memref<128x128xf32, #tpu.memory_space<vmem>> -> memref<128x128xf32, #tpu.memory_space<vmem>>
      tpu.enqueue_dma source(%dma_start3A_337 : memref<128x128xf32, #tpu.memory_space<vmem>>) target(%dma_start3A_334 : memref<128x128xf32, #tpu.memory_space<hbm>>) target_semaphore(%arg16 : memref<!tpu.dma_semaphore, #tpu.memory_space<semaphore_mem>>)
      %mul3A_338 = arith.constant 624 : i32
      %mul3A_339 = arith.muli %arg1, %mul3A_338 : i32
      %add3A_340 = arith.constant 512 : i32
      %add3A_341 = arith.addi %mul3A_339, %add3A_340 : i32
      %dma_wait3A_342 = arith.constant 0 : i32
      %dma_wait3A_343 = arith.constant 0 : i32
      %dma_wait3A_344 = tpu.memref_slice %arg10[%dma_wait3A_342, %dma_wait3A_343] : memref<128x128xf32, #tpu.memory_space<vmem>> -> memref<112x128xf32, #tpu.memory_space<vmem>>
      %dma_wait3A_345 = arith.constant 0 : i32
      %dma_wait3A_346 = tpu.memref_slice %arg12[%add3A_341, %dma_wait3A_345] : memref<10240x128xf32, #tpu.memory_space<vmem_shared>> -> memref<112x128xf32, #tpu.memory_space<vmem_shared>>
      %dma_wait3A_347 = arith.constant 0 : i32
      %dma_wait3A_348 = arith.constant 0 : i32
      %dma_wait3A_349 = tpu.memref_slice %arg10[%dma_wait3A_347, %dma_wait3A_348] : memref<128x128xf32, #tpu.memory_space<vmem>> -> memref<112x128xf32, #tpu.memory_space<vmem>>
      %dma_wait3A_350 = arith.constant 0 : i32
      %dma_wait3A_351 = tpu.memref_slice %arg12[%add3A_341, %dma_wait3A_350] : memref<10240x128xf32, #tpu.memory_space<vmem_shared>> -> memref<112x128xf32, #tpu.memory_space<vmem_shared>>
      tpu.wait_dma2 semaphore(%arg13 : memref<!tpu.dma_semaphore, #tpu.memory_space<semaphore_mem>>) src(%dma_wait3A_351 : memref<112x128xf32, #tpu.memory_space<vmem_shared>>) dst(%dma_wait3A_349 : memref<112x128xf32, #tpu.memory_space<vmem>>)
      %mul3A_352 = arith.constant 624 : i32
      %mul3A_353 = arith.muli %arg1, %mul3A_352 : i32
      %add3A_354 = arith.constant 512 : i32
      %add3A_355 = arith.addi %mul3A_353, %add3A_354 : i32
      %dma_start3A_356 = arith.constant 0 : i32
      %dma_start3A_357 = arith.constant 0 : i32
      %dma_start3A_358 = tpu.memref_slice %arg10[%dma_start3A_356, %dma_start3A_357] : memref<128x128xf32, #tpu.memory_space<vmem>> -> memref<112x128xf32, #tpu.memory_space<vmem>>
      %dma_start3A_359 = arith.constant 0 : i32
      %dma_start3A_360 = tpu.memref_slice %arg6[%add3A_355, %dma_start3A_359] : memref<10000x128xf32, #tpu.memory_space<hbm>> -> memref<112x128xf32, #tpu.memory_space<hbm>>
      %dma_start3A_361 = arith.constant 0 : i32
      %dma_start3A_362 = tpu.memref_slice %arg6[%add3A_355, %dma_start3A_361] : memref<10000x128xf32, #tpu.memory_space<hbm>> -> memref<112x128xf32, #tpu.memory_space<hbm>>
      %dma_start3A_363 = arith.constant 0 : i32
      %dma_start3A_364 = arith.constant 0 : i32
      %dma_start3A_365 = tpu.memref_slice %arg10[%dma_start3A_363, %dma_start3A_364] : memref<128x128xf32, #tpu.memory_space<vmem>> -> memref<112x128xf32, #tpu.memory_space<vmem>>
      tpu.enqueue_dma source(%dma_start3A_365 : memref<112x128xf32, #tpu.memory_space<vmem>>) target(%dma_start3A_362 : memref<112x128xf32, #tpu.memory_space<hbm>>) target_semaphore(%arg15 : memref<!tpu.dma_semaphore, #tpu.memory_space<semaphore_mem>>)
      %mul3A_366 = arith.constant 624 : i32
      %mul3A_367 = arith.muli %arg1, %mul3A_366 : i32
      %add3A_368 = arith.constant 384 : i32
      %add3A_369 = arith.addi %mul3A_367, %add3A_368 : i32
      %dma_wait3A_370 = arith.constant 0 : i32
      %dma_wait3A_371 = arith.constant 0 : i32
      %dma_wait3A_372 = tpu.memref_slice %arg11[%dma_wait3A_370, %dma_wait3A_371] : memref<128x128xf32, #tpu.memory_space<vmem>> -> memref<128x128xf32, #tpu.memory_space<vmem>>
      %dma_wait3A_373 = arith.constant 0 : i32
      %dma_wait3A_374 = tpu.memref_slice %arg6[%add3A_369, %dma_wait3A_373] : memref<10000x128xf32, #tpu.memory_space<hbm>> -> memref<128x128xf32, #tpu.memory_space<hbm>>
      %dma_wait3A_375 = arith.constant 0 : i32
      %dma_wait3A_376 = tpu.memref_slice %arg6[%add3A_369, %dma_wait3A_375] : memref<10000x128xf32, #tpu.memory_space<hbm>> -> memref<128x128xf32, #tpu.memory_space<hbm>>
      %dma_wait3A_377 = arith.constant 0 : i32
      %dma_wait3A_378 = arith.constant 0 : i32
      %dma_wait3A_379 = tpu.memref_slice %arg11[%dma_wait3A_377, %dma_wait3A_378] : memref<128x128xf32, #tpu.memory_space<vmem>> -> memref<128x128xf32, #tpu.memory_space<vmem>>
      tpu.wait_dma2 semaphore(%arg16 : memref<!tpu.dma_semaphore, #tpu.memory_space<semaphore_mem>>) src(%dma_wait3A_379 : memref<128x128xf32, #tpu.memory_space<vmem>>) dst(%dma_wait3A_376 : memref<128x128xf32, #tpu.memory_space<hbm>>)
      %mul3A_380 = arith.constant 624 : i32
      %mul3A_381 = arith.muli %arg1, %mul3A_380 : i32
      %add3A_382 = arith.constant 512 : i32
      %add3A_383 = arith.addi %mul3A_381, %add3A_382 : i32
      %dma_wait3A_384 = arith.constant 0 : i32
      %dma_wait3A_385 = arith.constant 0 : i32
      %dma_wait3A_386 = tpu.memref_slice %arg10[%dma_wait3A_384, %dma_wait3A_385] : memref<128x128xf32, #tpu.memory_space<vmem>> -> memref<112x128xf32, #tpu.memory_space<vmem>>
      %dma_wait3A_387 = arith.constant 0 : i32
      %dma_wait3A_388 = tpu.memref_slice %arg6[%add3A_383, %dma_wait3A_387] : memref<10000x128xf32, #tpu.memory_space<hbm>> -> memref<112x128xf32, #tpu.memory_space<hbm>>
      %dma_wait3A_389 = arith.constant 0 : i32
      %dma_wait3A_390 = tpu.memref_slice %arg6[%add3A_383, %dma_wait3A_389] : memref<10000x128xf32, #tpu.memory_space<hbm>> -> memref<112x128xf32, #tpu.memory_space<hbm>>
      %dma_wait3A_391 = arith.constant 0 : i32
      %dma_wait3A_392 = arith.constant 0 : i32
      %dma_wait3A_393 = tpu.memref_slice %arg10[%dma_wait3A_391, %dma_wait3A_392] : memref<128x128xf32, #tpu.memory_space<vmem>> -> memref<112x128xf32, #tpu.memory_space<vmem>>
      tpu.wait_dma2 semaphore(%arg15 : memref<!tpu.dma_semaphore, #tpu.memory_space<semaphore_mem>>) src(%dma_wait3A_393 : memref<112x128xf32, #tpu.memory_space<vmem>>) dst(%dma_wait3A_390 : memref<112x128xf32, #tpu.memory_space<hbm>>)
    } else {
    }
    %eq3A_94 = arith.constant 0 : i32
    %eq3A_95 = arith.cmpi eq, %arg0, %eq3A_94 : i32
    %eq3A_96 = arith.constant 15 : i32
    %eq3A_97 = arith.cmpi eq, %arg1, %eq3A_96 : i32
    %and3A = arith.andi %eq3A_95, %eq3A_97 : i1
    %convert_element_type3A_98 = arith.extui %and3A : i1 to i32
    %cond3A_99 = arith.constant 0 : i32
    %cond3A_100 = arith.cmpi ne, %convert_element_type3A_98, %cond3A_99 : i32
    scf.if %cond3A_100 {
      "tpu.region"() ({
        %run_scoped3A = tpu.sem_alloc : memref<!tpu.dma_semaphore, #tpu.memory_space<semaphore_mem>>
        %dma_start3A_114 = arith.constant 0 : i32
        %dma_start3A_115 = arith.constant 0 : i32
        %dma_start3A_116 = tpu.memref_slice %arg10[%dma_start3A_114, %dma_start3A_115] : memref<128x128xf32, #tpu.memory_space<vmem>> -> memref<16x128xf32, #tpu.memory_space<vmem>>
        %dma_start3A_117 = arith.constant 9984 : i32
        %dma_start3A_118 = arith.constant 0 : i32
        %dma_start3A_119 = tpu.memref_slice %arg12[%dma_start3A_117, %dma_start3A_118] : memref<10240x128xf32, #tpu.memory_space<vmem_shared>> -> memref<16x128xf32, #tpu.memory_space<vmem_shared>>
        %dma_start3A_120 = arith.constant 0 : i32
        %dma_start3A_121 = arith.constant 0 : i32
        %dma_start3A_122 = tpu.memref_slice %arg10[%dma_start3A_120, %dma_start3A_121] : memref<128x128xf32, #tpu.memory_space<vmem>> -> memref<16x128xf32, #tpu.memory_space<vmem>>
        %dma_start3A_123 = arith.constant 9984 : i32
        %dma_start3A_124 = arith.constant 0 : i32
        %dma_start3A_125 = tpu.memref_slice %arg12[%dma_start3A_123, %dma_start3A_124] : memref<10240x128xf32, #tpu.memory_space<vmem_shared>> -> memref<16x128xf32, #tpu.memory_space<vmem_shared>>
        tpu.enqueue_dma source(%dma_start3A_125 : memref<16x128xf32, #tpu.memory_space<vmem_shared>>) target(%dma_start3A_122 : memref<16x128xf32, #tpu.memory_space<vmem>>) target_semaphore(%run_scoped3A : memref<!tpu.dma_semaphore, #tpu.memory_space<semaphore_mem>>)
        %dma_wait3A_126 = arith.constant 0 : i32
        %dma_wait3A_127 = arith.constant 0 : i32
        %dma_wait3A_128 = tpu.memref_slice %arg10[%dma_wait3A_126, %dma_wait3A_127] : memref<128x128xf32, #tpu.memory_space<vmem>> -> memref<16x128xf32, #tpu.memory_space<vmem>>
        %dma_wait3A_129 = arith.constant 9984 : i32
        %dma_wait3A_130 = arith.constant 0 : i32
        %dma_wait3A_131 = tpu.memref_slice %arg12[%dma_wait3A_129, %dma_wait3A_130] : memref<10240x128xf32, #tpu.memory_space<vmem_shared>> -> memref<16x128xf32, #tpu.memory_space<vmem_shared>>
        %dma_wait3A_132 = arith.constant 0 : i32
        %dma_wait3A_133 = arith.constant 0 : i32
        %dma_wait3A_134 = tpu.memref_slice %arg10[%dma_wait3A_132, %dma_wait3A_133] : memref<128x128xf32, #tpu.memory_space<vmem>> -> memref<16x128xf32, #tpu.memory_space<vmem>>
        %dma_wait3A_135 = arith.constant 9984 : i32
        %dma_wait3A_136 = arith.constant 0 : i32
        %dma_wait3A_137 = tpu.memref_slice %arg12[%dma_wait3A_135, %dma_wait3A_136] : memref<10240x128xf32, #tpu.memory_space<vmem_shared>> -> memref<16x128xf32, #tpu.memory_space<vmem_shared>>
        tpu.wait_dma2 semaphore(%run_scoped3A : memref<!tpu.dma_semaphore, #tpu.memory_space<semaphore_mem>>) src(%dma_wait3A_137 : memref<16x128xf32, #tpu.memory_space<vmem_shared>>) dst(%dma_wait3A_134 : memref<16x128xf32, #tpu.memory_space<vmem>>)
        tpu.yield
      }) : () -> ()
      "tpu.region"() ({
        %run_scoped3A = tpu.sem_alloc : memref<!tpu.dma_semaphore, #tpu.memory_space<semaphore_mem>>
        %dma_start3A_114 = arith.constant 0 : i32
        %dma_start3A_115 = arith.constant 0 : i32
        %dma_start3A_116 = tpu.memref_slice %arg10[%dma_start3A_114, %dma_start3A_115] : memref<128x128xf32, #tpu.memory_space<vmem>> -> memref<16x128xf32, #tpu.memory_space<vmem>>
        %dma_start3A_117 = arith.constant 9984 : i32
        %dma_start3A_118 = arith.constant 0 : i32
        %dma_start3A_119 = tpu.memref_slice %arg6[%dma_start3A_117, %dma_start3A_118] : memref<10000x128xf32, #tpu.memory_space<hbm>> -> memref<16x128xf32, #tpu.memory_space<hbm>>
        %dma_start3A_120 = arith.constant 9984 : i32
        %dma_start3A_121 = arith.constant 0 : i32
        %dma_start3A_122 = tpu.memref_slice %arg6[%dma_start3A_120, %dma_start3A_121] : memref<10000x128xf32, #tpu.memory_space<hbm>> -> memref<16x128xf32, #tpu.memory_space<hbm>>
        %dma_start3A_123 = arith.constant 0 : i32
        %dma_start3A_124 = arith.constant 0 : i32
        %dma_start3A_125 = tpu.memref_slice %arg10[%dma_start3A_123, %dma_start3A_124] : memref<128x128xf32, #tpu.memory_space<vmem>> -> memref<16x128xf32, #tpu.memory_space<vmem>>
        tpu.enqueue_dma source(%dma_start3A_125 : memref<16x128xf32, #tpu.memory_space<vmem>>) target(%dma_start3A_122 : memref<16x128xf32, #tpu.memory_space<hbm>>) target_semaphore(%run_scoped3A : memref<!tpu.dma_semaphore, #tpu.memory_space<semaphore_mem>>)
        %dma_wait3A_126 = arith.constant 0 : i32
        %dma_wait3A_127 = arith.constant 0 : i32
        %dma_wait3A_128 = tpu.memref_slice %arg10[%dma_wait3A_126, %dma_wait3A_127] : memref<128x128xf32, #tpu.memory_space<vmem>> -> memref<16x128xf32, #tpu.memory_space<vmem>>
        %dma_wait3A_129 = arith.constant 9984 : i32
        %dma_wait3A_130 = arith.constant 0 : i32
        %dma_wait3A_131 = tpu.memref_slice %arg6[%dma_wait3A_129, %dma_wait3A_130] : memref<10000x128xf32, #tpu.memory_space<hbm>> -> memref<16x128xf32, #tpu.memory_space<hbm>>
        %dma_wait3A_132 = arith.constant 9984 : i32
        %dma_wait3A_133 = arith.constant 0 : i32
        %dma_wait3A_134 = tpu.memref_slice %arg6[%dma_wait3A_132, %dma_wait3A_133] : memref<10000x128xf32, #tpu.memory_space<hbm>> -> memref<16x128xf32, #tpu.memory_space<hbm>>
        %dma_wait3A_135 = arith.constant 0 : i32
        %dma_wait3A_136 = arith.constant 0 : i32
        %dma_wait3A_137 = tpu.memref_slice %arg10[%dma_wait3A_135, %dma_wait3A_136] : memref<128x128xf32, #tpu.memory_space<vmem>> -> memref<16x128xf32, #tpu.memory_space<vmem>>
        tpu.wait_dma2 semaphore(%run_scoped3A : memref<!tpu.dma_semaphore, #tpu.memory_space<semaphore_mem>>) src(%dma_wait3A_137 : memref<16x128xf32, #tpu.memory_space<vmem>>) dst(%dma_wait3A_134 : memref<16x128xf32, #tpu.memory_space<hbm>>)
        tpu.yield
      }) : () -> ()
    } else {
    }
    %eq3A_101 = arith.constant 1 : i32
    %eq3A_102 = arith.cmpi eq, %arg0, %eq3A_101 : i32
    %convert_element_type3A_103 = arith.extui %eq3A_102 : i1 to i32
    %cond3A_104 = arith.constant 0 : i32
    %cond3A_105 = arith.cmpi ne, %convert_element_type3A_103, %cond3A_104 : i32
    scf.if %cond3A_105 {
      %mul3A_114 = arith.constant 624 : i32
      %mul3A_115 = arith.muli %arg1, %mul3A_114 : i32
      %add3A_116 = arith.constant 0 : i32
      %add3A_117 = arith.addi %mul3A_115, %add3A_116 : i32
      %dma_start3A_118 = arith.constant 0 : i32
      %dma_start3A_119 = arith.constant 0 : i32
      %dma_start3A_120 = tpu.memref_slice %arg10[%dma_start3A_118, %dma_start3A_119] : memref<128x128xf32, #tpu.memory_space<vmem>> -> memref<128x128xf32, #tpu.memory_space<vmem>>
      %dma_start3A_121 = arith.constant 0 : i32
      %dma_start3A_122 = tpu.memref_slice %arg12[%add3A_117, %dma_start3A_121] : memref<10240x128xf32, #tpu.memory_space<vmem_shared>> -> memref<128x128xf32, #tpu.memory_space<vmem_shared>>
      %dma_start3A_123 = arith.constant 0 : i32
      %dma_start3A_124 = arith.constant 0 : i32
      %dma_start3A_125 = tpu.memref_slice %arg10[%dma_start3A_123, %dma_start3A_124] : memref<128x128xf32, #tpu.memory_space<vmem>> -> memref<128x128xf32, #tpu.memory_space<vmem>>
      %dma_start3A_126 = arith.constant 0 : i32
      %dma_start3A_127 = tpu.memref_slice %arg12[%add3A_117, %dma_start3A_126] : memref<10240x128xf32, #tpu.memory_space<vmem_shared>> -> memref<128x128xf32, #tpu.memory_space<vmem_shared>>
      tpu.enqueue_dma source(%dma_start3A_127 : memref<128x128xf32, #tpu.memory_space<vmem_shared>>) target(%dma_start3A_125 : memref<128x128xf32, #tpu.memory_space<vmem>>) target_semaphore(%arg13 : memref<!tpu.dma_semaphore, #tpu.memory_space<semaphore_mem>>)
      %mul3A_128 = arith.constant 624 : i32
      %mul3A_129 = arith.muli %arg1, %mul3A_128 : i32
      %add3A_130 = arith.constant 128 : i32
      %add3A_131 = arith.addi %mul3A_129, %add3A_130 : i32
      %dma_start3A_132 = arith.constant 0 : i32
      %dma_start3A_133 = arith.constant 0 : i32
      %dma_start3A_134 = tpu.memref_slice %arg11[%dma_start3A_132, %dma_start3A_133] : memref<128x128xf32, #tpu.memory_space<vmem>> -> memref<128x128xf32, #tpu.memory_space<vmem>>
      %dma_start3A_135 = arith.constant 0 : i32
      %dma_start3A_136 = tpu.memref_slice %arg12[%add3A_131, %dma_start3A_135] : memref<10240x128xf32, #tpu.memory_space<vmem_shared>> -> memref<128x128xf32, #tpu.memory_space<vmem_shared>>
      %dma_start3A_137 = arith.constant 0 : i32
      %dma_start3A_138 = arith.constant 0 : i32
      %dma_start3A_139 = tpu.memref_slice %arg11[%dma_start3A_137, %dma_start3A_138] : memref<128x128xf32, #tpu.memory_space<vmem>> -> memref<128x128xf32, #tpu.memory_space<vmem>>
      %dma_start3A_140 = arith.constant 0 : i32
      %dma_start3A_141 = tpu.memref_slice %arg12[%add3A_131, %dma_start3A_140] : memref<10240x128xf32, #tpu.memory_space<vmem_shared>> -> memref<128x128xf32, #tpu.memory_space<vmem_shared>>
      tpu.enqueue_dma source(%dma_start3A_141 : memref<128x128xf32, #tpu.memory_space<vmem_shared>>) target(%dma_start3A_139 : memref<128x128xf32, #tpu.memory_space<vmem>>) target_semaphore(%arg14 : memref<!tpu.dma_semaphore, #tpu.memory_space<semaphore_mem>>)
      %mul3A_142 = arith.constant 624 : i32
      %mul3A_143 = arith.muli %arg1, %mul3A_142 : i32
      %add3A_144 = arith.constant 0 : i32
      %add3A_145 = arith.addi %mul3A_143, %add3A_144 : i32
      %dma_wait3A_146 = arith.constant 0 : i32
      %dma_wait3A_147 = arith.constant 0 : i32
      %dma_wait3A_148 = tpu.memref_slice %arg10[%dma_wait3A_146, %dma_wait3A_147] : memref<128x128xf32, #tpu.memory_space<vmem>> -> memref<128x128xf32, #tpu.memory_space<vmem>>
      %dma_wait3A_149 = arith.constant 0 : i32
      %dma_wait3A_150 = tpu.memref_slice %arg12[%add3A_145, %dma_wait3A_149] : memref<10240x128xf32, #tpu.memory_space<vmem_shared>> -> memref<128x128xf32, #tpu.memory_space<vmem_shared>>
      %dma_wait3A_151 = arith.constant 0 : i32
      %dma_wait3A_152 = arith.constant 0 : i32
      %dma_wait3A_153 = tpu.memref_slice %arg10[%dma_wait3A_151, %dma_wait3A_152] : memref<128x128xf32, #tpu.memory_space<vmem>> -> memref<128x128xf32, #tpu.memory_space<vmem>>
      %dma_wait3A_154 = arith.constant 0 : i32
      %dma_wait3A_155 = tpu.memref_slice %arg12[%add3A_145, %dma_wait3A_154] : memref<10240x128xf32, #tpu.memory_space<vmem_shared>> -> memref<128x128xf32, #tpu.memory_space<vmem_shared>>
      tpu.wait_dma2 semaphore(%arg13 : memref<!tpu.dma_semaphore, #tpu.memory_space<semaphore_mem>>) src(%dma_wait3A_155 : memref<128x128xf32, #tpu.memory_space<vmem_shared>>) dst(%dma_wait3A_153 : memref<128x128xf32, #tpu.memory_space<vmem>>)
      %mul3A_156 = arith.constant 624 : i32
      %mul3A_157 = arith.muli %arg1, %mul3A_156 : i32
      %add3A_158 = arith.constant 0 : i32
      %add3A_159 = arith.addi %mul3A_157, %add3A_158 : i32
      %dma_start3A_160 = arith.constant 0 : i32
      %dma_start3A_161 = arith.constant 0 : i32
      %dma_start3A_162 = tpu.memref_slice %arg10[%dma_start3A_160, %dma_start3A_161] : memref<128x128xf32, #tpu.memory_space<vmem>> -> memref<128x128xf32, #tpu.memory_space<vmem>>
      %dma_start3A_163 = arith.constant 0 : i32
      %dma_start3A_164 = tpu.memref_slice %arg7[%add3A_159, %dma_start3A_163] : memref<10000x128xf32, #tpu.memory_space<hbm>> -> memref<128x128xf32, #tpu.memory_space<hbm>>
      %dma_start3A_165 = arith.constant 0 : i32
      %dma_start3A_166 = tpu.memref_slice %arg7[%add3A_159, %dma_start3A_165] : memref<10000x128xf32, #tpu.memory_space<hbm>> -> memref<128x128xf32, #tpu.memory_space<hbm>>
      %dma_start3A_167 = arith.constant 0 : i32
      %dma_start3A_168 = arith.constant 0 : i32
      %dma_start3A_169 = tpu.memref_slice %arg10[%dma_start3A_167, %dma_start3A_168] : memref<128x128xf32, #tpu.memory_space<vmem>> -> memref<128x128xf32, #tpu.memory_space<vmem>>
      tpu.enqueue_dma source(%dma_start3A_169 : memref<128x128xf32, #tpu.memory_space<vmem>>) target(%dma_start3A_166 : memref<128x128xf32, #tpu.memory_space<hbm>>) target_semaphore(%arg15 : memref<!tpu.dma_semaphore, #tpu.memory_space<semaphore_mem>>)
      %mul3A_170 = arith.constant 624 : i32
      %mul3A_171 = arith.muli %arg1, %mul3A_170 : i32
      %add3A_172 = arith.constant 0 : i32
      %add3A_173 = arith.addi %mul3A_171, %add3A_172 : i32
      %dma_wait3A_174 = arith.constant 0 : i32
      %dma_wait3A_175 = arith.constant 0 : i32
      %dma_wait3A_176 = tpu.memref_slice %arg10[%dma_wait3A_174, %dma_wait3A_175] : memref<128x128xf32, #tpu.memory_space<vmem>> -> memref<128x128xf32, #tpu.memory_space<vmem>>
      %dma_wait3A_177 = arith.constant 0 : i32
      %dma_wait3A_178 = tpu.memref_slice %arg7[%add3A_173, %dma_wait3A_177] : memref<10000x128xf32, #tpu.memory_space<hbm>> -> memref<128x128xf32, #tpu.memory_space<hbm>>
      %dma_wait3A_179 = arith.constant 0 : i32
      %dma_wait3A_180 = tpu.memref_slice %arg7[%add3A_173, %dma_wait3A_179] : memref<10000x128xf32, #tpu.memory_space<hbm>> -> memref<128x128xf32, #tpu.memory_space<hbm>>
      %dma_wait3A_181 = arith.constant 0 : i32
      %dma_wait3A_182 = arith.constant 0 : i32
      %dma_wait3A_183 = tpu.memref_slice %arg10[%dma_wait3A_181, %dma_wait3A_182] : memref<128x128xf32, #tpu.memory_space<vmem>> -> memref<128x128xf32, #tpu.memory_space<vmem>>
      tpu.wait_dma2 semaphore(%arg15 : memref<!tpu.dma_semaphore, #tpu.memory_space<semaphore_mem>>) src(%dma_wait3A_183 : memref<128x128xf32, #tpu.memory_space<vmem>>) dst(%dma_wait3A_180 : memref<128x128xf32, #tpu.memory_space<hbm>>)
      %mul3A_184 = arith.constant 624 : i32
      %mul3A_185 = arith.muli %arg1, %mul3A_184 : i32
      %add3A_186 = arith.constant 256 : i32
      %add3A_187 = arith.addi %mul3A_185, %add3A_186 : i32
      %dma_start3A_188 = arith.constant 0 : i32
      %dma_start3A_189 = arith.constant 0 : i32
      %dma_start3A_190 = tpu.memref_slice %arg10[%dma_start3A_188, %dma_start3A_189] : memref<128x128xf32, #tpu.memory_space<vmem>> -> memref<128x128xf32, #tpu.memory_space<vmem>>
      %dma_start3A_191 = arith.constant 0 : i32
      %dma_start3A_192 = tpu.memref_slice %arg12[%add3A_187, %dma_start3A_191] : memref<10240x128xf32, #tpu.memory_space<vmem_shared>> -> memref<128x128xf32, #tpu.memory_space<vmem_shared>>
      %dma_start3A_193 = arith.constant 0 : i32
      %dma_start3A_194 = arith.constant 0 : i32
      %dma_start3A_195 = tpu.memref_slice %arg10[%dma_start3A_193, %dma_start3A_194] : memref<128x128xf32, #tpu.memory_space<vmem>> -> memref<128x128xf32, #tpu.memory_space<vmem>>
      %dma_start3A_196 = arith.constant 0 : i32
      %dma_start3A_197 = tpu.memref_slice %arg12[%add3A_187, %dma_start3A_196] : memref<10240x128xf32, #tpu.memory_space<vmem_shared>> -> memref<128x128xf32, #tpu.memory_space<vmem_shared>>
      tpu.enqueue_dma source(%dma_start3A_197 : memref<128x128xf32, #tpu.memory_space<vmem_shared>>) target(%dma_start3A_195 : memref<128x128xf32, #tpu.memory_space<vmem>>) target_semaphore(%arg13 : memref<!tpu.dma_semaphore, #tpu.memory_space<semaphore_mem>>)
      %mul3A_198 = arith.constant 624 : i32
      %mul3A_199 = arith.muli %arg1, %mul3A_198 : i32
      %add3A_200 = arith.constant 128 : i32
      %add3A_201 = arith.addi %mul3A_199, %add3A_200 : i32
      %dma_wait3A_202 = arith.constant 0 : i32
      %dma_wait3A_203 = arith.constant 0 : i32
      %dma_wait3A_204 = tpu.memref_slice %arg11[%dma_wait3A_202, %dma_wait3A_203] : memref<128x128xf32, #tpu.memory_space<vmem>> -> memref<128x128xf32, #tpu.memory_space<vmem>>
      %dma_wait3A_205 = arith.constant 0 : i32
      %dma_wait3A_206 = tpu.memref_slice %arg12[%add3A_201, %dma_wait3A_205] : memref<10240x128xf32, #tpu.memory_space<vmem_shared>> -> memref<128x128xf32, #tpu.memory_space<vmem_shared>>
      %dma_wait3A_207 = arith.constant 0 : i32
      %dma_wait3A_208 = arith.constant 0 : i32
      %dma_wait3A_209 = tpu.memref_slice %arg11[%dma_wait3A_207, %dma_wait3A_208] : memref<128x128xf32, #tpu.memory_space<vmem>> -> memref<128x128xf32, #tpu.memory_space<vmem>>
      %dma_wait3A_210 = arith.constant 0 : i32
      %dma_wait3A_211 = tpu.memref_slice %arg12[%add3A_201, %dma_wait3A_210] : memref<10240x128xf32, #tpu.memory_space<vmem_shared>> -> memref<128x128xf32, #tpu.memory_space<vmem_shared>>
      tpu.wait_dma2 semaphore(%arg14 : memref<!tpu.dma_semaphore, #tpu.memory_space<semaphore_mem>>) src(%dma_wait3A_211 : memref<128x128xf32, #tpu.memory_space<vmem_shared>>) dst(%dma_wait3A_209 : memref<128x128xf32, #tpu.memory_space<vmem>>)
      %mul3A_212 = arith.constant 624 : i32
      %mul3A_213 = arith.muli %arg1, %mul3A_212 : i32
      %add3A_214 = arith.constant 128 : i32
      %add3A_215 = arith.addi %mul3A_213, %add3A_214 : i32
      %dma_start3A_216 = arith.constant 0 : i32
      %dma_start3A_217 = arith.constant 0 : i32
      %dma_start3A_218 = tpu.memref_slice %arg11[%dma_start3A_216, %dma_start3A_217] : memref<128x128xf32, #tpu.memory_space<vmem>> -> memref<128x128xf32, #tpu.memory_space<vmem>>
      %dma_start3A_219 = arith.constant 0 : i32
      %dma_start3A_220 = tpu.memref_slice %arg7[%add3A_215, %dma_start3A_219] : memref<10000x128xf32, #tpu.memory_space<hbm>> -> memref<128x128xf32, #tpu.memory_space<hbm>>
      %dma_start3A_221 = arith.constant 0 : i32
      %dma_start3A_222 = tpu.memref_slice %arg7[%add3A_215, %dma_start3A_221] : memref<10000x128xf32, #tpu.memory_space<hbm>> -> memref<128x128xf32, #tpu.memory_space<hbm>>
      %dma_start3A_223 = arith.constant 0 : i32
      %dma_start3A_224 = arith.constant 0 : i32
      %dma_start3A_225 = tpu.memref_slice %arg11[%dma_start3A_223, %dma_start3A_224] : memref<128x128xf32, #tpu.memory_space<vmem>> -> memref<128x128xf32, #tpu.memory_space<vmem>>
      tpu.enqueue_dma source(%dma_start3A_225 : memref<128x128xf32, #tpu.memory_space<vmem>>) target(%dma_start3A_222 : memref<128x128xf32, #tpu.memory_space<hbm>>) target_semaphore(%arg16 : memref<!tpu.dma_semaphore, #tpu.memory_space<semaphore_mem>>)
      %mul3A_226 = arith.constant 624 : i32
      %mul3A_227 = arith.muli %arg1, %mul3A_226 : i32
      %add3A_228 = arith.constant 128 : i32
      %add3A_229 = arith.addi %mul3A_227, %add3A_228 : i32
      %dma_wait3A_230 = arith.constant 0 : i32
      %dma_wait3A_231 = arith.constant 0 : i32
      %dma_wait3A_232 = tpu.memref_slice %arg11[%dma_wait3A_230, %dma_wait3A_231] : memref<128x128xf32, #tpu.memory_space<vmem>> -> memref<128x128xf32, #tpu.memory_space<vmem>>
      %dma_wait3A_233 = arith.constant 0 : i32
      %dma_wait3A_234 = tpu.memref_slice %arg7[%add3A_229, %dma_wait3A_233] : memref<10000x128xf32, #tpu.memory_space<hbm>> -> memref<128x128xf32, #tpu.memory_space<hbm>>
      %dma_wait3A_235 = arith.constant 0 : i32
      %dma_wait3A_236 = tpu.memref_slice %arg7[%add3A_229, %dma_wait3A_235] : memref<10000x128xf32, #tpu.memory_space<hbm>> -> memref<128x128xf32, #tpu.memory_space<hbm>>
      %dma_wait3A_237 = arith.constant 0 : i32
      %dma_wait3A_238 = arith.constant 0 : i32
      %dma_wait3A_239 = tpu.memref_slice %arg11[%dma_wait3A_237, %dma_wait3A_238] : memref<128x128xf32, #tpu.memory_space<vmem>> -> memref<128x128xf32, #tpu.memory_space<vmem>>
      tpu.wait_dma2 semaphore(%arg16 : memref<!tpu.dma_semaphore, #tpu.memory_space<semaphore_mem>>) src(%dma_wait3A_239 : memref<128x128xf32, #tpu.memory_space<vmem>>) dst(%dma_wait3A_236 : memref<128x128xf32, #tpu.memory_space<hbm>>)
      %mul3A_240 = arith.constant 624 : i32
      %mul3A_241 = arith.muli %arg1, %mul3A_240 : i32
      %add3A_242 = arith.constant 384 : i32
      %add3A_243 = arith.addi %mul3A_241, %add3A_242 : i32
      %dma_start3A_244 = arith.constant 0 : i32
      %dma_start3A_245 = arith.constant 0 : i32
      %dma_start3A_246 = tpu.memref_slice %arg11[%dma_start3A_244, %dma_start3A_245] : memref<128x128xf32, #tpu.memory_space<vmem>> -> memref<128x128xf32, #tpu.memory_space<vmem>>
      %dma_start3A_247 = arith.constant 0 : i32
      %dma_start3A_248 = tpu.memref_slice %arg12[%add3A_243, %dma_start3A_247] : memref<10240x128xf32, #tpu.memory_space<vmem_shared>> -> memref<128x128xf32, #tpu.memory_space<vmem_shared>>
      %dma_start3A_249 = arith.constant 0 : i32
      %dma_start3A_250 = arith.constant 0 : i32
      %dma_start3A_251 = tpu.memref_slice %arg11[%dma_start3A_249, %dma_start3A_250] : memref<128x128xf32, #tpu.memory_space<vmem>> -> memref<128x128xf32, #tpu.memory_space<vmem>>
      %dma_start3A_252 = arith.constant 0 : i32
      %dma_start3A_253 = tpu.memref_slice %arg12[%add3A_243, %dma_start3A_252] : memref<10240x128xf32, #tpu.memory_space<vmem_shared>> -> memref<128x128xf32, #tpu.memory_space<vmem_shared>>
      tpu.enqueue_dma source(%dma_start3A_253 : memref<128x128xf32, #tpu.memory_space<vmem_shared>>) target(%dma_start3A_251 : memref<128x128xf32, #tpu.memory_space<vmem>>) target_semaphore(%arg14 : memref<!tpu.dma_semaphore, #tpu.memory_space<semaphore_mem>>)
      %mul3A_254 = arith.constant 624 : i32
      %mul3A_255 = arith.muli %arg1, %mul3A_254 : i32
      %add3A_256 = arith.constant 256 : i32
      %add3A_257 = arith.addi %mul3A_255, %add3A_256 : i32
      %dma_wait3A_258 = arith.constant 0 : i32
      %dma_wait3A_259 = arith.constant 0 : i32
      %dma_wait3A_260 = tpu.memref_slice %arg10[%dma_wait3A_258, %dma_wait3A_259] : memref<128x128xf32, #tpu.memory_space<vmem>> -> memref<128x128xf32, #tpu.memory_space<vmem>>
      %dma_wait3A_261 = arith.constant 0 : i32
      %dma_wait3A_262 = tpu.memref_slice %arg12[%add3A_257, %dma_wait3A_261] : memref<10240x128xf32, #tpu.memory_space<vmem_shared>> -> memref<128x128xf32, #tpu.memory_space<vmem_shared>>
      %dma_wait3A_263 = arith.constant 0 : i32
      %dma_wait3A_264 = arith.constant 0 : i32
      %dma_wait3A_265 = tpu.memref_slice %arg10[%dma_wait3A_263, %dma_wait3A_264] : memref<128x128xf32, #tpu.memory_space<vmem>> -> memref<128x128xf32, #tpu.memory_space<vmem>>
      %dma_wait3A_266 = arith.constant 0 : i32
      %dma_wait3A_267 = tpu.memref_slice %arg12[%add3A_257, %dma_wait3A_266] : memref<10240x128xf32, #tpu.memory_space<vmem_shared>> -> memref<128x128xf32, #tpu.memory_space<vmem_shared>>
      tpu.wait_dma2 semaphore(%arg13 : memref<!tpu.dma_semaphore, #tpu.memory_space<semaphore_mem>>) src(%dma_wait3A_267 : memref<128x128xf32, #tpu.memory_space<vmem_shared>>) dst(%dma_wait3A_265 : memref<128x128xf32, #tpu.memory_space<vmem>>)
      %mul3A_268 = arith.constant 624 : i32
      %mul3A_269 = arith.muli %arg1, %mul3A_268 : i32
      %add3A_270 = arith.constant 256 : i32
      %add3A_271 = arith.addi %mul3A_269, %add3A_270 : i32
      %dma_start3A_272 = arith.constant 0 : i32
      %dma_start3A_273 = arith.constant 0 : i32
      %dma_start3A_274 = tpu.memref_slice %arg10[%dma_start3A_272, %dma_start3A_273] : memref<128x128xf32, #tpu.memory_space<vmem>> -> memref<128x128xf32, #tpu.memory_space<vmem>>
      %dma_start3A_275 = arith.constant 0 : i32
      %dma_start3A_276 = tpu.memref_slice %arg7[%add3A_271, %dma_start3A_275] : memref<10000x128xf32, #tpu.memory_space<hbm>> -> memref<128x128xf32, #tpu.memory_space<hbm>>
      %dma_start3A_277 = arith.constant 0 : i32
      %dma_start3A_278 = tpu.memref_slice %arg7[%add3A_271, %dma_start3A_277] : memref<10000x128xf32, #tpu.memory_space<hbm>> -> memref<128x128xf32, #tpu.memory_space<hbm>>
      %dma_start3A_279 = arith.constant 0 : i32
      %dma_start3A_280 = arith.constant 0 : i32
      %dma_start3A_281 = tpu.memref_slice %arg10[%dma_start3A_279, %dma_start3A_280] : memref<128x128xf32, #tpu.memory_space<vmem>> -> memref<128x128xf32, #tpu.memory_space<vmem>>
      tpu.enqueue_dma source(%dma_start3A_281 : memref<128x128xf32, #tpu.memory_space<vmem>>) target(%dma_start3A_278 : memref<128x128xf32, #tpu.memory_space<hbm>>) target_semaphore(%arg15 : memref<!tpu.dma_semaphore, #tpu.memory_space<semaphore_mem>>)
      %mul3A_282 = arith.constant 624 : i32
      %mul3A_283 = arith.muli %arg1, %mul3A_282 : i32
      %add3A_284 = arith.constant 256 : i32
      %add3A_285 = arith.addi %mul3A_283, %add3A_284 : i32
      %dma_wait3A_286 = arith.constant 0 : i32
      %dma_wait3A_287 = arith.constant 0 : i32
      %dma_wait3A_288 = tpu.memref_slice %arg10[%dma_wait3A_286, %dma_wait3A_287] : memref<128x128xf32, #tpu.memory_space<vmem>> -> memref<128x128xf32, #tpu.memory_space<vmem>>
      %dma_wait3A_289 = arith.constant 0 : i32
      %dma_wait3A_290 = tpu.memref_slice %arg7[%add3A_285, %dma_wait3A_289] : memref<10000x128xf32, #tpu.memory_space<hbm>> -> memref<128x128xf32, #tpu.memory_space<hbm>>
      %dma_wait3A_291 = arith.constant 0 : i32
      %dma_wait3A_292 = tpu.memref_slice %arg7[%add3A_285, %dma_wait3A_291] : memref<10000x128xf32, #tpu.memory_space<hbm>> -> memref<128x128xf32, #tpu.memory_space<hbm>>
      %dma_wait3A_293 = arith.constant 0 : i32
      %dma_wait3A_294 = arith.constant 0 : i32
      %dma_wait3A_295 = tpu.memref_slice %arg10[%dma_wait3A_293, %dma_wait3A_294] : memref<128x128xf32, #tpu.memory_space<vmem>> -> memref<128x128xf32, #tpu.memory_space<vmem>>
      tpu.wait_dma2 semaphore(%arg15 : memref<!tpu.dma_semaphore, #tpu.memory_space<semaphore_mem>>) src(%dma_wait3A_295 : memref<128x128xf32, #tpu.memory_space<vmem>>) dst(%dma_wait3A_292 : memref<128x128xf32, #tpu.memory_space<hbm>>)
      %mul3A_296 = arith.constant 624 : i32
      %mul3A_297 = arith.muli %arg1, %mul3A_296 : i32
      %add3A_298 = arith.constant 512 : i32
      %add3A_299 = arith.addi %mul3A_297, %add3A_298 : i32
      %dma_start3A_300 = arith.constant 0 : i32
      %dma_start3A_301 = arith.constant 0 : i32
      %dma_start3A_302 = tpu.memref_slice %arg10[%dma_start3A_300, %dma_start3A_301] : memref<128x128xf32, #tpu.memory_space<vmem>> -> memref<112x128xf32, #tpu.memory_space<vmem>>
      %dma_start3A_303 = arith.constant 0 : i32
      %dma_start3A_304 = tpu.memref_slice %arg12[%add3A_299, %dma_start3A_303] : memref<10240x128xf32, #tpu.memory_space<vmem_shared>> -> memref<112x128xf32, #tpu.memory_space<vmem_shared>>
      %dma_start3A_305 = arith.constant 0 : i32
      %dma_start3A_306 = arith.constant 0 : i32
      %dma_start3A_307 = tpu.memref_slice %arg10[%dma_start3A_305, %dma_start3A_306] : memref<128x128xf32, #tpu.memory_space<vmem>> -> memref<112x128xf32, #tpu.memory_space<vmem>>
      %dma_start3A_308 = arith.constant 0 : i32
      %dma_start3A_309 = tpu.memref_slice %arg12[%add3A_299, %dma_start3A_308] : memref<10240x128xf32, #tpu.memory_space<vmem_shared>> -> memref<112x128xf32, #tpu.memory_space<vmem_shared>>
      tpu.enqueue_dma source(%dma_start3A_309 : memref<112x128xf32, #tpu.memory_space<vmem_shared>>) target(%dma_start3A_307 : memref<112x128xf32, #tpu.memory_space<vmem>>) target_semaphore(%arg13 : memref<!tpu.dma_semaphore, #tpu.memory_space<semaphore_mem>>)
      %mul3A_310 = arith.constant 624 : i32
      %mul3A_311 = arith.muli %arg1, %mul3A_310 : i32
      %add3A_312 = arith.constant 384 : i32
      %add3A_313 = arith.addi %mul3A_311, %add3A_312 : i32
      %dma_wait3A_314 = arith.constant 0 : i32
      %dma_wait3A_315 = arith.constant 0 : i32
      %dma_wait3A_316 = tpu.memref_slice %arg11[%dma_wait3A_314, %dma_wait3A_315] : memref<128x128xf32, #tpu.memory_space<vmem>> -> memref<128x128xf32, #tpu.memory_space<vmem>>
      %dma_wait3A_317 = arith.constant 0 : i32
      %dma_wait3A_318 = tpu.memref_slice %arg12[%add3A_313, %dma_wait3A_317] : memref<10240x128xf32, #tpu.memory_space<vmem_shared>> -> memref<128x128xf32, #tpu.memory_space<vmem_shared>>
      %dma_wait3A_319 = arith.constant 0 : i32
      %dma_wait3A_320 = arith.constant 0 : i32
      %dma_wait3A_321 = tpu.memref_slice %arg11[%dma_wait3A_319, %dma_wait3A_320] : memref<128x128xf32, #tpu.memory_space<vmem>> -> memref<128x128xf32, #tpu.memory_space<vmem>>
      %dma_wait3A_322 = arith.constant 0 : i32
      %dma_wait3A_323 = tpu.memref_slice %arg12[%add3A_313, %dma_wait3A_322] : memref<10240x128xf32, #tpu.memory_space<vmem_shared>> -> memref<128x128xf32, #tpu.memory_space<vmem_shared>>
      tpu.wait_dma2 semaphore(%arg14 : memref<!tpu.dma_semaphore, #tpu.memory_space<semaphore_mem>>) src(%dma_wait3A_323 : memref<128x128xf32, #tpu.memory_space<vmem_shared>>) dst(%dma_wait3A_321 : memref<128x128xf32, #tpu.memory_space<vmem>>)
      %mul3A_324 = arith.constant 624 : i32
      %mul3A_325 = arith.muli %arg1, %mul3A_324 : i32
      %add3A_326 = arith.constant 384 : i32
      %add3A_327 = arith.addi %mul3A_325, %add3A_326 : i32
      %dma_start3A_328 = arith.constant 0 : i32
      %dma_start3A_329 = arith.constant 0 : i32
      %dma_start3A_330 = tpu.memref_slice %arg11[%dma_start3A_328, %dma_start3A_329] : memref<128x128xf32, #tpu.memory_space<vmem>> -> memref<128x128xf32, #tpu.memory_space<vmem>>
      %dma_start3A_331 = arith.constant 0 : i32
      %dma_start3A_332 = tpu.memref_slice %arg7[%add3A_327, %dma_start3A_331] : memref<10000x128xf32, #tpu.memory_space<hbm>> -> memref<128x128xf32, #tpu.memory_space<hbm>>
      %dma_start3A_333 = arith.constant 0 : i32
      %dma_start3A_334 = tpu.memref_slice %arg7[%add3A_327, %dma_start3A_333] : memref<10000x128xf32, #tpu.memory_space<hbm>> -> memref<128x128xf32, #tpu.memory_space<hbm>>
      %dma_start3A_335 = arith.constant 0 : i32
      %dma_start3A_336 = arith.constant 0 : i32
      %dma_start3A_337 = tpu.memref_slice %arg11[%dma_start3A_335, %dma_start3A_336] : memref<128x128xf32, #tpu.memory_space<vmem>> -> memref<128x128xf32, #tpu.memory_space<vmem>>
      tpu.enqueue_dma source(%dma_start3A_337 : memref<128x128xf32, #tpu.memory_space<vmem>>) target(%dma_start3A_334 : memref<128x128xf32, #tpu.memory_space<hbm>>) target_semaphore(%arg16 : memref<!tpu.dma_semaphore, #tpu.memory_space<semaphore_mem>>)
      %mul3A_338 = arith.constant 624 : i32
      %mul3A_339 = arith.muli %arg1, %mul3A_338 : i32
      %add3A_340 = arith.constant 512 : i32
      %add3A_341 = arith.addi %mul3A_339, %add3A_340 : i32
      %dma_wait3A_342 = arith.constant 0 : i32
      %dma_wait3A_343 = arith.constant 0 : i32
      %dma_wait3A_344 = tpu.memref_slice %arg10[%dma_wait3A_342, %dma_wait3A_343] : memref<128x128xf32, #tpu.memory_space<vmem>> -> memref<112x128xf32, #tpu.memory_space<vmem>>
      %dma_wait3A_345 = arith.constant 0 : i32
      %dma_wait3A_346 = tpu.memref_slice %arg12[%add3A_341, %dma_wait3A_345] : memref<10240x128xf32, #tpu.memory_space<vmem_shared>> -> memref<112x128xf32, #tpu.memory_space<vmem_shared>>
      %dma_wait3A_347 = arith.constant 0 : i32
      %dma_wait3A_348 = arith.constant 0 : i32
      %dma_wait3A_349 = tpu.memref_slice %arg10[%dma_wait3A_347, %dma_wait3A_348] : memref<128x128xf32, #tpu.memory_space<vmem>> -> memref<112x128xf32, #tpu.memory_space<vmem>>
      %dma_wait3A_350 = arith.constant 0 : i32
      %dma_wait3A_351 = tpu.memref_slice %arg12[%add3A_341, %dma_wait3A_350] : memref<10240x128xf32, #tpu.memory_space<vmem_shared>> -> memref<112x128xf32, #tpu.memory_space<vmem_shared>>
      tpu.wait_dma2 semaphore(%arg13 : memref<!tpu.dma_semaphore, #tpu.memory_space<semaphore_mem>>) src(%dma_wait3A_351 : memref<112x128xf32, #tpu.memory_space<vmem_shared>>) dst(%dma_wait3A_349 : memref<112x128xf32, #tpu.memory_space<vmem>>)
      %mul3A_352 = arith.constant 624 : i32
      %mul3A_353 = arith.muli %arg1, %mul3A_352 : i32
      %add3A_354 = arith.constant 512 : i32
      %add3A_355 = arith.addi %mul3A_353, %add3A_354 : i32
      %dma_start3A_356 = arith.constant 0 : i32
      %dma_start3A_357 = arith.constant 0 : i32
      %dma_start3A_358 = tpu.memref_slice %arg10[%dma_start3A_356, %dma_start3A_357] : memref<128x128xf32, #tpu.memory_space<vmem>> -> memref<112x128xf32, #tpu.memory_space<vmem>>
      %dma_start3A_359 = arith.constant 0 : i32
      %dma_start3A_360 = tpu.memref_slice %arg7[%add3A_355, %dma_start3A_359] : memref<10000x128xf32, #tpu.memory_space<hbm>> -> memref<112x128xf32, #tpu.memory_space<hbm>>
      %dma_start3A_361 = arith.constant 0 : i32
      %dma_start3A_362 = tpu.memref_slice %arg7[%add3A_355, %dma_start3A_361] : memref<10000x128xf32, #tpu.memory_space<hbm>> -> memref<112x128xf32, #tpu.memory_space<hbm>>
      %dma_start3A_363 = arith.constant 0 : i32
      %dma_start3A_364 = arith.constant 0 : i32
      %dma_start3A_365 = tpu.memref_slice %arg10[%dma_start3A_363, %dma_start3A_364] : memref<128x128xf32, #tpu.memory_space<vmem>> -> memref<112x128xf32, #tpu.memory_space<vmem>>
      tpu.enqueue_dma source(%dma_start3A_365 : memref<112x128xf32, #tpu.memory_space<vmem>>) target(%dma_start3A_362 : memref<112x128xf32, #tpu.memory_space<hbm>>) target_semaphore(%arg15 : memref<!tpu.dma_semaphore, #tpu.memory_space<semaphore_mem>>)
      %mul3A_366 = arith.constant 624 : i32
      %mul3A_367 = arith.muli %arg1, %mul3A_366 : i32
      %add3A_368 = arith.constant 384 : i32
      %add3A_369 = arith.addi %mul3A_367, %add3A_368 : i32
      %dma_wait3A_370 = arith.constant 0 : i32
      %dma_wait3A_371 = arith.constant 0 : i32
      %dma_wait3A_372 = tpu.memref_slice %arg11[%dma_wait3A_370, %dma_wait3A_371] : memref<128x128xf32, #tpu.memory_space<vmem>> -> memref<128x128xf32, #tpu.memory_space<vmem>>
      %dma_wait3A_373 = arith.constant 0 : i32
      %dma_wait3A_374 = tpu.memref_slice %arg7[%add3A_369, %dma_wait3A_373] : memref<10000x128xf32, #tpu.memory_space<hbm>> -> memref<128x128xf32, #tpu.memory_space<hbm>>
      %dma_wait3A_375 = arith.constant 0 : i32
      %dma_wait3A_376 = tpu.memref_slice %arg7[%add3A_369, %dma_wait3A_375] : memref<10000x128xf32, #tpu.memory_space<hbm>> -> memref<128x128xf32, #tpu.memory_space<hbm>>
      %dma_wait3A_377 = arith.constant 0 : i32
      %dma_wait3A_378 = arith.constant 0 : i32
      %dma_wait3A_379 = tpu.memref_slice %arg11[%dma_wait3A_377, %dma_wait3A_378] : memref<128x128xf32, #tpu.memory_space<vmem>> -> memref<128x128xf32, #tpu.memory_space<vmem>>
      tpu.wait_dma2 semaphore(%arg16 : memref<!tpu.dma_semaphore, #tpu.memory_space<semaphore_mem>>) src(%dma_wait3A_379 : memref<128x128xf32, #tpu.memory_space<vmem>>) dst(%dma_wait3A_376 : memref<128x128xf32, #tpu.memory_space<hbm>>)
      %mul3A_380 = arith.constant 624 : i32
      %mul3A_381 = arith.muli %arg1, %mul3A_380 : i32
      %add3A_382 = arith.constant 512 : i32
      %add3A_383 = arith.addi %mul3A_381, %add3A_382 : i32
      %dma_wait3A_384 = arith.constant 0 : i32
      %dma_wait3A_385 = arith.constant 0 : i32
      %dma_wait3A_386 = tpu.memref_slice %arg10[%dma_wait3A_384, %dma_wait3A_385] : memref<128x128xf32, #tpu.memory_space<vmem>> -> memref<112x128xf32, #tpu.memory_space<vmem>>
      %dma_wait3A_387 = arith.constant 0 : i32
      %dma_wait3A_388 = tpu.memref_slice %arg7[%add3A_383, %dma_wait3A_387] : memref<10000x128xf32, #tpu.memory_space<hbm>> -> memref<112x128xf32, #tpu.memory_space<hbm>>
      %dma_wait3A_389 = arith.constant 0 : i32
      %dma_wait3A_390 = tpu.memref_slice %arg7[%add3A_383, %dma_wait3A_389] : memref<10000x128xf32, #tpu.memory_space<hbm>> -> memref<112x128xf32, #tpu.memory_space<hbm>>
      %dma_wait3A_391 = arith.constant 0 : i32
      %dma_wait3A_392 = arith.constant 0 : i32
      %dma_wait3A_393 = tpu.memref_slice %arg10[%dma_wait3A_391, %dma_wait3A_392] : memref<128x128xf32, #tpu.memory_space<vmem>> -> memref<112x128xf32, #tpu.memory_space<vmem>>
      tpu.wait_dma2 semaphore(%arg15 : memref<!tpu.dma_semaphore, #tpu.memory_space<semaphore_mem>>) src(%dma_wait3A_393 : memref<112x128xf32, #tpu.memory_space<vmem>>) dst(%dma_wait3A_390 : memref<112x128xf32, #tpu.memory_space<hbm>>)
    } else {
    }
    %eq3A_106 = arith.constant 1 : i32
    %eq3A_107 = arith.cmpi eq, %arg0, %eq3A_106 : i32
    %eq3A_108 = arith.constant 15 : i32
    %eq3A_109 = arith.cmpi eq, %arg1, %eq3A_108 : i32
    %and3A_110 = arith.andi %eq3A_107, %eq3A_109 : i1
    %convert_element_type3A_111 = arith.extui %and3A_110 : i1 to i32
    %cond3A_112 = arith.constant 0 : i32
    %cond3A_113 = arith.cmpi ne, %convert_element_type3A_111, %cond3A_112 : i32
    scf.if %cond3A_113 {
      "tpu.region"() ({
        %run_scoped3A = tpu.sem_alloc : memref<!tpu.dma_semaphore, #tpu.memory_space<semaphore_mem>>
        %dma_start3A_114 = arith.constant 0 : i32
        %dma_start3A_115 = arith.constant 0 : i32
        %dma_start3A_116 = tpu.memref_slice %arg10[%dma_start3A_114, %dma_start3A_115] : memref<128x128xf32, #tpu.memory_space<vmem>> -> memref<16x128xf32, #tpu.memory_space<vmem>>
        %dma_start3A_117 = arith.constant 9984 : i32
        %dma_start3A_118 = arith.constant 0 : i32
        %dma_start3A_119 = tpu.memref_slice %arg12[%dma_start3A_117, %dma_start3A_118] : memref<10240x128xf32, #tpu.memory_space<vmem_shared>> -> memref<16x128xf32, #tpu.memory_space<vmem_shared>>
        %dma_start3A_120 = arith.constant 0 : i32
        %dma_start3A_121 = arith.constant 0 : i32
        %dma_start3A_122 = tpu.memref_slice %arg10[%dma_start3A_120, %dma_start3A_121] : memref<128x128xf32, #tpu.memory_space<vmem>> -> memref<16x128xf32, #tpu.memory_space<vmem>>
        %dma_start3A_123 = arith.constant 9984 : i32
        %dma_start3A_124 = arith.constant 0 : i32
        %dma_start3A_125 = tpu.memref_slice %arg12[%dma_start3A_123, %dma_start3A_124] : memref<10240x128xf32, #tpu.memory_space<vmem_shared>> -> memref<16x128xf32, #tpu.memory_space<vmem_shared>>
        tpu.enqueue_dma source(%dma_start3A_125 : memref<16x128xf32, #tpu.memory_space<vmem_shared>>) target(%dma_start3A_122 : memref<16x128xf32, #tpu.memory_space<vmem>>) target_semaphore(%run_scoped3A : memref<!tpu.dma_semaphore, #tpu.memory_space<semaphore_mem>>)
        %dma_wait3A_126 = arith.constant 0 : i32
        %dma_wait3A_127 = arith.constant 0 : i32
        %dma_wait3A_128 = tpu.memref_slice %arg10[%dma_wait3A_126, %dma_wait3A_127] : memref<128x128xf32, #tpu.memory_space<vmem>> -> memref<16x128xf32, #tpu.memory_space<vmem>>
        %dma_wait3A_129 = arith.constant 9984 : i32
        %dma_wait3A_130 = arith.constant 0 : i32
        %dma_wait3A_131 = tpu.memref_slice %arg12[%dma_wait3A_129, %dma_wait3A_130] : memref<10240x128xf32, #tpu.memory_space<vmem_shared>> -> memref<16x128xf32, #tpu.memory_space<vmem_shared>>
        %dma_wait3A_132 = arith.constant 0 : i32
        %dma_wait3A_133 = arith.constant 0 : i32
        %dma_wait3A_134 = tpu.memref_slice %arg10[%dma_wait3A_132, %dma_wait3A_133] : memref<128x128xf32, #tpu.memory_space<vmem>> -> memref<16x128xf32, #tpu.memory_space<vmem>>
        %dma_wait3A_135 = arith.constant 9984 : i32
        %dma_wait3A_136 = arith.constant 0 : i32
        %dma_wait3A_137 = tpu.memref_slice %arg12[%dma_wait3A_135, %dma_wait3A_136] : memref<10240x128xf32, #tpu.memory_space<vmem_shared>> -> memref<16x128xf32, #tpu.memory_space<vmem_shared>>
        tpu.wait_dma2 semaphore(%run_scoped3A : memref<!tpu.dma_semaphore, #tpu.memory_space<semaphore_mem>>) src(%dma_wait3A_137 : memref<16x128xf32, #tpu.memory_space<vmem_shared>>) dst(%dma_wait3A_134 : memref<16x128xf32, #tpu.memory_space<vmem>>)
        tpu.yield
      }) : () -> ()
      "tpu.region"() ({
        %run_scoped3A = tpu.sem_alloc : memref<!tpu.dma_semaphore, #tpu.memory_space<semaphore_mem>>
        %dma_start3A_114 = arith.constant 0 : i32
        %dma_start3A_115 = arith.constant 0 : i32
        %dma_start3A_116 = tpu.memref_slice %arg10[%dma_start3A_114, %dma_start3A_115] : memref<128x128xf32, #tpu.memory_space<vmem>> -> memref<16x128xf32, #tpu.memory_space<vmem>>
        %dma_start3A_117 = arith.constant 9984 : i32
        %dma_start3A_118 = arith.constant 0 : i32
        %dma_start3A_119 = tpu.memref_slice %arg7[%dma_start3A_117, %dma_start3A_118] : memref<10000x128xf32, #tpu.memory_space<hbm>> -> memref<16x128xf32, #tpu.memory_space<hbm>>
        %dma_start3A_120 = arith.constant 9984 : i32
        %dma_start3A_121 = arith.constant 0 : i32
        %dma_start3A_122 = tpu.memref_slice %arg7[%dma_start3A_120, %dma_start3A_121] : memref<10000x128xf32, #tpu.memory_space<hbm>> -> memref<16x128xf32, #tpu.memory_space<hbm>>
        %dma_start3A_123 = arith.constant 0 : i32
        %dma_start3A_124 = arith.constant 0 : i32
        %dma_start3A_125 = tpu.memref_slice %arg10[%dma_start3A_123, %dma_start3A_124] : memref<128x128xf32, #tpu.memory_space<vmem>> -> memref<16x128xf32, #tpu.memory_space<vmem>>
        tpu.enqueue_dma source(%dma_start3A_125 : memref<16x128xf32, #tpu.memory_space<vmem>>) target(%dma_start3A_122 : memref<16x128xf32, #tpu.memory_space<hbm>>) target_semaphore(%run_scoped3A : memref<!tpu.dma_semaphore, #tpu.memory_space<semaphore_mem>>)
        %dma_wait3A_126 = arith.constant 0 : i32
        %dma_wait3A_127 = arith.constant 0 : i32
        %dma_wait3A_128 = tpu.memref_slice %arg10[%dma_wait3A_126, %dma_wait3A_127] : memref<128x128xf32, #tpu.memory_space<vmem>> -> memref<16x128xf32, #tpu.memory_space<vmem>>
        %dma_wait3A_129 = arith.constant 9984 : i32
        %dma_wait3A_130 = arith.constant 0 : i32
        %dma_wait3A_131 = tpu.memref_slice %arg7[%dma_wait3A_129, %dma_wait3A_130] : memref<10000x128xf32, #tpu.memory_space<hbm>> -> memref<16x128xf32, #tpu.memory_space<hbm>>
        %dma_wait3A_132 = arith.constant 9984 : i32
        %dma_wait3A_133 = arith.constant 0 : i32
        %dma_wait3A_134 = tpu.memref_slice %arg7[%dma_wait3A_132, %dma_wait3A_133] : memref<10000x128xf32, #tpu.memory_space<hbm>> -> memref<16x128xf32, #tpu.memory_space<hbm>>
        %dma_wait3A_135 = arith.constant 0 : i32
        %dma_wait3A_136 = arith.constant 0 : i32
        %dma_wait3A_137 = tpu.memref_slice %arg10[%dma_wait3A_135, %dma_wait3A_136] : memref<128x128xf32, #tpu.memory_space<vmem>> -> memref<16x128xf32, #tpu.memory_space<vmem>>
        tpu.wait_dma2 semaphore(%run_scoped3A : memref<!tpu.dma_semaphore, #tpu.memory_space<semaphore_mem>>) src(%dma_wait3A_137 : memref<16x128xf32, #tpu.memory_space<vmem>>) dst(%dma_wait3A_134 : memref<16x128xf32, #tpu.memory_space<hbm>>)
        tpu.yield
      }) : () -> ()
    } else {
    }
    return
  }
}

module attributes {stable_mosaic.version = 14 : i64} {
  func.func @_input_body(%arg0: i32, %arg1: memref<1000x256xf32, #tpu.memory_space<vmem>>, %arg2: memref<256x128xf32, #tpu.memory_space<vmem>>, %arg3: memref<1x128xf32, #tpu.memory_space<vmem>>, %arg4: memref<1000x128xf32, #tpu.memory_space<vmem>>) attributes {dimension_semantics = [#tpu.dimension_semantics<arbitrary>], iteration_bounds = array<i64: 10>, scalar_prefetch = 0 : i64, scratch_operands = 0 : i64, tpu.core_type = #tpu.core_type<tc>, window_params = [{transform_indices = @transform_0, window_bounds = array<i64: 1000, 256>}, {pipeline_mode = #tpu.pipeline_mode<synchronous>, transform_indices = @transform_1, window_bounds = array<i64: 256, 128>}, {pipeline_mode = #tpu.pipeline_mode<synchronous>, transform_indices = @transform_2, window_bounds = array<i64: 1, 128>}, {transform_indices = @transform_3, window_bounds = array<i64: 1000, 128>}]} {
    %get3A = arith.constant 0 : index
    %get3A_0 = arith.constant 0 : index
    %get3A_1 = vector.load %arg1[%get3A, %get3A_0] : memref<1000x256xf32, #tpu.memory_space<vmem>>, vector<1000x256xf32>
    %get3A_2 = arith.constant 0 : index
    %get3A_3 = arith.constant 0 : index
    %get3A_4 = vector.load %arg2[%get3A_2, %get3A_3] : memref<256x128xf32, #tpu.memory_space<vmem>>, vector<256x128xf32>
    %dot_general3A = arith.constant dense<0.000000e+00> : vector<1000x128xf32>
    %dot_general3A_5 = tpu.matmul %get3A_1, %get3A_4, %dot_general3A {dimension_numbers = #tpu.dot_dimension_numbers<[1], [0], [0], [1], [0, 0, 1, 1], [], []>, transpose_lhs_hint = false} : vector<1000x256xf32>, vector<256x128xf32>, vector<1000x128xf32> -> vector<1000x128xf32>
    %get3A_6 = arith.constant 0 : index
    %get3A_7 = arith.constant 0 : index
    %get3A_8 = vector.load %arg3[%get3A_6, %get3A_7] : memref<1x128xf32, #tpu.memory_space<vmem>>, vector<1x128xf32>
    %add3A = vector.broadcast %get3A_8 : vector<1x128xf32> to vector<1000x128xf32>
    %add3A_9 = arith.addf %dot_general3A_5, %add3A : vector<1000x128xf32>
    %reduce_max3A = arith.constant dense<0xFF800000> : vector<1000xf32>
    %reduce_max3A_10 = vector.multi_reduction <maximumf>, %add3A_9, %reduce_max3A [1] : vector<1000x128xf32> to vector<1000xf32>
    %max3A = arith.constant 0xFF800000 : f32
    %max3A_11 = vector.broadcast %max3A : f32 to vector<1000xf32>
    %max3A_12 = arith.maximumf %max3A_11, %reduce_max3A_10 : vector<1000xf32>
    %broadcast_in_dim3A = vector.shape_cast %max3A_12 : vector<1000xf32> to vector<1000x1xf32>
    %sub3A = vector.broadcast %broadcast_in_dim3A : vector<1000x1xf32> to vector<1000x128xf32>
    %sub3A_13 = arith.subf %add3A_9, %sub3A : vector<1000x128xf32>
    %exp3A = math.exp %sub3A_13 : vector<1000x128xf32>
    %reduce_sum3A = arith.constant dense<0.000000e+00> : vector<1000xf32>
    %reduce_sum3A_14 = vector.multi_reduction <add>, %exp3A, %reduce_sum3A [1] : vector<1000x128xf32> to vector<1000xf32>
    %broadcast_in_dim3A_15 = vector.shape_cast %reduce_sum3A_14 : vector<1000xf32> to vector<1000x1xf32>
    %div3A = vector.broadcast %broadcast_in_dim3A_15 : vector<1000x1xf32> to vector<1000x128xf32>
    %div3A_16 = arith.divf %exp3A, %div3A : vector<1000x128xf32>
    %swap3A = arith.constant 0 : index
    %swap3A_17 = arith.constant 0 : index
    %swap3A_18 = vector.load %arg4[%swap3A, %swap3A_17] : memref<1000x128xf32, #tpu.memory_space<vmem>>, vector<1000x128xf32>
    tpu.vector_store %arg4[%swap3A, %swap3A_17], %div3A_16 {strides = array<i32>} : memref<1000x128xf32, #tpu.memory_space<vmem>>, vector<1000x128xf32>,
    return
  }
  func.func @transform_0(%arg0: i32) -> (i32, i32) {
    %c0_i32 = arith.constant 0 : i32
    %c0_i32_0 = arith.constant 0 : i32
    return %arg0, %c0_i32 : i32, i32
  }
  func.func @transform_1(%arg0: i32) -> (i32, i32) {
    %c0_i32 = arith.constant 0 : i32
    %c0_i32_0 = arith.constant 0 : i32
    %c0_i32_1 = arith.constant 0 : i32
    return %c0_i32, %c0_i32_0 : i32, i32
  }
  func.func @transform_2(%arg0: i32) -> (i32, i32) {
    %c0_i32 = arith.constant 0 : i32
    %c0_i32_0 = arith.constant 0 : i32
    %c0_i32_1 = arith.constant 0 : i32
    return %c0_i32, %c0_i32_0 : i32, i32
  }
  func.func @transform_3(%arg0: i32) -> (i32, i32) {
    %c0_i32 = arith.constant 0 : i32
    %c0_i32_0 = arith.constant 0 : i32
    return %arg0, %c0_i32 : i32, i32
  }
}

module attributes {stable_mosaic.version = 14 : i64} {
  func.func @_layer_body(%arg0: i32, %arg1: memref<1000x128xf32, #tpu.memory_space<vmem>>, %arg2: memref<1000x128xf32, #tpu.memory_space<vmem>>, %arg3: memref<1000x128xf32, #tpu.memory_space<vmem>>, %arg4: memref<128x128xf32, #tpu.memory_space<vmem>>, %arg5: memref<16x128x128xf32, #tpu.memory_space<vmem>>, %arg6: memref<1x128xf32, #tpu.memory_space<vmem>>, %arg7: memref<1000x128xf32, #tpu.memory_space<vmem>>) attributes {dimension_semantics = [#tpu.dimension_semantics<arbitrary>], iteration_bounds = array<i64: 10>, scalar_prefetch = 0 : i64, scratch_operands = 0 : i64, tpu.core_type = #tpu.core_type<tc>, window_params = [{transform_indices = @transform_0, window_bounds = array<i64: 1000, 128>}, {transform_indices = @transform_1, window_bounds = array<i64: 1000, 128>}, {transform_indices = @transform_2, window_bounds = array<i64: 1000, 128>}, {pipeline_mode = #tpu.pipeline_mode<synchronous>, transform_indices = @transform_3, window_bounds = array<i64: 128, 128>}, {pipeline_mode = #tpu.pipeline_mode<synchronous>, transform_indices = @transform_4, window_bounds = array<i64: 16, 128, 128>}, {pipeline_mode = #tpu.pipeline_mode<synchronous>, transform_indices = @transform_5, window_bounds = array<i64: 1, 128>}, {transform_indices = @transform_6, window_bounds = array<i64: 1000, 128>}]} {
    %get3A = arith.constant 0 : index
    %get3A_0 = arith.constant 0 : index
    %get3A_1 = vector.load %arg2[%get3A, %get3A_0] : memref<1000x128xf32, #tpu.memory_space<vmem>>, vector<1000x128xf32>
    %get3A_2 = arith.constant 0 : index
    %get3A_3 = arith.constant 0 : index
    %get3A_4 = vector.load %arg3[%get3A_2, %get3A_3] : memref<1000x128xf32, #tpu.memory_space<vmem>>, vector<1000x128xf32>
    %add3A = arith.addf %get3A_1, %get3A_4 : vector<1000x128xf32>
    %get3A_5 = arith.constant 0 : index
    %get3A_6 = arith.constant 0 : index
    %get3A_7 = vector.load %arg1[%get3A_5, %get3A_6] : memref<1000x128xf32, #tpu.memory_space<vmem>>, vector<1000x128xf32>
    %get3A_8 = arith.constant 0 : index
    %get3A_9 = arith.constant 0 : index
    %get3A_10 = vector.load %arg4[%get3A_8, %get3A_9] : memref<128x128xf32, #tpu.memory_space<vmem>>, vector<128x128xf32>
    %dot_general3A = arith.constant dense<0.000000e+00> : vector<1000x128xf32>
    %dot_general3A_11 = tpu.matmul %get3A_7, %get3A_10, %dot_general3A {dimension_numbers = #tpu.dot_dimension_numbers<[1], [0], [0], [1], [0, 0, 1, 1], [], []>, transpose_lhs_hint = false} : vector<1000x128xf32>, vector<128x128xf32>, vector<1000x128xf32> -> vector<1000x128xf32>
    %sub3A = arith.constant 5.000000e-01 : f32
    %sub3A_12 = vector.broadcast %sub3A : f32 to vector<1000x128xf32>
    %sub3A_13 = arith.subf %add3A, %sub3A_12 : vector<1000x128xf32>
    %logistic3A = arith.negf %sub3A_13 : vector<1000x128xf32>
    %logistic3A_14 = math.exp %logistic3A : vector<1000x128xf32>
    %logistic3A_15 = arith.constant 1.000000e+00 : f32
    %logistic3A_16 = vector.broadcast %logistic3A_15 : f32 to vector<1000x128xf32>
    %logistic3A_17 = arith.addf %logistic3A_16, %logistic3A_14 : vector<1000x128xf32>
    %logistic3A_18 = arith.divf %logistic3A_16, %logistic3A_17 : vector<1000x128xf32>
    %get3A_19 = arith.constant 0 : index
    %get3A_20 = arith.constant 0 : index
    %get3A_21 = arith.constant 0 : index
    %get3A_22 = vector.load %arg5[%get3A_19, %get3A_20, %get3A_21] : memref<16x128x128xf32, #tpu.memory_space<vmem>>, vector<1x128x128xf32>
    %get3A_23 = vector.shape_cast %get3A_22 : vector<1x128x128xf32> to vector<128x128xf32>
    %dot_general3A_24 = arith.constant dense<0.000000e+00> : vector<1000x128xf32>
    %dot_general3A_25 = tpu.matmul %logistic3A_18, %get3A_23, %dot_general3A_24 {dimension_numbers = #tpu.dot_dimension_numbers<[1], [0], [0], [1], [0, 0, 1, 1], [], []>, transpose_lhs_hint = false} : vector<1000x128xf32>, vector<128x128xf32>, vector<1000x128xf32> -> vector<1000x128xf32>
    %add3A_26 = arith.addf %dot_general3A_11, %dot_general3A_25 : vector<1000x128xf32>
    %sub3A_27 = arith.constant 1.500000e+00 : f32
    %sub3A_28 = vector.broadcast %sub3A_27 : f32 to vector<1000x128xf32>
    %sub3A_29 = arith.subf %add3A, %sub3A_28 : vector<1000x128xf32>
    %logistic3A_30 = arith.negf %sub3A_29 : vector<1000x128xf32>
    %logistic3A_31 = math.exp %logistic3A_30 : vector<1000x128xf32>
    %logistic3A_32 = arith.constant 1.000000e+00 : f32
    %logistic3A_33 = vector.broadcast %logistic3A_32 : f32 to vector<1000x128xf32>
    %logistic3A_34 = arith.addf %logistic3A_33, %logistic3A_31 : vector<1000x128xf32>
    %logistic3A_35 = arith.divf %logistic3A_33, %logistic3A_34 : vector<1000x128xf32>
    %get3A_36 = arith.constant 1 : index
    %get3A_37 = arith.constant 0 : index
    %get3A_38 = arith.constant 0 : index
    %get3A_39 = vector.load %arg5[%get3A_36, %get3A_37, %get3A_38] : memref<16x128x128xf32, #tpu.memory_space<vmem>>, vector<1x128x128xf32>
    %get3A_40 = vector.shape_cast %get3A_39 : vector<1x128x128xf32> to vector<128x128xf32>
    %dot_general3A_41 = arith.constant dense<0.000000e+00> : vector<1000x128xf32>
    %dot_general3A_42 = tpu.matmul %logistic3A_35, %get3A_40, %dot_general3A_41 {dimension_numbers = #tpu.dot_dimension_numbers<[1], [0], [0], [1], [0, 0, 1, 1], [], []>, transpose_lhs_hint = false} : vector<1000x128xf32>, vector<128x128xf32>, vector<1000x128xf32> -> vector<1000x128xf32>
    %add3A_43 = arith.addf %add3A_26, %dot_general3A_42 : vector<1000x128xf32>
    %sub3A_44 = arith.constant 2.500000e+00 : f32
    %sub3A_45 = vector.broadcast %sub3A_44 : f32 to vector<1000x128xf32>
    %sub3A_46 = arith.subf %add3A, %sub3A_45 : vector<1000x128xf32>
    %logistic3A_47 = arith.negf %sub3A_46 : vector<1000x128xf32>
    %logistic3A_48 = math.exp %logistic3A_47 : vector<1000x128xf32>
    %logistic3A_49 = arith.constant 1.000000e+00 : f32
    %logistic3A_50 = vector.broadcast %logistic3A_49 : f32 to vector<1000x128xf32>
    %logistic3A_51 = arith.addf %logistic3A_50, %logistic3A_48 : vector<1000x128xf32>
    %logistic3A_52 = arith.divf %logistic3A_50, %logistic3A_51 : vector<1000x128xf32>
    %get3A_53 = arith.constant 2 : index
    %get3A_54 = arith.constant 0 : index
    %get3A_55 = arith.constant 0 : index
    %get3A_56 = vector.load %arg5[%get3A_53, %get3A_54, %get3A_55] : memref<16x128x128xf32, #tpu.memory_space<vmem>>, vector<1x128x128xf32>
    %get3A_57 = vector.shape_cast %get3A_56 : vector<1x128x128xf32> to vector<128x128xf32>
    %dot_general3A_58 = arith.constant dense<0.000000e+00> : vector<1000x128xf32>
    %dot_general3A_59 = tpu.matmul %logistic3A_52, %get3A_57, %dot_general3A_58 {dimension_numbers = #tpu.dot_dimension_numbers<[1], [0], [0], [1], [0, 0, 1, 1], [], []>, transpose_lhs_hint = false} : vector<1000x128xf32>, vector<128x128xf32>, vector<1000x128xf32> -> vector<1000x128xf32>
    %add3A_60 = arith.addf %add3A_43, %dot_general3A_59 : vector<1000x128xf32>
    %sub3A_61 = arith.constant 3.500000e+00 : f32
    %sub3A_62 = vector.broadcast %sub3A_61 : f32 to vector<1000x128xf32>
    %sub3A_63 = arith.subf %add3A, %sub3A_62 : vector<1000x128xf32>
    %logistic3A_64 = arith.negf %sub3A_63 : vector<1000x128xf32>
    %logistic3A_65 = math.exp %logistic3A_64 : vector<1000x128xf32>
    %logistic3A_66 = arith.constant 1.000000e+00 : f32
    %logistic3A_67 = vector.broadcast %logistic3A_66 : f32 to vector<1000x128xf32>
    %logistic3A_68 = arith.addf %logistic3A_67, %logistic3A_65 : vector<1000x128xf32>
    %logistic3A_69 = arith.divf %logistic3A_67, %logistic3A_68 : vector<1000x128xf32>
    %get3A_70 = arith.constant 3 : index
    %get3A_71 = arith.constant 0 : index
    %get3A_72 = arith.constant 0 : index
    %get3A_73 = vector.load %arg5[%get3A_70, %get3A_71, %get3A_72] : memref<16x128x128xf32, #tpu.memory_space<vmem>>, vector<1x128x128xf32>
    %get3A_74 = vector.shape_cast %get3A_73 : vector<1x128x128xf32> to vector<128x128xf32>
    %dot_general3A_75 = arith.constant dense<0.000000e+00> : vector<1000x128xf32>
    %dot_general3A_76 = tpu.matmul %logistic3A_69, %get3A_74, %dot_general3A_75 {dimension_numbers = #tpu.dot_dimension_numbers<[1], [0], [0], [1], [0, 0, 1, 1], [], []>, transpose_lhs_hint = false} : vector<1000x128xf32>, vector<128x128xf32>, vector<1000x128xf32> -> vector<1000x128xf32>
    %add3A_77 = arith.addf %add3A_60, %dot_general3A_76 : vector<1000x128xf32>
    %sub3A_78 = arith.constant 4.500000e+00 : f32
    %sub3A_79 = vector.broadcast %sub3A_78 : f32 to vector<1000x128xf32>
    %sub3A_80 = arith.subf %add3A, %sub3A_79 : vector<1000x128xf32>
    %logistic3A_81 = arith.negf %sub3A_80 : vector<1000x128xf32>
    %logistic3A_82 = math.exp %logistic3A_81 : vector<1000x128xf32>
    %logistic3A_83 = arith.constant 1.000000e+00 : f32
    %logistic3A_84 = vector.broadcast %logistic3A_83 : f32 to vector<1000x128xf32>
    %logistic3A_85 = arith.addf %logistic3A_84, %logistic3A_82 : vector<1000x128xf32>
    %logistic3A_86 = arith.divf %logistic3A_84, %logistic3A_85 : vector<1000x128xf32>
    %get3A_87 = arith.constant 4 : index
    %get3A_88 = arith.constant 0 : index
    %get3A_89 = arith.constant 0 : index
    %get3A_90 = vector.load %arg5[%get3A_87, %get3A_88, %get3A_89] : memref<16x128x128xf32, #tpu.memory_space<vmem>>, vector<1x128x128xf32>
    %get3A_91 = vector.shape_cast %get3A_90 : vector<1x128x128xf32> to vector<128x128xf32>
    %dot_general3A_92 = arith.constant dense<0.000000e+00> : vector<1000x128xf32>
    %dot_general3A_93 = tpu.matmul %logistic3A_86, %get3A_91, %dot_general3A_92 {dimension_numbers = #tpu.dot_dimension_numbers<[1], [0], [0], [1], [0, 0, 1, 1], [], []>, transpose_lhs_hint = false} : vector<1000x128xf32>, vector<128x128xf32>, vector<1000x128xf32> -> vector<1000x128xf32>
    %add3A_94 = arith.addf %add3A_77, %dot_general3A_93 : vector<1000x128xf32>
    %sub3A_95 = arith.constant 5.500000e+00 : f32
    %sub3A_96 = vector.broadcast %sub3A_95 : f32 to vector<1000x128xf32>
    %sub3A_97 = arith.subf %add3A, %sub3A_96 : vector<1000x128xf32>
    %logistic3A_98 = arith.negf %sub3A_97 : vector<1000x128xf32>
    %logistic3A_99 = math.exp %logistic3A_98 : vector<1000x128xf32>
    %logistic3A_100 = arith.constant 1.000000e+00 : f32
    %logistic3A_101 = vector.broadcast %logistic3A_100 : f32 to vector<1000x128xf32>
    %logistic3A_102 = arith.addf %logistic3A_101, %logistic3A_99 : vector<1000x128xf32>
    %logistic3A_103 = arith.divf %logistic3A_101, %logistic3A_102 : vector<1000x128xf32>
    %get3A_104 = arith.constant 5 : index
    %get3A_105 = arith.constant 0 : index
    %get3A_106 = arith.constant 0 : index
    %get3A_107 = vector.load %arg5[%get3A_104, %get3A_105, %get3A_106] : memref<16x128x128xf32, #tpu.memory_space<vmem>>, vector<1x128x128xf32>
    %get3A_108 = vector.shape_cast %get3A_107 : vector<1x128x128xf32> to vector<128x128xf32>
    %dot_general3A_109 = arith.constant dense<0.000000e+00> : vector<1000x128xf32>
    %dot_general3A_110 = tpu.matmul %logistic3A_103, %get3A_108, %dot_general3A_109 {dimension_numbers = #tpu.dot_dimension_numbers<[1], [0], [0], [1], [0, 0, 1, 1], [], []>, transpose_lhs_hint = false} : vector<1000x128xf32>, vector<128x128xf32>, vector<1000x128xf32> -> vector<1000x128xf32>
    %add3A_111 = arith.addf %add3A_94, %dot_general3A_110 : vector<1000x128xf32>
    %sub3A_112 = arith.constant 6.500000e+00 : f32
    %sub3A_113 = vector.broadcast %sub3A_112 : f32 to vector<1000x128xf32>
    %sub3A_114 = arith.subf %add3A, %sub3A_113 : vector<1000x128xf32>
    %logistic3A_115 = arith.negf %sub3A_114 : vector<1000x128xf32>
    %logistic3A_116 = math.exp %logistic3A_115 : vector<1000x128xf32>
    %logistic3A_117 = arith.constant 1.000000e+00 : f32
    %logistic3A_118 = vector.broadcast %logistic3A_117 : f32 to vector<1000x128xf32>
    %logistic3A_119 = arith.addf %logistic3A_118, %logistic3A_116 : vector<1000x128xf32>
    %logistic3A_120 = arith.divf %logistic3A_118, %logistic3A_119 : vector<1000x128xf32>
    %get3A_121 = arith.constant 6 : index
    %get3A_122 = arith.constant 0 : index
    %get3A_123 = arith.constant 0 : index
    %get3A_124 = vector.load %arg5[%get3A_121, %get3A_122, %get3A_123] : memref<16x128x128xf32, #tpu.memory_space<vmem>>, vector<1x128x128xf32>
    %get3A_125 = vector.shape_cast %get3A_124 : vector<1x128x128xf32> to vector<128x128xf32>
    %dot_general3A_126 = arith.constant dense<0.000000e+00> : vector<1000x128xf32>
    %dot_general3A_127 = tpu.matmul %logistic3A_120, %get3A_125, %dot_general3A_126 {dimension_numbers = #tpu.dot_dimension_numbers<[1], [0], [0], [1], [0, 0, 1, 1], [], []>, transpose_lhs_hint = false} : vector<1000x128xf32>, vector<128x128xf32>, vector<1000x128xf32> -> vector<1000x128xf32>
    %add3A_128 = arith.addf %add3A_111, %dot_general3A_127 : vector<1000x128xf32>
    %sub3A_129 = arith.constant 7.500000e+00 : f32
    %sub3A_130 = vector.broadcast %sub3A_129 : f32 to vector<1000x128xf32>
    %sub3A_131 = arith.subf %add3A, %sub3A_130 : vector<1000x128xf32>
    %logistic3A_132 = arith.negf %sub3A_131 : vector<1000x128xf32>
    %logistic3A_133 = math.exp %logistic3A_132 : vector<1000x128xf32>
    %logistic3A_134 = arith.constant 1.000000e+00 : f32
    %logistic3A_135 = vector.broadcast %logistic3A_134 : f32 to vector<1000x128xf32>
    %logistic3A_136 = arith.addf %logistic3A_135, %logistic3A_133 : vector<1000x128xf32>
    %logistic3A_137 = arith.divf %logistic3A_135, %logistic3A_136 : vector<1000x128xf32>
    %get3A_138 = arith.constant 7 : index
    %get3A_139 = arith.constant 0 : index
    %get3A_140 = arith.constant 0 : index
    %get3A_141 = vector.load %arg5[%get3A_138, %get3A_139, %get3A_140] : memref<16x128x128xf32, #tpu.memory_space<vmem>>, vector<1x128x128xf32>
    %get3A_142 = vector.shape_cast %get3A_141 : vector<1x128x128xf32> to vector<128x128xf32>
    %dot_general3A_143 = arith.constant dense<0.000000e+00> : vector<1000x128xf32>
    %dot_general3A_144 = tpu.matmul %logistic3A_137, %get3A_142, %dot_general3A_143 {dimension_numbers = #tpu.dot_dimension_numbers<[1], [0], [0], [1], [0, 0, 1, 1], [], []>, transpose_lhs_hint = false} : vector<1000x128xf32>, vector<128x128xf32>, vector<1000x128xf32> -> vector<1000x128xf32>
    %add3A_145 = arith.addf %add3A_128, %dot_general3A_144 : vector<1000x128xf32>
    %sub3A_146 = arith.constant 8.500000e+00 : f32
    %sub3A_147 = vector.broadcast %sub3A_146 : f32 to vector<1000x128xf32>
    %sub3A_148 = arith.subf %add3A, %sub3A_147 : vector<1000x128xf32>
    %logistic3A_149 = arith.negf %sub3A_148 : vector<1000x128xf32>
    %logistic3A_150 = math.exp %logistic3A_149 : vector<1000x128xf32>
    %logistic3A_151 = arith.constant 1.000000e+00 : f32
    %logistic3A_152 = vector.broadcast %logistic3A_151 : f32 to vector<1000x128xf32>
    %logistic3A_153 = arith.addf %logistic3A_152, %logistic3A_150 : vector<1000x128xf32>
    %logistic3A_154 = arith.divf %logistic3A_152, %logistic3A_153 : vector<1000x128xf32>
    %get3A_155 = arith.constant 8 : index
    %get3A_156 = arith.constant 0 : index
    %get3A_157 = arith.constant 0 : index
    %get3A_158 = vector.load %arg5[%get3A_155, %get3A_156, %get3A_157] : memref<16x128x128xf32, #tpu.memory_space<vmem>>, vector<1x128x128xf32>
    %get3A_159 = vector.shape_cast %get3A_158 : vector<1x128x128xf32> to vector<128x128xf32>
    %dot_general3A_160 = arith.constant dense<0.000000e+00> : vector<1000x128xf32>
    %dot_general3A_161 = tpu.matmul %logistic3A_154, %get3A_159, %dot_general3A_160 {dimension_numbers = #tpu.dot_dimension_numbers<[1], [0], [0], [1], [0, 0, 1, 1], [], []>, transpose_lhs_hint = false} : vector<1000x128xf32>, vector<128x128xf32>, vector<1000x128xf32> -> vector<1000x128xf32>
    %add3A_162 = arith.addf %add3A_145, %dot_general3A_161 : vector<1000x128xf32>
    %sub3A_163 = arith.constant 9.500000e+00 : f32
    %sub3A_164 = vector.broadcast %sub3A_163 : f32 to vector<1000x128xf32>
    %sub3A_165 = arith.subf %add3A, %sub3A_164 : vector<1000x128xf32>
    %logistic3A_166 = arith.negf %sub3A_165 : vector<1000x128xf32>
    %logistic3A_167 = math.exp %logistic3A_166 : vector<1000x128xf32>
    %logistic3A_168 = arith.constant 1.000000e+00 : f32
    %logistic3A_169 = vector.broadcast %logistic3A_168 : f32 to vector<1000x128xf32>
    %logistic3A_170 = arith.addf %logistic3A_169, %logistic3A_167 : vector<1000x128xf32>
    %logistic3A_171 = arith.divf %logistic3A_169, %logistic3A_170 : vector<1000x128xf32>
    %get3A_172 = arith.constant 9 : index
    %get3A_173 = arith.constant 0 : index
    %get3A_174 = arith.constant 0 : index
    %get3A_175 = vector.load %arg5[%get3A_172, %get3A_173, %get3A_174] : memref<16x128x128xf32, #tpu.memory_space<vmem>>, vector<1x128x128xf32>
    %get3A_176 = vector.shape_cast %get3A_175 : vector<1x128x128xf32> to vector<128x128xf32>
    %dot_general3A_177 = arith.constant dense<0.000000e+00> : vector<1000x128xf32>
    %dot_general3A_178 = tpu.matmul %logistic3A_171, %get3A_176, %dot_general3A_177 {dimension_numbers = #tpu.dot_dimension_numbers<[1], [0], [0], [1], [0, 0, 1, 1], [], []>, transpose_lhs_hint = false} : vector<1000x128xf32>, vector<128x128xf32>, vector<1000x128xf32> -> vector<1000x128xf32>
    %add3A_179 = arith.addf %add3A_162, %dot_general3A_178 : vector<1000x128xf32>
    %sub3A_180 = arith.constant 1.050000e+01 : f32
    %sub3A_181 = vector.broadcast %sub3A_180 : f32 to vector<1000x128xf32>
    %sub3A_182 = arith.subf %add3A, %sub3A_181 : vector<1000x128xf32>
    %logistic3A_183 = arith.negf %sub3A_182 : vector<1000x128xf32>
    %logistic3A_184 = math.exp %logistic3A_183 : vector<1000x128xf32>
    %logistic3A_185 = arith.constant 1.000000e+00 : f32
    %logistic3A_186 = vector.broadcast %logistic3A_185 : f32 to vector<1000x128xf32>
    %logistic3A_187 = arith.addf %logistic3A_186, %logistic3A_184 : vector<1000x128xf32>
    %logistic3A_188 = arith.divf %logistic3A_186, %logistic3A_187 : vector<1000x128xf32>
    %get3A_189 = arith.constant 10 : index
    %get3A_190 = arith.constant 0 : index
    %get3A_191 = arith.constant 0 : index
    %get3A_192 = vector.load %arg5[%get3A_189, %get3A_190, %get3A_191] : memref<16x128x128xf32, #tpu.memory_space<vmem>>, vector<1x128x128xf32>
    %get3A_193 = vector.shape_cast %get3A_192 : vector<1x128x128xf32> to vector<128x128xf32>
    %dot_general3A_194 = arith.constant dense<0.000000e+00> : vector<1000x128xf32>
    %dot_general3A_195 = tpu.matmul %logistic3A_188, %get3A_193, %dot_general3A_194 {dimension_numbers = #tpu.dot_dimension_numbers<[1], [0], [0], [1], [0, 0, 1, 1], [], []>, transpose_lhs_hint = false} : vector<1000x128xf32>, vector<128x128xf32>, vector<1000x128xf32> -> vector<1000x128xf32>
    %add3A_196 = arith.addf %add3A_179, %dot_general3A_195 : vector<1000x128xf32>
    %sub3A_197 = arith.constant 1.150000e+01 : f32
    %sub3A_198 = vector.broadcast %sub3A_197 : f32 to vector<1000x128xf32>
    %sub3A_199 = arith.subf %add3A, %sub3A_198 : vector<1000x128xf32>
    %logistic3A_200 = arith.negf %sub3A_199 : vector<1000x128xf32>
    %logistic3A_201 = math.exp %logistic3A_200 : vector<1000x128xf32>
    %logistic3A_202 = arith.constant 1.000000e+00 : f32
    %logistic3A_203 = vector.broadcast %logistic3A_202 : f32 to vector<1000x128xf32>
    %logistic3A_204 = arith.addf %logistic3A_203, %logistic3A_201 : vector<1000x128xf32>
    %logistic3A_205 = arith.divf %logistic3A_203, %logistic3A_204 : vector<1000x128xf32>
    %get3A_206 = arith.constant 11 : index
    %get3A_207 = arith.constant 0 : index
    %get3A_208 = arith.constant 0 : index
    %get3A_209 = vector.load %arg5[%get3A_206, %get3A_207, %get3A_208] : memref<16x128x128xf32, #tpu.memory_space<vmem>>, vector<1x128x128xf32>
    %get3A_210 = vector.shape_cast %get3A_209 : vector<1x128x128xf32> to vector<128x128xf32>
    %dot_general3A_211 = arith.constant dense<0.000000e+00> : vector<1000x128xf32>
    %dot_general3A_212 = tpu.matmul %logistic3A_205, %get3A_210, %dot_general3A_211 {dimension_numbers = #tpu.dot_dimension_numbers<[1], [0], [0], [1], [0, 0, 1, 1], [], []>, transpose_lhs_hint = false} : vector<1000x128xf32>, vector<128x128xf32>, vector<1000x128xf32> -> vector<1000x128xf32>
    %add3A_213 = arith.addf %add3A_196, %dot_general3A_212 : vector<1000x128xf32>
    %sub3A_214 = arith.constant 1.250000e+01 : f32
    %sub3A_215 = vector.broadcast %sub3A_214 : f32 to vector<1000x128xf32>
    %sub3A_216 = arith.subf %add3A, %sub3A_215 : vector<1000x128xf32>
    %logistic3A_217 = arith.negf %sub3A_216 : vector<1000x128xf32>
    %logistic3A_218 = math.exp %logistic3A_217 : vector<1000x128xf32>
    %logistic3A_219 = arith.constant 1.000000e+00 : f32
    %logistic3A_220 = vector.broadcast %logistic3A_219 : f32 to vector<1000x128xf32>
    %logistic3A_221 = arith.addf %logistic3A_220, %logistic3A_218 : vector<1000x128xf32>
    %logistic3A_222 = arith.divf %logistic3A_220, %logistic3A_221 : vector<1000x128xf32>
    %get3A_223 = arith.constant 12 : index
    %get3A_224 = arith.constant 0 : index
    %get3A_225 = arith.constant 0 : index
    %get3A_226 = vector.load %arg5[%get3A_223, %get3A_224, %get3A_225] : memref<16x128x128xf32, #tpu.memory_space<vmem>>, vector<1x128x128xf32>
    %get3A_227 = vector.shape_cast %get3A_226 : vector<1x128x128xf32> to vector<128x128xf32>
    %dot_general3A_228 = arith.constant dense<0.000000e+00> : vector<1000x128xf32>
    %dot_general3A_229 = tpu.matmul %logistic3A_222, %get3A_227, %dot_general3A_228 {dimension_numbers = #tpu.dot_dimension_numbers<[1], [0], [0], [1], [0, 0, 1, 1], [], []>, transpose_lhs_hint = false} : vector<1000x128xf32>, vector<128x128xf32>, vector<1000x128xf32> -> vector<1000x128xf32>
    %add3A_230 = arith.addf %add3A_213, %dot_general3A_229 : vector<1000x128xf32>
    %sub3A_231 = arith.constant 1.350000e+01 : f32
    %sub3A_232 = vector.broadcast %sub3A_231 : f32 to vector<1000x128xf32>
    %sub3A_233 = arith.subf %add3A, %sub3A_232 : vector<1000x128xf32>
    %logistic3A_234 = arith.negf %sub3A_233 : vector<1000x128xf32>
    %logistic3A_235 = math.exp %logistic3A_234 : vector<1000x128xf32>
    %logistic3A_236 = arith.constant 1.000000e+00 : f32
    %logistic3A_237 = vector.broadcast %logistic3A_236 : f32 to vector<1000x128xf32>
    %logistic3A_238 = arith.addf %logistic3A_237, %logistic3A_235 : vector<1000x128xf32>
    %logistic3A_239 = arith.divf %logistic3A_237, %logistic3A_238 : vector<1000x128xf32>
    %get3A_240 = arith.constant 13 : index
    %get3A_241 = arith.constant 0 : index
    %get3A_242 = arith.constant 0 : index
    %get3A_243 = vector.load %arg5[%get3A_240, %get3A_241, %get3A_242] : memref<16x128x128xf32, #tpu.memory_space<vmem>>, vector<1x128x128xf32>
    %get3A_244 = vector.shape_cast %get3A_243 : vector<1x128x128xf32> to vector<128x128xf32>
    %dot_general3A_245 = arith.constant dense<0.000000e+00> : vector<1000x128xf32>
    %dot_general3A_246 = tpu.matmul %logistic3A_239, %get3A_244, %dot_general3A_245 {dimension_numbers = #tpu.dot_dimension_numbers<[1], [0], [0], [1], [0, 0, 1, 1], [], []>, transpose_lhs_hint = false} : vector<1000x128xf32>, vector<128x128xf32>, vector<1000x128xf32> -> vector<1000x128xf32>
    %add3A_247 = arith.addf %add3A_230, %dot_general3A_246 : vector<1000x128xf32>
    %sub3A_248 = arith.constant 1.450000e+01 : f32
    %sub3A_249 = vector.broadcast %sub3A_248 : f32 to vector<1000x128xf32>
    %sub3A_250 = arith.subf %add3A, %sub3A_249 : vector<1000x128xf32>
    %logistic3A_251 = arith.negf %sub3A_250 : vector<1000x128xf32>
    %logistic3A_252 = math.exp %logistic3A_251 : vector<1000x128xf32>
    %logistic3A_253 = arith.constant 1.000000e+00 : f32
    %logistic3A_254 = vector.broadcast %logistic3A_253 : f32 to vector<1000x128xf32>
    %logistic3A_255 = arith.addf %logistic3A_254, %logistic3A_252 : vector<1000x128xf32>
    %logistic3A_256 = arith.divf %logistic3A_254, %logistic3A_255 : vector<1000x128xf32>
    %get3A_257 = arith.constant 14 : index
    %get3A_258 = arith.constant 0 : index
    %get3A_259 = arith.constant 0 : index
    %get3A_260 = vector.load %arg5[%get3A_257, %get3A_258, %get3A_259] : memref<16x128x128xf32, #tpu.memory_space<vmem>>, vector<1x128x128xf32>
    %get3A_261 = vector.shape_cast %get3A_260 : vector<1x128x128xf32> to vector<128x128xf32>
    %dot_general3A_262 = arith.constant dense<0.000000e+00> : vector<1000x128xf32>
    %dot_general3A_263 = tpu.matmul %logistic3A_256, %get3A_261, %dot_general3A_262 {dimension_numbers = #tpu.dot_dimension_numbers<[1], [0], [0], [1], [0, 0, 1, 1], [], []>, transpose_lhs_hint = false} : vector<1000x128xf32>, vector<128x128xf32>, vector<1000x128xf32> -> vector<1000x128xf32>
    %add3A_264 = arith.addf %add3A_247, %dot_general3A_263 : vector<1000x128xf32>
    %sub3A_265 = arith.constant 1.550000e+01 : f32
    %sub3A_266 = vector.broadcast %sub3A_265 : f32 to vector<1000x128xf32>
    %sub3A_267 = arith.subf %add3A, %sub3A_266 : vector<1000x128xf32>
    %logistic3A_268 = arith.negf %sub3A_267 : vector<1000x128xf32>
    %logistic3A_269 = math.exp %logistic3A_268 : vector<1000x128xf32>
    %logistic3A_270 = arith.constant 1.000000e+00 : f32
    %logistic3A_271 = vector.broadcast %logistic3A_270 : f32 to vector<1000x128xf32>
    %logistic3A_272 = arith.addf %logistic3A_271, %logistic3A_269 : vector<1000x128xf32>
    %logistic3A_273 = arith.divf %logistic3A_271, %logistic3A_272 : vector<1000x128xf32>
    %get3A_274 = arith.constant 15 : index
    %get3A_275 = arith.constant 0 : index
    %get3A_276 = arith.constant 0 : index
    %get3A_277 = vector.load %arg5[%get3A_274, %get3A_275, %get3A_276] : memref<16x128x128xf32, #tpu.memory_space<vmem>>, vector<1x128x128xf32>
    %get3A_278 = vector.shape_cast %get3A_277 : vector<1x128x128xf32> to vector<128x128xf32>
    %dot_general3A_279 = arith.constant dense<0.000000e+00> : vector<1000x128xf32>
    %dot_general3A_280 = tpu.matmul %logistic3A_273, %get3A_278, %dot_general3A_279 {dimension_numbers = #tpu.dot_dimension_numbers<[1], [0], [0], [1], [0, 0, 1, 1], [], []>, transpose_lhs_hint = false} : vector<1000x128xf32>, vector<128x128xf32>, vector<1000x128xf32> -> vector<1000x128xf32>
    %add3A_281 = arith.addf %add3A_264, %dot_general3A_280 : vector<1000x128xf32>
    %get3A_282 = arith.constant 0 : index
    %get3A_283 = arith.constant 0 : index
    %get3A_284 = vector.load %arg6[%get3A_282, %get3A_283] : memref<1x128xf32, #tpu.memory_space<vmem>>, vector<1x128xf32>
    %add3A_285 = vector.broadcast %get3A_284 : vector<1x128xf32> to vector<1000x128xf32>
    %add3A_286 = arith.addf %add3A_281, %add3A_285 : vector<1000x128xf32>
    %reduce_max3A = arith.constant dense<0xFF800000> : vector<1000xf32>
    %reduce_max3A_287 = vector.multi_reduction <maximumf>, %add3A_286, %reduce_max3A [1] : vector<1000x128xf32> to vector<1000xf32>
    %max3A = arith.constant 0xFF800000 : f32
    %max3A_288 = vector.broadcast %max3A : f32 to vector<1000xf32>
    %max3A_289 = arith.maximumf %max3A_288, %reduce_max3A_287 : vector<1000xf32>
    %broadcast_in_dim3A = vector.shape_cast %max3A_289 : vector<1000xf32> to vector<1000x1xf32>
    %sub3A_290 = vector.broadcast %broadcast_in_dim3A : vector<1000x1xf32> to vector<1000x128xf32>
    %sub3A_291 = arith.subf %add3A_286, %sub3A_290 : vector<1000x128xf32>
    %exp3A = math.exp %sub3A_291 : vector<1000x128xf32>
    %reduce_sum3A = arith.constant dense<0.000000e+00> : vector<1000xf32>
    %reduce_sum3A_292 = vector.multi_reduction <add>, %exp3A, %reduce_sum3A [1] : vector<1000x128xf32> to vector<1000xf32>
    %broadcast_in_dim3A_293 = vector.shape_cast %reduce_sum3A_292 : vector<1000xf32> to vector<1000x1xf32>
    %div3A = vector.broadcast %broadcast_in_dim3A_293 : vector<1000x1xf32> to vector<1000x128xf32>
    %div3A_294 = arith.divf %exp3A, %div3A : vector<1000x128xf32>
    %swap3A = arith.constant 0 : index
    %swap3A_295 = arith.constant 0 : index
    %swap3A_296 = vector.load %arg7[%swap3A, %swap3A_295] : memref<1000x128xf32, #tpu.memory_space<vmem>>, vector<1000x128xf32>
    tpu.vector_store %arg7[%swap3A, %swap3A_295], %div3A_294 {strides = array<i32>} : memref<1000x128xf32, #tpu.memory_space<vmem>>, vector<1000x128xf32>,
    return
  }
  func.func @transform_0(%arg0: i32) -> (i32, i32) {
    %c0_i32 = arith.constant 0 : i32
    %c0_i32_0 = arith.constant 0 : i32
    return %arg0, %c0_i32 : i32, i32
  }
  func.func @transform_1(%arg0: i32) -> (i32, i32) {
    %c0_i32 = arith.constant 0 : i32
    %c0_i32_0 = arith.constant 0 : i32
    return %arg0, %c0_i32 : i32, i32
  }
  func.func @transform_2(%arg0: i32) -> (i32, i32) {
    %c0_i32 = arith.constant 0 : i32
    %c0_i32_0 = arith.constant 0 : i32
    return %arg0, %c0_i32 : i32, i32
  }
  func.func @transform_3(%arg0: i32) -> (i32, i32) {
    %c0_i32 = arith.constant 0 : i32
    %c0_i32_0 = arith.constant 0 : i32
    %c0_i32_1 = arith.constant 0 : i32
    return %c0_i32, %c0_i32_0 : i32, i32
  }
  func.func @transform_4(%arg0: i32) -> (i32, i32, i32) {
    %c0_i32 = arith.constant 0 : i32
    %c0_i32_0 = arith.constant 0 : i32
    %c0_i32_1 = arith.constant 0 : i32
    %c0_i32_2 = arith.constant 0 : i32
    return %c0_i32, %c0_i32_0, %c0_i32_1 : i32, i32, i32
  }
  func.func @transform_5(%arg0: i32) -> (i32, i32) {
    %c0_i32 = arith.constant 0 : i32
    %c0_i32_0 = arith.constant 0 : i32
    %c0_i32_1 = arith.constant 0 : i32
    return %c0_i32, %c0_i32_0 : i32, i32
  }
  func.func @transform_6(%arg0: i32) -> (i32, i32) {
    %c0_i32 = arith.constant 0 : i32
    %c0_i32_0 = arith.constant 0 : i32
    return %arg0, %c0_i32 : i32, i32
  }
}

module attributes {stable_mosaic.version = 14 : i64} {
  func.func @_layer_out_body(%arg0: i32, %arg1: memref<1000x128xf32, #tpu.memory_space<vmem>>, %arg2: memref<1000x128xf32, #tpu.memory_space<vmem>>, %arg3: memref<1000x128xf32, #tpu.memory_space<vmem>>, %arg4: memref<128x128xf32, #tpu.memory_space<vmem>>, %arg5: memref<16x128x128xf32, #tpu.memory_space<vmem>>, %arg6: memref<1x128xf32, #tpu.memory_space<vmem>>, %arg7: memref<128x256xf32, #tpu.memory_space<vmem>>, %arg8: memref<1x256xf32, #tpu.memory_space<vmem>>, %arg9: memref<1000x256xf32, #tpu.memory_space<vmem>>) attributes {dimension_semantics = [#tpu.dimension_semantics<arbitrary>], iteration_bounds = array<i64: 10>, scalar_prefetch = 0 : i64, scratch_operands = 0 : i64, tpu.core_type = #tpu.core_type<tc>, window_params = [{transform_indices = @transform_0, window_bounds = array<i64: 1000, 128>}, {transform_indices = @transform_1, window_bounds = array<i64: 1000, 128>}, {transform_indices = @transform_2, window_bounds = array<i64: 1000, 128>}, {pipeline_mode = #tpu.pipeline_mode<synchronous>, transform_indices = @transform_3, window_bounds = array<i64: 128, 128>}, {pipeline_mode = #tpu.pipeline_mode<synchronous>, transform_indices = @transform_4, window_bounds = array<i64: 16, 128, 128>}, {pipeline_mode = #tpu.pipeline_mode<synchronous>, transform_indices = @transform_5, window_bounds = array<i64: 1, 128>}, {pipeline_mode = #tpu.pipeline_mode<synchronous>, transform_indices = @transform_6, window_bounds = array<i64: 128, 256>}, {pipeline_mode = #tpu.pipeline_mode<synchronous>, transform_indices = @transform_7, window_bounds = array<i64: 1, 256>}, {transform_indices = @transform_8, window_bounds = array<i64: 1000, 256>}]} {
    %get3A = arith.constant 0 : index
    %get3A_0 = arith.constant 0 : index
    %get3A_1 = vector.load %arg2[%get3A, %get3A_0] : memref<1000x128xf32, #tpu.memory_space<vmem>>, vector<1000x128xf32>
    %get3A_2 = arith.constant 0 : index
    %get3A_3 = arith.constant 0 : index
    %get3A_4 = vector.load %arg3[%get3A_2, %get3A_3] : memref<1000x128xf32, #tpu.memory_space<vmem>>, vector<1000x128xf32>
    %add3A = arith.addf %get3A_1, %get3A_4 : vector<1000x128xf32>
    %get3A_5 = arith.constant 0 : index
    %get3A_6 = arith.constant 0 : index
    %get3A_7 = vector.load %arg1[%get3A_5, %get3A_6] : memref<1000x128xf32, #tpu.memory_space<vmem>>, vector<1000x128xf32>
    %get3A_8 = arith.constant 0 : index
    %get3A_9 = arith.constant 0 : index
    %get3A_10 = vector.load %arg4[%get3A_8, %get3A_9] : memref<128x128xf32, #tpu.memory_space<vmem>>, vector<128x128xf32>
    %dot_general3A = arith.constant dense<0.000000e+00> : vector<1000x128xf32>
    %dot_general3A_11 = tpu.matmul %get3A_7, %get3A_10, %dot_general3A {dimension_numbers = #tpu.dot_dimension_numbers<[1], [0], [0], [1], [0, 0, 1, 1], [], []>, transpose_lhs_hint = false} : vector<1000x128xf32>, vector<128x128xf32>, vector<1000x128xf32> -> vector<1000x128xf32>
    %sub3A = arith.constant 5.000000e-01 : f32
    %sub3A_12 = vector.broadcast %sub3A : f32 to vector<1000x128xf32>
    %sub3A_13 = arith.subf %add3A, %sub3A_12 : vector<1000x128xf32>
    %logistic3A = arith.negf %sub3A_13 : vector<1000x128xf32>
    %logistic3A_14 = math.exp %logistic3A : vector<1000x128xf32>
    %logistic3A_15 = arith.constant 1.000000e+00 : f32
    %logistic3A_16 = vector.broadcast %logistic3A_15 : f32 to vector<1000x128xf32>
    %logistic3A_17 = arith.addf %logistic3A_16, %logistic3A_14 : vector<1000x128xf32>
    %logistic3A_18 = arith.divf %logistic3A_16, %logistic3A_17 : vector<1000x128xf32>
    %get3A_19 = arith.constant 0 : index
    %get3A_20 = arith.constant 0 : index
    %get3A_21 = arith.constant 0 : index
    %get3A_22 = vector.load %arg5[%get3A_19, %get3A_20, %get3A_21] : memref<16x128x128xf32, #tpu.memory_space<vmem>>, vector<1x128x128xf32>
    %get3A_23 = vector.shape_cast %get3A_22 : vector<1x128x128xf32> to vector<128x128xf32>
    %dot_general3A_24 = arith.constant dense<0.000000e+00> : vector<1000x128xf32>
    %dot_general3A_25 = tpu.matmul %logistic3A_18, %get3A_23, %dot_general3A_24 {dimension_numbers = #tpu.dot_dimension_numbers<[1], [0], [0], [1], [0, 0, 1, 1], [], []>, transpose_lhs_hint = false} : vector<1000x128xf32>, vector<128x128xf32>, vector<1000x128xf32> -> vector<1000x128xf32>
    %add3A_26 = arith.addf %dot_general3A_11, %dot_general3A_25 : vector<1000x128xf32>
    %sub3A_27 = arith.constant 1.500000e+00 : f32
    %sub3A_28 = vector.broadcast %sub3A_27 : f32 to vector<1000x128xf32>
    %sub3A_29 = arith.subf %add3A, %sub3A_28 : vector<1000x128xf32>
    %logistic3A_30 = arith.negf %sub3A_29 : vector<1000x128xf32>
    %logistic3A_31 = math.exp %logistic3A_30 : vector<1000x128xf32>
    %logistic3A_32 = arith.constant 1.000000e+00 : f32
    %logistic3A_33 = vector.broadcast %logistic3A_32 : f32 to vector<1000x128xf32>
    %logistic3A_34 = arith.addf %logistic3A_33, %logistic3A_31 : vector<1000x128xf32>
    %logistic3A_35 = arith.divf %logistic3A_33, %logistic3A_34 : vector<1000x128xf32>
    %get3A_36 = arith.constant 1 : index
    %get3A_37 = arith.constant 0 : index
    %get3A_38 = arith.constant 0 : index
    %get3A_39 = vector.load %arg5[%get3A_36, %get3A_37, %get3A_38] : memref<16x128x128xf32, #tpu.memory_space<vmem>>, vector<1x128x128xf32>
    %get3A_40 = vector.shape_cast %get3A_39 : vector<1x128x128xf32> to vector<128x128xf32>
    %dot_general3A_41 = arith.constant dense<0.000000e+00> : vector<1000x128xf32>
    %dot_general3A_42 = tpu.matmul %logistic3A_35, %get3A_40, %dot_general3A_41 {dimension_numbers = #tpu.dot_dimension_numbers<[1], [0], [0], [1], [0, 0, 1, 1], [], []>, transpose_lhs_hint = false} : vector<1000x128xf32>, vector<128x128xf32>, vector<1000x128xf32> -> vector<1000x128xf32>
    %add3A_43 = arith.addf %add3A_26, %dot_general3A_42 : vector<1000x128xf32>
    %sub3A_44 = arith.constant 2.500000e+00 : f32
    %sub3A_45 = vector.broadcast %sub3A_44 : f32 to vector<1000x128xf32>
    %sub3A_46 = arith.subf %add3A, %sub3A_45 : vector<1000x128xf32>
    %logistic3A_47 = arith.negf %sub3A_46 : vector<1000x128xf32>
    %logistic3A_48 = math.exp %logistic3A_47 : vector<1000x128xf32>
    %logistic3A_49 = arith.constant 1.000000e+00 : f32
    %logistic3A_50 = vector.broadcast %logistic3A_49 : f32 to vector<1000x128xf32>
    %logistic3A_51 = arith.addf %logistic3A_50, %logistic3A_48 : vector<1000x128xf32>
    %logistic3A_52 = arith.divf %logistic3A_50, %logistic3A_51 : vector<1000x128xf32>
    %get3A_53 = arith.constant 2 : index
    %get3A_54 = arith.constant 0 : index
    %get3A_55 = arith.constant 0 : index
    %get3A_56 = vector.load %arg5[%get3A_53, %get3A_54, %get3A_55] : memref<16x128x128xf32, #tpu.memory_space<vmem>>, vector<1x128x128xf32>
    %get3A_57 = vector.shape_cast %get3A_56 : vector<1x128x128xf32> to vector<128x128xf32>
    %dot_general3A_58 = arith.constant dense<0.000000e+00> : vector<1000x128xf32>
    %dot_general3A_59 = tpu.matmul %logistic3A_52, %get3A_57, %dot_general3A_58 {dimension_numbers = #tpu.dot_dimension_numbers<[1], [0], [0], [1], [0, 0, 1, 1], [], []>, transpose_lhs_hint = false} : vector<1000x128xf32>, vector<128x128xf32>, vector<1000x128xf32> -> vector<1000x128xf32>
    %add3A_60 = arith.addf %add3A_43, %dot_general3A_59 : vector<1000x128xf32>
    %sub3A_61 = arith.constant 3.500000e+00 : f32
    %sub3A_62 = vector.broadcast %sub3A_61 : f32 to vector<1000x128xf32>
    %sub3A_63 = arith.subf %add3A, %sub3A_62 : vector<1000x128xf32>
    %logistic3A_64 = arith.negf %sub3A_63 : vector<1000x128xf32>
    %logistic3A_65 = math.exp %logistic3A_64 : vector<1000x128xf32>
    %logistic3A_66 = arith.constant 1.000000e+00 : f32
    %logistic3A_67 = vector.broadcast %logistic3A_66 : f32 to vector<1000x128xf32>
    %logistic3A_68 = arith.addf %logistic3A_67, %logistic3A_65 : vector<1000x128xf32>
    %logistic3A_69 = arith.divf %logistic3A_67, %logistic3A_68 : vector<1000x128xf32>
    %get3A_70 = arith.constant 3 : index
    %get3A_71 = arith.constant 0 : index
    %get3A_72 = arith.constant 0 : index
    %get3A_73 = vector.load %arg5[%get3A_70, %get3A_71, %get3A_72] : memref<16x128x128xf32, #tpu.memory_space<vmem>>, vector<1x128x128xf32>
    %get3A_74 = vector.shape_cast %get3A_73 : vector<1x128x128xf32> to vector<128x128xf32>
    %dot_general3A_75 = arith.constant dense<0.000000e+00> : vector<1000x128xf32>
    %dot_general3A_76 = tpu.matmul %logistic3A_69, %get3A_74, %dot_general3A_75 {dimension_numbers = #tpu.dot_dimension_numbers<[1], [0], [0], [1], [0, 0, 1, 1], [], []>, transpose_lhs_hint = false} : vector<1000x128xf32>, vector<128x128xf32>, vector<1000x128xf32> -> vector<1000x128xf32>
    %add3A_77 = arith.addf %add3A_60, %dot_general3A_76 : vector<1000x128xf32>
    %sub3A_78 = arith.constant 4.500000e+00 : f32
    %sub3A_79 = vector.broadcast %sub3A_78 : f32 to vector<1000x128xf32>
    %sub3A_80 = arith.subf %add3A, %sub3A_79 : vector<1000x128xf32>
    %logistic3A_81 = arith.negf %sub3A_80 : vector<1000x128xf32>
    %logistic3A_82 = math.exp %logistic3A_81 : vector<1000x128xf32>
    %logistic3A_83 = arith.constant 1.000000e+00 : f32
    %logistic3A_84 = vector.broadcast %logistic3A_83 : f32 to vector<1000x128xf32>
    %logistic3A_85 = arith.addf %logistic3A_84, %logistic3A_82 : vector<1000x128xf32>
    %logistic3A_86 = arith.divf %logistic3A_84, %logistic3A_85 : vector<1000x128xf32>
    %get3A_87 = arith.constant 4 : index
    %get3A_88 = arith.constant 0 : index
    %get3A_89 = arith.constant 0 : index
    %get3A_90 = vector.load %arg5[%get3A_87, %get3A_88, %get3A_89] : memref<16x128x128xf32, #tpu.memory_space<vmem>>, vector<1x128x128xf32>
    %get3A_91 = vector.shape_cast %get3A_90 : vector<1x128x128xf32> to vector<128x128xf32>
    %dot_general3A_92 = arith.constant dense<0.000000e+00> : vector<1000x128xf32>
    %dot_general3A_93 = tpu.matmul %logistic3A_86, %get3A_91, %dot_general3A_92 {dimension_numbers = #tpu.dot_dimension_numbers<[1], [0], [0], [1], [0, 0, 1, 1], [], []>, transpose_lhs_hint = false} : vector<1000x128xf32>, vector<128x128xf32>, vector<1000x128xf32> -> vector<1000x128xf32>
    %add3A_94 = arith.addf %add3A_77, %dot_general3A_93 : vector<1000x128xf32>
    %sub3A_95 = arith.constant 5.500000e+00 : f32
    %sub3A_96 = vector.broadcast %sub3A_95 : f32 to vector<1000x128xf32>
    %sub3A_97 = arith.subf %add3A, %sub3A_96 : vector<1000x128xf32>
    %logistic3A_98 = arith.negf %sub3A_97 : vector<1000x128xf32>
    %logistic3A_99 = math.exp %logistic3A_98 : vector<1000x128xf32>
    %logistic3A_100 = arith.constant 1.000000e+00 : f32
    %logistic3A_101 = vector.broadcast %logistic3A_100 : f32 to vector<1000x128xf32>
    %logistic3A_102 = arith.addf %logistic3A_101, %logistic3A_99 : vector<1000x128xf32>
    %logistic3A_103 = arith.divf %logistic3A_101, %logistic3A_102 : vector<1000x128xf32>
    %get3A_104 = arith.constant 5 : index
    %get3A_105 = arith.constant 0 : index
    %get3A_106 = arith.constant 0 : index
    %get3A_107 = vector.load %arg5[%get3A_104, %get3A_105, %get3A_106] : memref<16x128x128xf32, #tpu.memory_space<vmem>>, vector<1x128x128xf32>
    %get3A_108 = vector.shape_cast %get3A_107 : vector<1x128x128xf32> to vector<128x128xf32>
    %dot_general3A_109 = arith.constant dense<0.000000e+00> : vector<1000x128xf32>
    %dot_general3A_110 = tpu.matmul %logistic3A_103, %get3A_108, %dot_general3A_109 {dimension_numbers = #tpu.dot_dimension_numbers<[1], [0], [0], [1], [0, 0, 1, 1], [], []>, transpose_lhs_hint = false} : vector<1000x128xf32>, vector<128x128xf32>, vector<1000x128xf32> -> vector<1000x128xf32>
    %add3A_111 = arith.addf %add3A_94, %dot_general3A_110 : vector<1000x128xf32>
    %sub3A_112 = arith.constant 6.500000e+00 : f32
    %sub3A_113 = vector.broadcast %sub3A_112 : f32 to vector<1000x128xf32>
    %sub3A_114 = arith.subf %add3A, %sub3A_113 : vector<1000x128xf32>
    %logistic3A_115 = arith.negf %sub3A_114 : vector<1000x128xf32>
    %logistic3A_116 = math.exp %logistic3A_115 : vector<1000x128xf32>
    %logistic3A_117 = arith.constant 1.000000e+00 : f32
    %logistic3A_118 = vector.broadcast %logistic3A_117 : f32 to vector<1000x128xf32>
    %logistic3A_119 = arith.addf %logistic3A_118, %logistic3A_116 : vector<1000x128xf32>
    %logistic3A_120 = arith.divf %logistic3A_118, %logistic3A_119 : vector<1000x128xf32>
    %get3A_121 = arith.constant 6 : index
    %get3A_122 = arith.constant 0 : index
    %get3A_123 = arith.constant 0 : index
    %get3A_124 = vector.load %arg5[%get3A_121, %get3A_122, %get3A_123] : memref<16x128x128xf32, #tpu.memory_space<vmem>>, vector<1x128x128xf32>
    %get3A_125 = vector.shape_cast %get3A_124 : vector<1x128x128xf32> to vector<128x128xf32>
    %dot_general3A_126 = arith.constant dense<0.000000e+00> : vector<1000x128xf32>
    %dot_general3A_127 = tpu.matmul %logistic3A_120, %get3A_125, %dot_general3A_126 {dimension_numbers = #tpu.dot_dimension_numbers<[1], [0], [0], [1], [0, 0, 1, 1], [], []>, transpose_lhs_hint = false} : vector<1000x128xf32>, vector<128x128xf32>, vector<1000x128xf32> -> vector<1000x128xf32>
    %add3A_128 = arith.addf %add3A_111, %dot_general3A_127 : vector<1000x128xf32>
    %sub3A_129 = arith.constant 7.500000e+00 : f32
    %sub3A_130 = vector.broadcast %sub3A_129 : f32 to vector<1000x128xf32>
    %sub3A_131 = arith.subf %add3A, %sub3A_130 : vector<1000x128xf32>
    %logistic3A_132 = arith.negf %sub3A_131 : vector<1000x128xf32>
    %logistic3A_133 = math.exp %logistic3A_132 : vector<1000x128xf32>
    %logistic3A_134 = arith.constant 1.000000e+00 : f32
    %logistic3A_135 = vector.broadcast %logistic3A_134 : f32 to vector<1000x128xf32>
    %logistic3A_136 = arith.addf %logistic3A_135, %logistic3A_133 : vector<1000x128xf32>
    %logistic3A_137 = arith.divf %logistic3A_135, %logistic3A_136 : vector<1000x128xf32>
    %get3A_138 = arith.constant 7 : index
    %get3A_139 = arith.constant 0 : index
    %get3A_140 = arith.constant 0 : index
    %get3A_141 = vector.load %arg5[%get3A_138, %get3A_139, %get3A_140] : memref<16x128x128xf32, #tpu.memory_space<vmem>>, vector<1x128x128xf32>
    %get3A_142 = vector.shape_cast %get3A_141 : vector<1x128x128xf32> to vector<128x128xf32>
    %dot_general3A_143 = arith.constant dense<0.000000e+00> : vector<1000x128xf32>
    %dot_general3A_144 = tpu.matmul %logistic3A_137, %get3A_142, %dot_general3A_143 {dimension_numbers = #tpu.dot_dimension_numbers<[1], [0], [0], [1], [0, 0, 1, 1], [], []>, transpose_lhs_hint = false} : vector<1000x128xf32>, vector<128x128xf32>, vector<1000x128xf32> -> vector<1000x128xf32>
    %add3A_145 = arith.addf %add3A_128, %dot_general3A_144 : vector<1000x128xf32>
    %sub3A_146 = arith.constant 8.500000e+00 : f32
    %sub3A_147 = vector.broadcast %sub3A_146 : f32 to vector<1000x128xf32>
    %sub3A_148 = arith.subf %add3A, %sub3A_147 : vector<1000x128xf32>
    %logistic3A_149 = arith.negf %sub3A_148 : vector<1000x128xf32>
    %logistic3A_150 = math.exp %logistic3A_149 : vector<1000x128xf32>
    %logistic3A_151 = arith.constant 1.000000e+00 : f32
    %logistic3A_152 = vector.broadcast %logistic3A_151 : f32 to vector<1000x128xf32>
    %logistic3A_153 = arith.addf %logistic3A_152, %logistic3A_150 : vector<1000x128xf32>
    %logistic3A_154 = arith.divf %logistic3A_152, %logistic3A_153 : vector<1000x128xf32>
    %get3A_155 = arith.constant 8 : index
    %get3A_156 = arith.constant 0 : index
    %get3A_157 = arith.constant 0 : index
    %get3A_158 = vector.load %arg5[%get3A_155, %get3A_156, %get3A_157] : memref<16x128x128xf32, #tpu.memory_space<vmem>>, vector<1x128x128xf32>
    %get3A_159 = vector.shape_cast %get3A_158 : vector<1x128x128xf32> to vector<128x128xf32>
    %dot_general3A_160 = arith.constant dense<0.000000e+00> : vector<1000x128xf32>
    %dot_general3A_161 = tpu.matmul %logistic3A_154, %get3A_159, %dot_general3A_160 {dimension_numbers = #tpu.dot_dimension_numbers<[1], [0], [0], [1], [0, 0, 1, 1], [], []>, transpose_lhs_hint = false} : vector<1000x128xf32>, vector<128x128xf32>, vector<1000x128xf32> -> vector<1000x128xf32>
    %add3A_162 = arith.addf %add3A_145, %dot_general3A_161 : vector<1000x128xf32>
    %sub3A_163 = arith.constant 9.500000e+00 : f32
    %sub3A_164 = vector.broadcast %sub3A_163 : f32 to vector<1000x128xf32>
    %sub3A_165 = arith.subf %add3A, %sub3A_164 : vector<1000x128xf32>
    %logistic3A_166 = arith.negf %sub3A_165 : vector<1000x128xf32>
    %logistic3A_167 = math.exp %logistic3A_166 : vector<1000x128xf32>
    %logistic3A_168 = arith.constant 1.000000e+00 : f32
    %logistic3A_169 = vector.broadcast %logistic3A_168 : f32 to vector<1000x128xf32>
    %logistic3A_170 = arith.addf %logistic3A_169, %logistic3A_167 : vector<1000x128xf32>
    %logistic3A_171 = arith.divf %logistic3A_169, %logistic3A_170 : vector<1000x128xf32>
    %get3A_172 = arith.constant 9 : index
    %get3A_173 = arith.constant 0 : index
    %get3A_174 = arith.constant 0 : index
    %get3A_175 = vector.load %arg5[%get3A_172, %get3A_173, %get3A_174] : memref<16x128x128xf32, #tpu.memory_space<vmem>>, vector<1x128x128xf32>
    %get3A_176 = vector.shape_cast %get3A_175 : vector<1x128x128xf32> to vector<128x128xf32>
    %dot_general3A_177 = arith.constant dense<0.000000e+00> : vector<1000x128xf32>
    %dot_general3A_178 = tpu.matmul %logistic3A_171, %get3A_176, %dot_general3A_177 {dimension_numbers = #tpu.dot_dimension_numbers<[1], [0], [0], [1], [0, 0, 1, 1], [], []>, transpose_lhs_hint = false} : vector<1000x128xf32>, vector<128x128xf32>, vector<1000x128xf32> -> vector<1000x128xf32>
    %add3A_179 = arith.addf %add3A_162, %dot_general3A_178 : vector<1000x128xf32>
    %sub3A_180 = arith.constant 1.050000e+01 : f32
    %sub3A_181 = vector.broadcast %sub3A_180 : f32 to vector<1000x128xf32>
    %sub3A_182 = arith.subf %add3A, %sub3A_181 : vector<1000x128xf32>
    %logistic3A_183 = arith.negf %sub3A_182 : vector<1000x128xf32>
    %logistic3A_184 = math.exp %logistic3A_183 : vector<1000x128xf32>
    %logistic3A_185 = arith.constant 1.000000e+00 : f32
    %logistic3A_186 = vector.broadcast %logistic3A_185 : f32 to vector<1000x128xf32>
    %logistic3A_187 = arith.addf %logistic3A_186, %logistic3A_184 : vector<1000x128xf32>
    %logistic3A_188 = arith.divf %logistic3A_186, %logistic3A_187 : vector<1000x128xf32>
    %get3A_189 = arith.constant 10 : index
    %get3A_190 = arith.constant 0 : index
    %get3A_191 = arith.constant 0 : index
    %get3A_192 = vector.load %arg5[%get3A_189, %get3A_190, %get3A_191] : memref<16x128x128xf32, #tpu.memory_space<vmem>>, vector<1x128x128xf32>
    %get3A_193 = vector.shape_cast %get3A_192 : vector<1x128x128xf32> to vector<128x128xf32>
    %dot_general3A_194 = arith.constant dense<0.000000e+00> : vector<1000x128xf32>
    %dot_general3A_195 = tpu.matmul %logistic3A_188, %get3A_193, %dot_general3A_194 {dimension_numbers = #tpu.dot_dimension_numbers<[1], [0], [0], [1], [0, 0, 1, 1], [], []>, transpose_lhs_hint = false} : vector<1000x128xf32>, vector<128x128xf32>, vector<1000x128xf32> -> vector<1000x128xf32>
    %add3A_196 = arith.addf %add3A_179, %dot_general3A_195 : vector<1000x128xf32>
    %sub3A_197 = arith.constant 1.150000e+01 : f32
    %sub3A_198 = vector.broadcast %sub3A_197 : f32 to vector<1000x128xf32>
    %sub3A_199 = arith.subf %add3A, %sub3A_198 : vector<1000x128xf32>
    %logistic3A_200 = arith.negf %sub3A_199 : vector<1000x128xf32>
    %logistic3A_201 = math.exp %logistic3A_200 : vector<1000x128xf32>
    %logistic3A_202 = arith.constant 1.000000e+00 : f32
    %logistic3A_203 = vector.broadcast %logistic3A_202 : f32 to vector<1000x128xf32>
    %logistic3A_204 = arith.addf %logistic3A_203, %logistic3A_201 : vector<1000x128xf32>
    %logistic3A_205 = arith.divf %logistic3A_203, %logistic3A_204 : vector<1000x128xf32>
    %get3A_206 = arith.constant 11 : index
    %get3A_207 = arith.constant 0 : index
    %get3A_208 = arith.constant 0 : index
    %get3A_209 = vector.load %arg5[%get3A_206, %get3A_207, %get3A_208] : memref<16x128x128xf32, #tpu.memory_space<vmem>>, vector<1x128x128xf32>
    %get3A_210 = vector.shape_cast %get3A_209 : vector<1x128x128xf32> to vector<128x128xf32>
    %dot_general3A_211 = arith.constant dense<0.000000e+00> : vector<1000x128xf32>
    %dot_general3A_212 = tpu.matmul %logistic3A_205, %get3A_210, %dot_general3A_211 {dimension_numbers = #tpu.dot_dimension_numbers<[1], [0], [0], [1], [0, 0, 1, 1], [], []>, transpose_lhs_hint = false} : vector<1000x128xf32>, vector<128x128xf32>, vector<1000x128xf32> -> vector<1000x128xf32>
    %add3A_213 = arith.addf %add3A_196, %dot_general3A_212 : vector<1000x128xf32>
    %sub3A_214 = arith.constant 1.250000e+01 : f32
    %sub3A_215 = vector.broadcast %sub3A_214 : f32 to vector<1000x128xf32>
    %sub3A_216 = arith.subf %add3A, %sub3A_215 : vector<1000x128xf32>
    %logistic3A_217 = arith.negf %sub3A_216 : vector<1000x128xf32>
    %logistic3A_218 = math.exp %logistic3A_217 : vector<1000x128xf32>
    %logistic3A_219 = arith.constant 1.000000e+00 : f32
    %logistic3A_220 = vector.broadcast %logistic3A_219 : f32 to vector<1000x128xf32>
    %logistic3A_221 = arith.addf %logistic3A_220, %logistic3A_218 : vector<1000x128xf32>
    %logistic3A_222 = arith.divf %logistic3A_220, %logistic3A_221 : vector<1000x128xf32>
    %get3A_223 = arith.constant 12 : index
    %get3A_224 = arith.constant 0 : index
    %get3A_225 = arith.constant 0 : index
    %get3A_226 = vector.load %arg5[%get3A_223, %get3A_224, %get3A_225] : memref<16x128x128xf32, #tpu.memory_space<vmem>>, vector<1x128x128xf32>
    %get3A_227 = vector.shape_cast %get3A_226 : vector<1x128x128xf32> to vector<128x128xf32>
    %dot_general3A_228 = arith.constant dense<0.000000e+00> : vector<1000x128xf32>
    %dot_general3A_229 = tpu.matmul %logistic3A_222, %get3A_227, %dot_general3A_228 {dimension_numbers = #tpu.dot_dimension_numbers<[1], [0], [0], [1], [0, 0, 1, 1], [], []>, transpose_lhs_hint = false} : vector<1000x128xf32>, vector<128x128xf32>, vector<1000x128xf32> -> vector<1000x128xf32>
    %add3A_230 = arith.addf %add3A_213, %dot_general3A_229 : vector<1000x128xf32>
    %sub3A_231 = arith.constant 1.350000e+01 : f32
    %sub3A_232 = vector.broadcast %sub3A_231 : f32 to vector<1000x128xf32>
    %sub3A_233 = arith.subf %add3A, %sub3A_232 : vector<1000x128xf32>
    %logistic3A_234 = arith.negf %sub3A_233 : vector<1000x128xf32>
    %logistic3A_235 = math.exp %logistic3A_234 : vector<1000x128xf32>
    %logistic3A_236 = arith.constant 1.000000e+00 : f32
    %logistic3A_237 = vector.broadcast %logistic3A_236 : f32 to vector<1000x128xf32>
    %logistic3A_238 = arith.addf %logistic3A_237, %logistic3A_235 : vector<1000x128xf32>
    %logistic3A_239 = arith.divf %logistic3A_237, %logistic3A_238 : vector<1000x128xf32>
    %get3A_240 = arith.constant 13 : index
    %get3A_241 = arith.constant 0 : index
    %get3A_242 = arith.constant 0 : index
    %get3A_243 = vector.load %arg5[%get3A_240, %get3A_241, %get3A_242] : memref<16x128x128xf32, #tpu.memory_space<vmem>>, vector<1x128x128xf32>
    %get3A_244 = vector.shape_cast %get3A_243 : vector<1x128x128xf32> to vector<128x128xf32>
    %dot_general3A_245 = arith.constant dense<0.000000e+00> : vector<1000x128xf32>
    %dot_general3A_246 = tpu.matmul %logistic3A_239, %get3A_244, %dot_general3A_245 {dimension_numbers = #tpu.dot_dimension_numbers<[1], [0], [0], [1], [0, 0, 1, 1], [], []>, transpose_lhs_hint = false} : vector<1000x128xf32>, vector<128x128xf32>, vector<1000x128xf32> -> vector<1000x128xf32>
    %add3A_247 = arith.addf %add3A_230, %dot_general3A_246 : vector<1000x128xf32>
    %sub3A_248 = arith.constant 1.450000e+01 : f32
    %sub3A_249 = vector.broadcast %sub3A_248 : f32 to vector<1000x128xf32>
    %sub3A_250 = arith.subf %add3A, %sub3A_249 : vector<1000x128xf32>
    %logistic3A_251 = arith.negf %sub3A_250 : vector<1000x128xf32>
    %logistic3A_252 = math.exp %logistic3A_251 : vector<1000x128xf32>
    %logistic3A_253 = arith.constant 1.000000e+00 : f32
    %logistic3A_254 = vector.broadcast %logistic3A_253 : f32 to vector<1000x128xf32>
    %logistic3A_255 = arith.addf %logistic3A_254, %logistic3A_252 : vector<1000x128xf32>
    %logistic3A_256 = arith.divf %logistic3A_254, %logistic3A_255 : vector<1000x128xf32>
    %get3A_257 = arith.constant 14 : index
    %get3A_258 = arith.constant 0 : index
    %get3A_259 = arith.constant 0 : index
    %get3A_260 = vector.load %arg5[%get3A_257, %get3A_258, %get3A_259] : memref<16x128x128xf32, #tpu.memory_space<vmem>>, vector<1x128x128xf32>
    %get3A_261 = vector.shape_cast %get3A_260 : vector<1x128x128xf32> to vector<128x128xf32>
    %dot_general3A_262 = arith.constant dense<0.000000e+00> : vector<1000x128xf32>
    %dot_general3A_263 = tpu.matmul %logistic3A_256, %get3A_261, %dot_general3A_262 {dimension_numbers = #tpu.dot_dimension_numbers<[1], [0], [0], [1], [0, 0, 1, 1], [], []>, transpose_lhs_hint = false} : vector<1000x128xf32>, vector<128x128xf32>, vector<1000x128xf32> -> vector<1000x128xf32>
    %add3A_264 = arith.addf %add3A_247, %dot_general3A_263 : vector<1000x128xf32>
    %sub3A_265 = arith.constant 1.550000e+01 : f32
    %sub3A_266 = vector.broadcast %sub3A_265 : f32 to vector<1000x128xf32>
    %sub3A_267 = arith.subf %add3A, %sub3A_266 : vector<1000x128xf32>
    %logistic3A_268 = arith.negf %sub3A_267 : vector<1000x128xf32>
    %logistic3A_269 = math.exp %logistic3A_268 : vector<1000x128xf32>
    %logistic3A_270 = arith.constant 1.000000e+00 : f32
    %logistic3A_271 = vector.broadcast %logistic3A_270 : f32 to vector<1000x128xf32>
    %logistic3A_272 = arith.addf %logistic3A_271, %logistic3A_269 : vector<1000x128xf32>
    %logistic3A_273 = arith.divf %logistic3A_271, %logistic3A_272 : vector<1000x128xf32>
    %get3A_274 = arith.constant 15 : index
    %get3A_275 = arith.constant 0 : index
    %get3A_276 = arith.constant 0 : index
    %get3A_277 = vector.load %arg5[%get3A_274, %get3A_275, %get3A_276] : memref<16x128x128xf32, #tpu.memory_space<vmem>>, vector<1x128x128xf32>
    %get3A_278 = vector.shape_cast %get3A_277 : vector<1x128x128xf32> to vector<128x128xf32>
    %dot_general3A_279 = arith.constant dense<0.000000e+00> : vector<1000x128xf32>
    %dot_general3A_280 = tpu.matmul %logistic3A_273, %get3A_278, %dot_general3A_279 {dimension_numbers = #tpu.dot_dimension_numbers<[1], [0], [0], [1], [0, 0, 1, 1], [], []>, transpose_lhs_hint = false} : vector<1000x128xf32>, vector<128x128xf32>, vector<1000x128xf32> -> vector<1000x128xf32>
    %add3A_281 = arith.addf %add3A_264, %dot_general3A_280 : vector<1000x128xf32>
    %get3A_282 = arith.constant 0 : index
    %get3A_283 = arith.constant 0 : index
    %get3A_284 = vector.load %arg6[%get3A_282, %get3A_283] : memref<1x128xf32, #tpu.memory_space<vmem>>, vector<1x128xf32>
    %add3A_285 = vector.broadcast %get3A_284 : vector<1x128xf32> to vector<1000x128xf32>
    %add3A_286 = arith.addf %add3A_281, %add3A_285 : vector<1000x128xf32>
    %reduce_max3A = arith.constant dense<0xFF800000> : vector<1000xf32>
    %reduce_max3A_287 = vector.multi_reduction <maximumf>, %add3A_286, %reduce_max3A [1] : vector<1000x128xf32> to vector<1000xf32>
    %max3A = arith.constant 0xFF800000 : f32
    %max3A_288 = vector.broadcast %max3A : f32 to vector<1000xf32>
    %max3A_289 = arith.maximumf %max3A_288, %reduce_max3A_287 : vector<1000xf32>
    %broadcast_in_dim3A = vector.shape_cast %max3A_289 : vector<1000xf32> to vector<1000x1xf32>
    %sub3A_290 = vector.broadcast %broadcast_in_dim3A : vector<1000x1xf32> to vector<1000x128xf32>
    %sub3A_291 = arith.subf %add3A_286, %sub3A_290 : vector<1000x128xf32>
    %exp3A = math.exp %sub3A_291 : vector<1000x128xf32>
    %reduce_sum3A = arith.constant dense<0.000000e+00> : vector<1000xf32>
    %reduce_sum3A_292 = vector.multi_reduction <add>, %exp3A, %reduce_sum3A [1] : vector<1000x128xf32> to vector<1000xf32>
    %broadcast_in_dim3A_293 = vector.shape_cast %reduce_sum3A_292 : vector<1000xf32> to vector<1000x1xf32>
    %div3A = vector.broadcast %broadcast_in_dim3A_293 : vector<1000x1xf32> to vector<1000x128xf32>
    %div3A_294 = arith.divf %exp3A, %div3A : vector<1000x128xf32>
    %get3A_295 = arith.constant 0 : index
    %get3A_296 = arith.constant 0 : index
    %get3A_297 = vector.load %arg7[%get3A_295, %get3A_296] : memref<128x256xf32, #tpu.memory_space<vmem>>, vector<128x256xf32>
    %dot_general3A_298 = arith.constant dense<0.000000e+00> : vector<1000x256xf32>
    %dot_general3A_299 = tpu.matmul %div3A_294, %get3A_297, %dot_general3A_298 {dimension_numbers = #tpu.dot_dimension_numbers<[1], [0], [0], [1], [0, 0, 1, 1], [], []>, transpose_lhs_hint = false} : vector<1000x128xf32>, vector<128x256xf32>, vector<1000x256xf32> -> vector<1000x256xf32>
    %get3A_300 = arith.constant 0 : index
    %get3A_301 = arith.constant 0 : index
    %get3A_302 = vector.load %arg8[%get3A_300, %get3A_301] : memref<1x256xf32, #tpu.memory_space<vmem>>, vector<1x256xf32>
    %add3A_303 = vector.broadcast %get3A_302 : vector<1x256xf32> to vector<1000x256xf32>
    %add3A_304 = arith.addf %dot_general3A_299, %add3A_303 : vector<1000x256xf32>
    %swap3A = arith.constant 0 : index
    %swap3A_305 = arith.constant 0 : index
    %swap3A_306 = vector.load %arg9[%swap3A, %swap3A_305] : memref<1000x256xf32, #tpu.memory_space<vmem>>, vector<1000x256xf32>
    tpu.vector_store %arg9[%swap3A, %swap3A_305], %add3A_304 {strides = array<i32>} : memref<1000x256xf32, #tpu.memory_space<vmem>>, vector<1000x256xf32>,
    return
  }
  func.func @transform_0(%arg0: i32) -> (i32, i32) {
    %c0_i32 = arith.constant 0 : i32
    %c0_i32_0 = arith.constant 0 : i32
    return %arg0, %c0_i32 : i32, i32
  }
  func.func @transform_1(%arg0: i32) -> (i32, i32) {
    %c0_i32 = arith.constant 0 : i32
    %c0_i32_0 = arith.constant 0 : i32
    return %arg0, %c0_i32 : i32, i32
  }
  func.func @transform_2(%arg0: i32) -> (i32, i32) {
    %c0_i32 = arith.constant 0 : i32
    %c0_i32_0 = arith.constant 0 : i32
    return %arg0, %c0_i32 : i32, i32
  }
  func.func @transform_3(%arg0: i32) -> (i32, i32) {
    %c0_i32 = arith.constant 0 : i32
    %c0_i32_0 = arith.constant 0 : i32
    %c0_i32_1 = arith.constant 0 : i32
    return %c0_i32, %c0_i32_0 : i32, i32
  }
  func.func @transform_4(%arg0: i32) -> (i32, i32, i32) {
    %c0_i32 = arith.constant 0 : i32
    %c0_i32_0 = arith.constant 0 : i32
    %c0_i32_1 = arith.constant 0 : i32
    %c0_i32_2 = arith.constant 0 : i32
    return %c0_i32, %c0_i32_0, %c0_i32_1 : i32, i32, i32
  }
  func.func @transform_5(%arg0: i32) -> (i32, i32) {
    %c0_i32 = arith.constant 0 : i32
    %c0_i32_0 = arith.constant 0 : i32
    %c0_i32_1 = arith.constant 0 : i32
    return %c0_i32, %c0_i32_0 : i32, i32
  }
  func.func @transform_6(%arg0: i32) -> (i32, i32) {
    %c0_i32 = arith.constant 0 : i32
    %c0_i32_0 = arith.constant 0 : i32
    %c0_i32_1 = arith.constant 0 : i32
    return %c0_i32, %c0_i32_0 : i32, i32
  }
  func.func @transform_7(%arg0: i32) -> (i32, i32) {
    %c0_i32 = arith.constant 0 : i32
    %c0_i32_0 = arith.constant 0 : i32
    %c0_i32_1 = arith.constant 0 : i32
    return %c0_i32, %c0_i32_0 : i32, i32
  }
  func.func @transform_8(%arg0: i32) -> (i32, i32) {
    %c0_i32 = arith.constant 0 : i32
    %c0_i32_0 = arith.constant 0 : i32
    return %arg0, %c0_i32 : i32, i32
  }
}

</mosaic_0001>

<sc_bundles>
// kernel: kernel.10.cloned.1.call-start
scs
__scs_entry_jumppad:
0x0: {  	(pc) =	sbr.rel $0x88, $3  }
0x1: {  	(tag) =	ssettag $0x0;
	lr =	simm.s32 $0x1  }
0x2: {  	[smem:$0x3F97] =	sst lr;
	_ =	strace $0xD0000000  }
0x3: {  	_ = 	snop  }
0x4: {  	_ = 	snop  }
0x5: {  	_ = 	snop  }
0x6: {  	_ = 	snop  }
0x7: {  	_ = 	snop  }
__scs_overlays_trampoline_lowered:
0x8: {  	[smem:$0x3FA6] =	sst s0  }
0x9: {  	[smem:$0x3FA7] =	sst s1  }
0xa: {  	[smem:$0x3FA8] =	sst s2  }
0xb: {  	[smem:$0x3FA9] =	sst s3  }
0xc: {  	[smem:$0x3FAA] =	sst s4  }
0xd: {  	[smem:$0x3FAB] =	sst s5  }
0xe: {  	[smem:$0x3FAC] =	sst s6  }
0xf: {  	[smem:$0x3FAD] =	sst s7  }
0x10: {  	[smem:$0x3FAE] =	sst s8  }
0x11: {  	[smem:$0x3FAF] =	sst s9;
	s0 =	simm.s32 @!p0 $0x0  }
0x12: {  	s1 =	sld [smem:$0x3F95];
	s0 =	simm.s32 @p0 $0x1  }
0x13: {  	[smem:$0x3FB0] =	sst s0;
	s0 =	simm.s32 @!p1 $0x0  }
0x14: {  	s2 =	sld [smem:$0x3F94];
	s0 =	simm.s32 @p1 $0x1  }
0x15: {  	[smem:$0x3FB1] =	sst s0;
	s0 =	simm.s32 @!p2 $0x0  }
0x16: {  	s3 =	sld [smem:$0x3FDB];
	s0 =	simm.s32 @p2 $0x1  }
0x17: {  	s4 =	simm.s32 $0x1BF5;
	[smem:$0x3FB3] =	sst s0  }
0x18: {  	s0 =	sld [smem:$0x3F96];
	_ =	swait.ge [sflag:s4], $0x0  }
0x19: {  	s7 =	sld [smem:$0x3F97]  }
0x1a: {  	s8 =	sadd.s32 $0xFFFFE003, lr  }
0x1b: {  	s9 =	sadd.s32 $0xFFFFFEF7, lr;
	s5 =	simm.s32 $0xFFFFFFFF;
	p2 =	slt.u32 s8, $0xFFFFF086  }
0x1c: {  	p1 =	slt.u32 s9, $0xF7A;
	s5 =	simm.s32 @!p2 $0x0  }
0x1d: {  	s5 =	simm.s32 @p1 $0x1;
	p0 =	seq.s32 s7, s2  }
0x1e: {  	s7 =	smul.u32 @!p0 $0xF7A, s2;
	p2 =	seq.s32 @!p0 s5, $0x0  }
0x1f: {  	s9 =	smul.u32 $0xF7A, s1;
	s8 =	simm.s32 @!p0 $0x1BF5;
	p2 =	por !p2, p0  }
0x20: {  	[sflag:s8] =	ssyncset.s32 @!p0 $0xFFFFF086;
	s6 =	sadd.s32 @!p0 s3, s7;
	s7 =	simm.s32 @!p0 $0x108  }
0x21: {  	s3 =	sadd.s32 s3, s9;
	s6 =	sadd.s32 @!p0 $0x88, s6;
	s7 =	simm.s32 @p2 $0x1082  }
0x22: {  	[simem:s7], [sflag:s8] =	dma.local @!p0 [hbm:s6], $0xF7A  }
0x23: {  	s9 =	sor.u32 $0xD0000000, s2;
	s6 =	simm.s32 $0x108;
	_ =	swait.ge @!p0 [sflag:s8], $0x0  }
0x24: {  	s3 =	sadd.s32 $0x88, s3;
	s6 =	simm.s32 @!p1 $0x1082;
	[sflag:s4] =	ssyncset.s32 $0xFFFFF086  }
0x25: {  	[simem:s6], [sflag:s4] =	dma.local [hbm:s3], $0xF7A  }
0x26: {  	[smem:$0x3F97] =	sst s1;
	(tag) =	ssettag s2;
	_ =	strace s9  }
0x27: {  	s1 =	sld [smem:$0x3FA7]  }
0x28: {  	s2 =	sld [smem:$0x3FA8]  }
0x29: {  	s4 =	sld [smem:$0x3FAA]  }
0x2a: {  	p0 =	seq.s32 s5, $0x0;
	s5 =	sld [smem:$0x3FAB]  }
0x2b: {  	s6 =	sld [smem:$0x3FAC]  }
0x2c: {  	s7 =	sld [smem:$0x3FAD]  }
0x2d: {  	s3 =	simm.s32 $0x108;
	s8 =	sld [smem:$0x3FAE]  }
0x2e: {  	s3 =	simm.s32 @!p0 $0x1082;
	s9 =	sld [smem:$0x3FAF]  }
0x2f: {  	lr =	sadd.s32 s0, s3;
	s0 =	sld [smem:$0x3FA6]  }
0x30: {  	s3 =	sld [smem:$0x3FA9]  }
0x31: {  	[smem:$0x3FB2] =	sst s10  }
0x32: {  	s10 =	sld [smem:$0x3FB0];
	_ =	sdelay $0x3  }
0x33: {  	p0 =	seq.s32 s10, $0x1;
	s10 =	sld [smem:$0x3FB2];
	_ =	sdelay $0x3  }
0x34: {  	[smem:$0x3FB2] =	sst s10  }
0x35: {  	s10 =	sld [smem:$0x3FB1];
	_ =	sdelay $0x3  }
0x36: {  	p1 =	seq.s32 s10, $0x1;
	s10 =	sld [smem:$0x3FB2];
	_ =	sdelay $0x3  }
0x37: {  	[smem:$0x3FB2] =	sst s10  }
0x38: {  	s10 =	sld [smem:$0x3FB3]  }
0x39: {  	_ = 	snop;
	(pc) =	sbr.ind lr, $3  }
0x3a: {  	_ = 	snop  }
0x3b: {  	_ = 	snop  }
0x3c: {  	p2 =	seq.s32 s10, $0x1;
	s10 =	sld [smem:$0x3FB2]  }
0x3d: {  	_ =	shalt  }
0x3e: {  	_ =	shalt  }
0x3f: {  	_ =	shalt  }
0x40: {  	_ =	shalt  }
0x41: {  	_ =	shalt  }
0x42: {  	_ =	shalt  }
0x43: {  	_ =	shalt  }
0x44: {  	_ =	shalt  }
0x45: {  	_ =	shalt  }
0x46: {  	_ =	shalt  }
0x47: {  	_ =	shalt  }
0x48: {  	_ =	shalt  }
0x49: {  	_ =	shalt  }
0x4a: {  	_ =	shalt  }
0x4b: {  	_ =	shalt  }
0x4c: {  	_ =	shalt  }
0x4d: {  	_ =	shalt  }
0x4e: {  	_ =	shalt  }
0x4f: {  	_ =	shalt  }
0x50: {  	_ =	shalt  }
0x51: {  	_ =	shalt  }
0x52: {  	_ =	shalt  }
0x53: {  	_ =	shalt  }
0x54: {  	_ =	shalt  }
0x55: {  	_ =	shalt  }
0x56: {  	_ =	shalt  }
0x57: {  	_ =	shalt  }
0x58: {  	_ =	shalt  }
0x59: {  	_ =	shalt  }
0x5a: {  	_ =	shalt  }
0x5b: {  	_ =	shalt  }
0x5c: {  	_ =	shalt  }
0x5d: {  	_ =	shalt  }
0x5e: {  	_ =	shalt  }
0x5f: {  	_ =	shalt  }
0x60: {  	_ =	shalt  }
0x61: {  	_ =	shalt  }
0x62: {  	_ =	shalt  }
0x63: {  	_ =	shalt  }
0x64: {  	_ =	shalt  }
0x65: {  	_ =	shalt  }
0x66: {  	_ =	shalt  }
0x67: {  	_ =	shalt  }
0x68: {  	_ =	shalt  }
0x69: {  	_ =	shalt  }
0x6a: {  	_ =	shalt  }
0x6b: {  	_ =	shalt  }
0x6c: {  	_ =	shalt  }
0x6d: {  	_ =	shalt  }
0x6e: {  	_ =	shalt  }
0x6f: {  	_ =	shalt  }
0x70: {  	_ =	shalt  }
0x71: {  	_ =	shalt  }
0x72: {  	_ =	shalt  }
0x73: {  	_ =	shalt  }
0x74: {  	_ =	shalt  }
0x75: {  	_ =	shalt  }
0x76: {  	_ =	shalt  }
0x77: {  	_ =	shalt  }
0x78: {  	_ =	shalt  }
0x79: {  	_ =	shalt  }
0x7a: {  	_ =	shalt  }
0x7b: {  	_ =	shalt  }
0x7c: {  	_ =	shalt  }
0x7d: {  	_ =	shalt  }
0x7e: {  	_ =	shalt  }
0x7f: {  	_ =	shalt  }
0x80: {  	_ =	shalt  }
0x81: {  	_ =	shalt  }
0x82: {  	_ =	shalt  }
0x83: {  	_ =	shalt  }
0x84: {  	_ =	shalt  }
0x85: {  	_ =	shalt  }
0x86: {  	_ =	shalt  }
0x87: {  	_ =	shalt  }
.Lfunc_end0:
.L_simem_size_0:
called_computation.1_lowered:
.L_overlay_start_0:
0x88: {  	s2 =	sld [smem:$0x3FD9]  }
0x89: {  	s3 =	sld [smem:$0x3FFE];
	_ =	sdelay $0x1  }
0x8a: {  	s1 =	srdreg.scid  }
0x8b: {  	s0 =	sand.u32 $0x1, s1  }
0x8c: {  	s17 =	sshll.u32 s0, $0xA;
	s2 =	sadd.s32 s3, s2  }
0x8d: {  	s2 =	sadd.s32 s2, s17  }
0x8e: {  	[smem:$0x3FBE] =	sst s2  }
0x8f: {  	_ = 	snop  }
0x90: {  	s2 =	sld [smem:$0x3FD0];
	(tm) =	ssettm $0x1  }
0x91: {  	s18 =	sld [smem:$0x3FFB];
	_ =	sdelay $0x3  }
0x92: {  	_ =	strace s18  }
0x93: {  	s3 =	sld [smem:$0x3FFC];
	_ =	sdelay $0x3  }
0x94: {  	_ =	strace s3  }
0x95: {  	s3 =	sld [smem:$0x3FFD];
	_ =	sdelay $0x3  }
0x96: {  	_ =	strace s3  }
0x97: {  	_ =	strace $0x8FFFFFFF  }
0x98: {  	s19 =	sld [smem:$0x3FDB];
	_ =	sdelay $0x1  }
0x99: {  	s4 =	simm.s32 $_scs_section_size  }
0x9a: {  	s5 =	simm.s32 $_size__tile_overlayer_lowered;
	s6 =	simm.s32 $_tile_overlayer_lowered  }
0x9b: {  	s22 =	simm.s32 $0x1BFF;
	s21 =	sshll.u32 s6, $0x1;
	s3 =	sadd.s32 s4, s19  }
0x9c: {  	s7 =	simm.s32 $0x0;
	s20 =	sshll.u32 s5, $0x1;
	s5 =	sadd.s32 s21, s3  }
0x9d: {  	[timem:s7], [sflag:s22] =	dma.local [hbm:s5], s20  }
0x9e: {  	_ =	swait.ge [sflag:s22], s20  }
0x9f: {  	s4 =	ssub.s32 $0x0, s20;
	[sflag:s22] =	ssyncset.done $0x0  }
0xa0: {  	[sflag:s22] =	ssyncadd.s32 s4;
	_ =	sdelay $0x1  }
0xa1: {  	s23 =	simm.s32 $0x1B8B  }
0xa2: {  	_ =	swait.ge [sflag:s23], $0x1  }
0xa3: {  	[sflag:s23] =	ssyncset.done $0x0  }
0xa4: {  	s25 =	simm.s32 $0x1B8E;
	s24 =	sld [smem:$0x3FFE];
	[sflag:s23] =	ssyncadd.s32 $0xFFFFFFFF  }
0xa5: {  	s26 =	simm.s32 $execute0_lowered;
	[smem:$0x3FD2] =	sst s25  }
0xa6: {  	s5 =	sshll.u32 s26, $0x1;
	_ =	strace $0x80000049;
	[dreg:$0x1] =	wrdreg $0xFFFFFFFF  }
0xa7: {  	s28 =	simm.s32 $_size_execute0_lowered;
	s3 =	sadd.s32 s3, s5;
	[dreg:$0x0] =	wrdreg $0x0  }
0xa8: {  	s5 =	sshll.u32 s28, $0x1;
	[dreg:$0x2] =	wrdreg s3  }
0xa9: {  	[dreg:$0x3] =	wrdreg s5  }
0xaa: {  	[dreg:$0x4] =	wrdreg $0xC0  }
0xab: {  	_ =	task [dreg:s7], $0x5FFFF  }
0xac: {  	[dreg:$0x1] =	wrdreg $0xFFFFFFFF  }
0xad: {  	[dreg:$0x0] =	wrdreg $0x60  }
0xae: {  	[dreg:$0x2] =	wrdreg s2  }
0xaf: {  	[dreg:$0x3] =	wrdreg s24  }
0xb0: {  	[dreg:$0x4] =	wrdreg $0xA8000  }
0xb1: {  	[dreg:$0x5] =	wrdreg $0x9  }
0xb2: {  	_ =	task.clear_ibuf [dreg:s7], $0x6FFFF;
	_ =	strace $0x90000049  }
0xb3: {  	s29 =	simm.s32 $0x9;
	_ =	strace $0x8000004B  }
0xb4: {  	_ =	swait.ge [sflag:s29], $0x1  }
0xb5: {  	[sflag:s29] =	ssyncadd.s32 $0xFFFFFFFF  }
0xb6: {  	_ =	strace $0x9000004B  }
0xb7: {  	_ =	sfence  }
0xb8: {  	s30 =	sld [smem:$0x0];
	_ =	sdelay $0x2  }
0xb9: {  	s31 =	sshll.u32 s1, $0xD;
	s1 =	sshrl.u32 s1, $0x2  }
0xba: {  	s3 =	sand.u32 $0x4000, s31;
	s1 =	sadd.s32 s1, s30  }
0xbb: {  	s0 =	sor.u32 s3, s0;
	s1 =	sshll.u32 s1, $0x11  }
0xbc: {  	s0 =	sor.u32 s1, s0  }
0xbd: {  	s0 =	sadd.s32 $0x8F2B, s0  }
0xbe: {  	[sflag:s0] =	ssyncadd.remote.s32 $0x1  }
0xbf: {  	_ =	sfence.sel $0xFFFF  }
0xc0: {  	[dreg:$0x0] =	wrdreg $0xFFFFFFFF;
	(pc) =	sbr.abs _section_cstart, $3  }
0xc1: {  	[dreg:$0x1] =	wrdreg $0xFFFFFFFF  }
0xc2: {  	_ =	task.clear_ibuf [dreg:s7], $0x2FFFF;
	_ =	strace $0x9FFFFFFF  }
0xc3: {  	(tm) =	ssettm $0x7FFFFFFF  }
tec
execute0_lowered:
.L_overlay_start_1:
0x0: {  	(tag) =	ssettag $0x1  }
0x1: {  	s0 =	rddreg [dreg:$0x0]  }
0x2: {  	s1 =	srdreg.scid;
	s2 =	rddreg [dreg:$0x1]  }
0x3: {  	s3 =	rddreg [dreg:$0x2];
	s17 =	stileid.u32  }
0x4: {  	s4 =	simm.s32 $0x0;
	s1 =	sand.u32 $0x1, s1;
	s19 =	smul.u32 $0x270, s17  }
0x5: {  	[smem:$0x7FF] =	sst s4;
	s6 =	sadd.s32 $0xDA00, s2;
	s12 =	smul.u32 $0x2700, s17  }
0x6: {  	s7 =	sadd.s32 $0xE200, s2;
	s8 =	sadd.s32 $0x35400, s2;
	s20 =	smul.u32 $0x50000, s17  }
0x7: {  	p2 =	seq.s32 s17, $0xF;
	s5 =	sshll.u32 s1, $0x4;
	_ =	strace $0x8000004A  }
0x8: {  	[dreg:$0x4] =	wrdreg s6;
	s9 =	ssub.s32 $0x2, s1;
	p0 =	seq.s32 s1, $0x1  }
0x9: {  	p1 =	sne.s32 s1, $0x0;
	s1 =	sadd.s32 $0x138000, s3;
	s5 =	sor.u32 s17, s5  }
0xa: {  	s10 =	sshrl.u32 s9, $0x1;
	s11 =	sadd.s32 $0x80, s19;
	s14 =	sadd.s32 s7, s12  }
0xb: {  	s21 =	sadd.s32 $0x100, s19;
	s6 =	sadd.s32 $0x200, s19;
	s25 =	sadd.s32 s8, s12  }
0xc: {  	p4 =	sne.s32 @!p1 s17, $0xF;
	s5 =	smul.u32 $0x280, s5;
	s9 =	ssub.s32 s9, s10  }
0xd: {  	s13 =	sshll.u32 s11, $0x4;
	[dreg:$0x5] =	wrdreg s14;
	s23 =	sshll.u32 s21, $0x4  }
0xe: {  	s16 =	sshll.u32 s6, $0x4;
	[dreg:$0xa] =	wrdreg s25;
	s25 =	sadd.s32 $0x35200, s2  }
0xf: {  	s21 =	sshll.u32 s21, $0x7;
	s22 =	sadd.s32 s7, s13;
	[dreg:$0x11] =	wrdreg s25  }
0x10: {  	p3 =	por p4, p1;
	s15 =	sadd.s32 s7, s23;
	[dreg:$0x6] =	wrdreg s22  }
0x11: {  	p4 =	por !p4, p1;
	s26 =	sadd.s32 s8, s13;
	[dreg:$0x7] =	wrdreg s15  }
0x12: {  	s10 =	simm.s32 $0x6800;
	s12 =	sadd.s32 s8, s23;
	[dreg:$0xb] =	wrdreg s26  }
0x13: {  	s14 =	sadd.s32 s8, s16;
	s21 =	sadd.s32 s21, s3;
	[dreg:$0xc] =	wrdreg s12  }
0x14: {  	s5 =	sadd.s32 s5, s2;
	s22 =	sadd.s32 $0x180, s19;
	[dreg:$0xe] =	wrdreg s14  }
0x15: {  	s15 =	smul.u32 $0x4E000, s17;
	s26 =	sadd.s32 $0x5C400, s2;
	s2 =	simm.s32 $0x2800  }
0x16: {  	s24 =	sshll.u32 s22, $0x4;
	s23 =	sshll.u32 s22, $0x7;
	[dreg:$0x12] =	wrdreg s26  }
0x17: {  	s26 =	smax.u32 s9, $0x1;
	s9 =	simm.s32 $0x80;
	s18 =	sadd.s32 s7, s24  }
0x18: {  	s7 =	sadd.s32 s7, s16;
	s13 =	sadd.s32 s8, s24;
	[dreg:$0x8] =	wrdreg s18  }
0x19: {  	s16 =	sadd.s32 $0x8A00, s5;
	s5 =	sadd.s32 $0x3A00, s5;
	[dreg:$0x9] =	wrdreg s7  }
0x1a: {  	s19 =	sshrl.u32 s15, $0x2;
	s22 =	sadd.s32 s23, s3;
	[dreg:$0xd] =	wrdreg s13  }
0x1b: {  	s24 =	sshll.u32 s6, $0x7;
	s6 =	simm.s32 $0x3;
	[dreg:$0xf] =	wrdreg s16  }
0x1c: {  	s8 =	simm.s32 $0x2;
	s18 =	sshrl.u32 s20, $0x2;
	[dreg:$0x10] =	wrdreg s5  }
0x1d: {  	s19 =	sadd.s32 s19, s3;
	s20 =	sshll.u32 s11, $0x7;
	s23 =	sadd.s32 s24, s3  }
0x1e: {  	s5 =	simm.s32 $0x5;
	s7 =	simm.s32 $0x1;
	s18 =	sadd.s32 s18, s3  }
0x1f: {  	s11 =	simm.s32 $0x0;
	s20 =	sadd.s32 s20, s3;
	s28 =	sadd.s32 $0x4000, s18  }
0x20: {  	s29 =	sadd.s32 $0x8000, s18;
	s30 =	sadd.s32 $0xC000, s18;
	s31 =	sadd.s32 $0x10000, s18  }
.LBB2_1:
0x21: {  	s12 =	rddreg [dreg:$0xf]  }
0x22: {  	[tilespmem:s4], [sflag:$0x1] =	stream.linear.gather [hbm4b:s12+s4], $0x1400, $0x38;
	[tilespmem:$0x1E800] =	vst v63  }
0x23: {  	s14 =	rddreg [dreg:$0x10];
	s13 =	simm.s32 $0x1400  }
0x24: {  	[tilespmem:s13], [sflag:$0x2] =	stream.linear.gather [hbm4b:s14+s4], $0x1400, $0x38;
	[tilespmem:$0x1E800] =	vst v63  }
0x25: {  	s15 =	rddreg [dreg:$0x4]  }
0x26: {  	[tilespmem:s2], [sflag:$0x5] =	stream.linear.gather [hbm4b:s15+s4], $0x4000, $0x38;
	[tilespmem:$0x1E800] =	vst v63  }
0x27: {  	_ =	swait.ge [sflag:s5], $0x4000  }
0x28: {  	[sflag:s5] =	ssyncset.done $0x0  }
0x29: {  	[sflag:s5] =	ssyncadd.s32 $0xFFFFC000  }
0x2a: {  	[spmem:s18] =	stream.linear.scatter [tilespmem:s2], [sflag:$0x3], $0x4000, $0x38;
	[tilespmem:$0x1E800] =	vst v63  }
0x2b: {  	_ = 	snop  }
0x2c: {  	[spmem:s28] =	stream.linear.scatter [tilespmem:s2], [sflag:$0x3], $0x4000, $0x38;
	[tilespmem:$0x1E800] =	vst v63  }
0x2d: {  	_ = 	snop  }
0x2e: {  	[spmem:s29] =	stream.linear.scatter [tilespmem:s2], [sflag:$0x3], $0x4000, $0x38;
	[tilespmem:$0x1E800] =	vst v63  }
0x2f: {  	_ = 	snop  }
0x30: {  	[spmem:s30] =	stream.linear.scatter [tilespmem:s2], [sflag:$0x3], $0x4000, $0x38;
	[tilespmem:$0x1E800] =	vst v63  }
0x31: {  	_ = 	snop  }
0x32: {  	[spmem:s31] =	stream.linear.scatter [tilespmem:s2], [sflag:$0x3], $0x4000, $0x38;
	[tilespmem:$0x1E800] =	vst v63  }
0x33: {  	_ =	swait.ge [sflag:s6], $0x4000  }
0x34: {  	[sflag:s6] =	ssyncset.done $0x0  }
0x35: {  	[sflag:s6] =	ssyncadd.s32 $0xFFFFC000  }
0x36: {  	_ =	swait.ge [sflag:s6], $0x4000  }
0x37: {  	[sflag:s6] =	ssyncset.done $0x0  }
0x38: {  	[sflag:s6] =	ssyncadd.s32 $0xFFFFC000  }
0x39: {  	_ =	swait.ge [sflag:s6], $0x4000  }
0x3a: {  	[sflag:s6] =	ssyncset.done $0x0  }
0x3b: {  	[sflag:s6] =	ssyncadd.s32 $0xFFFFC000  }
0x3c: {  	_ =	swait.ge [sflag:s6], $0x4000  }
0x3d: {  	[sflag:s6] =	ssyncset.done $0x0  }
0x3e: {  	[sflag:s6] =	ssyncadd.s32 $0xFFFFC000  }
0x3f: {  	_ =	swait.ge [sflag:s6], $0x4000  }
0x40: {  	[sflag:s6] =	ssyncset.done $0x0  }
0x41: {  	[sflag:s6] =	ssyncadd.s32 $0xFFFFC000  }
0x42: {  	_ =	swait.ge [sflag:s7], $0x1400  }
0x43: {  	[sflag:s7] =	ssyncset.done $0x0  }
0x44: {  	[sflag:s7] =	ssyncadd.s32 $0xFFFFEC00  }
0x45: {  	_ =	swait.ge [sflag:s8], $0x1400  }
0x46: {  	[sflag:s8] =	ssyncset.done $0x0  }
0x47: {  	[sflag:s8] =	ssyncadd.s32 $0xFFFFEC00  }
0x48: {  	[bflag:$0x0] =	sbarrier.arrive $0xFFFF  }
0x49: {  	[tilespmem:s2], [sflag:$0x1] =	stream.indirect.gather [hbm4b:s0+s9], $0x80, s4, s9, $0xb8;
	[tilespmem:$0x1E800] =	vst v63  }
0x4a: {  	s16 =	simm.s32 $0x80  }
0x4b: {  	[tilespmem:s10], [sflag:$0x2] =	stream.indirect.gather [hbm4b:s0+s9], $0x80, s16, s9, $0xb8;
	[tilespmem:$0x1E800] =	vst v63  }
0x4c: {  	_ =	swait.ge [sflag:s7], $0x4000  }
0x4d: {  	[sflag:s7] =	ssyncset.done $0x0  }
0x4e: {  	s17 =	simm.s32 $0x1400;
	[sflag:s7] =	ssyncadd.s32 $0xFFFFC000  }
0x4f: {  	[spmem:s3] =	stream.indirect.scatter.add.f32 [tilespmem:s2], [sflag:$0x5], $0x80, s17, s9, $0xb8;
	[tilespmem:$0x1E800] =	vst v63  }
0x50: {  	_ =	swait.ge [sflag:s5], $0x4000  }
0x51: {  	[sflag:s5] =	ssyncset.done $0x0  }
0x52: {  	s24 =	simm.s32 $0x100;
	[sflag:s5] =	ssyncadd.s32 $0xFFFFC000  }
0x53: {  	[tilespmem:s2], [sflag:$0x1] =	stream.indirect.gather [hbm4b:s0+s9], $0x80, s24, s9, $0xb8;
	[tilespmem:$0x1E800] =	vst v63  }
0x54: {  	_ =	swait.ge [sflag:s8], $0x4000  }
0x55: {  	[sflag:s8] =	ssyncset.done $0x0  }
0x56: {  	s25 =	simm.s32 $0x1480;
	[sflag:s8] =	ssyncadd.s32 $0xFFFFC000  }
0x57: {  	[spmem:s3] =	stream.indirect.scatter.add.f32 [tilespmem:s10], [sflag:$0x5], $0x80, s25, s9, $0xb8;
	[tilespmem:$0x1E800] =	vst v63  }
0x58: {  	_ =	swait.ge [sflag:s5], $0x4000  }
0x59: {  	s12 =	simm.s32 $0x100;
	s13 =	simm.s32 $0x800;
	[sflag:s5] =	ssyncset.done $0x0  }
.LBB2_2:
0x5a: {  	s14 =	sadd.s32 $0x80, s12  }
0x5b: {  	[sflag:s5] =	ssyncadd.s32 $0xFFFFC000;
	s15 =	smov.u32 s13;
	s16 =	sadd.s32 $0x400, s13  }
0x5c: {  	[tilespmem:s10], [sflag:$0x2] =	stream.indirect.gather [hbm4b:s0+s9], $0x80, s14, s9, $0xb8;
	[tilespmem:$0x1E800] =	vst v63  }
0x5d: {  	p5 =	sne.s32 s13, $0x4800;
	_ =	swait.ge [sflag:s7], $0x4000  }
0x5e: {  	[sflag:s7] =	ssyncset.done $0x0  }
0x5f: {  	s13 =	sadd.s32 $0x1400, s12;
	[sflag:s7] =	ssyncadd.s32 $0xFFFFC000  }
0x60: {  	[spmem:s3] =	stream.indirect.scatter.add.f32 [tilespmem:s2], [sflag:$0x5], $0x80, s13, s9, $0xb8;
	[tilespmem:$0x1E800] =	vst v63  }
0x61: {  	_ =	swait.ge [sflag:s5], $0x4000  }
0x62: {  	[sflag:s5] =	ssyncset.done $0x0  }
0x63: {  	s13 =	sadd.s32 $0x100, s12;
	[sflag:s5] =	ssyncadd.s32 $0xFFFFC000  }
0x64: {  	[tilespmem:s2], [sflag:$0x1] =	stream.indirect.gather [hbm4b:s0+s9], $0x80, s13, s9, $0xb8;
	[tilespmem:$0x1E800] =	vst v63  }
0x65: {  	_ =	swait.ge [sflag:s8], $0x4000  }
.Ltmp0:
0x66: {  	[sflag:s8] =	ssyncset.done $0x0;
	(pc) =	sbr.rel @p5 .LBB2_2-.Ltmp0, $4  }
0x67: {  	s12 =	sadd.s32 $0x1480, s12;
	[sflag:s8] =	ssyncadd.s32 $0xFFFFC000  }
0x68: {  	[spmem:s3] =	stream.indirect.scatter.add.f32 [tilespmem:s10], [sflag:$0x5], $0x80, s12, s9, $0xb8;
	[tilespmem:$0x1E800] =	vst v63  }
0x69: {  	_ =	swait.ge [sflag:s5], $0x4000  }
0x6a: {  	s13 =	smov.u32 s16;
	s12 =	sshra.s32 s15, $0x2;
	[sflag:s5] =	ssyncset.done $0x0  }
0x6b: {  	s13 =	sadd.s32 $0x80, s12;
	[sflag:s5] =	ssyncadd.s32 $0xFFFFC000  }
0x6c: {  	[tilespmem:s10], [sflag:$0x2] =	stream.indirect.gather [hbm4b:s0+s9], $0x80, s13, s9, $0xb8;
	[tilespmem:$0x1E800] =	vst v63  }
0x6d: {  	_ =	swait.ge [sflag:s7], $0x4000  }
0x6e: {  	[sflag:s7] =	ssyncset.done $0x0  }
0x6f: {  	s14 =	sadd.s32 $0x1400, s12;
	[sflag:s7] =	ssyncadd.s32 $0xFFFFC000  }
0x70: {  	[spmem:s3] =	stream.indirect.scatter.add.f32 [tilespmem:s2], [sflag:$0x5], $0x80, s14, s9, $0xb8;
	[tilespmem:$0x1E800] =	vst v63  }
0x71: {  	_ =	swait.ge [sflag:s5], $0x4000  }
0x72: {  	[sflag:s5] =	ssyncset.done $0x0  }
0x73: {  	s15 =	sadd.s32 $0x100, s12;
	[sflag:s5] =	ssyncadd.s32 $0xFFFFC000  }
0x74: {  	[tilespmem:s2], [sflag:$0x1] =	stream.indirect.gather [hbm4b:s0+s9], $0x80, s15, s9, $0xb8;
	[tilespmem:$0x1E800] =	vst v63  }
0x75: {  	_ =	swait.ge [sflag:s8], $0x4000  }
0x76: {  	[sflag:s8] =	ssyncset.done $0x0  }
0x77: {  	s16 =	sadd.s32 $0x1480, s12;
	[sflag:s8] =	ssyncadd.s32 $0xFFFFC000  }
0x78: {  	[spmem:s3] =	stream.indirect.scatter.add.f32 [tilespmem:s10], [sflag:$0x5], $0x80, s16, s9, $0xb8;
	[tilespmem:$0x1E800] =	vst v63  }
0x79: {  	_ =	swait.ge [sflag:s5], $0x4000  }
0x7a: {  	[sflag:s5] =	ssyncset.done $0x0  }
0x7b: {  	s17 =	simm.s32 $0x1380;
	[sflag:s5] =	ssyncadd.s32 $0xFFFFC000  }
0x7c: {  	[tilespmem:s10], [sflag:$0x2] =	stream.indirect.gather [hbm4b:s0+s9], $0x80, s17, s9, $0xb8;
	[tilespmem:$0x1E800] =	vst v63  }
0x7d: {  	_ =	swait.ge [sflag:s7], $0x4000  }
0x7e: {  	[sflag:s7] =	ssyncset.done $0x0  }
0x7f: {  	s24 =	simm.s32 $0x2700;
	[sflag:s7] =	ssyncadd.s32 $0xFFFFC000  }
0x80: {  	[spmem:s3] =	stream.indirect.scatter.add.f32 [tilespmem:s2], [sflag:$0x5], $0x80, s24, s9, $0xb8;
	[tilespmem:$0x1E800] =	vst v63  }
0x81: {  	_ =	swait.ge [sflag:s5], $0x4000  }
0x82: {  	[sflag:s5] =	ssyncset.done $0x0  }
0x83: {  	[sflag:s5] =	ssyncadd.s32 $0xFFFFC000  }
0x84: {  	_ =	swait.ge [sflag:s8], $0x4000  }
0x85: {  	[sflag:s8] =	ssyncset.done $0x0  }
0x86: {  	s25 =	simm.s32 $0x2780;
	[sflag:s8] =	ssyncadd.s32 $0xFFFFC000  }
0x87: {  	[spmem:s3] =	stream.indirect.scatter.add.f32 [tilespmem:s10], [sflag:$0x5], $0x80, s25, s9, $0xb8;
	[tilespmem:$0x1E800] =	vst v63  }
0x88: {  	_ =	swait.ge [sflag:s5], $0x4000  }
0x89: {  	[sflag:s5] =	ssyncset.done $0x0  }
0x8a: {  	[sflag:s5] =	ssyncadd.s32 $0xFFFFC000  }
0x8b: {  	s12 =	simm.s32 @!p1 $0x2800;
	[bflag:$0x0] =	sbarrier.arrive $0xFFFF  }
0x8c: {  	[tilespmem:s12], [sflag:$0x1] =	stream.linear.gather @!p1 [spmem:s19], $0x4000, $0x38;
	[tilespmem:$0x1E800] =	vst v63  }
0x8d: {  	s13 =	simm.s32 @!p1 $0x6800;
	s14 =	simm.s32 @!p1 $0x1  }
0x8e: {  	[tilespmem:s13], [sflag:$0x2] =	stream.linear.gather @!p1 [spmem:s20], $0x4000, $0x38;
	[tilespmem:$0x1E800] =	vst v63  }
0x8f: {  	_ =	swait.ge @!p1 [sflag:s14], $0x4000  }
0x90: {  	[sflag:s14] =	ssyncset.done @!p1 $0x0  }
0x91: {  	s15 =	simm.s32 @!p1 $0x0;
	s16 =	rddreg [dreg:$0x5];
	[sflag:s14] =	ssyncadd.s32 @!p1 $0xFFFFC000  }
0x92: {  	[hbm4b:s16+s15] =	stream.linear.scatter @!p1 [tilespmem:s12], [sflag:$0x3], $0x4000, $0x38;
	[tilespmem:$0x1E800] =	vst v63  }
0x93: {  	s16 =	simm.s32 @!p1 $0x3  }
0x94: {  	_ =	swait.ge @!p1 [sflag:s16], $0x4000  }
0x95: {  	[sflag:s16] =	ssyncset.done @!p1 $0x0  }
0x96: {  	s17 =	simm.s32 @!p1 $0x2;
	[sflag:s16] =	ssyncadd.s32 @!p1 $0xFFFFC000  }
0x97: {  	[tilespmem:s12], [sflag:$0x1] =	stream.linear.gather @!p1 [spmem:s21], $0x4000, $0x38;
	[tilespmem:$0x1E800] =	vst v63  }
0x98: {  	_ =	swait.ge @!p1 [sflag:s17], $0x4000  }
0x99: {  	[sflag:s17] =	ssyncset.done @!p1 $0x0  }
0x9a: {  	s24 =	rddreg [dreg:$0x6];
	[sflag:s17] =	ssyncadd.s32 @!p1 $0xFFFFC000  }
0x9b: {  	[hbm4b:s24+s15] =	stream.linear.scatter @!p1 [tilespmem:s13], [sflag:$0x4], $0x4000, $0x38;
	[tilespmem:$0x1E800] =	vst v63  }
0x9c: {  	s24 =	simm.s32 @!p1 $0x4  }
0x9d: {  	_ =	swait.ge @!p1 [sflag:s24], $0x4000  }
0x9e: {  	[sflag:s24] =	ssyncset.done @!p1 $0x0  }
0x9f: {  	[sflag:s24] =	ssyncadd.s32 @!p1 $0xFFFFC000  }
0xa0: {  	[tilespmem:s13], [sflag:$0x2] =	stream.linear.gather @!p1 [spmem:s22], $0x4000, $0x38;
	[tilespmem:$0x1E800] =	vst v63  }
0xa1: {  	_ =	swait.ge @!p1 [sflag:s14], $0x4000  }
0xa2: {  	[sflag:s14] =	ssyncset.done @!p1 $0x0  }
0xa3: {  	s25 =	rddreg [dreg:$0x7];
	[sflag:s14] =	ssyncadd.s32 @!p1 $0xFFFFC000  }
0xa4: {  	[hbm4b:s25+s15] =	stream.linear.scatter @!p1 [tilespmem:s12], [sflag:$0x3], $0x4000, $0x38;
	[tilespmem:$0x1E800] =	vst v63  }
0xa5: {  	_ =	swait.ge @!p1 [sflag:s16], $0x4000  }
0xa6: {  	[sflag:s16] =	ssyncset.done @!p1 $0x0  }
0xa7: {  	[sflag:s16] =	ssyncadd.s32 @!p1 $0xFFFFC000  }
0xa8: {  	[tilespmem:s12], [sflag:$0x1] =	stream.linear.gather @!p1 [spmem:s23], $0x3800, $0x38;
	[tilespmem:$0x1E800] =	vst v63  }
0xa9: {  	_ =	swait.ge @!p1 [sflag:s17], $0x4000  }
0xaa: {  	[sflag:s17] =	ssyncset.done @!p1 $0x0  }
0xab: {  	[sflag:s17] =	ssyncadd.s32 @!p1 $0xFFFFC000;
	s17 =	rddreg [dreg:$0x8]  }
0xac: {  	[hbm4b:s17+s15] =	stream.linear.scatter @!p1 [tilespmem:s13], [sflag:$0x4], $0x4000, $0x38;
	[tilespmem:$0x1E800] =	vst v63  }
0xad: {  	_ =	swait.ge @!p1 [sflag:s14], $0x3800  }
0xae: {  	[sflag:s14] =	ssyncset.done @!p1 $0x0  }
0xaf: {  	s13 =	rddreg [dreg:$0x9];
	[sflag:s14] =	ssyncadd.s32 @!p1 $0xFFFFC800  }
0xb0: {  	[hbm4b:s13+s15] =	stream.linear.scatter @!p1 [tilespmem:s12], [sflag:$0x3], $0x3800, $0x38;
	[tilespmem:$0x1E800] =	vst v63  }
0xb1: {  	_ =	swait.ge @!p1 [sflag:s24], $0x4000  }
0xb2: {  	[sflag:s24] =	ssyncset.done @!p1 $0x0  }
0xb3: {  	[sflag:s24] =	ssyncadd.s32 @!p1 $0xFFFFC000  }
0xb4: {  	_ =	swait.ge @!p1 [sflag:s16], $0x3800  }
0xb5: {  	[sflag:s16] =	ssyncset.done @!p1 $0x0  }
0xb6: {  	s12 =	simm.s32 @!p3 $0x2800;
	s13 =	simm.s32 @!p3 $0x5;
	[sflag:s16] =	ssyncadd.s32 @!p1 $0xFFFFC800  }
0xb7: {  	[tilespmem:s12], [sflag:$0x5] =	stream.linear.gather @!p3 [spmem:s1], $0x800, $0x38;
	[tilespmem:$0x1E800] =	vst v63  }
0xb8: {  	_ =	swait.ge @!p3 [sflag:s13], $0x800  }
0xb9: {  	[sflag:s13] =	ssyncset.done @!p3 $0x0  }
0xba: {  	s14 =	simm.s32 @!p3 $0x0;
	s15 =	rddreg [dreg:$0x11];
	[sflag:s13] =	ssyncadd.s32 @!p3 $0xFFFFF800  }
0xbb: {  	[hbm4b:s15+s14] =	stream.linear.scatter @!p3 [tilespmem:s12], [sflag:$0x5], $0x800, $0x38;
	[tilespmem:$0x1E800] =	vst v63  }
0xbc: {  	_ =	swait.ge @!p3 [sflag:s13], $0x800  }
0xbd: {  	[sflag:s13] =	ssyncset.done @!p3 $0x0  }
0xbe: {  	s12 =	simm.s32 @p0 $0x2800;
	[sflag:s13] =	ssyncadd.s32 @!p3 $0xFFFFF800  }
0xbf: {  	[tilespmem:s12], [sflag:$0x1] =	stream.linear.gather @p0 [spmem:s19], $0x4000, $0x38;
	[tilespmem:$0x1E800] =	vst v63  }
0xc0: {  	s14 =	simm.s32 @p0 $0x1;
	s13 =	simm.s32 @p0 $0x6800  }
0xc1: {  	[tilespmem:s13], [sflag:$0x2] =	stream.linear.gather @p0 [spmem:s20], $0x4000, $0x38;
	[tilespmem:$0x1E800] =	vst v63  }
0xc2: {  	_ =	swait.ge @p0 [sflag:s14], $0x4000  }
0xc3: {  	[sflag:s14] =	ssyncset.done @p0 $0x0  }
0xc4: {  	s15 =	simm.s32 @p0 $0x0;
	s16 =	rddreg [dreg:$0xa];
	[sflag:s14] =	ssyncadd.s32 @p0 $0xFFFFC000  }
0xc5: {  	[hbm4b:s16+s15] =	stream.linear.scatter @p0 [tilespmem:s12], [sflag:$0x3], $0x4000, $0x38;
	[tilespmem:$0x1E800] =	vst v63  }
0xc6: {  	s16 =	simm.s32 @p0 $0x3  }
0xc7: {  	_ =	swait.ge @p0 [sflag:s16], $0x4000  }
0xc8: {  	[sflag:s16] =	ssyncset.done @p0 $0x0  }
0xc9: {  	s17 =	simm.s32 @p0 $0x2;
	[sflag:s16] =	ssyncadd.s32 @p0 $0xFFFFC000  }
0xca: {  	[tilespmem:s12], [sflag:$0x1] =	stream.linear.gather @p0 [spmem:s21], $0x4000, $0x38;
	[tilespmem:$0x1E800] =	vst v63  }
0xcb: {  	_ =	swait.ge @p0 [sflag:s17], $0x4000  }
0xcc: {  	[sflag:s17] =	ssyncset.done @p0 $0x0  }
0xcd: {  	s24 =	rddreg [dreg:$0xb];
	[sflag:s17] =	ssyncadd.s32 @p0 $0xFFFFC000  }
0xce: {  	[hbm4b:s24+s15] =	stream.linear.scatter @p0 [tilespmem:s13], [sflag:$0x4], $0x4000, $0x38;
	[tilespmem:$0x1E800] =	vst v63  }
0xcf: {  	s24 =	simm.s32 @p0 $0x4  }
0xd0: {  	_ =	swait.ge @p0 [sflag:s24], $0x4000  }
0xd1: {  	[sflag:s24] =	ssyncset.done @p0 $0x0  }
0xd2: {  	[sflag:s24] =	ssyncadd.s32 @p0 $0xFFFFC000  }
0xd3: {  	[tilespmem:s13], [sflag:$0x2] =	stream.linear.gather @p0 [spmem:s22], $0x4000, $0x38;
	[tilespmem:$0x1E800] =	vst v63  }
0xd4: {  	_ =	swait.ge @p0 [sflag:s14], $0x4000  }
0xd5: {  	[sflag:s14] =	ssyncset.done @p0 $0x0  }
0xd6: {  	s25 =	rddreg [dreg:$0xc];
	[sflag:s14] =	ssyncadd.s32 @p0 $0xFFFFC000  }
0xd7: {  	[hbm4b:s25+s15] =	stream.linear.scatter @p0 [tilespmem:s12], [sflag:$0x3], $0x4000, $0x38;
	[tilespmem:$0x1E800] =	vst v63  }
0xd8: {  	_ =	swait.ge @p0 [sflag:s16], $0x4000  }
0xd9: {  	[sflag:s16] =	ssyncset.done @p0 $0x0  }
0xda: {  	[sflag:s16] =	ssyncadd.s32 @p0 $0xFFFFC000  }
0xdb: {  	[tilespmem:s12], [sflag:$0x1] =	stream.linear.gather @p0 [spmem:s23], $0x3800, $0x38;
	[tilespmem:$0x1E800] =	vst v63  }
0xdc: {  	_ =	swait.ge @p0 [sflag:s17], $0x4000  }
0xdd: {  	[sflag:s17] =	ssyncset.done @p0 $0x0  }
0xde: {  	[sflag:s17] =	ssyncadd.s32 @p0 $0xFFFFC000;
	s17 =	rddreg [dreg:$0xd]  }
0xdf: {  	[hbm4b:s17+s15] =	stream.linear.scatter @p0 [tilespmem:s13], [sflag:$0x4], $0x4000, $0x38;
	[tilespmem:$0x1E800] =	vst v63  }
0xe0: {  	_ =	swait.ge @p0 [sflag:s14], $0x3800  }
0xe1: {  	[sflag:s14] =	ssyncset.done @p0 $0x0  }
0xe2: {  	s13 =	rddreg [dreg:$0xe];
	[sflag:s14] =	ssyncadd.s32 @p0 $0xFFFFC800  }
0xe3: {  	[hbm4b:s13+s15] =	stream.linear.scatter @p0 [tilespmem:s12], [sflag:$0x3], $0x3800, $0x38;
	[tilespmem:$0x1E800] =	vst v63  }
0xe4: {  	_ =	swait.ge @p0 [sflag:s24], $0x4000  }
0xe5: {  	p5 =	por @!p1 $0x0, $0x0;
	p6 =	por @!p3 $0x1, $0x1;
	[sflag:s24] =	ssyncset.done @p0 $0x0  }
0xe6: {  	p6 =	por @!p4 p5, p5;
	p5 =	por p2, p2;
	[sflag:s24] =	ssyncadd.s32 @p0 $0xFFFFC000  }
0xe7: {  	p5 =	por @!p1 p6, p6;
	_ =	swait.ge @p0 [sflag:s16], $0x3800  }
0xe8: {  	p5 =	por !p5, !p0;
	[sflag:s16] =	ssyncset.done @p0 $0x0  }
0xe9: {  	s12 =	simm.s32 @!p5 $0x2800;
	s13 =	simm.s32 @!p5 $0x5;
	[sflag:s16] =	ssyncadd.s32 @p0 $0xFFFFC800  }
0xea: {  	[tilespmem:s12], [sflag:$0x5] =	stream.linear.gather @!p5 [spmem:s1], $0x800, $0x38;
	[tilespmem:$0x1E800] =	vst v63  }
0xeb: {  	s11 =	sadd.s32 $0x1, s11;
	_ =	swait.ge @!p5 [sflag:s13], $0x800  }
0xec: {  	p6 =	sne.s32 s11, s26;
	s14 =	simm.s32 @!p5 $0x0;
	[sflag:s13] =	ssyncset.done @!p5 $0x0  }
.Ltmp1:
0xed: {  	s15 =	rddreg [dreg:$0x12];
	[sflag:s13] =	ssyncadd.s32 @!p5 $0xFFFFF800;
	(pc) =	sbr.rel @p6 .LBB2_1-.Ltmp1, $4  }
0xee: {  	[hbm4b:s15+s14] =	stream.linear.scatter @!p5 [tilespmem:s12], [sflag:$0x5], $0x800, $0x38;
	[tilespmem:$0x1E800] =	vst v63  }
0xef: {  	_ =	swait.ge @!p5 [sflag:s13], $0x800  }
0xf0: {  	[sflag:s13] =	ssyncset.done @!p5 $0x0  }
0xf1: {  	[sflag:s13] =	ssyncadd.s32 @!p5 $0xFFFFF800  }
0xf2: {  	_ =	sfence.sel $0x180000  }
0xf3: {  	[bflag:$0x0] =	sbarrier.arrive $0xFFFF  }
0xf4: {  	_ =	strace $0x9000004A  }
0xf5: {  	s0 =	stileid.u32;
	[bflag:$0x2] =	sbarrier.arrive $0xFFFF  }
0xf6: {  	p0 =	sne.s32 s0, $0x0;
	s0 =	rddreg [dreg:$0x3]  }
0xf7: {  	s0 =	sadd.s32 @!p0 $0x100000, s0  }
0xf8: {  	[sflag:s0] =	ssyncadd.tile.s32 @!p0 $0x1;
	_ =	shalt  }
.Lfunc_end2:
_tile_overlayer_lowered:
.L_overlay_start_2:
0xf9: {  	(tag) =	ssettag $0x2  }
0xfa: {  	s0 =	rddreg [dreg:$0x0];
	s2 =	stileid.u32  }
0xfb: {  	s1 =	rddreg [dreg:$0x1];
	p0 =	sne.s32 s2, $0x0  }
0xfc: {  	s3 =	rddreg [dreg:$0x2];
	[bflag:$0x3] =	sbarrier.arrive $0xFFFF;
	s2 =	simm.s32 @!p0 $0x1C05  }
0xfd: {  	[timem:s3], [sflag:s2] =	dma.local @!p0 [hbm:s0], s1  }
0xfe: {  	s0 =	simm.s32 @!p0 $0x5  }
0xff: {  	_ =	swait.ge @!p0 [sflag:s0], s1  }
0x100: {  	s1 =	ssub.s32 @!p0 $0x0, s1;
	[sflag:s0] =	ssyncset.done @!p0 $0x0  }
0x101: {  	[sflag:s0] =	ssyncadd.s32 @!p0 s1  }
0x102: {  	[bflag:$0x3] =	sbarrier.arrive $0xFFFF  }
0x103: {  	_ =	shalt  }

// kernel: kernel.7.cloned.1.call-start
scs
__scs_entry_jumppad:
0x0: {  	(pc) =	sbr.rel $0x88, $3  }
0x1: {  	(tag) =	ssettag $0x0;
	lr =	simm.s32 $0x1  }
0x2: {  	[smem:$0x3F97] =	sst lr;
	_ =	strace $0xD0000000  }
0x3: {  	_ = 	snop  }
0x4: {  	_ = 	snop  }
0x5: {  	_ = 	snop  }
0x6: {  	_ = 	snop  }
0x7: {  	_ = 	snop  }
__scs_overlays_trampoline_lowered:
0x8: {  	[smem:$0x3FA6] =	sst s0  }
0x9: {  	[smem:$0x3FA7] =	sst s1  }
0xa: {  	[smem:$0x3FA8] =	sst s2  }
0xb: {  	[smem:$0x3FA9] =	sst s3  }
0xc: {  	[smem:$0x3FAA] =	sst s4  }
0xd: {  	[smem:$0x3FAB] =	sst s5  }
0xe: {  	[smem:$0x3FAC] =	sst s6  }
0xf: {  	[smem:$0x3FAD] =	sst s7  }
0x10: {  	[smem:$0x3FAE] =	sst s8  }
0x11: {  	[smem:$0x3FAF] =	sst s9;
	s0 =	simm.s32 @!p0 $0x0  }
0x12: {  	s1 =	sld [smem:$0x3F95];
	s0 =	simm.s32 @p0 $0x1  }
0x13: {  	[smem:$0x3FB0] =	sst s0;
	s0 =	simm.s32 @!p1 $0x0  }
0x14: {  	s2 =	sld [smem:$0x3F94];
	s0 =	simm.s32 @p1 $0x1  }
0x15: {  	[smem:$0x3FB1] =	sst s0;
	s0 =	simm.s32 @!p2 $0x0  }
0x16: {  	s3 =	sld [smem:$0x3FDB];
	s0 =	simm.s32 @p2 $0x1  }
0x17: {  	s4 =	simm.s32 $0x1BF5;
	[smem:$0x3FB3] =	sst s0  }
0x18: {  	s0 =	sld [smem:$0x3F96];
	_ =	swait.ge [sflag:s4], $0x0  }
0x19: {  	s7 =	sld [smem:$0x3F97]  }
0x1a: {  	s8 =	sadd.s32 $0xFFFFE003, lr  }
0x1b: {  	s9 =	sadd.s32 $0xFFFFFEF7, lr;
	s5 =	simm.s32 $0xFFFFFFFF;
	p2 =	slt.u32 s8, $0xFFFFF086  }
0x1c: {  	p1 =	slt.u32 s9, $0xF7A;
	s5 =	simm.s32 @!p2 $0x0  }
0x1d: {  	s5 =	simm.s32 @p1 $0x1;
	p0 =	seq.s32 s7, s2  }
0x1e: {  	s7 =	smul.u32 @!p0 $0xF7A, s2;
	p2 =	seq.s32 @!p0 s5, $0x0  }
0x1f: {  	s9 =	smul.u32 $0xF7A, s1;
	s8 =	simm.s32 @!p0 $0x1BF5;
	p2 =	por !p2, p0  }
0x20: {  	[sflag:s8] =	ssyncset.s32 @!p0 $0xFFFFF086;
	s6 =	sadd.s32 @!p0 s3, s7;
	s7 =	simm.s32 @!p0 $0x108  }
0x21: {  	s3 =	sadd.s32 s3, s9;
	s6 =	sadd.s32 @!p0 $0x88, s6;
	s7 =	simm.s32 @p2 $0x1082  }
0x22: {  	[simem:s7], [sflag:s8] =	dma.local @!p0 [hbm:s6], $0xF7A  }
0x23: {  	s9 =	sor.u32 $0xD0000000, s2;
	s6 =	simm.s32 $0x108;
	_ =	swait.ge @!p0 [sflag:s8], $0x0  }
0x24: {  	s3 =	sadd.s32 $0x88, s3;
	s6 =	simm.s32 @!p1 $0x1082;
	[sflag:s4] =	ssyncset.s32 $0xFFFFF086  }
0x25: {  	[simem:s6], [sflag:s4] =	dma.local [hbm:s3], $0xF7A  }
0x26: {  	[smem:$0x3F97] =	sst s1;
	(tag) =	ssettag s2;
	_ =	strace s9  }
0x27: {  	s1 =	sld [smem:$0x3FA7]  }
0x28: {  	s2 =	sld [smem:$0x3FA8]  }
0x29: {  	s4 =	sld [smem:$0x3FAA]  }
0x2a: {  	p0 =	seq.s32 s5, $0x0;
	s5 =	sld [smem:$0x3FAB]  }
0x2b: {  	s6 =	sld [smem:$0x3FAC]  }
0x2c: {  	s7 =	sld [smem:$0x3FAD]  }
0x2d: {  	s3 =	simm.s32 $0x108;
	s8 =	sld [smem:$0x3FAE]  }
0x2e: {  	s3 =	simm.s32 @!p0 $0x1082;
	s9 =	sld [smem:$0x3FAF]  }
0x2f: {  	lr =	sadd.s32 s0, s3;
	s0 =	sld [smem:$0x3FA6]  }
0x30: {  	s3 =	sld [smem:$0x3FA9]  }
0x31: {  	[smem:$0x3FB2] =	sst s10  }
0x32: {  	s10 =	sld [smem:$0x3FB0];
	_ =	sdelay $0x3  }
0x33: {  	p0 =	seq.s32 s10, $0x1;
	s10 =	sld [smem:$0x3FB2];
	_ =	sdelay $0x3  }
0x34: {  	[smem:$0x3FB2] =	sst s10  }
0x35: {  	s10 =	sld [smem:$0x3FB1];
	_ =	sdelay $0x3  }
0x36: {  	p1 =	seq.s32 s10, $0x1;
	s10 =	sld [smem:$0x3FB2];
	_ =	sdelay $0x3  }
0x37: {  	[smem:$0x3FB2] =	sst s10  }
0x38: {  	s10 =	sld [smem:$0x3FB3]  }
0x39: {  	_ = 	snop;
	(pc) =	sbr.ind lr, $3  }
0x3a: {  	_ = 	snop  }
0x3b: {  	_ = 	snop  }
0x3c: {  	p2 =	seq.s32 s10, $0x1;
	s10 =	sld [smem:$0x3FB2]  }
0x3d: {  	_ =	shalt  }
0x3e: {  	_ =	shalt  }
0x3f: {  	_ =	shalt  }
0x40: {  	_ =	shalt  }
0x41: {  	_ =	shalt  }
0x42: {  	_ =	shalt  }
0x43: {  	_ =	shalt  }
0x44: {  	_ =	shalt  }
0x45: {  	_ =	shalt  }
0x46: {  	_ =	shalt  }
0x47: {  	_ =	shalt  }
0x48: {  	_ =	shalt  }
0x49: {  	_ =	shalt  }
0x4a: {  	_ =	shalt  }
0x4b: {  	_ =	shalt  }
0x4c: {  	_ =	shalt  }
0x4d: {  	_ =	shalt  }
0x4e: {  	_ =	shalt  }
0x4f: {  	_ =	shalt  }
0x50: {  	_ =	shalt  }
0x51: {  	_ =	shalt  }
0x52: {  	_ =	shalt  }
0x53: {  	_ =	shalt  }
0x54: {  	_ =	shalt  }
0x55: {  	_ =	shalt  }
0x56: {  	_ =	shalt  }
0x57: {  	_ =	shalt  }
0x58: {  	_ =	shalt  }
0x59: {  	_ =	shalt  }
0x5a: {  	_ =	shalt  }
0x5b: {  	_ =	shalt  }
0x5c: {  	_ =	shalt  }
0x5d: {  	_ =	shalt  }
0x5e: {  	_ =	shalt  }
0x5f: {  	_ =	shalt  }
0x60: {  	_ =	shalt  }
0x61: {  	_ =	shalt  }
0x62: {  	_ =	shalt  }
0x63: {  	_ =	shalt  }
0x64: {  	_ =	shalt  }
0x65: {  	_ =	shalt  }
0x66: {  	_ =	shalt  }
0x67: {  	_ =	shalt  }
0x68: {  	_ =	shalt  }
0x69: {  	_ =	shalt  }
0x6a: {  	_ =	shalt  }
0x6b: {  	_ =	shalt  }
0x6c: {  	_ =	shalt  }
0x6d: {  	_ =	shalt  }
0x6e: {  	_ =	shalt  }
0x6f: {  	_ =	shalt  }
0x70: {  	_ =	shalt  }
0x71: {  	_ =	shalt  }
0x72: {  	_ =	shalt  }
0x73: {  	_ =	shalt  }
0x74: {  	_ =	shalt  }
0x75: {  	_ =	shalt  }
0x76: {  	_ =	shalt  }
0x77: {  	_ =	shalt  }
0x78: {  	_ =	shalt  }
0x79: {  	_ =	shalt  }
0x7a: {  	_ =	shalt  }
0x7b: {  	_ =	shalt  }
0x7c: {  	_ =	shalt  }
0x7d: {  	_ =	shalt  }
0x7e: {  	_ =	shalt  }
0x7f: {  	_ =	shalt  }
0x80: {  	_ =	shalt  }
0x81: {  	_ =	shalt  }
0x82: {  	_ =	shalt  }
0x83: {  	_ =	shalt  }
0x84: {  	_ =	shalt  }
0x85: {  	_ =	shalt  }
0x86: {  	_ =	shalt  }
0x87: {  	_ =	shalt  }
.Lfunc_end0:
.L_simem_size_0:
called_computation_lowered:
.L_overlay_start_0:
0x88: {  	s2 =	sld [smem:$0x3FD9]  }
0x89: {  	s3 =	sld [smem:$0x3FFE];
	_ =	sdelay $0x1  }
0x8a: {  	s1 =	srdreg.scid  }
0x8b: {  	s0 =	sand.u32 $0x1, s1  }
0x8c: {  	s17 =	sshll.u32 s0, $0xA;
	s2 =	sadd.s32 s3, s2  }
0x8d: {  	s2 =	sadd.s32 s2, s17  }
0x8e: {  	[smem:$0x3FBE] =	sst s2  }
0x8f: {  	_ = 	snop  }
0x90: {  	s2 =	sld [smem:$0x3FD0];
	(tm) =	ssettm $0x1  }
0x91: {  	s18 =	sld [smem:$0x3FFB];
	_ =	sdelay $0x3  }
0x92: {  	_ =	strace s18  }
0x93: {  	s3 =	sld [smem:$0x3FFC];
	_ =	sdelay $0x3  }
0x94: {  	_ =	strace s3  }
0x95: {  	s3 =	sld [smem:$0x3FFD];
	_ =	sdelay $0x3  }
0x96: {  	_ =	strace s3  }
0x97: {  	_ =	strace $0x8FFFFFFF  }
0x98: {  	s19 =	sld [smem:$0x3FDB];
	_ =	sdelay $0x1  }
0x99: {  	s4 =	simm.s32 $_scs_section_size  }
0x9a: {  	s5 =	simm.s32 $_size__tile_overlayer_lowered;
	s6 =	simm.s32 $_tile_overlayer_lowered  }
0x9b: {  	s22 =	simm.s32 $0x1BFF;
	s21 =	sshll.u32 s6, $0x1;
	s3 =	sadd.s32 s4, s19  }
0x9c: {  	s7 =	simm.s32 $0x0;
	s20 =	sshll.u32 s5, $0x1;
	s5 =	sadd.s32 s21, s3  }
0x9d: {  	[timem:s7], [sflag:s22] =	dma.local [hbm:s5], s20  }
0x9e: {  	_ =	swait.ge [sflag:s22], s20  }
0x9f: {  	s4 =	ssub.s32 $0x0, s20;
	[sflag:s22] =	ssyncset.done $0x0  }
0xa0: {  	[sflag:s22] =	ssyncadd.s32 s4;
	_ =	sdelay $0x1  }
0xa1: {  	s23 =	simm.s32 $0x1B8B  }
0xa2: {  	_ =	swait.ge [sflag:s23], $0x1  }
0xa3: {  	[sflag:s23] =	ssyncset.done $0x0  }
0xa4: {  	s25 =	simm.s32 $0x1B8E;
	s24 =	sld [smem:$0x3FFE];
	[sflag:s23] =	ssyncadd.s32 $0xFFFFFFFF  }
0xa5: {  	s26 =	simm.s32 $execute0_lowered;
	[smem:$0x3FD2] =	sst s25  }
0xa6: {  	s5 =	sshll.u32 s26, $0x1;
	_ =	strace $0x80000046;
	[dreg:$0x1] =	wrdreg $0xFFFFFFFF  }
0xa7: {  	s28 =	simm.s32 $_size_execute0_lowered;
	s3 =	sadd.s32 s3, s5;
	[dreg:$0x0] =	wrdreg $0x0  }
0xa8: {  	s5 =	sshll.u32 s28, $0x1;
	[dreg:$0x2] =	wrdreg s3  }
0xa9: {  	[dreg:$0x3] =	wrdreg s5  }
0xaa: {  	[dreg:$0x4] =	wrdreg $0xC0  }
0xab: {  	_ =	task [dreg:s7], $0x5FFFF  }
0xac: {  	[dreg:$0x1] =	wrdreg $0xFFFFFFFF  }
0xad: {  	[dreg:$0x0] =	wrdreg $0x60  }
0xae: {  	[dreg:$0x2] =	wrdreg s2  }
0xaf: {  	[dreg:$0x3] =	wrdreg s24  }
0xb0: {  	[dreg:$0x4] =	wrdreg $0xA8000  }
0xb1: {  	[dreg:$0x5] =	wrdreg $0x9  }
0xb2: {  	_ =	task.clear_ibuf [dreg:s7], $0x6FFFF;
	_ =	strace $0x90000046  }
0xb3: {  	s29 =	simm.s32 $0x9;
	_ =	strace $0x80000048  }
0xb4: {  	_ =	swait.ge [sflag:s29], $0x1  }
0xb5: {  	[sflag:s29] =	ssyncadd.s32 $0xFFFFFFFF  }
0xb6: {  	_ =	strace $0x90000048  }
0xb7: {  	_ =	sfence  }
0xb8: {  	s30 =	sld [smem:$0x0];
	_ =	sdelay $0x2  }
0xb9: {  	s31 =	sshll.u32 s1, $0xD;
	s1 =	sshrl.u32 s1, $0x2  }
0xba: {  	s3 =	sand.u32 $0x4000, s31;
	s1 =	sadd.s32 s1, s30  }
0xbb: {  	s0 =	sor.u32 s3, s0;
	s1 =	sshll.u32 s1, $0x11  }
0xbc: {  	s0 =	sor.u32 s1, s0  }
0xbd: {  	s0 =	sadd.s32 $0x8F2B, s0  }
0xbe: {  	[sflag:s0] =	ssyncadd.remote.s32 $0x1  }
0xbf: {  	_ =	sfence.sel $0xFFFF  }
0xc0: {  	[dreg:$0x0] =	wrdreg $0xFFFFFFFF;
	(pc) =	sbr.abs _section_cstart, $3  }
0xc1: {  	[dreg:$0x1] =	wrdreg $0xFFFFFFFF  }
0xc2: {  	_ =	task.clear_ibuf [dreg:s7], $0x2FFFF;
	_ =	strace $0x9FFFFFFF  }
0xc3: {  	(tm) =	ssettm $0x7FFFFFFF  }
tec
execute0_lowered:
.L_overlay_start_1:
0x0: {  	(tag) =	ssettag $0x1  }
0x1: {  	s0 =	rddreg [dreg:$0x0]  }
0x2: {  	s1 =	srdreg.scid;
	s2 =	rddreg [dreg:$0x1]  }
0x3: {  	s3 =	rddreg [dreg:$0x2];
	s17 =	stileid.u32  }
0x4: {  	s4 =	simm.s32 $0x0;
	s1 =	sand.u32 $0x1, s1;
	s19 =	smul.u32 $0x270, s17  }
0x5: {  	[smem:$0x7FF] =	sst s4;
	s6 =	sadd.s32 $0xDA00, s2;
	s12 =	smul.u32 $0x2700, s17  }
0x6: {  	s7 =	sadd.s32 $0xE200, s2;
	s8 =	sadd.s32 $0x35400, s2;
	s20 =	smul.u32 $0x50000, s17  }
0x7: {  	p2 =	seq.s32 s17, $0xF;
	s5 =	sshll.u32 s1, $0x4;
	_ =	strace $0x80000047  }
0x8: {  	[dreg:$0x4] =	wrdreg s6;
	s9 =	ssub.s32 $0x2, s1;
	p0 =	seq.s32 s1, $0x1  }
0x9: {  	p1 =	sne.s32 s1, $0x0;
	s1 =	sadd.s32 $0x138000, s3;
	s5 =	sor.u32 s17, s5  }
0xa: {  	s10 =	sshrl.u32 s9, $0x1;
	s11 =	sadd.s32 $0x80, s19;
	s14 =	sadd.s32 s7, s12  }
0xb: {  	s21 =	sadd.s32 $0x100, s19;
	s6 =	sadd.s32 $0x200, s19;
	s25 =	sadd.s32 s8, s12  }
0xc: {  	p4 =	sne.s32 @!p1 s17, $0xF;
	s5 =	smul.u32 $0x280, s5;
	s9 =	ssub.s32 s9, s10  }
0xd: {  	s13 =	sshll.u32 s11, $0x4;
	[dreg:$0x5] =	wrdreg s14;
	s23 =	sshll.u32 s21, $0x4  }
0xe: {  	s16 =	sshll.u32 s6, $0x4;
	[dreg:$0xa] =	wrdreg s25;
	s25 =	sadd.s32 $0x35200, s2  }
0xf: {  	s21 =	sshll.u32 s21, $0x7;
	s22 =	sadd.s32 s7, s13;
	[dreg:$0x11] =	wrdreg s25  }
0x10: {  	p3 =	por p4, p1;
	s15 =	sadd.s32 s7, s23;
	[dreg:$0x6] =	wrdreg s22  }
0x11: {  	p4 =	por !p4, p1;
	s26 =	sadd.s32 s8, s13;
	[dreg:$0x7] =	wrdreg s15  }
0x12: {  	s10 =	simm.s32 $0x6800;
	s12 =	sadd.s32 s8, s23;
	[dreg:$0xb] =	wrdreg s26  }
0x13: {  	s14 =	sadd.s32 s8, s16;
	s21 =	sadd.s32 s21, s3;
	[dreg:$0xc] =	wrdreg s12  }
0x14: {  	s5 =	sadd.s32 s5, s2;
	s22 =	sadd.s32 $0x180, s19;
	[dreg:$0xe] =	wrdreg s14  }
0x15: {  	s15 =	smul.u32 $0x4E000, s17;
	s26 =	sadd.s32 $0x5C400, s2;
	s2 =	simm.s32 $0x2800  }
0x16: {  	s24 =	sshll.u32 s22, $0x4;
	s23 =	sshll.u32 s22, $0x7;
	[dreg:$0x12] =	wrdreg s26  }
0x17: {  	s26 =	smax.u32 s9, $0x1;
	s9 =	simm.s32 $0x80;
	s18 =	sadd.s32 s7, s24  }
0x18: {  	s7 =	sadd.s32 s7, s16;
	s13 =	sadd.s32 s8, s24;
	[dreg:$0x8] =	wrdreg s18  }
0x19: {  	s16 =	sadd.s32 $0x8A00, s5;
	s5 =	sadd.s32 $0x3A00, s5;
	[dreg:$0x9] =	wrdreg s7  }
0x1a: {  	s19 =	sshrl.u32 s15, $0x2;
	s22 =	sadd.s32 s23, s3;
	[dreg:$0xd] =	wrdreg s13  }
0x1b: {  	s24 =	sshll.u32 s6, $0x7;
	s6 =	simm.s32 $0x3;
	[dreg:$0xf] =	wrdreg s16  }
0x1c: {  	s8 =	simm.s32 $0x2;
	s18 =	sshrl.u32 s20, $0x2;
	[dreg:$0x10] =	wrdreg s5  }
0x1d: {  	s19 =	sadd.s32 s19, s3;
	s20 =	sshll.u32 s11, $0x7;
	s23 =	sadd.s32 s24, s3  }
0x1e: {  	s5 =	simm.s32 $0x5;
	s7 =	simm.s32 $0x1;
	s18 =	sadd.s32 s18, s3  }
0x1f: {  	s11 =	simm.s32 $0x0;
	s20 =	sadd.s32 s20, s3;
	s28 =	sadd.s32 $0x4000, s18  }
0x20: {  	s29 =	sadd.s32 $0x8000, s18;
	s30 =	sadd.s32 $0xC000, s18;
	s31 =	sadd.s32 $0x10000, s18  }
.LBB2_1:
0x21: {  	s12 =	rddreg [dreg:$0xf]  }
0x22: {  	[tilespmem:s4], [sflag:$0x1] =	stream.linear.gather [hbm4b:s12+s4], $0x1400, $0x38;
	[tilespmem:$0x1E800] =	vst v63  }
0x23: {  	s14 =	rddreg [dreg:$0x10];
	s13 =	simm.s32 $0x1400  }
0x24: {  	[tilespmem:s13], [sflag:$0x2] =	stream.linear.gather [hbm4b:s14+s4], $0x1400, $0x38;
	[tilespmem:$0x1E800] =	vst v63  }
0x25: {  	s15 =	rddreg [dreg:$0x4]  }
0x26: {  	[tilespmem:s2], [sflag:$0x5] =	stream.linear.gather [hbm4b:s15+s4], $0x4000, $0x38;
	[tilespmem:$0x1E800] =	vst v63  }
0x27: {  	_ =	swait.ge [sflag:s5], $0x4000  }
0x28: {  	[sflag:s5] =	ssyncset.done $0x0  }
0x29: {  	[sflag:s5] =	ssyncadd.s32 $0xFFFFC000  }
0x2a: {  	[spmem:s18] =	stream.linear.scatter [tilespmem:s2], [sflag:$0x3], $0x4000, $0x38;
	[tilespmem:$0x1E800] =	vst v63  }
0x2b: {  	_ = 	snop  }
0x2c: {  	[spmem:s28] =	stream.linear.scatter [tilespmem:s2], [sflag:$0x3], $0x4000, $0x38;
	[tilespmem:$0x1E800] =	vst v63  }
0x2d: {  	_ = 	snop  }
0x2e: {  	[spmem:s29] =	stream.linear.scatter [tilespmem:s2], [sflag:$0x3], $0x4000, $0x38;
	[tilespmem:$0x1E800] =	vst v63  }
0x2f: {  	_ = 	snop  }
0x30: {  	[spmem:s30] =	stream.linear.scatter [tilespmem:s2], [sflag:$0x3], $0x4000, $0x38;
	[tilespmem:$0x1E800] =	vst v63  }
0x31: {  	_ = 	snop  }
0x32: {  	[spmem:s31] =	stream.linear.scatter [tilespmem:s2], [sflag:$0x3], $0x4000, $0x38;
	[tilespmem:$0x1E800] =	vst v63  }
0x33: {  	_ =	swait.ge [sflag:s6], $0x4000  }
0x34: {  	[sflag:s6] =	ssyncset.done $0x0  }
0x35: {  	[sflag:s6] =	ssyncadd.s32 $0xFFFFC000  }
0x36: {  	_ =	swait.ge [sflag:s6], $0x4000  }
0x37: {  	[sflag:s6] =	ssyncset.done $0x0  }
0x38: {  	[sflag:s6] =	ssyncadd.s32 $0xFFFFC000  }
0x39: {  	_ =	swait.ge [sflag:s6], $0x4000  }
0x3a: {  	[sflag:s6] =	ssyncset.done $0x0  }
0x3b: {  	[sflag:s6] =	ssyncadd.s32 $0xFFFFC000  }
0x3c: {  	_ =	swait.ge [sflag:s6], $0x4000  }
0x3d: {  	[sflag:s6] =	ssyncset.done $0x0  }
0x3e: {  	[sflag:s6] =	ssyncadd.s32 $0xFFFFC000  }
0x3f: {  	_ =	swait.ge [sflag:s6], $0x4000  }
0x40: {  	[sflag:s6] =	ssyncset.done $0x0  }
0x41: {  	[sflag:s6] =	ssyncadd.s32 $0xFFFFC000  }
0x42: {  	_ =	swait.ge [sflag:s7], $0x1400  }
0x43: {  	[sflag:s7] =	ssyncset.done $0x0  }
0x44: {  	[sflag:s7] =	ssyncadd.s32 $0xFFFFEC00  }
0x45: {  	_ =	swait.ge [sflag:s8], $0x1400  }
0x46: {  	[sflag:s8] =	ssyncset.done $0x0  }
0x47: {  	[sflag:s8] =	ssyncadd.s32 $0xFFFFEC00  }
0x48: {  	[bflag:$0x0] =	sbarrier.arrive $0xFFFF  }
0x49: {  	[tilespmem:s2], [sflag:$0x1] =	stream.indirect.gather [hbm4b:s0+s9], $0x80, s4, s9, $0xb8;
	[tilespmem:$0x1E800] =	vst v63  }
0x4a: {  	s16 =	simm.s32 $0x80  }
0x4b: {  	[tilespmem:s10], [sflag:$0x2] =	stream.indirect.gather [hbm4b:s0+s9], $0x80, s16, s9, $0xb8;
	[tilespmem:$0x1E800] =	vst v63  }
0x4c: {  	_ =	swait.ge [sflag:s7], $0x4000  }
0x4d: {  	[sflag:s7] =	ssyncset.done $0x0  }
0x4e: {  	s17 =	simm.s32 $0x1400;
	[sflag:s7] =	ssyncadd.s32 $0xFFFFC000  }
0x4f: {  	[spmem:s3] =	stream.indirect.scatter.add.f32 [tilespmem:s2], [sflag:$0x5], $0x80, s17, s9, $0xb8;
	[tilespmem:$0x1E800] =	vst v63  }
0x50: {  	_ =	swait.ge [sflag:s5], $0x4000  }
0x51: {  	[sflag:s5] =	ssyncset.done $0x0  }
0x52: {  	s24 =	simm.s32 $0x100;
	[sflag:s5] =	ssyncadd.s32 $0xFFFFC000  }
0x53: {  	[tilespmem:s2], [sflag:$0x1] =	stream.indirect.gather [hbm4b:s0+s9], $0x80, s24, s9, $0xb8;
	[tilespmem:$0x1E800] =	vst v63  }
0x54: {  	_ =	swait.ge [sflag:s8], $0x4000  }
0x55: {  	[sflag:s8] =	ssyncset.done $0x0  }
0x56: {  	s25 =	simm.s32 $0x1480;
	[sflag:s8] =	ssyncadd.s32 $0xFFFFC000  }
0x57: {  	[spmem:s3] =	stream.indirect.scatter.add.f32 [tilespmem:s10], [sflag:$0x5], $0x80, s25, s9, $0xb8;
	[tilespmem:$0x1E800] =	vst v63  }
0x58: {  	_ =	swait.ge [sflag:s5], $0x4000  }
0x59: {  	s12 =	simm.s32 $0x100;
	s13 =	simm.s32 $0x800;
	[sflag:s5] =	ssyncset.done $0x0  }
.LBB2_2:
0x5a: {  	s14 =	sadd.s32 $0x80, s12  }
0x5b: {  	[sflag:s5] =	ssyncadd.s32 $0xFFFFC000;
	s15 =	smov.u32 s13;
	s16 =	sadd.s32 $0x400, s13  }
0x5c: {  	[tilespmem:s10], [sflag:$0x2] =	stream.indirect.gather [hbm4b:s0+s9], $0x80, s14, s9, $0xb8;
	[tilespmem:$0x1E800] =	vst v63  }
0x5d: {  	p5 =	sne.s32 s13, $0x4800;
	_ =	swait.ge [sflag:s7], $0x4000  }
0x5e: {  	[sflag:s7] =	ssyncset.done $0x0  }
0x5f: {  	s13 =	sadd.s32 $0x1400, s12;
	[sflag:s7] =	ssyncadd.s32 $0xFFFFC000  }
0x60: {  	[spmem:s3] =	stream.indirect.scatter.add.f32 [tilespmem:s2], [sflag:$0x5], $0x80, s13, s9, $0xb8;
	[tilespmem:$0x1E800] =	vst v63  }
0x61: {  	_ =	swait.ge [sflag:s5], $0x4000  }
0x62: {  	[sflag:s5] =	ssyncset.done $0x0  }
0x63: {  	s13 =	sadd.s32 $0x100, s12;
	[sflag:s5] =	ssyncadd.s32 $0xFFFFC000  }
0x64: {  	[tilespmem:s2], [sflag:$0x1] =	stream.indirect.gather [hbm4b:s0+s9], $0x80, s13, s9, $0xb8;
	[tilespmem:$0x1E800] =	vst v63  }
0x65: {  	_ =	swait.ge [sflag:s8], $0x4000  }
.Ltmp0:
0x66: {  	[sflag:s8] =	ssyncset.done $0x0;
	(pc) =	sbr.rel @p5 .LBB2_2-.Ltmp0, $4  }
0x67: {  	s12 =	sadd.s32 $0x1480, s12;
	[sflag:s8] =	ssyncadd.s32 $0xFFFFC000  }
0x68: {  	[spmem:s3] =	stream.indirect.scatter.add.f32 [tilespmem:s10], [sflag:$0x5], $0x80, s12, s9, $0xb8;
	[tilespmem:$0x1E800] =	vst v63  }
0x69: {  	_ =	swait.ge [sflag:s5], $0x4000  }
0x6a: {  	s13 =	smov.u32 s16;
	s12 =	sshra.s32 s15, $0x2;
	[sflag:s5] =	ssyncset.done $0x0  }
0x6b: {  	s13 =	sadd.s32 $0x80, s12;
	[sflag:s5] =	ssyncadd.s32 $0xFFFFC000  }
0x6c: {  	[tilespmem:s10], [sflag:$0x2] =	stream.indirect.gather [hbm4b:s0+s9], $0x80, s13, s9, $0xb8;
	[tilespmem:$0x1E800] =	vst v63  }
0x6d: {  	_ =	swait.ge [sflag:s7], $0x4000  }
0x6e: {  	[sflag:s7] =	ssyncset.done $0x0  }
0x6f: {  	s14 =	sadd.s32 $0x1400, s12;
	[sflag:s7] =	ssyncadd.s32 $0xFFFFC000  }
0x70: {  	[spmem:s3] =	stream.indirect.scatter.add.f32 [tilespmem:s2], [sflag:$0x5], $0x80, s14, s9, $0xb8;
	[tilespmem:$0x1E800] =	vst v63  }
0x71: {  	_ =	swait.ge [sflag:s5], $0x4000  }
0x72: {  	[sflag:s5] =	ssyncset.done $0x0  }
0x73: {  	s15 =	sadd.s32 $0x100, s12;
	[sflag:s5] =	ssyncadd.s32 $0xFFFFC000  }
0x74: {  	[tilespmem:s2], [sflag:$0x1] =	stream.indirect.gather [hbm4b:s0+s9], $0x80, s15, s9, $0xb8;
	[tilespmem:$0x1E800] =	vst v63  }
0x75: {  	_ =	swait.ge [sflag:s8], $0x4000  }
0x76: {  	[sflag:s8] =	ssyncset.done $0x0  }
0x77: {  	s16 =	sadd.s32 $0x1480, s12;
	[sflag:s8] =	ssyncadd.s32 $0xFFFFC000  }
0x78: {  	[spmem:s3] =	stream.indirect.scatter.add.f32 [tilespmem:s10], [sflag:$0x5], $0x80, s16, s9, $0xb8;
	[tilespmem:$0x1E800] =	vst v63  }
0x79: {  	_ =	swait.ge [sflag:s5], $0x4000  }
0x7a: {  	[sflag:s5] =	ssyncset.done $0x0  }
0x7b: {  	s17 =	simm.s32 $0x1380;
	[sflag:s5] =	ssyncadd.s32 $0xFFFFC000  }
0x7c: {  	[tilespmem:s10], [sflag:$0x2] =	stream.indirect.gather [hbm4b:s0+s9], $0x80, s17, s9, $0xb8;
	[tilespmem:$0x1E800] =	vst v63  }
0x7d: {  	_ =	swait.ge [sflag:s7], $0x4000  }
0x7e: {  	[sflag:s7] =	ssyncset.done $0x0  }
0x7f: {  	s24 =	simm.s32 $0x2700;
	[sflag:s7] =	ssyncadd.s32 $0xFFFFC000  }
0x80: {  	[spmem:s3] =	stream.indirect.scatter.add.f32 [tilespmem:s2], [sflag:$0x5], $0x80, s24, s9, $0xb8;
	[tilespmem:$0x1E800] =	vst v63  }
0x81: {  	_ =	swait.ge [sflag:s5], $0x4000  }
0x82: {  	[sflag:s5] =	ssyncset.done $0x0  }
0x83: {  	[sflag:s5] =	ssyncadd.s32 $0xFFFFC000  }
0x84: {  	_ =	swait.ge [sflag:s8], $0x4000  }
0x85: {  	[sflag:s8] =	ssyncset.done $0x0  }
0x86: {  	s25 =	simm.s32 $0x2780;
	[sflag:s8] =	ssyncadd.s32 $0xFFFFC000  }
0x87: {  	[spmem:s3] =	stream.indirect.scatter.add.f32 [tilespmem:s10], [sflag:$0x5], $0x80, s25, s9, $0xb8;
	[tilespmem:$0x1E800] =	vst v63  }
0x88: {  	_ =	swait.ge [sflag:s5], $0x4000  }
0x89: {  	[sflag:s5] =	ssyncset.done $0x0  }
0x8a: {  	[sflag:s5] =	ssyncadd.s32 $0xFFFFC000  }
0x8b: {  	s12 =	simm.s32 @!p1 $0x2800;
	[bflag:$0x0] =	sbarrier.arrive $0xFFFF  }
0x8c: {  	[tilespmem:s12], [sflag:$0x1] =	stream.linear.gather @!p1 [spmem:s19], $0x4000, $0x38;
	[tilespmem:$0x1E800] =	vst v63  }
0x8d: {  	s13 =	simm.s32 @!p1 $0x6800;
	s14 =	simm.s32 @!p1 $0x1  }
0x8e: {  	[tilespmem:s13], [sflag:$0x2] =	stream.linear.gather @!p1 [spmem:s20], $0x4000, $0x38;
	[tilespmem:$0x1E800] =	vst v63  }
0x8f: {  	_ =	swait.ge @!p1 [sflag:s14], $0x4000  }
0x90: {  	[sflag:s14] =	ssyncset.done @!p1 $0x0  }
0x91: {  	s15 =	simm.s32 @!p1 $0x0;
	s16 =	rddreg [dreg:$0x5];
	[sflag:s14] =	ssyncadd.s32 @!p1 $0xFFFFC000  }
0x92: {  	[hbm4b:s16+s15] =	stream.linear.scatter @!p1 [tilespmem:s12], [sflag:$0x3], $0x4000, $0x38;
	[tilespmem:$0x1E800] =	vst v63  }
0x93: {  	s16 =	simm.s32 @!p1 $0x3  }
0x94: {  	_ =	swait.ge @!p1 [sflag:s16], $0x4000  }
0x95: {  	[sflag:s16] =	ssyncset.done @!p1 $0x0  }
0x96: {  	s17 =	simm.s32 @!p1 $0x2;
	[sflag:s16] =	ssyncadd.s32 @!p1 $0xFFFFC000  }
0x97: {  	[tilespmem:s12], [sflag:$0x1] =	stream.linear.gather @!p1 [spmem:s21], $0x4000, $0x38;
	[tilespmem:$0x1E800] =	vst v63  }
0x98: {  	_ =	swait.ge @!p1 [sflag:s17], $0x4000  }
0x99: {  	[sflag:s17] =	ssyncset.done @!p1 $0x0  }
0x9a: {  	s24 =	rddreg [dreg:$0x6];
	[sflag:s17] =	ssyncadd.s32 @!p1 $0xFFFFC000  }
0x9b: {  	[hbm4b:s24+s15] =	stream.linear.scatter @!p1 [tilespmem:s13], [sflag:$0x4], $0x4000, $0x38;
	[tilespmem:$0x1E800] =	vst v63  }
0x9c: {  	s24 =	simm.s32 @!p1 $0x4  }
0x9d: {  	_ =	swait.ge @!p1 [sflag:s24], $0x4000  }
0x9e: {  	[sflag:s24] =	ssyncset.done @!p1 $0x0  }
0x9f: {  	[sflag:s24] =	ssyncadd.s32 @!p1 $0xFFFFC000  }
0xa0: {  	[tilespmem:s13], [sflag:$0x2] =	stream.linear.gather @!p1 [spmem:s22], $0x4000, $0x38;
	[tilespmem:$0x1E800] =	vst v63  }
0xa1: {  	_ =	swait.ge @!p1 [sflag:s14], $0x4000  }
0xa2: {  	[sflag:s14] =	ssyncset.done @!p1 $0x0  }
0xa3: {  	s25 =	rddreg [dreg:$0x7];
	[sflag:s14] =	ssyncadd.s32 @!p1 $0xFFFFC000  }
0xa4: {  	[hbm4b:s25+s15] =	stream.linear.scatter @!p1 [tilespmem:s12], [sflag:$0x3], $0x4000, $0x38;
	[tilespmem:$0x1E800] =	vst v63  }
0xa5: {  	_ =	swait.ge @!p1 [sflag:s16], $0x4000  }
0xa6: {  	[sflag:s16] =	ssyncset.done @!p1 $0x0  }
0xa7: {  	[sflag:s16] =	ssyncadd.s32 @!p1 $0xFFFFC000  }
0xa8: {  	[tilespmem:s12], [sflag:$0x1] =	stream.linear.gather @!p1 [spmem:s23], $0x3800, $0x38;
	[tilespmem:$0x1E800] =	vst v63  }
0xa9: {  	_ =	swait.ge @!p1 [sflag:s17], $0x4000  }
0xaa: {  	[sflag:s17] =	ssyncset.done @!p1 $0x0  }
0xab: {  	[sflag:s17] =	ssyncadd.s32 @!p1 $0xFFFFC000;
	s17 =	rddreg [dreg:$0x8]  }
0xac: {  	[hbm4b:s17+s15] =	stream.linear.scatter @!p1 [tilespmem:s13], [sflag:$0x4], $0x4000, $0x38;
	[tilespmem:$0x1E800] =	vst v63  }
0xad: {  	_ =	swait.ge @!p1 [sflag:s14], $0x3800  }
0xae: {  	[sflag:s14] =	ssyncset.done @!p1 $0x0  }
0xaf: {  	s13 =	rddreg [dreg:$0x9];
	[sflag:s14] =	ssyncadd.s32 @!p1 $0xFFFFC800  }
0xb0: {  	[hbm4b:s13+s15] =	stream.linear.scatter @!p1 [tilespmem:s12], [sflag:$0x3], $0x3800, $0x38;
	[tilespmem:$0x1E800] =	vst v63  }
0xb1: {  	_ =	swait.ge @!p1 [sflag:s24], $0x4000  }
0xb2: {  	[sflag:s24] =	ssyncset.done @!p1 $0x0  }
0xb3: {  	[sflag:s24] =	ssyncadd.s32 @!p1 $0xFFFFC000  }
0xb4: {  	_ =	swait.ge @!p1 [sflag:s16], $0x3800  }
0xb5: {  	[sflag:s16] =	ssyncset.done @!p1 $0x0  }
0xb6: {  	s12 =	simm.s32 @!p3 $0x2800;
	s13 =	simm.s32 @!p3 $0x5;
	[sflag:s16] =	ssyncadd.s32 @!p1 $0xFFFFC800  }
0xb7: {  	[tilespmem:s12], [sflag:$0x5] =	stream.linear.gather @!p3 [spmem:s1], $0x800, $0x38;
	[tilespmem:$0x1E800] =	vst v63  }
0xb8: {  	_ =	swait.ge @!p3 [sflag:s13], $0x800  }
0xb9: {  	[sflag:s13] =	ssyncset.done @!p3 $0x0  }
0xba: {  	s14 =	simm.s32 @!p3 $0x0;
	s15 =	rddreg [dreg:$0x11];
	[sflag:s13] =	ssyncadd.s32 @!p3 $0xFFFFF800  }
0xbb: {  	[hbm4b:s15+s14] =	stream.linear.scatter @!p3 [tilespmem:s12], [sflag:$0x5], $0x800, $0x38;
	[tilespmem:$0x1E800] =	vst v63  }
0xbc: {  	_ =	swait.ge @!p3 [sflag:s13], $0x800  }
0xbd: {  	[sflag:s13] =	ssyncset.done @!p3 $0x0  }
0xbe: {  	s12 =	simm.s32 @p0 $0x2800;
	[sflag:s13] =	ssyncadd.s32 @!p3 $0xFFFFF800  }
0xbf: {  	[tilespmem:s12], [sflag:$0x1] =	stream.linear.gather @p0 [spmem:s19], $0x4000, $0x38;
	[tilespmem:$0x1E800] =	vst v63  }
0xc0: {  	s14 =	simm.s32 @p0 $0x1;
	s13 =	simm.s32 @p0 $0x6800  }
0xc1: {  	[tilespmem:s13], [sflag:$0x2] =	stream.linear.gather @p0 [spmem:s20], $0x4000, $0x38;
	[tilespmem:$0x1E800] =	vst v63  }
0xc2: {  	_ =	swait.ge @p0 [sflag:s14], $0x4000  }
0xc3: {  	[sflag:s14] =	ssyncset.done @p0 $0x0  }
0xc4: {  	s15 =	simm.s32 @p0 $0x0;
	s16 =	rddreg [dreg:$0xa];
	[sflag:s14] =	ssyncadd.s32 @p0 $0xFFFFC000  }
0xc5: {  	[hbm4b:s16+s15] =	stream.linear.scatter @p0 [tilespmem:s12], [sflag:$0x3], $0x4000, $0x38;
	[tilespmem:$0x1E800] =	vst v63  }
0xc6: {  	s16 =	simm.s32 @p0 $0x3  }
0xc7: {  	_ =	swait.ge @p0 [sflag:s16], $0x4000  }
0xc8: {  	[sflag:s16] =	ssyncset.done @p0 $0x0  }
0xc9: {  	s17 =	simm.s32 @p0 $0x2;
	[sflag:s16] =	ssyncadd.s32 @p0 $0xFFFFC000  }
0xca: {  	[tilespmem:s12], [sflag:$0x1] =	stream.linear.gather @p0 [spmem:s21], $0x4000, $0x38;
	[tilespmem:$0x1E800] =	vst v63  }
0xcb: {  	_ =	swait.ge @p0 [sflag:s17], $0x4000  }
0xcc: {  	[sflag:s17] =	ssyncset.done @p0 $0x0  }
0xcd: {  	s24 =	rddreg [dreg:$0xb];
	[sflag:s17] =	ssyncadd.s32 @p0 $0xFFFFC000  }
0xce: {  	[hbm4b:s24+s15] =	stream.linear.scatter @p0 [tilespmem:s13], [sflag:$0x4], $0x4000, $0x38;
	[tilespmem:$0x1E800] =	vst v63  }
0xcf: {  	s24 =	simm.s32 @p0 $0x4  }
0xd0: {  	_ =	swait.ge @p0 [sflag:s24], $0x4000  }
0xd1: {  	[sflag:s24] =	ssyncset.done @p0 $0x0  }
0xd2: {  	[sflag:s24] =	ssyncadd.s32 @p0 $0xFFFFC000  }
0xd3: {  	[tilespmem:s13], [sflag:$0x2] =	stream.linear.gather @p0 [spmem:s22], $0x4000, $0x38;
	[tilespmem:$0x1E800] =	vst v63  }
0xd4: {  	_ =	swait.ge @p0 [sflag:s14], $0x4000  }
0xd5: {  	[sflag:s14] =	ssyncset.done @p0 $0x0  }
0xd6: {  	s25 =	rddreg [dreg:$0xc];
	[sflag:s14] =	ssyncadd.s32 @p0 $0xFFFFC000  }
0xd7: {  	[hbm4b:s25+s15] =	stream.linear.scatter @p0 [tilespmem:s12], [sflag:$0x3], $0x4000, $0x38;
	[tilespmem:$0x1E800] =	vst v63  }
0xd8: {  	_ =	swait.ge @p0 [sflag:s16], $0x4000  }
0xd9: {  	[sflag:s16] =	ssyncset.done @p0 $0x0  }
0xda: {  	[sflag:s16] =	ssyncadd.s32 @p0 $0xFFFFC000  }
0xdb: {  	[tilespmem:s12], [sflag:$0x1] =	stream.linear.gather @p0 [spmem:s23], $0x3800, $0x38;
	[tilespmem:$0x1E800] =	vst v63  }
0xdc: {  	_ =	swait.ge @p0 [sflag:s17], $0x4000  }
0xdd: {  	[sflag:s17] =	ssyncset.done @p0 $0x0  }
0xde: {  	[sflag:s17] =	ssyncadd.s32 @p0 $0xFFFFC000;
	s17 =	rddreg [dreg:$0xd]  }
0xdf: {  	[hbm4b:s17+s15] =	stream.linear.scatter @p0 [tilespmem:s13], [sflag:$0x4], $0x4000, $0x38;
	[tilespmem:$0x1E800] =	vst v63  }
0xe0: {  	_ =	swait.ge @p0 [sflag:s14], $0x3800  }
0xe1: {  	[sflag:s14] =	ssyncset.done @p0 $0x0  }
0xe2: {  	s13 =	rddreg [dreg:$0xe];
	[sflag:s14] =	ssyncadd.s32 @p0 $0xFFFFC800  }
0xe3: {  	[hbm4b:s13+s15] =	stream.linear.scatter @p0 [tilespmem:s12], [sflag:$0x3], $0x3800, $0x38;
	[tilespmem:$0x1E800] =	vst v63  }
0xe4: {  	_ =	swait.ge @p0 [sflag:s24], $0x4000  }
0xe5: {  	p5 =	por @!p1 $0x0, $0x0;
	p6 =	por @!p3 $0x1, $0x1;
	[sflag:s24] =	ssyncset.done @p0 $0x0  }
0xe6: {  	p6 =	por @!p4 p5, p5;
	p5 =	por p2, p2;
	[sflag:s24] =	ssyncadd.s32 @p0 $0xFFFFC000  }
0xe7: {  	p5 =	por @!p1 p6, p6;
	_ =	swait.ge @p0 [sflag:s16], $0x3800  }
0xe8: {  	p5 =	por !p5, !p0;
	[sflag:s16] =	ssyncset.done @p0 $0x0  }
0xe9: {  	s12 =	simm.s32 @!p5 $0x2800;
	s13 =	simm.s32 @!p5 $0x5;
	[sflag:s16] =	ssyncadd.s32 @p0 $0xFFFFC800  }
0xea: {  	[tilespmem:s12], [sflag:$0x5] =	stream.linear.gather @!p5 [spmem:s1], $0x800, $0x38;
	[tilespmem:$0x1E800] =	vst v63  }
0xeb: {  	s11 =	sadd.s32 $0x1, s11;
	_ =	swait.ge @!p5 [sflag:s13], $0x800  }
0xec: {  	p6 =	sne.s32 s11, s26;
	s14 =	simm.s32 @!p5 $0x0;
	[sflag:s13] =	ssyncset.done @!p5 $0x0  }
.Ltmp1:
0xed: {  	s15 =	rddreg [dreg:$0x12];
	[sflag:s13] =	ssyncadd.s32 @!p5 $0xFFFFF800;
	(pc) =	sbr.rel @p6 .LBB2_1-.Ltmp1, $4  }
0xee: {  	[hbm4b:s15+s14] =	stream.linear.scatter @!p5 [tilespmem:s12], [sflag:$0x5], $0x800, $0x38;
	[tilespmem:$0x1E800] =	vst v63  }
0xef: {  	_ =	swait.ge @!p5 [sflag:s13], $0x800  }
0xf0: {  	[sflag:s13] =	ssyncset.done @!p5 $0x0  }
0xf1: {  	[sflag:s13] =	ssyncadd.s32 @!p5 $0xFFFFF800  }
0xf2: {  	_ =	sfence.sel $0x180000  }
0xf3: {  	[bflag:$0x0] =	sbarrier.arrive $0xFFFF  }
0xf4: {  	_ =	strace $0x90000047  }
0xf5: {  	s0 =	stileid.u32;
	[bflag:$0x2] =	sbarrier.arrive $0xFFFF  }
0xf6: {  	p0 =	sne.s32 s0, $0x0;
	s0 =	rddreg [dreg:$0x3]  }
0xf7: {  	s0 =	sadd.s32 @!p0 $0x100000, s0  }
0xf8: {  	[sflag:s0] =	ssyncadd.tile.s32 @!p0 $0x1;
	_ =	shalt  }
.Lfunc_end2:
_tile_overlayer_lowered:
.L_overlay_start_2:
0xf9: {  	(tag) =	ssettag $0x2  }
0xfa: {  	s0 =	rddreg [dreg:$0x0];
	s2 =	stileid.u32  }
0xfb: {  	s1 =	rddreg [dreg:$0x1];
	p0 =	sne.s32 s2, $0x0  }
0xfc: {  	s3 =	rddreg [dreg:$0x2];
	[bflag:$0x3] =	sbarrier.arrive $0xFFFF;
	s2 =	simm.s32 @!p0 $0x1C05  }
0xfd: {  	[timem:s3], [sflag:s2] =	dma.local @!p0 [hbm:s0], s1  }
0xfe: {  	s0 =	simm.s32 @!p0 $0x5  }
0xff: {  	_ =	swait.ge @!p0 [sflag:s0], s1  }
0x100: {  	s1 =	ssub.s32 @!p0 $0x0, s1;
	[sflag:s0] =	ssyncset.done @!p0 $0x0  }
0x101: {  	[sflag:s0] =	ssyncadd.s32 @!p0 s1  }
0x102: {  	[bflag:$0x3] =	sbarrier.arrive $0xFFFF  }
0x103: {  	_ =	shalt  }

</sc_bundles>
